<compile_context>
chip_gen: v7x
topology: tpu7x:2x2x1
jax: 0.10.2.dev20260603
libtpu: 0.0.44.dev20260713+nightly
codegen_flags: <defaults>
</compile_context>

<pallas_src>
import jax
import jax.numpy as jnp
from jax import lax
from jax.experimental import pallas as pl
from jax.experimental.pallas import tpu as pltpu
from jax.experimental.pallas import tpu_sc as plsc

NUM_CORES = 2
NUM_SUBCORES = 16
NW = NUM_CORES * NUM_SUBCORES
LANES = 16
CHUNK = 128
NFEAT = 64


def _cf_score_kernel(user_emb, item_emb, user_bias, item_bias,
                     user_id, pos_item_id, neg_item_id, out_hbm,
                     idx_u, idx_p, idx_n,
                     u_b0, u_b1, p_b0, p_b1, n_b0, n_b1,
                     ub_b0, ub_b1, pb_b0, pb_b1, nb_b0, nb_b1,
                     po_v, no_v,
                     sem_u0, sem_u1, sem_p0, sem_p1, sem_n0, sem_n1):
    b = user_id.shape[0]
    bw = b // NW
    nch = bw // CHUNK

    wid = lax.axis_index("s") * NUM_CORES + lax.axis_index("c")
    base = wid * bw

    pltpu.sync_copy(user_id.at[pl.ds(base, bw)], idx_u)
    pltpu.sync_copy(pos_item_id.at[pl.ds(base, bw)], idx_p)
    pltpu.sync_copy(neg_item_id.at[pl.ds(base, bw)], idx_n)

    ubufs, pbufs, nbufs = (u_b0, u_b1), (p_b0, p_b1), (n_b0, n_b1)
    ubb, pbb, nbb = (ub_b0, ub_b1), (pb_b0, pb_b1), (nb_b0, nb_b1)
    usems, psems, nsems = (sem_u0, sem_u1), (sem_p0, sem_p1), (sem_n0, sem_n1)

    def fire(ci):
        par = ci % 2
        sl = pl.ds(ci * CHUNK, CHUNK)
        return (
            pltpu.async_copy(user_emb.at[idx_u.at[sl]], ubufs[par], usems[par]),
            pltpu.async_copy(item_emb.at[idx_p.at[sl]], pbufs[par], psems[par]),
            pltpu.async_copy(item_emb.at[idx_n.at[sl]], nbufs[par], nsems[par]),
            pltpu.async_copy(user_bias.at[idx_u.at[sl]], ubb[par], usems[par]),
            pltpu.async_copy(item_bias.at[idx_p.at[sl]], pbb[par], psems[par]),
            pltpu.async_copy(item_bias.at[idx_n.at[sl]], nbb[par], nsems[par]),
        )

    lane_iota = lax.iota(jnp.int32, LANES)
    feat_mask = jnp.full((LANES,), NFEAT - 1, jnp.int32)

    inflight = fire(0)
    for ci in range(nch):
        nxt = fire(ci + 1) if ci + 1 < nch else ()
        for cp in inflight:
            cp.wait()
        inflight = nxt

        par = ci % 2
        ub, pb, nb = ubufs[par], pbufs[par], nbufs[par]
        ubr, pbr, nbr = ubb[par], pbb[par], nbb[par]
        out0 = ci * CHUNK

        def body(g, carry, ub=ub, pb=pb, nb=nb, ubr=ubr, pbr=pbr, nbr=nbr,
                 out0=out0):
            row0 = g * LANES
            rows = row0 + lane_iota
            accp = jnp.zeros((LANES,), jnp.float32)
            accn = jnp.zeros((LANES,), jnp.float32)
            for fc in range(NFEAT):
                colf = (lane_iota + fc) & feat_mask
                uv = plsc.load_gather(ub, [rows, colf])
                pv = plsc.load_gather(pb, [rows, colf])
                nv = plsc.load_gather(nb, [rows, colf])
                accp = accp + uv * pv
                accn = accn + uv * nv
            lsl = pl.ds(row0, LANES)
            ubv = ubr[lsl]
            po_v[pl.ds(out0 + row0, LANES)] = accp + ubv + pbr[lsl]
            no_v[pl.ds(out0 + row0, LANES)] = accn + ubv + nbr[lsl]
            return carry

        lax.fori_loop(0, CHUNK // LANES, body, 0)

    pltpu.sync_copy(po_v, out_hbm.at[0, pl.ds(base, bw)])
    pltpu.sync_copy(no_v, out_hbm.at[1, pl.ds(base, bw)])


@jax.jit
def kernel(user_emb, item_emb, user_bias, item_bias, user_id, pos_item_id, neg_item_id):
    b = user_id.shape[0]
    bw = b // NW
    f = user_emb.shape[1]
    mesh = plsc.VectorSubcoreMesh(
        core_axis_name="c", subcore_axis_name="s",
        num_cores=NUM_CORES, num_subcores=NUM_SUBCORES)
    run = pl.kernel(
        _cf_score_kernel,
        out_type=jax.ShapeDtypeStruct((2, b), jnp.float32),
        mesh=mesh,
        compiler_params=pltpu.CompilerParams(
            needs_layout_passes=False, use_tc_tiling_on_sc=False,
            disable_bounds_checks=True, disable_semaphore_checks=True),
        scratch_types=[
            pltpu.VMEM((bw,), jnp.int32),
            pltpu.VMEM((bw,), jnp.int32),
            pltpu.VMEM((bw,), jnp.int32),
            pltpu.VMEM((CHUNK, f), jnp.float32),
            pltpu.VMEM((CHUNK, f), jnp.float32),
            pltpu.VMEM((CHUNK, f), jnp.float32),
            pltpu.VMEM((CHUNK, f), jnp.float32),
            pltpu.VMEM((CHUNK, f), jnp.float32),
            pltpu.VMEM((CHUNK, f), jnp.float32),
            pltpu.VMEM((CHUNK,), jnp.float32),
            pltpu.VMEM((CHUNK,), jnp.float32),
            pltpu.VMEM((CHUNK,), jnp.float32),
            pltpu.VMEM((CHUNK,), jnp.float32),
            pltpu.VMEM((CHUNK,), jnp.float32),
            pltpu.VMEM((CHUNK,), jnp.float32),
            pltpu.VMEM((bw,), jnp.float32),
            pltpu.VMEM((bw,), jnp.float32),
            pltpu.SemaphoreType.DMA,
            pltpu.SemaphoreType.DMA,
            pltpu.SemaphoreType.DMA,
            pltpu.SemaphoreType.DMA,
            pltpu.SemaphoreType.DMA,
            pltpu.SemaphoreType.DMA,
        ],
    )
    return run(user_emb, item_emb, user_bias, item_bias,
               user_id, pos_item_id, neg_item_id)

# --- scband reference (transcript-rebuilt; emitter-appended) ---
"""Pipeline reference for scband-torch-rec-sys-8572754723256 (READ-ONLY COPY).

The authoritative reference and input builder live on the scoring server;
editing this copy changes nothing except your own understanding.
"""

import jax, jax.numpy as jnp
import numpy as np

NUM_USERS = 100000
NUM_ITEMS = 100000
N_FACTORS = 64
BATCH = 16384


def setup_inputs(seed: int = 0) -> dict:
    key = jax.random.key(seed)
    k1, k2, k3, k4, k5, k6, k7 = jax.random.split(key, 7)
    user_id = jax.random.randint(k1, (BATCH,), 0, NUM_USERS, dtype=jnp.int32)
    pos_item_id = jax.random.randint(k2, (BATCH,), 0, NUM_ITEMS, dtype=jnp.int32)
    neg_item_id = jax.random.randint(k3, (BATCH,), 0, NUM_ITEMS, dtype=jnp.int32)
    # Learned parameters of the Linear CF net (user/item embeddings + biases)
    user_emb = jax.random.normal(k4, (NUM_USERS, N_FACTORS), dtype=jnp.float32) * 0.05
    item_emb = jax.random.normal(k5, (NUM_ITEMS, N_FACTORS), dtype=jnp.float32) * 0.05
    user_bias = jax.random.normal(k6, (NUM_USERS,), dtype=jnp.float32) * 0.01
    item_bias = jax.random.normal(k7, (NUM_ITEMS,), dtype=jnp.float32) * 0.01
    return {
        "user_emb": user_emb,
        "item_emb": item_emb,
        "user_bias": user_bias,
        "item_bias": item_bias,
        "user_id": user_id,
        "pos_item_id": pos_item_id,
        "neg_item_id": neg_item_id,
    }


def reference(user_emb, item_emb, user_bias, item_bias, user_id, pos_item_id, neg_item_id):
    # Embedding lookups (gather) for users and positive/negative items
    u = jnp.take(user_emb, user_id, axis=0)            # [B, F]
    u_b = jnp.take(user_bias, user_id, axis=0)         # [B]

    pos_i = jnp.take(item_emb, pos_item_id, axis=0)    # [B, F]
    pos_b = jnp.take(item_bias, pos_item_id, axis=0)   # [B]
    positive_score = jnp.sum(u * pos_i, axis=-1) + u_b + pos_b

    neg_i = jnp.take(item_emb, neg_item_id, axis=0)    # [B, F]
    neg_b = jnp.take(item_bias, neg_item_id, axis=0)   # [B]
    negative_score = jnp.sum(u * neg_i, axis=-1) + u_b + neg_b

    return jnp.stack([positive_score, negative_score], axis=0)  # [2, B]

if __name__ == "__main__":
    import jax
    _d = setup_inputs()
    print(jax.jit(kernel)(*tuple(_d.values())))

</pallas_src>

<mosaic_0001>
#map = affine_map<(d0, d1) -> (0, 0)>
#map1 = affine_map<(d0, d1) -> (0)>
module attributes {stable_mosaic.version = 14 : i64} {
  func.func @_cf_score_kernel(%arg0: i32, %arg1: i32, %arg2: memref<100000x64xf32, #tpu.memory_space<hbm>>, %arg3: memref<100000x64xf32, #tpu.memory_space<hbm>>, %arg4: memref<100000xf32, #tpu.memory_space<hbm>>, %arg5: memref<100000xf32, #tpu.memory_space<hbm>>, %arg6: memref<16384xi32, #tpu.memory_space<hbm>>, %arg7: memref<16384xi32, #tpu.memory_space<hbm>>, %arg8: memref<16384xi32, #tpu.memory_space<hbm>>, %arg9: memref<2x16384xf32, #tpu.memory_space<hbm>>, %arg10: memref<512xi32, #tpu.memory_space<vmem>>, %arg11: memref<512xi32, #tpu.memory_space<vmem>>, %arg12: memref<512xi32, #tpu.memory_space<vmem>>, %arg13: memref<128x64xf32, #tpu.memory_space<vmem>>, %arg14: memref<128x64xf32, #tpu.memory_space<vmem>>, %arg15: memref<128x64xf32, #tpu.memory_space<vmem>>, %arg16: memref<128x64xf32, #tpu.memory_space<vmem>>, %arg17: memref<128x64xf32, #tpu.memory_space<vmem>>, %arg18: memref<128x64xf32, #tpu.memory_space<vmem>>, %arg19: memref<128xf32, #tpu.memory_space<vmem>>, %arg20: memref<128xf32, #tpu.memory_space<vmem>>, %arg21: memref<128xf32, #tpu.memory_space<vmem>>, %arg22: memref<128xf32, #tpu.memory_space<vmem>>, %arg23: memref<128xf32, #tpu.memory_space<vmem>>, %arg24: memref<128xf32, #tpu.memory_space<vmem>>, %arg25: memref<512xf32, #tpu.memory_space<vmem>>, %arg26: memref<512xf32, #tpu.memory_space<vmem>>, %arg27: memref<!tpu.dma_semaphore, #tpu.memory_space<semaphore_mem>>, %arg28: memref<!tpu.dma_semaphore, #tpu.memory_space<semaphore_mem>>, %arg29: memref<!tpu.dma_semaphore, #tpu.memory_space<semaphore_mem>>, %arg30: memref<!tpu.dma_semaphore, #tpu.memory_space<semaphore_mem>>, %arg31: memref<!tpu.dma_semaphore, #tpu.memory_space<semaphore_mem>>, %arg32: memref<!tpu.dma_semaphore, #tpu.memory_space<semaphore_mem>>) attributes {dimension_semantics = [#tpu.dimension_semantics<core_parallel>, #tpu.dimension_semantics<subcore_parallel>], iteration_bounds = array<i64: 2, 16>, scalar_prefetch = 0 : i64, scratch_operands = 23 : i64, tpu.core_type = #tpu.core_type<sc_vector_subcore>, window_params = [{transform_indices = #map}, {transform_indices = #map}, {transform_indices = #map1}, {transform_indices = #map1}, {transform_indices = #map1}, {transform_indices = #map1}, {transform_indices = #map1}, {transform_indices = #map}]} {
    %mul3A = arith.constant 2 : i32
    %mul3A_0 = arith.muli %arg1, %mul3A : i32
    %add3A = arith.addi %mul3A_0, %arg0 : i32
    %mul3A_1 = arith.constant 512 : i32
    %mul3A_2 = arith.muli %add3A, %mul3A_1 : i32
    "tpu.region"() ({
      %run_scoped3A_242 = tpu.sem_alloc : memref<!tpu.dma_semaphore, #tpu.memory_space<semaphore_mem>>
      %dma_start3A_243 = tpu.memref_slice %arg6[%mul3A_2] : memref<16384xi32, #tpu.memory_space<hbm>> -> memref<512xi32, #tpu.memory_space<hbm>>
      %dma_start3A_244 = tpu.memref_slice %arg6[%mul3A_2] : memref<16384xi32, #tpu.memory_space<hbm>> -> memref<512xi32, #tpu.memory_space<hbm>>
      tpu.enqueue_dma source(%dma_start3A_244 : memref<512xi32, #tpu.memory_space<hbm>>) target(%arg10 : memref<512xi32, #tpu.memory_space<vmem>>) target_semaphore(%run_scoped3A_242 : memref<!tpu.dma_semaphore, #tpu.memory_space<semaphore_mem>>)
      %dma_wait3A_245 = tpu.memref_slice %arg6[%mul3A_2] : memref<16384xi32, #tpu.memory_space<hbm>> -> memref<512xi32, #tpu.memory_space<hbm>>
      %dma_wait3A_246 = tpu.memref_slice %arg6[%mul3A_2] : memref<16384xi32, #tpu.memory_space<hbm>> -> memref<512xi32, #tpu.memory_space<hbm>>
      tpu.wait_dma2 semaphore(%run_scoped3A_242 : memref<!tpu.dma_semaphore, #tpu.memory_space<semaphore_mem>>) src(%dma_wait3A_246 : memref<512xi32, #tpu.memory_space<hbm>>) dst(%arg10 : memref<512xi32, #tpu.memory_space<vmem>>)
      tpu.yield
    }) : () -> ()
    "tpu.region"() ({
      %run_scoped3A_242 = tpu.sem_alloc : memref<!tpu.dma_semaphore, #tpu.memory_space<semaphore_mem>>
      %dma_start3A_243 = tpu.memref_slice %arg7[%mul3A_2] : memref<16384xi32, #tpu.memory_space<hbm>> -> memref<512xi32, #tpu.memory_space<hbm>>
      %dma_start3A_244 = tpu.memref_slice %arg7[%mul3A_2] : memref<16384xi32, #tpu.memory_space<hbm>> -> memref<512xi32, #tpu.memory_space<hbm>>
      tpu.enqueue_dma source(%dma_start3A_244 : memref<512xi32, #tpu.memory_space<hbm>>) target(%arg11 : memref<512xi32, #tpu.memory_space<vmem>>) target_semaphore(%run_scoped3A_242 : memref<!tpu.dma_semaphore, #tpu.memory_space<semaphore_mem>>)
      %dma_wait3A_245 = tpu.memref_slice %arg7[%mul3A_2] : memref<16384xi32, #tpu.memory_space<hbm>> -> memref<512xi32, #tpu.memory_space<hbm>>
      %dma_wait3A_246 = tpu.memref_slice %arg7[%mul3A_2] : memref<16384xi32, #tpu.memory_space<hbm>> -> memref<512xi32, #tpu.memory_space<hbm>>
      tpu.wait_dma2 semaphore(%run_scoped3A_242 : memref<!tpu.dma_semaphore, #tpu.memory_space<semaphore_mem>>) src(%dma_wait3A_246 : memref<512xi32, #tpu.memory_space<hbm>>) dst(%arg11 : memref<512xi32, #tpu.memory_space<vmem>>)
      tpu.yield
    }) : () -> ()
    "tpu.region"() ({
      %run_scoped3A_242 = tpu.sem_alloc : memref<!tpu.dma_semaphore, #tpu.memory_space<semaphore_mem>>
      %dma_start3A_243 = tpu.memref_slice %arg8[%mul3A_2] : memref<16384xi32, #tpu.memory_space<hbm>> -> memref<512xi32, #tpu.memory_space<hbm>>
      %dma_start3A_244 = tpu.memref_slice %arg8[%mul3A_2] : memref<16384xi32, #tpu.memory_space<hbm>> -> memref<512xi32, #tpu.memory_space<hbm>>
      tpu.enqueue_dma source(%dma_start3A_244 : memref<512xi32, #tpu.memory_space<hbm>>) target(%arg12 : memref<512xi32, #tpu.memory_space<vmem>>) target_semaphore(%run_scoped3A_242 : memref<!tpu.dma_semaphore, #tpu.memory_space<semaphore_mem>>)
      %dma_wait3A_245 = tpu.memref_slice %arg8[%mul3A_2] : memref<16384xi32, #tpu.memory_space<hbm>> -> memref<512xi32, #tpu.memory_space<hbm>>
      %dma_wait3A_246 = tpu.memref_slice %arg8[%mul3A_2] : memref<16384xi32, #tpu.memory_space<hbm>> -> memref<512xi32, #tpu.memory_space<hbm>>
      tpu.wait_dma2 semaphore(%run_scoped3A_242 : memref<!tpu.dma_semaphore, #tpu.memory_space<semaphore_mem>>) src(%dma_wait3A_246 : memref<512xi32, #tpu.memory_space<hbm>>) dst(%arg12 : memref<512xi32, #tpu.memory_space<vmem>>)
      tpu.yield
    }) : () -> ()
    %iota3A = tpu.iota {dimensions = array<i32: 0>} : vector<16xi32>
    %broadcast_in_dim3A = arith.constant 63 : i32
    %broadcast_in_dim3A_3 = vector.broadcast %broadcast_in_dim3A : i32 to vector<16xi32>
    %dma_start3A = arith.constant 0 : i32
    %dma_start3A_4 = tpu.memref_slice %arg10[%dma_start3A] : memref<512xi32, #tpu.memory_space<vmem>> -> memref<128xi32, #tpu.memory_space<vmem>>
    %dma_start3A_5 = arith.constant 0 : i32
    %dma_start3A_6 = arith.constant 0 : i32
    %dma_start3A_7 = tpu.memref_slice %arg2[%dma_start3A_5, %dma_start3A_6] : memref<100000x64xf32, #tpu.memory_space<hbm>> -> memref<100000x64xf32, #tpu.memory_space<hbm>>
    tpu.enqueue_indirect_dma source(%dma_start3A_7 : memref<100000x64xf32, #tpu.memory_space<hbm>>) target(%arg13 : memref<128x64xf32, #tpu.memory_space<vmem>>) offsets(%dma_start3A_4 : memref<128xi32, #tpu.memory_space<vmem>>) semaphore(%arg27 : memref<!tpu.dma_semaphore, #tpu.memory_space<semaphore_mem>>)
    %dma_start3A_8 = arith.constant 0 : i32
    %dma_start3A_9 = tpu.memref_slice %arg11[%dma_start3A_8] : memref<512xi32, #tpu.memory_space<vmem>> -> memref<128xi32, #tpu.memory_space<vmem>>
    %dma_start3A_10 = arith.constant 0 : i32
    %dma_start3A_11 = arith.constant 0 : i32
    %dma_start3A_12 = tpu.memref_slice %arg3[%dma_start3A_10, %dma_start3A_11] : memref<100000x64xf32, #tpu.memory_space<hbm>> -> memref<100000x64xf32, #tpu.memory_space<hbm>>
    tpu.enqueue_indirect_dma source(%dma_start3A_12 : memref<100000x64xf32, #tpu.memory_space<hbm>>) target(%arg15 : memref<128x64xf32, #tpu.memory_space<vmem>>) offsets(%dma_start3A_9 : memref<128xi32, #tpu.memory_space<vmem>>) semaphore(%arg29 : memref<!tpu.dma_semaphore, #tpu.memory_space<semaphore_mem>>)
    %dma_start3A_13 = arith.constant 0 : i32
    %dma_start3A_14 = tpu.memref_slice %arg12[%dma_start3A_13] : memref<512xi32, #tpu.memory_space<vmem>> -> memref<128xi32, #tpu.memory_space<vmem>>
    %dma_start3A_15 = arith.constant 0 : i32
    %dma_start3A_16 = arith.constant 0 : i32
    %dma_start3A_17 = tpu.memref_slice %arg3[%dma_start3A_15, %dma_start3A_16] : memref<100000x64xf32, #tpu.memory_space<hbm>> -> memref<100000x64xf32, #tpu.memory_space<hbm>>
    tpu.enqueue_indirect_dma source(%dma_start3A_17 : memref<100000x64xf32, #tpu.memory_space<hbm>>) target(%arg17 : memref<128x64xf32, #tpu.memory_space<vmem>>) offsets(%dma_start3A_14 : memref<128xi32, #tpu.memory_space<vmem>>) semaphore(%arg31 : memref<!tpu.dma_semaphore, #tpu.memory_space<semaphore_mem>>)
    %dma_start3A_18 = arith.constant 0 : i32
    %dma_start3A_19 = tpu.memref_slice %arg10[%dma_start3A_18] : memref<512xi32, #tpu.memory_space<vmem>> -> memref<128xi32, #tpu.memory_space<vmem>>
    %dma_start3A_20 = arith.constant 0 : i32
    %dma_start3A_21 = tpu.memref_slice %arg4[%dma_start3A_20] : memref<100000xf32, #tpu.memory_space<hbm>> -> memref<100000xf32, #tpu.memory_space<hbm>>
    tpu.enqueue_indirect_dma source(%dma_start3A_21 : memref<100000xf32, #tpu.memory_space<hbm>>) target(%arg19 : memref<128xf32, #tpu.memory_space<vmem>>) offsets(%dma_start3A_19 : memref<128xi32, #tpu.memory_space<vmem>>) semaphore(%arg27 : memref<!tpu.dma_semaphore, #tpu.memory_space<semaphore_mem>>)
    %dma_start3A_22 = arith.constant 0 : i32
    %dma_start3A_23 = tpu.memref_slice %arg11[%dma_start3A_22] : memref<512xi32, #tpu.memory_space<vmem>> -> memref<128xi32, #tpu.memory_space<vmem>>
    %dma_start3A_24 = arith.constant 0 : i32
    %dma_start3A_25 = tpu.memref_slice %arg5[%dma_start3A_24] : memref<100000xf32, #tpu.memory_space<hbm>> -> memref<100000xf32, #tpu.memory_space<hbm>>
    tpu.enqueue_indirect_dma source(%dma_start3A_25 : memref<100000xf32, #tpu.memory_space<hbm>>) target(%arg21 : memref<128xf32, #tpu.memory_space<vmem>>) offsets(%dma_start3A_23 : memref<128xi32, #tpu.memory_space<vmem>>) semaphore(%arg29 : memref<!tpu.dma_semaphore, #tpu.memory_space<semaphore_mem>>)
    %dma_start3A_26 = arith.constant 0 : i32
    %dma_start3A_27 = tpu.memref_slice %arg12[%dma_start3A_26] : memref<512xi32, #tpu.memory_space<vmem>> -> memref<128xi32, #tpu.memory_space<vmem>>
    %dma_start3A_28 = arith.constant 0 : i32
    %dma_start3A_29 = tpu.memref_slice %arg5[%dma_start3A_28] : memref<100000xf32, #tpu.memory_space<hbm>> -> memref<100000xf32, #tpu.memory_space<hbm>>
    tpu.enqueue_indirect_dma source(%dma_start3A_29 : memref<100000xf32, #tpu.memory_space<hbm>>) target(%arg23 : memref<128xf32, #tpu.memory_space<vmem>>) offsets(%dma_start3A_27 : memref<128xi32, #tpu.memory_space<vmem>>) semaphore(%arg31 : memref<!tpu.dma_semaphore, #tpu.memory_space<semaphore_mem>>)
    %dma_start3A_30 = arith.constant 128 : i32
    %dma_start3A_31 = tpu.memref_slice %arg10[%dma_start3A_30] : memref<512xi32, #tpu.memory_space<vmem>> -> memref<128xi32, #tpu.memory_space<vmem>>
    %dma_start3A_32 = arith.constant 0 : i32
    %dma_start3A_33 = arith.constant 0 : i32
    %dma_start3A_34 = tpu.memref_slice %arg2[%dma_start3A_32, %dma_start3A_33] : memref<100000x64xf32, #tpu.memory_space<hbm>> -> memref<100000x64xf32, #tpu.memory_space<hbm>>
    tpu.enqueue_indirect_dma source(%dma_start3A_34 : memref<100000x64xf32, #tpu.memory_space<hbm>>) target(%arg14 : memref<128x64xf32, #tpu.memory_space<vmem>>) offsets(%dma_start3A_31 : memref<128xi32, #tpu.memory_space<vmem>>) semaphore(%arg28 : memref<!tpu.dma_semaphore, #tpu.memory_space<semaphore_mem>>)
    %dma_start3A_35 = arith.constant 128 : i32
    %dma_start3A_36 = tpu.memref_slice %arg11[%dma_start3A_35] : memref<512xi32, #tpu.memory_space<vmem>> -> memref<128xi32, #tpu.memory_space<vmem>>
    %dma_start3A_37 = arith.constant 0 : i32
    %dma_start3A_38 = arith.constant 0 : i32
    %dma_start3A_39 = tpu.memref_slice %arg3[%dma_start3A_37, %dma_start3A_38] : memref<100000x64xf32, #tpu.memory_space<hbm>> -> memref<100000x64xf32, #tpu.memory_space<hbm>>
    tpu.enqueue_indirect_dma source(%dma_start3A_39 : memref<100000x64xf32, #tpu.memory_space<hbm>>) target(%arg16 : memref<128x64xf32, #tpu.memory_space<vmem>>) offsets(%dma_start3A_36 : memref<128xi32, #tpu.memory_space<vmem>>) semaphore(%arg30 : memref<!tpu.dma_semaphore, #tpu.memory_space<semaphore_mem>>)
    %dma_start3A_40 = arith.constant 128 : i32
    %dma_start3A_41 = tpu.memref_slice %arg12[%dma_start3A_40] : memref<512xi32, #tpu.memory_space<vmem>> -> memref<128xi32, #tpu.memory_space<vmem>>
    %dma_start3A_42 = arith.constant 0 : i32
    %dma_start3A_43 = arith.constant 0 : i32
    %dma_start3A_44 = tpu.memref_slice %arg3[%dma_start3A_42, %dma_start3A_43] : memref<100000x64xf32, #tpu.memory_space<hbm>> -> memref<100000x64xf32, #tpu.memory_space<hbm>>
    tpu.enqueue_indirect_dma source(%dma_start3A_44 : memref<100000x64xf32, #tpu.memory_space<hbm>>) target(%arg18 : memref<128x64xf32, #tpu.memory_space<vmem>>) offsets(%dma_start3A_41 : memref<128xi32, #tpu.memory_space<vmem>>) semaphore(%arg32 : memref<!tpu.dma_semaphore, #tpu.memory_space<semaphore_mem>>)
    %dma_start3A_45 = arith.constant 128 : i32
    %dma_start3A_46 = tpu.memref_slice %arg10[%dma_start3A_45] : memref<512xi32, #tpu.memory_space<vmem>> -> memref<128xi32, #tpu.memory_space<vmem>>
    %dma_start3A_47 = arith.constant 0 : i32
    %dma_start3A_48 = tpu.memref_slice %arg4[%dma_start3A_47] : memref<100000xf32, #tpu.memory_space<hbm>> -> memref<100000xf32, #tpu.memory_space<hbm>>
    tpu.enqueue_indirect_dma source(%dma_start3A_48 : memref<100000xf32, #tpu.memory_space<hbm>>) target(%arg20 : memref<128xf32, #tpu.memory_space<vmem>>) offsets(%dma_start3A_46 : memref<128xi32, #tpu.memory_space<vmem>>) semaphore(%arg28 : memref<!tpu.dma_semaphore, #tpu.memory_space<semaphore_mem>>)
    %dma_start3A_49 = arith.constant 128 : i32
    %dma_start3A_50 = tpu.memref_slice %arg11[%dma_start3A_49] : memref<512xi32, #tpu.memory_space<vmem>> -> memref<128xi32, #tpu.memory_space<vmem>>
    %dma_start3A_51 = arith.constant 0 : i32
    %dma_start3A_52 = tpu.memref_slice %arg5[%dma_start3A_51] : memref<100000xf32, #tpu.memory_space<hbm>> -> memref<100000xf32, #tpu.memory_space<hbm>>
    tpu.enqueue_indirect_dma source(%dma_start3A_52 : memref<100000xf32, #tpu.memory_space<hbm>>) target(%arg22 : memref<128xf32, #tpu.memory_space<vmem>>) offsets(%dma_start3A_50 : memref<128xi32, #tpu.memory_space<vmem>>) semaphore(%arg30 : memref<!tpu.dma_semaphore, #tpu.memory_space<semaphore_mem>>)
    %dma_start3A_53 = arith.constant 128 : i32
    %dma_start3A_54 = tpu.memref_slice %arg12[%dma_start3A_53] : memref<512xi32, #tpu.memory_space<vmem>> -> memref<128xi32, #tpu.memory_space<vmem>>
    %dma_start3A_55 = arith.constant 0 : i32
    %dma_start3A_56 = tpu.memref_slice %arg5[%dma_start3A_55] : memref<100000xf32, #tpu.memory_space<hbm>> -> memref<100000xf32, #tpu.memory_space<hbm>>
    tpu.enqueue_indirect_dma source(%dma_start3A_56 : memref<100000xf32, #tpu.memory_space<hbm>>) target(%arg24 : memref<128xf32, #tpu.memory_space<vmem>>) offsets(%dma_start3A_54 : memref<128xi32, #tpu.memory_space<vmem>>) semaphore(%arg32 : memref<!tpu.dma_semaphore, #tpu.memory_space<semaphore_mem>>)
    %dma_wait3A = arith.constant 0 : i32
    %dma_wait3A_57 = tpu.memref_slice %arg10[%dma_wait3A] : memref<512xi32, #tpu.memory_space<vmem>> -> memref<128xi32, #tpu.memory_space<vmem>>
    %dma_wait3A_58 = arith.constant 0 : i32
    %dma_wait3A_59 = arith.constant 0 : i32
    %dma_wait3A_60 = tpu.memref_slice %arg2[%dma_wait3A_58, %dma_wait3A_59] : memref<100000x64xf32, #tpu.memory_space<hbm>> -> memref<100000x64xf32, #tpu.memory_space<hbm>>
    tpu.wait_indirect_dma semaphore(%arg27 : memref<!tpu.dma_semaphore, #tpu.memory_space<semaphore_mem>>) src(%dma_wait3A_60 : memref<100000x64xf32, #tpu.memory_space<hbm>>) dst(%arg13 : memref<128x64xf32, #tpu.memory_space<vmem>>)
    %dma_wait3A_61 = arith.constant 0 : i32
    %dma_wait3A_62 = tpu.memref_slice %arg11[%dma_wait3A_61] : memref<512xi32, #tpu.memory_space<vmem>> -> memref<128xi32, #tpu.memory_space<vmem>>
    %dma_wait3A_63 = arith.constant 0 : i32
    %dma_wait3A_64 = arith.constant 0 : i32
    %dma_wait3A_65 = tpu.memref_slice %arg3[%dma_wait3A_63, %dma_wait3A_64] : memref<100000x64xf32, #tpu.memory_space<hbm>> -> memref<100000x64xf32, #tpu.memory_space<hbm>>
    tpu.wait_indirect_dma semaphore(%arg29 : memref<!tpu.dma_semaphore, #tpu.memory_space<semaphore_mem>>) src(%dma_wait3A_65 : memref<100000x64xf32, #tpu.memory_space<hbm>>) dst(%arg15 : memref<128x64xf32, #tpu.memory_space<vmem>>)
    %dma_wait3A_66 = arith.constant 0 : i32
    %dma_wait3A_67 = tpu.memref_slice %arg12[%dma_wait3A_66] : memref<512xi32, #tpu.memory_space<vmem>> -> memref<128xi32, #tpu.memory_space<vmem>>
    %dma_wait3A_68 = arith.constant 0 : i32
    %dma_wait3A_69 = arith.constant 0 : i32
    %dma_wait3A_70 = tpu.memref_slice %arg3[%dma_wait3A_68, %dma_wait3A_69] : memref<100000x64xf32, #tpu.memory_space<hbm>> -> memref<100000x64xf32, #tpu.memory_space<hbm>>
    tpu.wait_indirect_dma semaphore(%arg31 : memref<!tpu.dma_semaphore, #tpu.memory_space<semaphore_mem>>) src(%dma_wait3A_70 : memref<100000x64xf32, #tpu.memory_space<hbm>>) dst(%arg17 : memref<128x64xf32, #tpu.memory_space<vmem>>)
    %dma_wait3A_71 = arith.constant 0 : i32
    %dma_wait3A_72 = tpu.memref_slice %arg10[%dma_wait3A_71] : memref<512xi32, #tpu.memory_space<vmem>> -> memref<128xi32, #tpu.memory_space<vmem>>
    %dma_wait3A_73 = arith.constant 0 : i32
    %dma_wait3A_74 = tpu.memref_slice %arg4[%dma_wait3A_73] : memref<100000xf32, #tpu.memory_space<hbm>> -> memref<100000xf32, #tpu.memory_space<hbm>>
    tpu.wait_indirect_dma semaphore(%arg27 : memref<!tpu.dma_semaphore, #tpu.memory_space<semaphore_mem>>) src(%dma_wait3A_74 : memref<100000xf32, #tpu.memory_space<hbm>>) dst(%arg19 : memref<128xf32, #tpu.memory_space<vmem>>)
    %dma_wait3A_75 = arith.constant 0 : i32
    %dma_wait3A_76 = tpu.memref_slice %arg11[%dma_wait3A_75] : memref<512xi32, #tpu.memory_space<vmem>> -> memref<128xi32, #tpu.memory_space<vmem>>
    %dma_wait3A_77 = arith.constant 0 : i32
    %dma_wait3A_78 = tpu.memref_slice %arg5[%dma_wait3A_77] : memref<100000xf32, #tpu.memory_space<hbm>> -> memref<100000xf32, #tpu.memory_space<hbm>>
    tpu.wait_indirect_dma semaphore(%arg29 : memref<!tpu.dma_semaphore, #tpu.memory_space<semaphore_mem>>) src(%dma_wait3A_78 : memref<100000xf32, #tpu.memory_space<hbm>>) dst(%arg21 : memref<128xf32, #tpu.memory_space<vmem>>)
    %dma_wait3A_79 = arith.constant 0 : i32
    %dma_wait3A_80 = tpu.memref_slice %arg12[%dma_wait3A_79] : memref<512xi32, #tpu.memory_space<vmem>> -> memref<128xi32, #tpu.memory_space<vmem>>
    %dma_wait3A_81 = arith.constant 0 : i32
    %dma_wait3A_82 = tpu.memref_slice %arg5[%dma_wait3A_81] : memref<100000xf32, #tpu.memory_space<hbm>> -> memref<100000xf32, #tpu.memory_space<hbm>>
    tpu.wait_indirect_dma semaphore(%arg31 : memref<!tpu.dma_semaphore, #tpu.memory_space<semaphore_mem>>) src(%dma_wait3A_82 : memref<100000xf32, #tpu.memory_space<hbm>>) dst(%arg23 : memref<128xf32, #tpu.memory_space<vmem>>)
    %scan3A = arith.constant 0 : i32
    %scan3A_83 = arith.constant 0 : i32
    %scan3A_84 = arith.constant 8 : i32
    %scan3A_85 = arith.addi %scan3A_83, %scan3A_84 : i32
    %scan3A_86 = arith.constant 1 : i32
    scf.for %scan3A_242 = %scan3A_83 to %scan3A_85 step %scan3A_86  : i32 {
      %mul3A_243 = arith.constant 16 : i32
      %mul3A_244 = arith.muli %scan3A_242, %mul3A_243 : i32
      %add3A_245 = vector.broadcast %mul3A_244 : i32 to vector<16xi32>
      %add3A_246 = arith.addi %add3A_245, %iota3A : vector<16xi32>
      %broadcast_in_dim3A_247 = arith.constant 0.000000e+00 : f32
      %broadcast_in_dim3A_248 = vector.broadcast %broadcast_in_dim3A_247 : f32 to vector<16xf32>
      %broadcast_in_dim3A_249 = arith.constant 0.000000e+00 : f32
      %broadcast_in_dim3A_250 = vector.broadcast %broadcast_in_dim3A_249 : f32 to vector<16xf32>
      %add3A_251 = arith.constant 0 : i32
      %add3A_252 = vector.broadcast %add3A_251 : i32 to vector<16xi32>
      %add3A_253 = arith.addi %iota3A, %add3A_252 : vector<16xi32>
      %and3A = arith.andi %add3A_253, %broadcast_in_dim3A_3 : vector<16xi32>
      %gather3A = tpu.vector_load_idx %arg13[%add3A_246, %and3A] : memref<128x64xf32, #tpu.memory_space<vmem>>[vector<16xi32>, vector<16xi32>], vector<16xf32>,
      %gather3A_254 = tpu.vector_load_idx %arg15[%add3A_246, %and3A] : memref<128x64xf32, #tpu.memory_space<vmem>>[vector<16xi32>, vector<16xi32>], vector<16xf32>,
      %gather3A_255 = tpu.vector_load_idx %arg17[%add3A_246, %and3A] : memref<128x64xf32, #tpu.memory_space<vmem>>[vector<16xi32>, vector<16xi32>], vector<16xf32>,
      %mul3A_256 = arith.mulf %gather3A, %gather3A_254 : vector<16xf32>
      %add3A_257 = arith.addf %broadcast_in_dim3A_248, %mul3A_256 : vector<16xf32>
      %mul3A_258 = arith.mulf %gather3A, %gather3A_255 : vector<16xf32>
      %add3A_259 = arith.addf %broadcast_in_dim3A_250, %mul3A_258 : vector<16xf32>
      %add3A_260 = arith.constant 1 : i32
      %add3A_261 = vector.broadcast %add3A_260 : i32 to vector<16xi32>
      %add3A_262 = arith.addi %iota3A, %add3A_261 : vector<16xi32>
      %and3A_263 = arith.andi %add3A_262, %broadcast_in_dim3A_3 : vector<16xi32>
      %gather3A_264 = tpu.vector_load_idx %arg13[%add3A_246, %and3A_263] : memref<128x64xf32, #tpu.memory_space<vmem>>[vector<16xi32>, vector<16xi32>], vector<16xf32>,
      %gather3A_265 = tpu.vector_load_idx %arg15[%add3A_246, %and3A_263] : memref<128x64xf32, #tpu.memory_space<vmem>>[vector<16xi32>, vector<16xi32>], vector<16xf32>,
      %gather3A_266 = tpu.vector_load_idx %arg17[%add3A_246, %and3A_263] : memref<128x64xf32, #tpu.memory_space<vmem>>[vector<16xi32>, vector<16xi32>], vector<16xf32>,
      %mul3A_267 = arith.mulf %gather3A_264, %gather3A_265 : vector<16xf32>
      %add3A_268 = arith.addf %add3A_257, %mul3A_267 : vector<16xf32>
      %mul3A_269 = arith.mulf %gather3A_264, %gather3A_266 : vector<16xf32>
      %add3A_270 = arith.addf %add3A_259, %mul3A_269 : vector<16xf32>
      %add3A_271 = arith.constant 2 : i32
      %add3A_272 = vector.broadcast %add3A_271 : i32 to vector<16xi32>
      %add3A_273 = arith.addi %iota3A, %add3A_272 : vector<16xi32>
      %and3A_274 = arith.andi %add3A_273, %broadcast_in_dim3A_3 : vector<16xi32>
      %gather3A_275 = tpu.vector_load_idx %arg13[%add3A_246, %and3A_274] : memref<128x64xf32, #tpu.memory_space<vmem>>[vector<16xi32>, vector<16xi32>], vector<16xf32>,
      %gather3A_276 = tpu.vector_load_idx %arg15[%add3A_246, %and3A_274] : memref<128x64xf32, #tpu.memory_space<vmem>>[vector<16xi32>, vector<16xi32>], vector<16xf32>,
      %gather3A_277 = tpu.vector_load_idx %arg17[%add3A_246, %and3A_274] : memref<128x64xf32, #tpu.memory_space<vmem>>[vector<16xi32>, vector<16xi32>], vector<16xf32>,
      %mul3A_278 = arith.mulf %gather3A_275, %gather3A_276 : vector<16xf32>
      %add3A_279 = arith.addf %add3A_268, %mul3A_278 : vector<16xf32>
      %mul3A_280 = arith.mulf %gather3A_275, %gather3A_277 : vector<16xf32>
      %add3A_281 = arith.addf %add3A_270, %mul3A_280 : vector<16xf32>
      %add3A_282 = arith.constant 3 : i32
      %add3A_283 = vector.broadcast %add3A_282 : i32 to vector<16xi32>
      %add3A_284 = arith.addi %iota3A, %add3A_283 : vector<16xi32>
      %and3A_285 = arith.andi %add3A_284, %broadcast_in_dim3A_3 : vector<16xi32>
      %gather3A_286 = tpu.vector_load_idx %arg13[%add3A_246, %and3A_285] : memref<128x64xf32, #tpu.memory_space<vmem>>[vector<16xi32>, vector<16xi32>], vector<16xf32>,
      %gather3A_287 = tpu.vector_load_idx %arg15[%add3A_246, %and3A_285] : memref<128x64xf32, #tpu.memory_space<vmem>>[vector<16xi32>, vector<16xi32>], vector<16xf32>,
      %gather3A_288 = tpu.vector_load_idx %arg17[%add3A_246, %and3A_285] : memref<128x64xf32, #tpu.memory_space<vmem>>[vector<16xi32>, vector<16xi32>], vector<16xf32>,
      %mul3A_289 = arith.mulf %gather3A_286, %gather3A_287 : vector<16xf32>
      %add3A_290 = arith.addf %add3A_279, %mul3A_289 : vector<16xf32>
      %mul3A_291 = arith.mulf %gather3A_286, %gather3A_288 : vector<16xf32>
      %add3A_292 = arith.addf %add3A_281, %mul3A_291 : vector<16xf32>
      %add3A_293 = arith.constant 4 : i32
      %add3A_294 = vector.broadcast %add3A_293 : i32 to vector<16xi32>
      %add3A_295 = arith.addi %iota3A, %add3A_294 : vector<16xi32>
      %and3A_296 = arith.andi %add3A_295, %broadcast_in_dim3A_3 : vector<16xi32>
      %gather3A_297 = tpu.vector_load_idx %arg13[%add3A_246, %and3A_296] : memref<128x64xf32, #tpu.memory_space<vmem>>[vector<16xi32>, vector<16xi32>], vector<16xf32>,
      %gather3A_298 = tpu.vector_load_idx %arg15[%add3A_246, %and3A_296] : memref<128x64xf32, #tpu.memory_space<vmem>>[vector<16xi32>, vector<16xi32>], vector<16xf32>,
      %gather3A_299 = tpu.vector_load_idx %arg17[%add3A_246, %and3A_296] : memref<128x64xf32, #tpu.memory_space<vmem>>[vector<16xi32>, vector<16xi32>], vector<16xf32>,
      %mul3A_300 = arith.mulf %gather3A_297, %gather3A_298 : vector<16xf32>
      %add3A_301 = arith.addf %add3A_290, %mul3A_300 : vector<16xf32>
      %mul3A_302 = arith.mulf %gather3A_297, %gather3A_299 : vector<16xf32>
      %add3A_303 = arith.addf %add3A_292, %mul3A_302 : vector<16xf32>
      %add3A_304 = arith.constant 5 : i32
      %add3A_305 = vector.broadcast %add3A_304 : i32 to vector<16xi32>
      %add3A_306 = arith.addi %iota3A, %add3A_305 : vector<16xi32>
      %and3A_307 = arith.andi %add3A_306, %broadcast_in_dim3A_3 : vector<16xi32>
      %gather3A_308 = tpu.vector_load_idx %arg13[%add3A_246, %and3A_307] : memref<128x64xf32, #tpu.memory_space<vmem>>[vector<16xi32>, vector<16xi32>], vector<16xf32>,
      %gather3A_309 = tpu.vector_load_idx %arg15[%add3A_246, %and3A_307] : memref<128x64xf32, #tpu.memory_space<vmem>>[vector<16xi32>, vector<16xi32>], vector<16xf32>,
      %gather3A_310 = tpu.vector_load_idx %arg17[%add3A_246, %and3A_307] : memref<128x64xf32, #tpu.memory_space<vmem>>[vector<16xi32>, vector<16xi32>], vector<16xf32>,
      %mul3A_311 = arith.mulf %gather3A_308, %gather3A_309 : vector<16xf32>
      %add3A_312 = arith.addf %add3A_301, %mul3A_311 : vector<16xf32>
      %mul3A_313 = arith.mulf %gather3A_308, %gather3A_310 : vector<16xf32>
      %add3A_314 = arith.addf %add3A_303, %mul3A_313 : vector<16xf32>
      %add3A_315 = arith.constant 6 : i32
      %add3A_316 = vector.broadcast %add3A_315 : i32 to vector<16xi32>
      %add3A_317 = arith.addi %iota3A, %add3A_316 : vector<16xi32>
      %and3A_318 = arith.andi %add3A_317, %broadcast_in_dim3A_3 : vector<16xi32>
      %gather3A_319 = tpu.vector_load_idx %arg13[%add3A_246, %and3A_318] : memref<128x64xf32, #tpu.memory_space<vmem>>[vector<16xi32>, vector<16xi32>], vector<16xf32>,
      %gather3A_320 = tpu.vector_load_idx %arg15[%add3A_246, %and3A_318] : memref<128x64xf32, #tpu.memory_space<vmem>>[vector<16xi32>, vector<16xi32>], vector<16xf32>,
      %gather3A_321 = tpu.vector_load_idx %arg17[%add3A_246, %and3A_318] : memref<128x64xf32, #tpu.memory_space<vmem>>[vector<16xi32>, vector<16xi32>], vector<16xf32>,
      %mul3A_322 = arith.mulf %gather3A_319, %gather3A_320 : vector<16xf32>
      %add3A_323 = arith.addf %add3A_312, %mul3A_322 : vector<16xf32>
      %mul3A_324 = arith.mulf %gather3A_319, %gather3A_321 : vector<16xf32>
      %add3A_325 = arith.addf %add3A_314, %mul3A_324 : vector<16xf32>
      %add3A_326 = arith.constant 7 : i32
      %add3A_327 = vector.broadcast %add3A_326 : i32 to vector<16xi32>
      %add3A_328 = arith.addi %iota3A, %add3A_327 : vector<16xi32>
      %and3A_329 = arith.andi %add3A_328, %broadcast_in_dim3A_3 : vector<16xi32>
      %gather3A_330 = tpu.vector_load_idx %arg13[%add3A_246, %and3A_329] : memref<128x64xf32, #tpu.memory_space<vmem>>[vector<16xi32>, vector<16xi32>], vector<16xf32>,
      %gather3A_331 = tpu.vector_load_idx %arg15[%add3A_246, %and3A_329] : memref<128x64xf32, #tpu.memory_space<vmem>>[vector<16xi32>, vector<16xi32>], vector<16xf32>,
      %gather3A_332 = tpu.vector_load_idx %arg17[%add3A_246, %and3A_329] : memref<128x64xf32, #tpu.memory_space<vmem>>[vector<16xi32>, vector<16xi32>], vector<16xf32>,
      %mul3A_333 = arith.mulf %gather3A_330, %gather3A_331 : vector<16xf32>
      %add3A_334 = arith.addf %add3A_323, %mul3A_333 : vector<16xf32>
      %mul3A_335 = arith.mulf %gather3A_330, %gather3A_332 : vector<16xf32>
      %add3A_336 = arith.addf %add3A_325, %mul3A_335 : vector<16xf32>
      %add3A_337 = arith.constant 8 : i32
      %add3A_338 = vector.broadcast %add3A_337 : i32 to vector<16xi32>
      %add3A_339 = arith.addi %iota3A, %add3A_338 : vector<16xi32>
      %and3A_340 = arith.andi %add3A_339, %broadcast_in_dim3A_3 : vector<16xi32>
      %gather3A_341 = tpu.vector_load_idx %arg13[%add3A_246, %and3A_340] : memref<128x64xf32, #tpu.memory_space<vmem>>[vector<16xi32>, vector<16xi32>], vector<16xf32>,
      %gather3A_342 = tpu.vector_load_idx %arg15[%add3A_246, %and3A_340] : memref<128x64xf32, #tpu.memory_space<vmem>>[vector<16xi32>, vector<16xi32>], vector<16xf32>,
      %gather3A_343 = tpu.vector_load_idx %arg17[%add3A_246, %and3A_340] : memref<128x64xf32, #tpu.memory_space<vmem>>[vector<16xi32>, vector<16xi32>], vector<16xf32>,
      %mul3A_344 = arith.mulf %gather3A_341, %gather3A_342 : vector<16xf32>
      %add3A_345 = arith.addf %add3A_334, %mul3A_344 : vector<16xf32>
      %mul3A_346 = arith.mulf %gather3A_341, %gather3A_343 : vector<16xf32>
      %add3A_347 = arith.addf %add3A_336, %mul3A_346 : vector<16xf32>
      %add3A_348 = arith.constant 9 : i32
      %add3A_349 = vector.broadcast %add3A_348 : i32 to vector<16xi32>
      %add3A_350 = arith.addi %iota3A, %add3A_349 : vector<16xi32>
      %and3A_351 = arith.andi %add3A_350, %broadcast_in_dim3A_3 : vector<16xi32>
      %gather3A_352 = tpu.vector_load_idx %arg13[%add3A_246, %and3A_351] : memref<128x64xf32, #tpu.memory_space<vmem>>[vector<16xi32>, vector<16xi32>], vector<16xf32>,
      %gather3A_353 = tpu.vector_load_idx %arg15[%add3A_246, %and3A_351] : memref<128x64xf32, #tpu.memory_space<vmem>>[vector<16xi32>, vector<16xi32>], vector<16xf32>,
      %gather3A_354 = tpu.vector_load_idx %arg17[%add3A_246, %and3A_351] : memref<128x64xf32, #tpu.memory_space<vmem>>[vector<16xi32>, vector<16xi32>], vector<16xf32>,
      %mul3A_355 = arith.mulf %gather3A_352, %gather3A_353 : vector<16xf32>
      %add3A_356 = arith.addf %add3A_345, %mul3A_355 : vector<16xf32>
      %mul3A_357 = arith.mulf %gather3A_352, %gather3A_354 : vector<16xf32>
      %add3A_358 = arith.addf %add3A_347, %mul3A_357 : vector<16xf32>
      %add3A_359 = arith.constant 10 : i32
      %add3A_360 = vector.broadcast %add3A_359 : i32 to vector<16xi32>
      %add3A_361 = arith.addi %iota3A, %add3A_360 : vector<16xi32>
      %and3A_362 = arith.andi %add3A_361, %broadcast_in_dim3A_3 : vector<16xi32>
      %gather3A_363 = tpu.vector_load_idx %arg13[%add3A_246, %and3A_362] : memref<128x64xf32, #tpu.memory_space<vmem>>[vector<16xi32>, vector<16xi32>], vector<16xf32>,
      %gather3A_364 = tpu.vector_load_idx %arg15[%add3A_246, %and3A_362] : memref<128x64xf32, #tpu.memory_space<vmem>>[vector<16xi32>, vector<16xi32>], vector<16xf32>,
      %gather3A_365 = tpu.vector_load_idx %arg17[%add3A_246, %and3A_362] : memref<128x64xf32, #tpu.memory_space<vmem>>[vector<16xi32>, vector<16xi32>], vector<16xf32>,
      %mul3A_366 = arith.mulf %gather3A_363, %gather3A_364 : vector<16xf32>
      %add3A_367 = arith.addf %add3A_356, %mul3A_366 : vector<16xf32>
      %mul3A_368 = arith.mulf %gather3A_363, %gather3A_365 : vector<16xf32>
      %add3A_369 = arith.addf %add3A_358, %mul3A_368 : vector<16xf32>
      %add3A_370 = arith.constant 11 : i32
      %add3A_371 = vector.broadcast %add3A_370 : i32 to vector<16xi32>
      %add3A_372 = arith.addi %iota3A, %add3A_371 : vector<16xi32>
      %and3A_373 = arith.andi %add3A_372, %broadcast_in_dim3A_3 : vector<16xi32>
      %gather3A_374 = tpu.vector_load_idx %arg13[%add3A_246, %and3A_373] : memref<128x64xf32, #tpu.memory_space<vmem>>[vector<16xi32>, vector<16xi32>], vector<16xf32>,
      %gather3A_375 = tpu.vector_load_idx %arg15[%add3A_246, %and3A_373] : memref<128x64xf32, #tpu.memory_space<vmem>>[vector<16xi32>, vector<16xi32>], vector<16xf32>,
      %gather3A_376 = tpu.vector_load_idx %arg17[%add3A_246, %and3A_373] : memref<128x64xf32, #tpu.memory_space<vmem>>[vector<16xi32>, vector<16xi32>], vector<16xf32>,
      %mul3A_377 = arith.mulf %gather3A_374, %gather3A_375 : vector<16xf32>
      %add3A_378 = arith.addf %add3A_367, %mul3A_377 : vector<16xf32>
      %mul3A_379 = arith.mulf %gather3A_374, %gather3A_376 : vector<16xf32>
      %add3A_380 = arith.addf %add3A_369, %mul3A_379 : vector<16xf32>
      %add3A_381 = arith.constant 12 : i32
      %add3A_382 = vector.broadcast %add3A_381 : i32 to vector<16xi32>
      %add3A_383 = arith.addi %iota3A, %add3A_382 : vector<16xi32>
      %and3A_384 = arith.andi %add3A_383, %broadcast_in_dim3A_3 : vector<16xi32>
      %gather3A_385 = tpu.vector_load_idx %arg13[%add3A_246, %and3A_384] : memref<128x64xf32, #tpu.memory_space<vmem>>[vector<16xi32>, vector<16xi32>], vector<16xf32>,
      %gather3A_386 = tpu.vector_load_idx %arg15[%add3A_246, %and3A_384] : memref<128x64xf32, #tpu.memory_space<vmem>>[vector<16xi32>, vector<16xi32>], vector<16xf32>,
      %gather3A_387 = tpu.vector_load_idx %arg17[%add3A_246, %and3A_384] : memref<128x64xf32, #tpu.memory_space<vmem>>[vector<16xi32>, vector<16xi32>], vector<16xf32>,
      %mul3A_388 = arith.mulf %gather3A_385, %gather3A_386 : vector<16xf32>
      %add3A_389 = arith.addf %add3A_378, %mul3A_388 : vector<16xf32>
      %mul3A_390 = arith.mulf %gather3A_385, %gather3A_387 : vector<16xf32>
      %add3A_391 = arith.addf %add3A_380, %mul3A_390 : vector<16xf32>
      %add3A_392 = arith.constant 13 : i32
      %add3A_393 = vector.broadcast %add3A_392 : i32 to vector<16xi32>
      %add3A_394 = arith.addi %iota3A, %add3A_393 : vector<16xi32>
      %and3A_395 = arith.andi %add3A_394, %broadcast_in_dim3A_3 : vector<16xi32>
      %gather3A_396 = tpu.vector_load_idx %arg13[%add3A_246, %and3A_395] : memref<128x64xf32, #tpu.memory_space<vmem>>[vector<16xi32>, vector<16xi32>], vector<16xf32>,
      %gather3A_397 = tpu.vector_load_idx %arg15[%add3A_246, %and3A_395] : memref<128x64xf32, #tpu.memory_space<vmem>>[vector<16xi32>, vector<16xi32>], vector<16xf32>,
      %gather3A_398 = tpu.vector_load_idx %arg17[%add3A_246, %and3A_395] : memref<128x64xf32, #tpu.memory_space<vmem>>[vector<16xi32>, vector<16xi32>], vector<16xf32>,
      %mul3A_399 = arith.mulf %gather3A_396, %gather3A_397 : vector<16xf32>
      %add3A_400 = arith.addf %add3A_389, %mul3A_399 : vector<16xf32>
      %mul3A_401 = arith.mulf %gather3A_396, %gather3A_398 : vector<16xf32>
      %add3A_402 = arith.addf %add3A_391, %mul3A_401 : vector<16xf32>
      %add3A_403 = arith.constant 14 : i32
      %add3A_404 = vector.broadcast %add3A_403 : i32 to vector<16xi32>
      %add3A_405 = arith.addi %iota3A, %add3A_404 : vector<16xi32>
      %and3A_406 = arith.andi %add3A_405, %broadcast_in_dim3A_3 : vector<16xi32>
      %gather3A_407 = tpu.vector_load_idx %arg13[%add3A_246, %and3A_406] : memref<128x64xf32, #tpu.memory_space<vmem>>[vector<16xi32>, vector<16xi32>], vector<16xf32>,
      %gather3A_408 = tpu.vector_load_idx %arg15[%add3A_246, %and3A_406] : memref<128x64xf32, #tpu.memory_space<vmem>>[vector<16xi32>, vector<16xi32>], vector<16xf32>,
      %gather3A_409 = tpu.vector_load_idx %arg17[%add3A_246, %and3A_406] : memref<128x64xf32, #tpu.memory_space<vmem>>[vector<16xi32>, vector<16xi32>], vector<16xf32>,
      %mul3A_410 = arith.mulf %gather3A_407, %gather3A_408 : vector<16xf32>
      %add3A_411 = arith.addf %add3A_400, %mul3A_410 : vector<16xf32>
      %mul3A_412 = arith.mulf %gather3A_407, %gather3A_409 : vector<16xf32>
      %add3A_413 = arith.addf %add3A_402, %mul3A_412 : vector<16xf32>
      %add3A_414 = arith.constant 15 : i32
      %add3A_415 = vector.broadcast %add3A_414 : i32 to vector<16xi32>
      %add3A_416 = arith.addi %iota3A, %add3A_415 : vector<16xi32>
      %and3A_417 = arith.andi %add3A_416, %broadcast_in_dim3A_3 : vector<16xi32>
      %gather3A_418 = tpu.vector_load_idx %arg13[%add3A_246, %and3A_417] : memref<128x64xf32, #tpu.memory_space<vmem>>[vector<16xi32>, vector<16xi32>], vector<16xf32>,
      %gather3A_419 = tpu.vector_load_idx %arg15[%add3A_246, %and3A_417] : memref<128x64xf32, #tpu.memory_space<vmem>>[vector<16xi32>, vector<16xi32>], vector<16xf32>,
      %gather3A_420 = tpu.vector_load_idx %arg17[%add3A_246, %and3A_417] : memref<128x64xf32, #tpu.memory_space<vmem>>[vector<16xi32>, vector<16xi32>], vector<16xf32>,
      %mul3A_421 = arith.mulf %gather3A_418, %gather3A_419 : vector<16xf32>
      %add3A_422 = arith.addf %add3A_411, %mul3A_421 : vector<16xf32>
      %mul3A_423 = arith.mulf %gather3A_418, %gather3A_420 : vector<16xf32>
      %add3A_424 = arith.addf %add3A_413, %mul3A_423 : vector<16xf32>
      %add3A_425 = arith.constant 16 : i32
      %add3A_426 = vector.broadcast %add3A_425 : i32 to vector<16xi32>
      %add3A_427 = arith.addi %iota3A, %add3A_426 : vector<16xi32>
      %and3A_428 = arith.andi %add3A_427, %broadcast_in_dim3A_3 : vector<16xi32>
      %gather3A_429 = tpu.vector_load_idx %arg13[%add3A_246, %and3A_428] : memref<128x64xf32, #tpu.memory_space<vmem>>[vector<16xi32>, vector<16xi32>], vector<16xf32>,
      %gather3A_430 = tpu.vector_load_idx %arg15[%add3A_246, %and3A_428] : memref<128x64xf32, #tpu.memory_space<vmem>>[vector<16xi32>, vector<16xi32>], vector<16xf32>,
      %gather3A_431 = tpu.vector_load_idx %arg17[%add3A_246, %and3A_428] : memref<128x64xf32, #tpu.memory_space<vmem>>[vector<16xi32>, vector<16xi32>], vector<16xf32>,
      %mul3A_432 = arith.mulf %gather3A_429, %gather3A_430 : vector<16xf32>
      %add3A_433 = arith.addf %add3A_422, %mul3A_432 : vector<16xf32>
      %mul3A_434 = arith.mulf %gather3A_429, %gather3A_431 : vector<16xf32>
      %add3A_435 = arith.addf %add3A_424, %mul3A_434 : vector<16xf32>
      %add3A_436 = arith.constant 17 : i32
      %add3A_437 = vector.broadcast %add3A_436 : i32 to vector<16xi32>
      %add3A_438 = arith.addi %iota3A, %add3A_437 : vector<16xi32>
      %and3A_439 = arith.andi %add3A_438, %broadcast_in_dim3A_3 : vector<16xi32>
      %gather3A_440 = tpu.vector_load_idx %arg13[%add3A_246, %and3A_439] : memref<128x64xf32, #tpu.memory_space<vmem>>[vector<16xi32>, vector<16xi32>], vector<16xf32>,
      %gather3A_441 = tpu.vector_load_idx %arg15[%add3A_246, %and3A_439] : memref<128x64xf32, #tpu.memory_space<vmem>>[vector<16xi32>, vector<16xi32>], vector<16xf32>,
      %gather3A_442 = tpu.vector_load_idx %arg17[%add3A_246, %and3A_439] : memref<128x64xf32, #tpu.memory_space<vmem>>[vector<16xi32>, vector<16xi32>], vector<16xf32>,
      %mul3A_443 = arith.mulf %gather3A_440, %gather3A_441 : vector<16xf32>
      %add3A_444 = arith.addf %add3A_433, %mul3A_443 : vector<16xf32>
      %mul3A_445 = arith.mulf %gather3A_440, %gather3A_442 : vector<16xf32>
      %add3A_446 = arith.addf %add3A_435, %mul3A_445 : vector<16xf32>
      %add3A_447 = arith.constant 18 : i32
      %add3A_448 = vector.broadcast %add3A_447 : i32 to vector<16xi32>
      %add3A_449 = arith.addi %iota3A, %add3A_448 : vector<16xi32>
      %and3A_450 = arith.andi %add3A_449, %broadcast_in_dim3A_3 : vector<16xi32>
      %gather3A_451 = tpu.vector_load_idx %arg13[%add3A_246, %and3A_450] : memref<128x64xf32, #tpu.memory_space<vmem>>[vector<16xi32>, vector<16xi32>], vector<16xf32>,
      %gather3A_452 = tpu.vector_load_idx %arg15[%add3A_246, %and3A_450] : memref<128x64xf32, #tpu.memory_space<vmem>>[vector<16xi32>, vector<16xi32>], vector<16xf32>,
      %gather3A_453 = tpu.vector_load_idx %arg17[%add3A_246, %and3A_450] : memref<128x64xf32, #tpu.memory_space<vmem>>[vector<16xi32>, vector<16xi32>], vector<16xf32>,
      %mul3A_454 = arith.mulf %gather3A_451, %gather3A_452 : vector<16xf32>
      %add3A_455 = arith.addf %add3A_444, %mul3A_454 : vector<16xf32>
      %mul3A_456 = arith.mulf %gather3A_451, %gather3A_453 : vector<16xf32>
      %add3A_457 = arith.addf %add3A_446, %mul3A_456 : vector<16xf32>
      %add3A_458 = arith.constant 19 : i32
      %add3A_459 = vector.broadcast %add3A_458 : i32 to vector<16xi32>
      %add3A_460 = arith.addi %iota3A, %add3A_459 : vector<16xi32>
      %and3A_461 = arith.andi %add3A_460, %broadcast_in_dim3A_3 : vector<16xi32>
      %gather3A_462 = tpu.vector_load_idx %arg13[%add3A_246, %and3A_461] : memref<128x64xf32, #tpu.memory_space<vmem>>[vector<16xi32>, vector<16xi32>], vector<16xf32>,
      %gather3A_463 = tpu.vector_load_idx %arg15[%add3A_246, %and3A_461] : memref<128x64xf32, #tpu.memory_space<vmem>>[vector<16xi32>, vector<16xi32>], vector<16xf32>,
      %gather3A_464 = tpu.vector_load_idx %arg17[%add3A_246, %and3A_461] : memref<128x64xf32, #tpu.memory_space<vmem>>[vector<16xi32>, vector<16xi32>], vector<16xf32>,
      %mul3A_465 = arith.mulf %gather3A_462, %gather3A_463 : vector<16xf32>
      %add3A_466 = arith.addf %add3A_455, %mul3A_465 : vector<16xf32>
      %mul3A_467 = arith.mulf %gather3A_462, %gather3A_464 : vector<16xf32>
      %add3A_468 = arith.addf %add3A_457, %mul3A_467 : vector<16xf32>
      %add3A_469 = arith.constant 20 : i32
      %add3A_470 = vector.broadcast %add3A_469 : i32 to vector<16xi32>
      %add3A_471 = arith.addi %iota3A, %add3A_470 : vector<16xi32>
      %and3A_472 = arith.andi %add3A_471, %broadcast_in_dim3A_3 : vector<16xi32>
      %gather3A_473 = tpu.vector_load_idx %arg13[%add3A_246, %and3A_472] : memref<128x64xf32, #tpu.memory_space<vmem>>[vector<16xi32>, vector<16xi32>], vector<16xf32>,
      %gather3A_474 = tpu.vector_load_idx %arg15[%add3A_246, %and3A_472] : memref<128x64xf32, #tpu.memory_space<vmem>>[vector<16xi32>, vector<16xi32>], vector<16xf32>,
      %gather3A_475 = tpu.vector_load_idx %arg17[%add3A_246, %and3A_472] : memref<128x64xf32, #tpu.memory_space<vmem>>[vector<16xi32>, vector<16xi32>], vector<16xf32>,
      %mul3A_476 = arith.mulf %gather3A_473, %gather3A_474 : vector<16xf32>
      %add3A_477 = arith.addf %add3A_466, %mul3A_476 : vector<16xf32>
      %mul3A_478 = arith.mulf %gather3A_473, %gather3A_475 : vector<16xf32>
      %add3A_479 = arith.addf %add3A_468, %mul3A_478 : vector<16xf32>
      %add3A_480 = arith.constant 21 : i32
      %add3A_481 = vector.broadcast %add3A_480 : i32 to vector<16xi32>
      %add3A_482 = arith.addi %iota3A, %add3A_481 : vector<16xi32>
      %and3A_483 = arith.andi %add3A_482, %broadcast_in_dim3A_3 : vector<16xi32>
      %gather3A_484 = tpu.vector_load_idx %arg13[%add3A_246, %and3A_483] : memref<128x64xf32, #tpu.memory_space<vmem>>[vector<16xi32>, vector<16xi32>], vector<16xf32>,
      %gather3A_485 = tpu.vector_load_idx %arg15[%add3A_246, %and3A_483] : memref<128x64xf32, #tpu.memory_space<vmem>>[vector<16xi32>, vector<16xi32>], vector<16xf32>,
      %gather3A_486 = tpu.vector_load_idx %arg17[%add3A_246, %and3A_483] : memref<128x64xf32, #tpu.memory_space<vmem>>[vector<16xi32>, vector<16xi32>], vector<16xf32>,
      %mul3A_487 = arith.mulf %gather3A_484, %gather3A_485 : vector<16xf32>
      %add3A_488 = arith.addf %add3A_477, %mul3A_487 : vector<16xf32>
      %mul3A_489 = arith.mulf %gather3A_484, %gather3A_486 : vector<16xf32>
      %add3A_490 = arith.addf %add3A_479, %mul3A_489 : vector<16xf32>
      %add3A_491 = arith.constant 22 : i32
      %add3A_492 = vector.broadcast %add3A_491 : i32 to vector<16xi32>
      %add3A_493 = arith.addi %iota3A, %add3A_492 : vector<16xi32>
      %and3A_494 = arith.andi %add3A_493, %broadcast_in_dim3A_3 : vector<16xi32>
      %gather3A_495 = tpu.vector_load_idx %arg13[%add3A_246, %and3A_494] : memref<128x64xf32, #tpu.memory_space<vmem>>[vector<16xi32>, vector<16xi32>], vector<16xf32>,
      %gather3A_496 = tpu.vector_load_idx %arg15[%add3A_246, %and3A_494] : memref<128x64xf32, #tpu.memory_space<vmem>>[vector<16xi32>, vector<16xi32>], vector<16xf32>,
      %gather3A_497 = tpu.vector_load_idx %arg17[%add3A_246, %and3A_494] : memref<128x64xf32, #tpu.memory_space<vmem>>[vector<16xi32>, vector<16xi32>], vector<16xf32>,
      %mul3A_498 = arith.mulf %gather3A_495, %gather3A_496 : vector<16xf32>
      %add3A_499 = arith.addf %add3A_488, %mul3A_498 : vector<16xf32>
      %mul3A_500 = arith.mulf %gather3A_495, %gather3A_497 : vector<16xf32>
      %add3A_501 = arith.addf %add3A_490, %mul3A_500 : vector<16xf32>
      %add3A_502 = arith.constant 23 : i32
      %add3A_503 = vector.broadcast %add3A_502 : i32 to vector<16xi32>
      %add3A_504 = arith.addi %iota3A, %add3A_503 : vector<16xi32>
      %and3A_505 = arith.andi %add3A_504, %broadcast_in_dim3A_3 : vector<16xi32>
      %gather3A_506 = tpu.vector_load_idx %arg13[%add3A_246, %and3A_505] : memref<128x64xf32, #tpu.memory_space<vmem>>[vector<16xi32>, vector<16xi32>], vector<16xf32>,
      %gather3A_507 = tpu.vector_load_idx %arg15[%add3A_246, %and3A_505] : memref<128x64xf32, #tpu.memory_space<vmem>>[vector<16xi32>, vector<16xi32>], vector<16xf32>,
      %gather3A_508 = tpu.vector_load_idx %arg17[%add3A_246, %and3A_505] : memref<128x64xf32, #tpu.memory_space<vmem>>[vector<16xi32>, vector<16xi32>], vector<16xf32>,
      %mul3A_509 = arith.mulf %gather3A_506, %gather3A_507 : vector<16xf32>
      %add3A_510 = arith.addf %add3A_499, %mul3A_509 : vector<16xf32>
      %mul3A_511 = arith.mulf %gather3A_506, %gather3A_508 : vector<16xf32>
      %add3A_512 = arith.addf %add3A_501, %mul3A_511 : vector<16xf32>
      %add3A_513 = arith.constant 24 : i32
      %add3A_514 = vector.broadcast %add3A_513 : i32 to vector<16xi32>
      %add3A_515 = arith.addi %iota3A, %add3A_514 : vector<16xi32>
      %and3A_516 = arith.andi %add3A_515, %broadcast_in_dim3A_3 : vector<16xi32>
      %gather3A_517 = tpu.vector_load_idx %arg13[%add3A_246, %and3A_516] : memref<128x64xf32, #tpu.memory_space<vmem>>[vector<16xi32>, vector<16xi32>], vector<16xf32>,
      %gather3A_518 = tpu.vector_load_idx %arg15[%add3A_246, %and3A_516] : memref<128x64xf32, #tpu.memory_space<vmem>>[vector<16xi32>, vector<16xi32>], vector<16xf32>,
      %gather3A_519 = tpu.vector_load_idx %arg17[%add3A_246, %and3A_516] : memref<128x64xf32, #tpu.memory_space<vmem>>[vector<16xi32>, vector<16xi32>], vector<16xf32>,
      %mul3A_520 = arith.mulf %gather3A_517, %gather3A_518 : vector<16xf32>
      %add3A_521 = arith.addf %add3A_510, %mul3A_520 : vector<16xf32>
      %mul3A_522 = arith.mulf %gather3A_517, %gather3A_519 : vector<16xf32>
      %add3A_523 = arith.addf %add3A_512, %mul3A_522 : vector<16xf32>
      %add3A_524 = arith.constant 25 : i32
      %add3A_525 = vector.broadcast %add3A_524 : i32 to vector<16xi32>
      %add3A_526 = arith.addi %iota3A, %add3A_525 : vector<16xi32>
      %and3A_527 = arith.andi %add3A_526, %broadcast_in_dim3A_3 : vector<16xi32>
      %gather3A_528 = tpu.vector_load_idx %arg13[%add3A_246, %and3A_527] : memref<128x64xf32, #tpu.memory_space<vmem>>[vector<16xi32>, vector<16xi32>], vector<16xf32>,
      %gather3A_529 = tpu.vector_load_idx %arg15[%add3A_246, %and3A_527] : memref<128x64xf32, #tpu.memory_space<vmem>>[vector<16xi32>, vector<16xi32>], vector<16xf32>,
      %gather3A_530 = tpu.vector_load_idx %arg17[%add3A_246, %and3A_527] : memref<128x64xf32, #tpu.memory_space<vmem>>[vector<16xi32>, vector<16xi32>], vector<16xf32>,
      %mul3A_531 = arith.mulf %gather3A_528, %gather3A_529 : vector<16xf32>
      %add3A_532 = arith.addf %add3A_521, %mul3A_531 : vector<16xf32>
      %mul3A_533 = arith.mulf %gather3A_528, %gather3A_530 : vector<16xf32>
      %add3A_534 = arith.addf %add3A_523, %mul3A_533 : vector<16xf32>
      %add3A_535 = arith.constant 26 : i32
      %add3A_536 = vector.broadcast %add3A_535 : i32 to vector<16xi32>
      %add3A_537 = arith.addi %iota3A, %add3A_536 : vector<16xi32>
      %and3A_538 = arith.andi %add3A_537, %broadcast_in_dim3A_3 : vector<16xi32>
      %gather3A_539 = tpu.vector_load_idx %arg13[%add3A_246, %and3A_538] : memref<128x64xf32, #tpu.memory_space<vmem>>[vector<16xi32>, vector<16xi32>], vector<16xf32>,
      %gather3A_540 = tpu.vector_load_idx %arg15[%add3A_246, %and3A_538] : memref<128x64xf32, #tpu.memory_space<vmem>>[vector<16xi32>, vector<16xi32>], vector<16xf32>,
      %gather3A_541 = tpu.vector_load_idx %arg17[%add3A_246, %and3A_538] : memref<128x64xf32, #tpu.memory_space<vmem>>[vector<16xi32>, vector<16xi32>], vector<16xf32>,
      %mul3A_542 = arith.mulf %gather3A_539, %gather3A_540 : vector<16xf32>
      %add3A_543 = arith.addf %add3A_532, %mul3A_542 : vector<16xf32>
      %mul3A_544 = arith.mulf %gather3A_539, %gather3A_541 : vector<16xf32>
      %add3A_545 = arith.addf %add3A_534, %mul3A_544 : vector<16xf32>
      %add3A_546 = arith.constant 27 : i32
      %add3A_547 = vector.broadcast %add3A_546 : i32 to vector<16xi32>
      %add3A_548 = arith.addi %iota3A, %add3A_547 : vector<16xi32>
      %and3A_549 = arith.andi %add3A_548, %broadcast_in_dim3A_3 : vector<16xi32>
      %gather3A_550 = tpu.vector_load_idx %arg13[%add3A_246, %and3A_549] : memref<128x64xf32, #tpu.memory_space<vmem>>[vector<16xi32>, vector<16xi32>], vector<16xf32>,
      %gather3A_551 = tpu.vector_load_idx %arg15[%add3A_246, %and3A_549] : memref<128x64xf32, #tpu.memory_space<vmem>>[vector<16xi32>, vector<16xi32>], vector<16xf32>,
      %gather3A_552 = tpu.vector_load_idx %arg17[%add3A_246, %and3A_549] : memref<128x64xf32, #tpu.memory_space<vmem>>[vector<16xi32>, vector<16xi32>], vector<16xf32>,
      %mul3A_553 = arith.mulf %gather3A_550, %gather3A_551 : vector<16xf32>
      %add3A_554 = arith.addf %add3A_543, %mul3A_553 : vector<16xf32>
      %mul3A_555 = arith.mulf %gather3A_550, %gather3A_552 : vector<16xf32>
      %add3A_556 = arith.addf %add3A_545, %mul3A_555 : vector<16xf32>
      %add3A_557 = arith.constant 28 : i32
      %add3A_558 = vector.broadcast %add3A_557 : i32 to vector<16xi32>
      %add3A_559 = arith.addi %iota3A, %add3A_558 : vector<16xi32>
      %and3A_560 = arith.andi %add3A_559, %broadcast_in_dim3A_3 : vector<16xi32>
      %gather3A_561 = tpu.vector_load_idx %arg13[%add3A_246, %and3A_560] : memref<128x64xf32, #tpu.memory_space<vmem>>[vector<16xi32>, vector<16xi32>], vector<16xf32>,
      %gather3A_562 = tpu.vector_load_idx %arg15[%add3A_246, %and3A_560] : memref<128x64xf32, #tpu.memory_space<vmem>>[vector<16xi32>, vector<16xi32>], vector<16xf32>,
      %gather3A_563 = tpu.vector_load_idx %arg17[%add3A_246, %and3A_560] : memref<128x64xf32, #tpu.memory_space<vmem>>[vector<16xi32>, vector<16xi32>], vector<16xf32>,
      %mul3A_564 = arith.mulf %gather3A_561, %gather3A_562 : vector<16xf32>
      %add3A_565 = arith.addf %add3A_554, %mul3A_564 : vector<16xf32>
      %mul3A_566 = arith.mulf %gather3A_561, %gather3A_563 : vector<16xf32>
      %add3A_567 = arith.addf %add3A_556, %mul3A_566 : vector<16xf32>
      %add3A_568 = arith.constant 29 : i32
      %add3A_569 = vector.broadcast %add3A_568 : i32 to vector<16xi32>
      %add3A_570 = arith.addi %iota3A, %add3A_569 : vector<16xi32>
      %and3A_571 = arith.andi %add3A_570, %broadcast_in_dim3A_3 : vector<16xi32>
      %gather3A_572 = tpu.vector_load_idx %arg13[%add3A_246, %and3A_571] : memref<128x64xf32, #tpu.memory_space<vmem>>[vector<16xi32>, vector<16xi32>], vector<16xf32>,
      %gather3A_573 = tpu.vector_load_idx %arg15[%add3A_246, %and3A_571] : memref<128x64xf32, #tpu.memory_space<vmem>>[vector<16xi32>, vector<16xi32>], vector<16xf32>,
      %gather3A_574 = tpu.vector_load_idx %arg17[%add3A_246, %and3A_571] : memref<128x64xf32, #tpu.memory_space<vmem>>[vector<16xi32>, vector<16xi32>], vector<16xf32>,
      %mul3A_575 = arith.mulf %gather3A_572, %gather3A_573 : vector<16xf32>
      %add3A_576 = arith.addf %add3A_565, %mul3A_575 : vector<16xf32>
      %mul3A_577 = arith.mulf %gather3A_572, %gather3A_574 : vector<16xf32>
      %add3A_578 = arith.addf %add3A_567, %mul3A_577 : vector<16xf32>
      %add3A_579 = arith.constant 30 : i32
      %add3A_580 = vector.broadcast %add3A_579 : i32 to vector<16xi32>
      %add3A_581 = arith.addi %iota3A, %add3A_580 : vector<16xi32>
      %and3A_582 = arith.andi %add3A_581, %broadcast_in_dim3A_3 : vector<16xi32>
      %gather3A_583 = tpu.vector_load_idx %arg13[%add3A_246, %and3A_582] : memref<128x64xf32, #tpu.memory_space<vmem>>[vector<16xi32>, vector<16xi32>], vector<16xf32>,
      %gather3A_584 = tpu.vector_load_idx %arg15[%add3A_246, %and3A_582] : memref<128x64xf32, #tpu.memory_space<vmem>>[vector<16xi32>, vector<16xi32>], vector<16xf32>,
      %gather3A_585 = tpu.vector_load_idx %arg17[%add3A_246, %and3A_582] : memref<128x64xf32, #tpu.memory_space<vmem>>[vector<16xi32>, vector<16xi32>], vector<16xf32>,
      %mul3A_586 = arith.mulf %gather3A_583, %gather3A_584 : vector<16xf32>
      %add3A_587 = arith.addf %add3A_576, %mul3A_586 : vector<16xf32>
      %mul3A_588 = arith.mulf %gather3A_583, %gather3A_585 : vector<16xf32>
      %add3A_589 = arith.addf %add3A_578, %mul3A_588 : vector<16xf32>
      %add3A_590 = arith.constant 31 : i32
      %add3A_591 = vector.broadcast %add3A_590 : i32 to vector<16xi32>
      %add3A_592 = arith.addi %iota3A, %add3A_591 : vector<16xi32>
      %and3A_593 = arith.andi %add3A_592, %broadcast_in_dim3A_3 : vector<16xi32>
      %gather3A_594 = tpu.vector_load_idx %arg13[%add3A_246, %and3A_593] : memref<128x64xf32, #tpu.memory_space<vmem>>[vector<16xi32>, vector<16xi32>], vector<16xf32>,
      %gather3A_595 = tpu.vector_load_idx %arg15[%add3A_246, %and3A_593] : memref<128x64xf32, #tpu.memory_space<vmem>>[vector<16xi32>, vector<16xi32>], vector<16xf32>,
      %gather3A_596 = tpu.vector_load_idx %arg17[%add3A_246, %and3A_593] : memref<128x64xf32, #tpu.memory_space<vmem>>[vector<16xi32>, vector<16xi32>], vector<16xf32>,
      %mul3A_597 = arith.mulf %gather3A_594, %gather3A_595 : vector<16xf32>
      %add3A_598 = arith.addf %add3A_587, %mul3A_597 : vector<16xf32>
      %mul3A_599 = arith.mulf %gather3A_594, %gather3A_596 : vector<16xf32>
      %add3A_600 = arith.addf %add3A_589, %mul3A_599 : vector<16xf32>
      %add3A_601 = arith.constant 32 : i32
      %add3A_602 = vector.broadcast %add3A_601 : i32 to vector<16xi32>
      %add3A_603 = arith.addi %iota3A, %add3A_602 : vector<16xi32>
      %and3A_604 = arith.andi %add3A_603, %broadcast_in_dim3A_3 : vector<16xi32>
      %gather3A_605 = tpu.vector_load_idx %arg13[%add3A_246, %and3A_604] : memref<128x64xf32, #tpu.memory_space<vmem>>[vector<16xi32>, vector<16xi32>], vector<16xf32>,
      %gather3A_606 = tpu.vector_load_idx %arg15[%add3A_246, %and3A_604] : memref<128x64xf32, #tpu.memory_space<vmem>>[vector<16xi32>, vector<16xi32>], vector<16xf32>,
      %gather3A_607 = tpu.vector_load_idx %arg17[%add3A_246, %and3A_604] : memref<128x64xf32, #tpu.memory_space<vmem>>[vector<16xi32>, vector<16xi32>], vector<16xf32>,
      %mul3A_608 = arith.mulf %gather3A_605, %gather3A_606 : vector<16xf32>
      %add3A_609 = arith.addf %add3A_598, %mul3A_608 : vector<16xf32>
      %mul3A_610 = arith.mulf %gather3A_605, %gather3A_607 : vector<16xf32>
      %add3A_611 = arith.addf %add3A_600, %mul3A_610 : vector<16xf32>
      %add3A_612 = arith.constant 33 : i32
      %add3A_613 = vector.broadcast %add3A_612 : i32 to vector<16xi32>
      %add3A_614 = arith.addi %iota3A, %add3A_613 : vector<16xi32>
      %and3A_615 = arith.andi %add3A_614, %broadcast_in_dim3A_3 : vector<16xi32>
      %gather3A_616 = tpu.vector_load_idx %arg13[%add3A_246, %and3A_615] : memref<128x64xf32, #tpu.memory_space<vmem>>[vector<16xi32>, vector<16xi32>], vector<16xf32>,
      %gather3A_617 = tpu.vector_load_idx %arg15[%add3A_246, %and3A_615] : memref<128x64xf32, #tpu.memory_space<vmem>>[vector<16xi32>, vector<16xi32>], vector<16xf32>,
      %gather3A_618 = tpu.vector_load_idx %arg17[%add3A_246, %and3A_615] : memref<128x64xf32, #tpu.memory_space<vmem>>[vector<16xi32>, vector<16xi32>], vector<16xf32>,
      %mul3A_619 = arith.mulf %gather3A_616, %gather3A_617 : vector<16xf32>
      %add3A_620 = arith.addf %add3A_609, %mul3A_619 : vector<16xf32>
      %mul3A_621 = arith.mulf %gather3A_616, %gather3A_618 : vector<16xf32>
      %add3A_622 = arith.addf %add3A_611, %mul3A_621 : vector<16xf32>
      %add3A_623 = arith.constant 34 : i32
      %add3A_624 = vector.broadcast %add3A_623 : i32 to vector<16xi32>
      %add3A_625 = arith.addi %iota3A, %add3A_624 : vector<16xi32>
      %and3A_626 = arith.andi %add3A_625, %broadcast_in_dim3A_3 : vector<16xi32>
      %gather3A_627 = tpu.vector_load_idx %arg13[%add3A_246, %and3A_626] : memref<128x64xf32, #tpu.memory_space<vmem>>[vector<16xi32>, vector<16xi32>], vector<16xf32>,
      %gather3A_628 = tpu.vector_load_idx %arg15[%add3A_246, %and3A_626] : memref<128x64xf32, #tpu.memory_space<vmem>>[vector<16xi32>, vector<16xi32>], vector<16xf32>,
      %gather3A_629 = tpu.vector_load_idx %arg17[%add3A_246, %and3A_626] : memref<128x64xf32, #tpu.memory_space<vmem>>[vector<16xi32>, vector<16xi32>], vector<16xf32>,
      %mul3A_630 = arith.mulf %gather3A_627, %gather3A_628 : vector<16xf32>
      %add3A_631 = arith.addf %add3A_620, %mul3A_630 : vector<16xf32>
      %mul3A_632 = arith.mulf %gather3A_627, %gather3A_629 : vector<16xf32>
      %add3A_633 = arith.addf %add3A_622, %mul3A_632 : vector<16xf32>
      %add3A_634 = arith.constant 35 : i32
      %add3A_635 = vector.broadcast %add3A_634 : i32 to vector<16xi32>
      %add3A_636 = arith.addi %iota3A, %add3A_635 : vector<16xi32>
      %and3A_637 = arith.andi %add3A_636, %broadcast_in_dim3A_3 : vector<16xi32>
      %gather3A_638 = tpu.vector_load_idx %arg13[%add3A_246, %and3A_637] : memref<128x64xf32, #tpu.memory_space<vmem>>[vector<16xi32>, vector<16xi32>], vector<16xf32>,
      %gather3A_639 = tpu.vector_load_idx %arg15[%add3A_246, %and3A_637] : memref<128x64xf32, #tpu.memory_space<vmem>>[vector<16xi32>, vector<16xi32>], vector<16xf32>,
      %gather3A_640 = tpu.vector_load_idx %arg17[%add3A_246, %and3A_637] : memref<128x64xf32, #tpu.memory_space<vmem>>[vector<16xi32>, vector<16xi32>], vector<16xf32>,
      %mul3A_641 = arith.mulf %gather3A_638, %gather3A_639 : vector<16xf32>
      %add3A_642 = arith.addf %add3A_631, %mul3A_641 : vector<16xf32>
      %mul3A_643 = arith.mulf %gather3A_638, %gather3A_640 : vector<16xf32>
      %add3A_644 = arith.addf %add3A_633, %mul3A_643 : vector<16xf32>
      %add3A_645 = arith.constant 36 : i32
      %add3A_646 = vector.broadcast %add3A_645 : i32 to vector<16xi32>
      %add3A_647 = arith.addi %iota3A, %add3A_646 : vector<16xi32>
      %and3A_648 = arith.andi %add3A_647, %broadcast_in_dim3A_3 : vector<16xi32>
      %gather3A_649 = tpu.vector_load_idx %arg13[%add3A_246, %and3A_648] : memref<128x64xf32, #tpu.memory_space<vmem>>[vector<16xi32>, vector<16xi32>], vector<16xf32>,
      %gather3A_650 = tpu.vector_load_idx %arg15[%add3A_246, %and3A_648] : memref<128x64xf32, #tpu.memory_space<vmem>>[vector<16xi32>, vector<16xi32>], vector<16xf32>,
      %gather3A_651 = tpu.vector_load_idx %arg17[%add3A_246, %and3A_648] : memref<128x64xf32, #tpu.memory_space<vmem>>[vector<16xi32>, vector<16xi32>], vector<16xf32>,
      %mul3A_652 = arith.mulf %gather3A_649, %gather3A_650 : vector<16xf32>
      %add3A_653 = arith.addf %add3A_642, %mul3A_652 : vector<16xf32>
      %mul3A_654 = arith.mulf %gather3A_649, %gather3A_651 : vector<16xf32>
      %add3A_655 = arith.addf %add3A_644, %mul3A_654 : vector<16xf32>
      %add3A_656 = arith.constant 37 : i32
      %add3A_657 = vector.broadcast %add3A_656 : i32 to vector<16xi32>
      %add3A_658 = arith.addi %iota3A, %add3A_657 : vector<16xi32>
      %and3A_659 = arith.andi %add3A_658, %broadcast_in_dim3A_3 : vector<16xi32>
      %gather3A_660 = tpu.vector_load_idx %arg13[%add3A_246, %and3A_659] : memref<128x64xf32, #tpu.memory_space<vmem>>[vector<16xi32>, vector<16xi32>], vector<16xf32>,
      %gather3A_661 = tpu.vector_load_idx %arg15[%add3A_246, %and3A_659] : memref<128x64xf32, #tpu.memory_space<vmem>>[vector<16xi32>, vector<16xi32>], vector<16xf32>,
      %gather3A_662 = tpu.vector_load_idx %arg17[%add3A_246, %and3A_659] : memref<128x64xf32, #tpu.memory_space<vmem>>[vector<16xi32>, vector<16xi32>], vector<16xf32>,
      %mul3A_663 = arith.mulf %gather3A_660, %gather3A_661 : vector<16xf32>
      %add3A_664 = arith.addf %add3A_653, %mul3A_663 : vector<16xf32>
      %mul3A_665 = arith.mulf %gather3A_660, %gather3A_662 : vector<16xf32>
      %add3A_666 = arith.addf %add3A_655, %mul3A_665 : vector<16xf32>
      %add3A_667 = arith.constant 38 : i32
      %add3A_668 = vector.broadcast %add3A_667 : i32 to vector<16xi32>
      %add3A_669 = arith.addi %iota3A, %add3A_668 : vector<16xi32>
      %and3A_670 = arith.andi %add3A_669, %broadcast_in_dim3A_3 : vector<16xi32>
      %gather3A_671 = tpu.vector_load_idx %arg13[%add3A_246, %and3A_670] : memref<128x64xf32, #tpu.memory_space<vmem>>[vector<16xi32>, vector<16xi32>], vector<16xf32>,
      %gather3A_672 = tpu.vector_load_idx %arg15[%add3A_246, %and3A_670] : memref<128x64xf32, #tpu.memory_space<vmem>>[vector<16xi32>, vector<16xi32>], vector<16xf32>,
      %gather3A_673 = tpu.vector_load_idx %arg17[%add3A_246, %and3A_670] : memref<128x64xf32, #tpu.memory_space<vmem>>[vector<16xi32>, vector<16xi32>], vector<16xf32>,
      %mul3A_674 = arith.mulf %gather3A_671, %gather3A_672 : vector<16xf32>
      %add3A_675 = arith.addf %add3A_664, %mul3A_674 : vector<16xf32>
      %mul3A_676 = arith.mulf %gather3A_671, %gather3A_673 : vector<16xf32>
      %add3A_677 = arith.addf %add3A_666, %mul3A_676 : vector<16xf32>
      %add3A_678 = arith.constant 39 : i32
      %add3A_679 = vector.broadcast %add3A_678 : i32 to vector<16xi32>
      %add3A_680 = arith.addi %iota3A, %add3A_679 : vector<16xi32>
      %and3A_681 = arith.andi %add3A_680, %broadcast_in_dim3A_3 : vector<16xi32>
      %gather3A_682 = tpu.vector_load_idx %arg13[%add3A_246, %and3A_681] : memref<128x64xf32, #tpu.memory_space<vmem>>[vector<16xi32>, vector<16xi32>], vector<16xf32>,
      %gather3A_683 = tpu.vector_load_idx %arg15[%add3A_246, %and3A_681] : memref<128x64xf32, #tpu.memory_space<vmem>>[vector<16xi32>, vector<16xi32>], vector<16xf32>,
      %gather3A_684 = tpu.vector_load_idx %arg17[%add3A_246, %and3A_681] : memref<128x64xf32, #tpu.memory_space<vmem>>[vector<16xi32>, vector<16xi32>], vector<16xf32>,
      %mul3A_685 = arith.mulf %gather3A_682, %gather3A_683 : vector<16xf32>
      %add3A_686 = arith.addf %add3A_675, %mul3A_685 : vector<16xf32>
      %mul3A_687 = arith.mulf %gather3A_682, %gather3A_684 : vector<16xf32>
      %add3A_688 = arith.addf %add3A_677, %mul3A_687 : vector<16xf32>
      %add3A_689 = arith.constant 40 : i32
      %add3A_690 = vector.broadcast %add3A_689 : i32 to vector<16xi32>
      %add3A_691 = arith.addi %iota3A, %add3A_690 : vector<16xi32>
      %and3A_692 = arith.andi %add3A_691, %broadcast_in_dim3A_3 : vector<16xi32>
      %gather3A_693 = tpu.vector_load_idx %arg13[%add3A_246, %and3A_692] : memref<128x64xf32, #tpu.memory_space<vmem>>[vector<16xi32>, vector<16xi32>], vector<16xf32>,
      %gather3A_694 = tpu.vector_load_idx %arg15[%add3A_246, %and3A_692] : memref<128x64xf32, #tpu.memory_space<vmem>>[vector<16xi32>, vector<16xi32>], vector<16xf32>,
      %gather3A_695 = tpu.vector_load_idx %arg17[%add3A_246, %and3A_692] : memref<128x64xf32, #tpu.memory_space<vmem>>[vector<16xi32>, vector<16xi32>], vector<16xf32>,
      %mul3A_696 = arith.mulf %gather3A_693, %gather3A_694 : vector<16xf32>
      %add3A_697 = arith.addf %add3A_686, %mul3A_696 : vector<16xf32>
      %mul3A_698 = arith.mulf %gather3A_693, %gather3A_695 : vector<16xf32>
      %add3A_699 = arith.addf %add3A_688, %mul3A_698 : vector<16xf32>
      %add3A_700 = arith.constant 41 : i32
      %add3A_701 = vector.broadcast %add3A_700 : i32 to vector<16xi32>
      %add3A_702 = arith.addi %iota3A, %add3A_701 : vector<16xi32>
      %and3A_703 = arith.andi %add3A_702, %broadcast_in_dim3A_3 : vector<16xi32>
      %gather3A_704 = tpu.vector_load_idx %arg13[%add3A_246, %and3A_703] : memref<128x64xf32, #tpu.memory_space<vmem>>[vector<16xi32>, vector<16xi32>], vector<16xf32>,
      %gather3A_705 = tpu.vector_load_idx %arg15[%add3A_246, %and3A_703] : memref<128x64xf32, #tpu.memory_space<vmem>>[vector<16xi32>, vector<16xi32>], vector<16xf32>,
      %gather3A_706 = tpu.vector_load_idx %arg17[%add3A_246, %and3A_703] : memref<128x64xf32, #tpu.memory_space<vmem>>[vector<16xi32>, vector<16xi32>], vector<16xf32>,
      %mul3A_707 = arith.mulf %gather3A_704, %gather3A_705 : vector<16xf32>
      %add3A_708 = arith.addf %add3A_697, %mul3A_707 : vector<16xf32>
      %mul3A_709 = arith.mulf %gather3A_704, %gather3A_706 : vector<16xf32>
      %add3A_710 = arith.addf %add3A_699, %mul3A_709 : vector<16xf32>
      %add3A_711 = arith.constant 42 : i32
      %add3A_712 = vector.broadcast %add3A_711 : i32 to vector<16xi32>
      %add3A_713 = arith.addi %iota3A, %add3A_712 : vector<16xi32>
      %and3A_714 = arith.andi %add3A_713, %broadcast_in_dim3A_3 : vector<16xi32>
      %gather3A_715 = tpu.vector_load_idx %arg13[%add3A_246, %and3A_714] : memref<128x64xf32, #tpu.memory_space<vmem>>[vector<16xi32>, vector<16xi32>], vector<16xf32>,
      %gather3A_716 = tpu.vector_load_idx %arg15[%add3A_246, %and3A_714] : memref<128x64xf32, #tpu.memory_space<vmem>>[vector<16xi32>, vector<16xi32>], vector<16xf32>,
      %gather3A_717 = tpu.vector_load_idx %arg17[%add3A_246, %and3A_714] : memref<128x64xf32, #tpu.memory_space<vmem>>[vector<16xi32>, vector<16xi32>], vector<16xf32>,
      %mul3A_718 = arith.mulf %gather3A_715, %gather3A_716 : vector<16xf32>
      %add3A_719 = arith.addf %add3A_708, %mul3A_718 : vector<16xf32>
      %mul3A_720 = arith.mulf %gather3A_715, %gather3A_717 : vector<16xf32>
      %add3A_721 = arith.addf %add3A_710, %mul3A_720 : vector<16xf32>
      %add3A_722 = arith.constant 43 : i32
      %add3A_723 = vector.broadcast %add3A_722 : i32 to vector<16xi32>
      %add3A_724 = arith.addi %iota3A, %add3A_723 : vector<16xi32>
      %and3A_725 = arith.andi %add3A_724, %broadcast_in_dim3A_3 : vector<16xi32>
      %gather3A_726 = tpu.vector_load_idx %arg13[%add3A_246, %and3A_725] : memref<128x64xf32, #tpu.memory_space<vmem>>[vector<16xi32>, vector<16xi32>], vector<16xf32>,
      %gather3A_727 = tpu.vector_load_idx %arg15[%add3A_246, %and3A_725] : memref<128x64xf32, #tpu.memory_space<vmem>>[vector<16xi32>, vector<16xi32>], vector<16xf32>,
      %gather3A_728 = tpu.vector_load_idx %arg17[%add3A_246, %and3A_725] : memref<128x64xf32, #tpu.memory_space<vmem>>[vector<16xi32>, vector<16xi32>], vector<16xf32>,
      %mul3A_729 = arith.mulf %gather3A_726, %gather3A_727 : vector<16xf32>
      %add3A_730 = arith.addf %add3A_719, %mul3A_729 : vector<16xf32>
      %mul3A_731 = arith.mulf %gather3A_726, %gather3A_728 : vector<16xf32>
      %add3A_732 = arith.addf %add3A_721, %mul3A_731 : vector<16xf32>
      %add3A_733 = arith.constant 44 : i32
      %add3A_734 = vector.broadcast %add3A_733 : i32 to vector<16xi32>
      %add3A_735 = arith.addi %iota3A, %add3A_734 : vector<16xi32>
      %and3A_736 = arith.andi %add3A_735, %broadcast_in_dim3A_3 : vector<16xi32>
      %gather3A_737 = tpu.vector_load_idx %arg13[%add3A_246, %and3A_736] : memref<128x64xf32, #tpu.memory_space<vmem>>[vector<16xi32>, vector<16xi32>], vector<16xf32>,
      %gather3A_738 = tpu.vector_load_idx %arg15[%add3A_246, %and3A_736] : memref<128x64xf32, #tpu.memory_space<vmem>>[vector<16xi32>, vector<16xi32>], vector<16xf32>,
      %gather3A_739 = tpu.vector_load_idx %arg17[%add3A_246, %and3A_736] : memref<128x64xf32, #tpu.memory_space<vmem>>[vector<16xi32>, vector<16xi32>], vector<16xf32>,
      %mul3A_740 = arith.mulf %gather3A_737, %gather3A_738 : vector<16xf32>
      %add3A_741 = arith.addf %add3A_730, %mul3A_740 : vector<16xf32>
      %mul3A_742 = arith.mulf %gather3A_737, %gather3A_739 : vector<16xf32>
      %add3A_743 = arith.addf %add3A_732, %mul3A_742 : vector<16xf32>
      %add3A_744 = arith.constant 45 : i32
      %add3A_745 = vector.broadcast %add3A_744 : i32 to vector<16xi32>
      %add3A_746 = arith.addi %iota3A, %add3A_745 : vector<16xi32>
      %and3A_747 = arith.andi %add3A_746, %broadcast_in_dim3A_3 : vector<16xi32>
      %gather3A_748 = tpu.vector_load_idx %arg13[%add3A_246, %and3A_747] : memref<128x64xf32, #tpu.memory_space<vmem>>[vector<16xi32>, vector<16xi32>], vector<16xf32>,
      %gather3A_749 = tpu.vector_load_idx %arg15[%add3A_246, %and3A_747] : memref<128x64xf32, #tpu.memory_space<vmem>>[vector<16xi32>, vector<16xi32>], vector<16xf32>,
      %gather3A_750 = tpu.vector_load_idx %arg17[%add3A_246, %and3A_747] : memref<128x64xf32, #tpu.memory_space<vmem>>[vector<16xi32>, vector<16xi32>], vector<16xf32>,
      %mul3A_751 = arith.mulf %gather3A_748, %gather3A_749 : vector<16xf32>
      %add3A_752 = arith.addf %add3A_741, %mul3A_751 : vector<16xf32>
      %mul3A_753 = arith.mulf %gather3A_748, %gather3A_750 : vector<16xf32>
      %add3A_754 = arith.addf %add3A_743, %mul3A_753 : vector<16xf32>
      %add3A_755 = arith.constant 46 : i32
      %add3A_756 = vector.broadcast %add3A_755 : i32 to vector<16xi32>
      %add3A_757 = arith.addi %iota3A, %add3A_756 : vector<16xi32>
      %and3A_758 = arith.andi %add3A_757, %broadcast_in_dim3A_3 : vector<16xi32>
      %gather3A_759 = tpu.vector_load_idx %arg13[%add3A_246, %and3A_758] : memref<128x64xf32, #tpu.memory_space<vmem>>[vector<16xi32>, vector<16xi32>], vector<16xf32>,
      %gather3A_760 = tpu.vector_load_idx %arg15[%add3A_246, %and3A_758] : memref<128x64xf32, #tpu.memory_space<vmem>>[vector<16xi32>, vector<16xi32>], vector<16xf32>,
      %gather3A_761 = tpu.vector_load_idx %arg17[%add3A_246, %and3A_758] : memref<128x64xf32, #tpu.memory_space<vmem>>[vector<16xi32>, vector<16xi32>], vector<16xf32>,
      %mul3A_762 = arith.mulf %gather3A_759, %gather3A_760 : vector<16xf32>
      %add3A_763 = arith.addf %add3A_752, %mul3A_762 : vector<16xf32>
      %mul3A_764 = arith.mulf %gather3A_759, %gather3A_761 : vector<16xf32>
      %add3A_765 = arith.addf %add3A_754, %mul3A_764 : vector<16xf32>
      %add3A_766 = arith.constant 47 : i32
      %add3A_767 = vector.broadcast %add3A_766 : i32 to vector<16xi32>
      %add3A_768 = arith.addi %iota3A, %add3A_767 : vector<16xi32>
      %and3A_769 = arith.andi %add3A_768, %broadcast_in_dim3A_3 : vector<16xi32>
      %gather3A_770 = tpu.vector_load_idx %arg13[%add3A_246, %and3A_769] : memref<128x64xf32, #tpu.memory_space<vmem>>[vector<16xi32>, vector<16xi32>], vector<16xf32>,
      %gather3A_771 = tpu.vector_load_idx %arg15[%add3A_246, %and3A_769] : memref<128x64xf32, #tpu.memory_space<vmem>>[vector<16xi32>, vector<16xi32>], vector<16xf32>,
      %gather3A_772 = tpu.vector_load_idx %arg17[%add3A_246, %and3A_769] : memref<128x64xf32, #tpu.memory_space<vmem>>[vector<16xi32>, vector<16xi32>], vector<16xf32>,
      %mul3A_773 = arith.mulf %gather3A_770, %gather3A_771 : vector<16xf32>
      %add3A_774 = arith.addf %add3A_763, %mul3A_773 : vector<16xf32>
      %mul3A_775 = arith.mulf %gather3A_770, %gather3A_772 : vector<16xf32>
      %add3A_776 = arith.addf %add3A_765, %mul3A_775 : vector<16xf32>
      %add3A_777 = arith.constant 48 : i32
      %add3A_778 = vector.broadcast %add3A_777 : i32 to vector<16xi32>
      %add3A_779 = arith.addi %iota3A, %add3A_778 : vector<16xi32>
      %and3A_780 = arith.andi %add3A_779, %broadcast_in_dim3A_3 : vector<16xi32>
      %gather3A_781 = tpu.vector_load_idx %arg13[%add3A_246, %and3A_780] : memref<128x64xf32, #tpu.memory_space<vmem>>[vector<16xi32>, vector<16xi32>], vector<16xf32>,
      %gather3A_782 = tpu.vector_load_idx %arg15[%add3A_246, %and3A_780] : memref<128x64xf32, #tpu.memory_space<vmem>>[vector<16xi32>, vector<16xi32>], vector<16xf32>,
      %gather3A_783 = tpu.vector_load_idx %arg17[%add3A_246, %and3A_780] : memref<128x64xf32, #tpu.memory_space<vmem>>[vector<16xi32>, vector<16xi32>], vector<16xf32>,
      %mul3A_784 = arith.mulf %gather3A_781, %gather3A_782 : vector<16xf32>
      %add3A_785 = arith.addf %add3A_774, %mul3A_784 : vector<16xf32>
      %mul3A_786 = arith.mulf %gather3A_781, %gather3A_783 : vector<16xf32>
      %add3A_787 = arith.addf %add3A_776, %mul3A_786 : vector<16xf32>
      %add3A_788 = arith.constant 49 : i32
      %add3A_789 = vector.broadcast %add3A_788 : i32 to vector<16xi32>
      %add3A_790 = arith.addi %iota3A, %add3A_789 : vector<16xi32>
      %and3A_791 = arith.andi %add3A_790, %broadcast_in_dim3A_3 : vector<16xi32>
      %gather3A_792 = tpu.vector_load_idx %arg13[%add3A_246, %and3A_791] : memref<128x64xf32, #tpu.memory_space<vmem>>[vector<16xi32>, vector<16xi32>], vector<16xf32>,
      %gather3A_793 = tpu.vector_load_idx %arg15[%add3A_246, %and3A_791] : memref<128x64xf32, #tpu.memory_space<vmem>>[vector<16xi32>, vector<16xi32>], vector<16xf32>,
      %gather3A_794 = tpu.vector_load_idx %arg17[%add3A_246, %and3A_791] : memref<128x64xf32, #tpu.memory_space<vmem>>[vector<16xi32>, vector<16xi32>], vector<16xf32>,
      %mul3A_795 = arith.mulf %gather3A_792, %gather3A_793 : vector<16xf32>
      %add3A_796 = arith.addf %add3A_785, %mul3A_795 : vector<16xf32>
      %mul3A_797 = arith.mulf %gather3A_792, %gather3A_794 : vector<16xf32>
      %add3A_798 = arith.addf %add3A_787, %mul3A_797 : vector<16xf32>
      %add3A_799 = arith.constant 50 : i32
      %add3A_800 = vector.broadcast %add3A_799 : i32 to vector<16xi32>
      %add3A_801 = arith.addi %iota3A, %add3A_800 : vector<16xi32>
      %and3A_802 = arith.andi %add3A_801, %broadcast_in_dim3A_3 : vector<16xi32>
      %gather3A_803 = tpu.vector_load_idx %arg13[%add3A_246, %and3A_802] : memref<128x64xf32, #tpu.memory_space<vmem>>[vector<16xi32>, vector<16xi32>], vector<16xf32>,
      %gather3A_804 = tpu.vector_load_idx %arg15[%add3A_246, %and3A_802] : memref<128x64xf32, #tpu.memory_space<vmem>>[vector<16xi32>, vector<16xi32>], vector<16xf32>,
      %gather3A_805 = tpu.vector_load_idx %arg17[%add3A_246, %and3A_802] : memref<128x64xf32, #tpu.memory_space<vmem>>[vector<16xi32>, vector<16xi32>], vector<16xf32>,
      %mul3A_806 = arith.mulf %gather3A_803, %gather3A_804 : vector<16xf32>
      %add3A_807 = arith.addf %add3A_796, %mul3A_806 : vector<16xf32>
      %mul3A_808 = arith.mulf %gather3A_803, %gather3A_805 : vector<16xf32>
      %add3A_809 = arith.addf %add3A_798, %mul3A_808 : vector<16xf32>
      %add3A_810 = arith.constant 51 : i32
      %add3A_811 = vector.broadcast %add3A_810 : i32 to vector<16xi32>
      %add3A_812 = arith.addi %iota3A, %add3A_811 : vector<16xi32>
      %and3A_813 = arith.andi %add3A_812, %broadcast_in_dim3A_3 : vector<16xi32>
      %gather3A_814 = tpu.vector_load_idx %arg13[%add3A_246, %and3A_813] : memref<128x64xf32, #tpu.memory_space<vmem>>[vector<16xi32>, vector<16xi32>], vector<16xf32>,
      %gather3A_815 = tpu.vector_load_idx %arg15[%add3A_246, %and3A_813] : memref<128x64xf32, #tpu.memory_space<vmem>>[vector<16xi32>, vector<16xi32>], vector<16xf32>,
      %gather3A_816 = tpu.vector_load_idx %arg17[%add3A_246, %and3A_813] : memref<128x64xf32, #tpu.memory_space<vmem>>[vector<16xi32>, vector<16xi32>], vector<16xf32>,
      %mul3A_817 = arith.mulf %gather3A_814, %gather3A_815 : vector<16xf32>
      %add3A_818 = arith.addf %add3A_807, %mul3A_817 : vector<16xf32>
      %mul3A_819 = arith.mulf %gather3A_814, %gather3A_816 : vector<16xf32>
      %add3A_820 = arith.addf %add3A_809, %mul3A_819 : vector<16xf32>
      %add3A_821 = arith.constant 52 : i32
      %add3A_822 = vector.broadcast %add3A_821 : i32 to vector<16xi32>
      %add3A_823 = arith.addi %iota3A, %add3A_822 : vector<16xi32>
      %and3A_824 = arith.andi %add3A_823, %broadcast_in_dim3A_3 : vector<16xi32>
      %gather3A_825 = tpu.vector_load_idx %arg13[%add3A_246, %and3A_824] : memref<128x64xf32, #tpu.memory_space<vmem>>[vector<16xi32>, vector<16xi32>], vector<16xf32>,
      %gather3A_826 = tpu.vector_load_idx %arg15[%add3A_246, %and3A_824] : memref<128x64xf32, #tpu.memory_space<vmem>>[vector<16xi32>, vector<16xi32>], vector<16xf32>,
      %gather3A_827 = tpu.vector_load_idx %arg17[%add3A_246, %and3A_824] : memref<128x64xf32, #tpu.memory_space<vmem>>[vector<16xi32>, vector<16xi32>], vector<16xf32>,
      %mul3A_828 = arith.mulf %gather3A_825, %gather3A_826 : vector<16xf32>
      %add3A_829 = arith.addf %add3A_818, %mul3A_828 : vector<16xf32>
      %mul3A_830 = arith.mulf %gather3A_825, %gather3A_827 : vector<16xf32>
      %add3A_831 = arith.addf %add3A_820, %mul3A_830 : vector<16xf32>
      %add3A_832 = arith.constant 53 : i32
      %add3A_833 = vector.broadcast %add3A_832 : i32 to vector<16xi32>
      %add3A_834 = arith.addi %iota3A, %add3A_833 : vector<16xi32>
      %and3A_835 = arith.andi %add3A_834, %broadcast_in_dim3A_3 : vector<16xi32>
      %gather3A_836 = tpu.vector_load_idx %arg13[%add3A_246, %and3A_835] : memref<128x64xf32, #tpu.memory_space<vmem>>[vector<16xi32>, vector<16xi32>], vector<16xf32>,
      %gather3A_837 = tpu.vector_load_idx %arg15[%add3A_246, %and3A_835] : memref<128x64xf32, #tpu.memory_space<vmem>>[vector<16xi32>, vector<16xi32>], vector<16xf32>,
      %gather3A_838 = tpu.vector_load_idx %arg17[%add3A_246, %and3A_835] : memref<128x64xf32, #tpu.memory_space<vmem>>[vector<16xi32>, vector<16xi32>], vector<16xf32>,
      %mul3A_839 = arith.mulf %gather3A_836, %gather3A_837 : vector<16xf32>
      %add3A_840 = arith.addf %add3A_829, %mul3A_839 : vector<16xf32>
      %mul3A_841 = arith.mulf %gather3A_836, %gather3A_838 : vector<16xf32>
      %add3A_842 = arith.addf %add3A_831, %mul3A_841 : vector<16xf32>
      %add3A_843 = arith.constant 54 : i32
      %add3A_844 = vector.broadcast %add3A_843 : i32 to vector<16xi32>
      %add3A_845 = arith.addi %iota3A, %add3A_844 : vector<16xi32>
      %and3A_846 = arith.andi %add3A_845, %broadcast_in_dim3A_3 : vector<16xi32>
      %gather3A_847 = tpu.vector_load_idx %arg13[%add3A_246, %and3A_846] : memref<128x64xf32, #tpu.memory_space<vmem>>[vector<16xi32>, vector<16xi32>], vector<16xf32>,
      %gather3A_848 = tpu.vector_load_idx %arg15[%add3A_246, %and3A_846] : memref<128x64xf32, #tpu.memory_space<vmem>>[vector<16xi32>, vector<16xi32>], vector<16xf32>,
      %gather3A_849 = tpu.vector_load_idx %arg17[%add3A_246, %and3A_846] : memref<128x64xf32, #tpu.memory_space<vmem>>[vector<16xi32>, vector<16xi32>], vector<16xf32>,
      %mul3A_850 = arith.mulf %gather3A_847, %gather3A_848 : vector<16xf32>
      %add3A_851 = arith.addf %add3A_840, %mul3A_850 : vector<16xf32>
      %mul3A_852 = arith.mulf %gather3A_847, %gather3A_849 : vector<16xf32>
      %add3A_853 = arith.addf %add3A_842, %mul3A_852 : vector<16xf32>
      %add3A_854 = arith.constant 55 : i32
      %add3A_855 = vector.broadcast %add3A_854 : i32 to vector<16xi32>
      %add3A_856 = arith.addi %iota3A, %add3A_855 : vector<16xi32>
      %and3A_857 = arith.andi %add3A_856, %broadcast_in_dim3A_3 : vector<16xi32>
      %gather3A_858 = tpu.vector_load_idx %arg13[%add3A_246, %and3A_857] : memref<128x64xf32, #tpu.memory_space<vmem>>[vector<16xi32>, vector<16xi32>], vector<16xf32>,
      %gather3A_859 = tpu.vector_load_idx %arg15[%add3A_246, %and3A_857] : memref<128x64xf32, #tpu.memory_space<vmem>>[vector<16xi32>, vector<16xi32>], vector<16xf32>,
      %gather3A_860 = tpu.vector_load_idx %arg17[%add3A_246, %and3A_857] : memref<128x64xf32, #tpu.memory_space<vmem>>[vector<16xi32>, vector<16xi32>], vector<16xf32>,
      %mul3A_861 = arith.mulf %gather3A_858, %gather3A_859 : vector<16xf32>
      %add3A_862 = arith.addf %add3A_851, %mul3A_861 : vector<16xf32>
      %mul3A_863 = arith.mulf %gather3A_858, %gather3A_860 : vector<16xf32>
      %add3A_864 = arith.addf %add3A_853, %mul3A_863 : vector<16xf32>
      %add3A_865 = arith.constant 56 : i32
      %add3A_866 = vector.broadcast %add3A_865 : i32 to vector<16xi32>
      %add3A_867 = arith.addi %iota3A, %add3A_866 : vector<16xi32>
      %and3A_868 = arith.andi %add3A_867, %broadcast_in_dim3A_3 : vector<16xi32>
      %gather3A_869 = tpu.vector_load_idx %arg13[%add3A_246, %and3A_868] : memref<128x64xf32, #tpu.memory_space<vmem>>[vector<16xi32>, vector<16xi32>], vector<16xf32>,
      %gather3A_870 = tpu.vector_load_idx %arg15[%add3A_246, %and3A_868] : memref<128x64xf32, #tpu.memory_space<vmem>>[vector<16xi32>, vector<16xi32>], vector<16xf32>,
      %gather3A_871 = tpu.vector_load_idx %arg17[%add3A_246, %and3A_868] : memref<128x64xf32, #tpu.memory_space<vmem>>[vector<16xi32>, vector<16xi32>], vector<16xf32>,
      %mul3A_872 = arith.mulf %gather3A_869, %gather3A_870 : vector<16xf32>
      %add3A_873 = arith.addf %add3A_862, %mul3A_872 : vector<16xf32>
      %mul3A_874 = arith.mulf %gather3A_869, %gather3A_871 : vector<16xf32>
      %add3A_875 = arith.addf %add3A_864, %mul3A_874 : vector<16xf32>
      %add3A_876 = arith.constant 57 : i32
      %add3A_877 = vector.broadcast %add3A_876 : i32 to vector<16xi32>
      %add3A_878 = arith.addi %iota3A, %add3A_877 : vector<16xi32>
      %and3A_879 = arith.andi %add3A_878, %broadcast_in_dim3A_3 : vector<16xi32>
      %gather3A_880 = tpu.vector_load_idx %arg13[%add3A_246, %and3A_879] : memref<128x64xf32, #tpu.memory_space<vmem>>[vector<16xi32>, vector<16xi32>], vector<16xf32>,
      %gather3A_881 = tpu.vector_load_idx %arg15[%add3A_246, %and3A_879] : memref<128x64xf32, #tpu.memory_space<vmem>>[vector<16xi32>, vector<16xi32>], vector<16xf32>,
      %gather3A_882 = tpu.vector_load_idx %arg17[%add3A_246, %and3A_879] : memref<128x64xf32, #tpu.memory_space<vmem>>[vector<16xi32>, vector<16xi32>], vector<16xf32>,
      %mul3A_883 = arith.mulf %gather3A_880, %gather3A_881 : vector<16xf32>
      %add3A_884 = arith.addf %add3A_873, %mul3A_883 : vector<16xf32>
      %mul3A_885 = arith.mulf %gather3A_880, %gather3A_882 : vector<16xf32>
      %add3A_886 = arith.addf %add3A_875, %mul3A_885 : vector<16xf32>
      %add3A_887 = arith.constant 58 : i32
      %add3A_888 = vector.broadcast %add3A_887 : i32 to vector<16xi32>
      %add3A_889 = arith.addi %iota3A, %add3A_888 : vector<16xi32>
      %and3A_890 = arith.andi %add3A_889, %broadcast_in_dim3A_3 : vector<16xi32>
      %gather3A_891 = tpu.vector_load_idx %arg13[%add3A_246, %and3A_890] : memref<128x64xf32, #tpu.memory_space<vmem>>[vector<16xi32>, vector<16xi32>], vector<16xf32>,
      %gather3A_892 = tpu.vector_load_idx %arg15[%add3A_246, %and3A_890] : memref<128x64xf32, #tpu.memory_space<vmem>>[vector<16xi32>, vector<16xi32>], vector<16xf32>,
      %gather3A_893 = tpu.vector_load_idx %arg17[%add3A_246, %and3A_890] : memref<128x64xf32, #tpu.memory_space<vmem>>[vector<16xi32>, vector<16xi32>], vector<16xf32>,
      %mul3A_894 = arith.mulf %gather3A_891, %gather3A_892 : vector<16xf32>
      %add3A_895 = arith.addf %add3A_884, %mul3A_894 : vector<16xf32>
      %mul3A_896 = arith.mulf %gather3A_891, %gather3A_893 : vector<16xf32>
      %add3A_897 = arith.addf %add3A_886, %mul3A_896 : vector<16xf32>
      %add3A_898 = arith.constant 59 : i32
      %add3A_899 = vector.broadcast %add3A_898 : i32 to vector<16xi32>
      %add3A_900 = arith.addi %iota3A, %add3A_899 : vector<16xi32>
      %and3A_901 = arith.andi %add3A_900, %broadcast_in_dim3A_3 : vector<16xi32>
      %gather3A_902 = tpu.vector_load_idx %arg13[%add3A_246, %and3A_901] : memref<128x64xf32, #tpu.memory_space<vmem>>[vector<16xi32>, vector<16xi32>], vector<16xf32>,
      %gather3A_903 = tpu.vector_load_idx %arg15[%add3A_246, %and3A_901] : memref<128x64xf32, #tpu.memory_space<vmem>>[vector<16xi32>, vector<16xi32>], vector<16xf32>,
      %gather3A_904 = tpu.vector_load_idx %arg17[%add3A_246, %and3A_901] : memref<128x64xf32, #tpu.memory_space<vmem>>[vector<16xi32>, vector<16xi32>], vector<16xf32>,
      %mul3A_905 = arith.mulf %gather3A_902, %gather3A_903 : vector<16xf32>
      %add3A_906 = arith.addf %add3A_895, %mul3A_905 : vector<16xf32>
      %mul3A_907 = arith.mulf %gather3A_902, %gather3A_904 : vector<16xf32>
      %add3A_908 = arith.addf %add3A_897, %mul3A_907 : vector<16xf32>
      %add3A_909 = arith.constant 60 : i32
      %add3A_910 = vector.broadcast %add3A_909 : i32 to vector<16xi32>
      %add3A_911 = arith.addi %iota3A, %add3A_910 : vector<16xi32>
      %and3A_912 = arith.andi %add3A_911, %broadcast_in_dim3A_3 : vector<16xi32>
      %gather3A_913 = tpu.vector_load_idx %arg13[%add3A_246, %and3A_912] : memref<128x64xf32, #tpu.memory_space<vmem>>[vector<16xi32>, vector<16xi32>], vector<16xf32>,
      %gather3A_914 = tpu.vector_load_idx %arg15[%add3A_246, %and3A_912] : memref<128x64xf32, #tpu.memory_space<vmem>>[vector<16xi32>, vector<16xi32>], vector<16xf32>,
      %gather3A_915 = tpu.vector_load_idx %arg17[%add3A_246, %and3A_912] : memref<128x64xf32, #tpu.memory_space<vmem>>[vector<16xi32>, vector<16xi32>], vector<16xf32>,
      %mul3A_916 = arith.mulf %gather3A_913, %gather3A_914 : vector<16xf32>
      %add3A_917 = arith.addf %add3A_906, %mul3A_916 : vector<16xf32>
      %mul3A_918 = arith.mulf %gather3A_913, %gather3A_915 : vector<16xf32>
      %add3A_919 = arith.addf %add3A_908, %mul3A_918 : vector<16xf32>
      %add3A_920 = arith.constant 61 : i32
      %add3A_921 = vector.broadcast %add3A_920 : i32 to vector<16xi32>
      %add3A_922 = arith.addi %iota3A, %add3A_921 : vector<16xi32>
      %and3A_923 = arith.andi %add3A_922, %broadcast_in_dim3A_3 : vector<16xi32>
      %gather3A_924 = tpu.vector_load_idx %arg13[%add3A_246, %and3A_923] : memref<128x64xf32, #tpu.memory_space<vmem>>[vector<16xi32>, vector<16xi32>], vector<16xf32>,
      %gather3A_925 = tpu.vector_load_idx %arg15[%add3A_246, %and3A_923] : memref<128x64xf32, #tpu.memory_space<vmem>>[vector<16xi32>, vector<16xi32>], vector<16xf32>,
      %gather3A_926 = tpu.vector_load_idx %arg17[%add3A_246, %and3A_923] : memref<128x64xf32, #tpu.memory_space<vmem>>[vector<16xi32>, vector<16xi32>], vector<16xf32>,
      %mul3A_927 = arith.mulf %gather3A_924, %gather3A_925 : vector<16xf32>
      %add3A_928 = arith.addf %add3A_917, %mul3A_927 : vector<16xf32>
      %mul3A_929 = arith.mulf %gather3A_924, %gather3A_926 : vector<16xf32>
      %add3A_930 = arith.addf %add3A_919, %mul3A_929 : vector<16xf32>
      %add3A_931 = arith.constant 62 : i32
      %add3A_932 = vector.broadcast %add3A_931 : i32 to vector<16xi32>
      %add3A_933 = arith.addi %iota3A, %add3A_932 : vector<16xi32>
      %and3A_934 = arith.andi %add3A_933, %broadcast_in_dim3A_3 : vector<16xi32>
      %gather3A_935 = tpu.vector_load_idx %arg13[%add3A_246, %and3A_934] : memref<128x64xf32, #tpu.memory_space<vmem>>[vector<16xi32>, vector<16xi32>], vector<16xf32>,
      %gather3A_936 = tpu.vector_load_idx %arg15[%add3A_246, %and3A_934] : memref<128x64xf32, #tpu.memory_space<vmem>>[vector<16xi32>, vector<16xi32>], vector<16xf32>,
      %gather3A_937 = tpu.vector_load_idx %arg17[%add3A_246, %and3A_934] : memref<128x64xf32, #tpu.memory_space<vmem>>[vector<16xi32>, vector<16xi32>], vector<16xf32>,
      %mul3A_938 = arith.mulf %gather3A_935, %gather3A_936 : vector<16xf32>
      %add3A_939 = arith.addf %add3A_928, %mul3A_938 : vector<16xf32>
      %mul3A_940 = arith.mulf %gather3A_935, %gather3A_937 : vector<16xf32>
      %add3A_941 = arith.addf %add3A_930, %mul3A_940 : vector<16xf32>
      %add3A_942 = arith.constant 63 : i32
      %add3A_943 = vector.broadcast %add3A_942 : i32 to vector<16xi32>
      %add3A_944 = arith.addi %iota3A, %add3A_943 : vector<16xi32>
      %and3A_945 = arith.andi %add3A_944, %broadcast_in_dim3A_3 : vector<16xi32>
      %gather3A_946 = tpu.vector_load_idx %arg13[%add3A_246, %and3A_945] : memref<128x64xf32, #tpu.memory_space<vmem>>[vector<16xi32>, vector<16xi32>], vector<16xf32>,
      %gather3A_947 = tpu.vector_load_idx %arg15[%add3A_246, %and3A_945] : memref<128x64xf32, #tpu.memory_space<vmem>>[vector<16xi32>, vector<16xi32>], vector<16xf32>,
      %gather3A_948 = tpu.vector_load_idx %arg17[%add3A_246, %and3A_945] : memref<128x64xf32, #tpu.memory_space<vmem>>[vector<16xi32>, vector<16xi32>], vector<16xf32>,
      %mul3A_949 = arith.mulf %gather3A_946, %gather3A_947 : vector<16xf32>
      %add3A_950 = arith.addf %add3A_939, %mul3A_949 : vector<16xf32>
      %mul3A_951 = arith.mulf %gather3A_946, %gather3A_948 : vector<16xf32>
      %add3A_952 = arith.addf %add3A_941, %mul3A_951 : vector<16xf32>
      %get3A = arith.index_cast %mul3A_244 : i32 to index
      %get3A_953 = tpu.vector_load %arg19[%get3A] {strides = array<i32>} : memref<128xf32, #tpu.memory_space<vmem>>, vector<16xf32>,
      %add3A_954 = arith.addf %add3A_950, %get3A_953 : vector<16xf32>
      %get3A_955 = arith.index_cast %mul3A_244 : i32 to index
      %get3A_956 = tpu.vector_load %arg21[%get3A_955] {strides = array<i32>} : memref<128xf32, #tpu.memory_space<vmem>>, vector<16xf32>,
      %add3A_957 = arith.addf %add3A_954, %get3A_956 : vector<16xf32>
      %add3A_958 = arith.constant 0 : i32
      %add3A_959 = arith.addi %add3A_958, %mul3A_244 : i32
      %swap3A = arith.index_cast %add3A_959 : i32 to index
      %swap3A_960 = tpu.vector_load %arg25[%swap3A] {strides = array<i32>} : memref<512xf32, #tpu.memory_space<vmem>>, vector<16xf32>,
      tpu.vector_store %arg25[%swap3A], %add3A_957 {strides = array<i32>} : memref<512xf32, #tpu.memory_space<vmem>>, vector<16xf32>,
      %add3A_961 = arith.addf %add3A_952, %get3A_953 : vector<16xf32>
      %get3A_962 = arith.index_cast %mul3A_244 : i32 to index
      %get3A_963 = tpu.vector_load %arg23[%get3A_962] {strides = array<i32>} : memref<128xf32, #tpu.memory_space<vmem>>, vector<16xf32>,
      %add3A_964 = arith.addf %add3A_961, %get3A_963 : vector<16xf32>
      %add3A_965 = arith.constant 0 : i32
      %add3A_966 = arith.addi %add3A_965, %mul3A_244 : i32
      %swap3A_967 = arith.index_cast %add3A_966 : i32 to index
      %swap3A_968 = tpu.vector_load %arg26[%swap3A_967] {strides = array<i32>} : memref<512xf32, #tpu.memory_space<vmem>>, vector<16xf32>,
      tpu.vector_store %arg26[%swap3A_967], %add3A_964 {strides = array<i32>} : memref<512xf32, #tpu.memory_space<vmem>>, vector<16xf32>,
    }
    %scan3A_87 = arith.constant 8 : i32
    %dma_start3A_88 = arith.constant 256 : i32
    %dma_start3A_89 = tpu.memref_slice %arg10[%dma_start3A_88] : memref<512xi32, #tpu.memory_space<vmem>> -> memref<128xi32, #tpu.memory_space<vmem>>
    %dma_start3A_90 = arith.constant 0 : i32
    %dma_start3A_91 = arith.constant 0 : i32
    %dma_start3A_92 = tpu.memref_slice %arg2[%dma_start3A_90, %dma_start3A_91] : memref<100000x64xf32, #tpu.memory_space<hbm>> -> memref<100000x64xf32, #tpu.memory_space<hbm>>
    tpu.enqueue_indirect_dma source(%dma_start3A_92 : memref<100000x64xf32, #tpu.memory_space<hbm>>) target(%arg13 : memref<128x64xf32, #tpu.memory_space<vmem>>) offsets(%dma_start3A_89 : memref<128xi32, #tpu.memory_space<vmem>>) semaphore(%arg27 : memref<!tpu.dma_semaphore, #tpu.memory_space<semaphore_mem>>)
    %dma_start3A_93 = arith.constant 256 : i32
    %dma_start3A_94 = tpu.memref_slice %arg11[%dma_start3A_93] : memref<512xi32, #tpu.memory_space<vmem>> -> memref<128xi32, #tpu.memory_space<vmem>>
    %dma_start3A_95 = arith.constant 0 : i32
    %dma_start3A_96 = arith.constant 0 : i32
    %dma_start3A_97 = tpu.memref_slice %arg3[%dma_start3A_95, %dma_start3A_96] : memref<100000x64xf32, #tpu.memory_space<hbm>> -> memref<100000x64xf32, #tpu.memory_space<hbm>>
    tpu.enqueue_indirect_dma source(%dma_start3A_97 : memref<100000x64xf32, #tpu.memory_space<hbm>>) target(%arg15 : memref<128x64xf32, #tpu.memory_space<vmem>>) offsets(%dma_start3A_94 : memref<128xi32, #tpu.memory_space<vmem>>) semaphore(%arg29 : memref<!tpu.dma_semaphore, #tpu.memory_space<semaphore_mem>>)
    %dma_start3A_98 = arith.constant 256 : i32
    %dma_start3A_99 = tpu.memref_slice %arg12[%dma_start3A_98] : memref<512xi32, #tpu.memory_space<vmem>> -> memref<128xi32, #tpu.memory_space<vmem>>
    %dma_start3A_100 = arith.constant 0 : i32
    %dma_start3A_101 = arith.constant 0 : i32
    %dma_start3A_102 = tpu.memref_slice %arg3[%dma_start3A_100, %dma_start3A_101] : memref<100000x64xf32, #tpu.memory_space<hbm>> -> memref<100000x64xf32, #tpu.memory_space<hbm>>
    tpu.enqueue_indirect_dma source(%dma_start3A_102 : memref<100000x64xf32, #tpu.memory_space<hbm>>) target(%arg17 : memref<128x64xf32, #tpu.memory_space<vmem>>) offsets(%dma_start3A_99 : memref<128xi32, #tpu.memory_space<vmem>>) semaphore(%arg31 : memref<!tpu.dma_semaphore, #tpu.memory_space<semaphore_mem>>)
    %dma_start3A_103 = arith.constant 256 : i32
    %dma_start3A_104 = tpu.memref_slice %arg10[%dma_start3A_103] : memref<512xi32, #tpu.memory_space<vmem>> -> memref<128xi32, #tpu.memory_space<vmem>>
    %dma_start3A_105 = arith.constant 0 : i32
    %dma_start3A_106 = tpu.memref_slice %arg4[%dma_start3A_105] : memref<100000xf32, #tpu.memory_space<hbm>> -> memref<100000xf32, #tpu.memory_space<hbm>>
    tpu.enqueue_indirect_dma source(%dma_start3A_106 : memref<100000xf32, #tpu.memory_space<hbm>>) target(%arg19 : memref<128xf32, #tpu.memory_space<vmem>>) offsets(%dma_start3A_104 : memref<128xi32, #tpu.memory_space<vmem>>) semaphore(%arg27 : memref<!tpu.dma_semaphore, #tpu.memory_space<semaphore_mem>>)
    %dma_start3A_107 = arith.constant 256 : i32
    %dma_start3A_108 = tpu.memref_slice %arg11[%dma_start3A_107] : memref<512xi32, #tpu.memory_space<vmem>> -> memref<128xi32, #tpu.memory_space<vmem>>
    %dma_start3A_109 = arith.constant 0 : i32
    %dma_start3A_110 = tpu.memref_slice %arg5[%dma_start3A_109] : memref<100000xf32, #tpu.memory_space<hbm>> -> memref<100000xf32, #tpu.memory_space<hbm>>
    tpu.enqueue_indirect_dma source(%dma_start3A_110 : memref<100000xf32, #tpu.memory_space<hbm>>) target(%arg21 : memref<128xf32, #tpu.memory_space<vmem>>) offsets(%dma_start3A_108 : memref<128xi32, #tpu.memory_space<vmem>>) semaphore(%arg29 : memref<!tpu.dma_semaphore, #tpu.memory_space<semaphore_mem>>)
    %dma_start3A_111 = arith.constant 256 : i32
    %dma_start3A_112 = tpu.memref_slice %arg12[%dma_start3A_111] : memref<512xi32, #tpu.memory_space<vmem>> -> memref<128xi32, #tpu.memory_space<vmem>>
    %dma_start3A_113 = arith.constant 0 : i32
    %dma_start3A_114 = tpu.memref_slice %arg5[%dma_start3A_113] : memref<100000xf32, #tpu.memory_space<hbm>> -> memref<100000xf32, #tpu.memory_space<hbm>>
    tpu.enqueue_indirect_dma source(%dma_start3A_114 : memref<100000xf32, #tpu.memory_space<hbm>>) target(%arg23 : memref<128xf32, #tpu.memory_space<vmem>>) offsets(%dma_start3A_112 : memref<128xi32, #tpu.memory_space<vmem>>) semaphore(%arg31 : memref<!tpu.dma_semaphore, #tpu.memory_space<semaphore_mem>>)
    %dma_wait3A_115 = arith.constant 128 : i32
    %dma_wait3A_116 = tpu.memref_slice %arg10[%dma_wait3A_115] : memref<512xi32, #tpu.memory_space<vmem>> -> memref<128xi32, #tpu.memory_space<vmem>>
    %dma_wait3A_117 = arith.constant 0 : i32
    %dma_wait3A_118 = arith.constant 0 : i32
    %dma_wait3A_119 = tpu.memref_slice %arg2[%dma_wait3A_117, %dma_wait3A_118] : memref<100000x64xf32, #tpu.memory_space<hbm>> -> memref<100000x64xf32, #tpu.memory_space<hbm>>
    tpu.wait_indirect_dma semaphore(%arg28 : memref<!tpu.dma_semaphore, #tpu.memory_space<semaphore_mem>>) src(%dma_wait3A_119 : memref<100000x64xf32, #tpu.memory_space<hbm>>) dst(%arg14 : memref<128x64xf32, #tpu.memory_space<vmem>>)
    %dma_wait3A_120 = arith.constant 128 : i32
    %dma_wait3A_121 = tpu.memref_slice %arg11[%dma_wait3A_120] : memref<512xi32, #tpu.memory_space<vmem>> -> memref<128xi32, #tpu.memory_space<vmem>>
    %dma_wait3A_122 = arith.constant 0 : i32
    %dma_wait3A_123 = arith.constant 0 : i32
    %dma_wait3A_124 = tpu.memref_slice %arg3[%dma_wait3A_122, %dma_wait3A_123] : memref<100000x64xf32, #tpu.memory_space<hbm>> -> memref<100000x64xf32, #tpu.memory_space<hbm>>
    tpu.wait_indirect_dma semaphore(%arg30 : memref<!tpu.dma_semaphore, #tpu.memory_space<semaphore_mem>>) src(%dma_wait3A_124 : memref<100000x64xf32, #tpu.memory_space<hbm>>) dst(%arg16 : memref<128x64xf32, #tpu.memory_space<vmem>>)
    %dma_wait3A_125 = arith.constant 128 : i32
    %dma_wait3A_126 = tpu.memref_slice %arg12[%dma_wait3A_125] : memref<512xi32, #tpu.memory_space<vmem>> -> memref<128xi32, #tpu.memory_space<vmem>>
    %dma_wait3A_127 = arith.constant 0 : i32
    %dma_wait3A_128 = arith.constant 0 : i32
    %dma_wait3A_129 = tpu.memref_slice %arg3[%dma_wait3A_127, %dma_wait3A_128] : memref<100000x64xf32, #tpu.memory_space<hbm>> -> memref<100000x64xf32, #tpu.memory_space<hbm>>
    tpu.wait_indirect_dma semaphore(%arg32 : memref<!tpu.dma_semaphore, #tpu.memory_space<semaphore_mem>>) src(%dma_wait3A_129 : memref<100000x64xf32, #tpu.memory_space<hbm>>) dst(%arg18 : memref<128x64xf32, #tpu.memory_space<vmem>>)
    %dma_wait3A_130 = arith.constant 128 : i32
    %dma_wait3A_131 = tpu.memref_slice %arg10[%dma_wait3A_130] : memref<512xi32, #tpu.memory_space<vmem>> -> memref<128xi32, #tpu.memory_space<vmem>>
    %dma_wait3A_132 = arith.constant 0 : i32
    %dma_wait3A_133 = tpu.memref_slice %arg4[%dma_wait3A_132] : memref<100000xf32, #tpu.memory_space<hbm>> -> memref<100000xf32, #tpu.memory_space<hbm>>
    tpu.wait_indirect_dma semaphore(%arg28 : memref<!tpu.dma_semaphore, #tpu.memory_space<semaphore_mem>>) src(%dma_wait3A_133 : memref<100000xf32, #tpu.memory_space<hbm>>) dst(%arg20 : memref<128xf32, #tpu.memory_space<vmem>>)
    %dma_wait3A_134 = arith.constant 128 : i32
    %dma_wait3A_135 = tpu.memref_slice %arg11[%dma_wait3A_134] : memref<512xi32, #tpu.memory_space<vmem>> -> memref<128xi32, #tpu.memory_space<vmem>>
    %dma_wait3A_136 = arith.constant 0 : i32
    %dma_wait3A_137 = tpu.memref_slice %arg5[%dma_wait3A_136] : memref<100000xf32, #tpu.memory_space<hbm>> -> memref<100000xf32, #tpu.memory_space<hbm>>
    tpu.wait_indirect_dma semaphore(%arg30 : memref<!tpu.dma_semaphore, #tpu.memory_space<semaphore_mem>>) src(%dma_wait3A_137 : memref<100000xf32, #tpu.memory_space<hbm>>) dst(%arg22 : memref<128xf32, #tpu.memory_space<vmem>>)
    %dma_wait3A_138 = arith.constant 128 : i32
    %dma_wait3A_139 = tpu.memref_slice %arg12[%dma_wait3A_138] : memref<512xi32, #tpu.memory_space<vmem>> -> memref<128xi32, #tpu.memory_space<vmem>>
    %dma_wait3A_140 = arith.constant 0 : i32
    %dma_wait3A_141 = tpu.memref_slice %arg5[%dma_wait3A_140] : memref<100000xf32, #tpu.memory_space<hbm>> -> memref<100000xf32, #tpu.memory_space<hbm>>
    tpu.wait_indirect_dma semaphore(%arg32 : memref<!tpu.dma_semaphore, #tpu.memory_space<semaphore_mem>>) src(%dma_wait3A_141 : memref<100000xf32, #tpu.memory_space<hbm>>) dst(%arg24 : memref<128xf32, #tpu.memory_space<vmem>>)
    %scan3A_142 = arith.constant 0 : i32
    %scan3A_143 = arith.constant 0 : i32
    %scan3A_144 = arith.constant 8 : i32
    %scan3A_145 = arith.addi %scan3A_143, %scan3A_144 : i32
    %scan3A_146 = arith.constant 1 : i32
    scf.for %scan3A_242 = %scan3A_143 to %scan3A_145 step %scan3A_146  : i32 {
      %mul3A_243 = arith.constant 16 : i32
      %mul3A_244 = arith.muli %scan3A_242, %mul3A_243 : i32
      %add3A_245 = vector.broadcast %mul3A_244 : i32 to vector<16xi32>
      %add3A_246 = arith.addi %add3A_245, %iota3A : vector<16xi32>
      %broadcast_in_dim3A_247 = arith.constant 0.000000e+00 : f32
      %broadcast_in_dim3A_248 = vector.broadcast %broadcast_in_dim3A_247 : f32 to vector<16xf32>
      %broadcast_in_dim3A_249 = arith.constant 0.000000e+00 : f32
      %broadcast_in_dim3A_250 = vector.broadcast %broadcast_in_dim3A_249 : f32 to vector<16xf32>
      %add3A_251 = arith.constant 0 : i32
      %add3A_252 = vector.broadcast %add3A_251 : i32 to vector<16xi32>
      %add3A_253 = arith.addi %iota3A, %add3A_252 : vector<16xi32>
      %and3A = arith.andi %add3A_253, %broadcast_in_dim3A_3 : vector<16xi32>
      %gather3A = tpu.vector_load_idx %arg14[%add3A_246, %and3A] : memref<128x64xf32, #tpu.memory_space<vmem>>[vector<16xi32>, vector<16xi32>], vector<16xf32>,
      %gather3A_254 = tpu.vector_load_idx %arg16[%add3A_246, %and3A] : memref<128x64xf32, #tpu.memory_space<vmem>>[vector<16xi32>, vector<16xi32>], vector<16xf32>,
      %gather3A_255 = tpu.vector_load_idx %arg18[%add3A_246, %and3A] : memref<128x64xf32, #tpu.memory_space<vmem>>[vector<16xi32>, vector<16xi32>], vector<16xf32>,
      %mul3A_256 = arith.mulf %gather3A, %gather3A_254 : vector<16xf32>
      %add3A_257 = arith.addf %broadcast_in_dim3A_248, %mul3A_256 : vector<16xf32>
      %mul3A_258 = arith.mulf %gather3A, %gather3A_255 : vector<16xf32>
      %add3A_259 = arith.addf %broadcast_in_dim3A_250, %mul3A_258 : vector<16xf32>
      %add3A_260 = arith.constant 1 : i32
      %add3A_261 = vector.broadcast %add3A_260 : i32 to vector<16xi32>
      %add3A_262 = arith.addi %iota3A, %add3A_261 : vector<16xi32>
      %and3A_263 = arith.andi %add3A_262, %broadcast_in_dim3A_3 : vector<16xi32>
      %gather3A_264 = tpu.vector_load_idx %arg14[%add3A_246, %and3A_263] : memref<128x64xf32, #tpu.memory_space<vmem>>[vector<16xi32>, vector<16xi32>], vector<16xf32>,
      %gather3A_265 = tpu.vector_load_idx %arg16[%add3A_246, %and3A_263] : memref<128x64xf32, #tpu.memory_space<vmem>>[vector<16xi32>, vector<16xi32>], vector<16xf32>,
      %gather3A_266 = tpu.vector_load_idx %arg18[%add3A_246, %and3A_263] : memref<128x64xf32, #tpu.memory_space<vmem>>[vector<16xi32>, vector<16xi32>], vector<16xf32>,
      %mul3A_267 = arith.mulf %gather3A_264, %gather3A_265 : vector<16xf32>
      %add3A_268 = arith.addf %add3A_257, %mul3A_267 : vector<16xf32>
      %mul3A_269 = arith.mulf %gather3A_264, %gather3A_266 : vector<16xf32>
      %add3A_270 = arith.addf %add3A_259, %mul3A_269 : vector<16xf32>
      %add3A_271 = arith.constant 2 : i32
      %add3A_272 = vector.broadcast %add3A_271 : i32 to vector<16xi32>
      %add3A_273 = arith.addi %iota3A, %add3A_272 : vector<16xi32>
      %and3A_274 = arith.andi %add3A_273, %broadcast_in_dim3A_3 : vector<16xi32>
      %gather3A_275 = tpu.vector_load_idx %arg14[%add3A_246, %and3A_274] : memref<128x64xf32, #tpu.memory_space<vmem>>[vector<16xi32>, vector<16xi32>], vector<16xf32>,
      %gather3A_276 = tpu.vector_load_idx %arg16[%add3A_246, %and3A_274] : memref<128x64xf32, #tpu.memory_space<vmem>>[vector<16xi32>, vector<16xi32>], vector<16xf32>,
      %gather3A_277 = tpu.vector_load_idx %arg18[%add3A_246, %and3A_274] : memref<128x64xf32, #tpu.memory_space<vmem>>[vector<16xi32>, vector<16xi32>], vector<16xf32>,
      %mul3A_278 = arith.mulf %gather3A_275, %gather3A_276 : vector<16xf32>
      %add3A_279 = arith.addf %add3A_268, %mul3A_278 : vector<16xf32>
      %mul3A_280 = arith.mulf %gather3A_275, %gather3A_277 : vector<16xf32>
      %add3A_281 = arith.addf %add3A_270, %mul3A_280 : vector<16xf32>
      %add3A_282 = arith.constant 3 : i32
      %add3A_283 = vector.broadcast %add3A_282 : i32 to vector<16xi32>
      %add3A_284 = arith.addi %iota3A, %add3A_283 : vector<16xi32>
      %and3A_285 = arith.andi %add3A_284, %broadcast_in_dim3A_3 : vector<16xi32>
      %gather3A_286 = tpu.vector_load_idx %arg14[%add3A_246, %and3A_285] : memref<128x64xf32, #tpu.memory_space<vmem>>[vector<16xi32>, vector<16xi32>], vector<16xf32>,
      %gather3A_287 = tpu.vector_load_idx %arg16[%add3A_246, %and3A_285] : memref<128x64xf32, #tpu.memory_space<vmem>>[vector<16xi32>, vector<16xi32>], vector<16xf32>,
      %gather3A_288 = tpu.vector_load_idx %arg18[%add3A_246, %and3A_285] : memref<128x64xf32, #tpu.memory_space<vmem>>[vector<16xi32>, vector<16xi32>], vector<16xf32>,
      %mul3A_289 = arith.mulf %gather3A_286, %gather3A_287 : vector<16xf32>
      %add3A_290 = arith.addf %add3A_279, %mul3A_289 : vector<16xf32>
      %mul3A_291 = arith.mulf %gather3A_286, %gather3A_288 : vector<16xf32>
      %add3A_292 = arith.addf %add3A_281, %mul3A_291 : vector<16xf32>
      %add3A_293 = arith.constant 4 : i32
      %add3A_294 = vector.broadcast %add3A_293 : i32 to vector<16xi32>
      %add3A_295 = arith.addi %iota3A, %add3A_294 : vector<16xi32>
      %and3A_296 = arith.andi %add3A_295, %broadcast_in_dim3A_3 : vector<16xi32>
      %gather3A_297 = tpu.vector_load_idx %arg14[%add3A_246, %and3A_296] : memref<128x64xf32, #tpu.memory_space<vmem>>[vector<16xi32>, vector<16xi32>], vector<16xf32>,
      %gather3A_298 = tpu.vector_load_idx %arg16[%add3A_246, %and3A_296] : memref<128x64xf32, #tpu.memory_space<vmem>>[vector<16xi32>, vector<16xi32>], vector<16xf32>,
      %gather3A_299 = tpu.vector_load_idx %arg18[%add3A_246, %and3A_296] : memref<128x64xf32, #tpu.memory_space<vmem>>[vector<16xi32>, vector<16xi32>], vector<16xf32>,
      %mul3A_300 = arith.mulf %gather3A_297, %gather3A_298 : vector<16xf32>
      %add3A_301 = arith.addf %add3A_290, %mul3A_300 : vector<16xf32>
      %mul3A_302 = arith.mulf %gather3A_297, %gather3A_299 : vector<16xf32>
      %add3A_303 = arith.addf %add3A_292, %mul3A_302 : vector<16xf32>
      %add3A_304 = arith.constant 5 : i32
      %add3A_305 = vector.broadcast %add3A_304 : i32 to vector<16xi32>
      %add3A_306 = arith.addi %iota3A, %add3A_305 : vector<16xi32>
      %and3A_307 = arith.andi %add3A_306, %broadcast_in_dim3A_3 : vector<16xi32>
      %gather3A_308 = tpu.vector_load_idx %arg14[%add3A_246, %and3A_307] : memref<128x64xf32, #tpu.memory_space<vmem>>[vector<16xi32>, vector<16xi32>], vector<16xf32>,
      %gather3A_309 = tpu.vector_load_idx %arg16[%add3A_246, %and3A_307] : memref<128x64xf32, #tpu.memory_space<vmem>>[vector<16xi32>, vector<16xi32>], vector<16xf32>,
      %gather3A_310 = tpu.vector_load_idx %arg18[%add3A_246, %and3A_307] : memref<128x64xf32, #tpu.memory_space<vmem>>[vector<16xi32>, vector<16xi32>], vector<16xf32>,
      %mul3A_311 = arith.mulf %gather3A_308, %gather3A_309 : vector<16xf32>
      %add3A_312 = arith.addf %add3A_301, %mul3A_311 : vector<16xf32>
      %mul3A_313 = arith.mulf %gather3A_308, %gather3A_310 : vector<16xf32>
      %add3A_314 = arith.addf %add3A_303, %mul3A_313 : vector<16xf32>
      %add3A_315 = arith.constant 6 : i32
      %add3A_316 = vector.broadcast %add3A_315 : i32 to vector<16xi32>
      %add3A_317 = arith.addi %iota3A, %add3A_316 : vector<16xi32>
      %and3A_318 = arith.andi %add3A_317, %broadcast_in_dim3A_3 : vector<16xi32>
      %gather3A_319 = tpu.vector_load_idx %arg14[%add3A_246, %and3A_318] : memref<128x64xf32, #tpu.memory_space<vmem>>[vector<16xi32>, vector<16xi32>], vector<16xf32>,
      %gather3A_320 = tpu.vector_load_idx %arg16[%add3A_246, %and3A_318] : memref<128x64xf32, #tpu.memory_space<vmem>>[vector<16xi32>, vector<16xi32>], vector<16xf32>,
      %gather3A_321 = tpu.vector_load_idx %arg18[%add3A_246, %and3A_318] : memref<128x64xf32, #tpu.memory_space<vmem>>[vector<16xi32>, vector<16xi32>], vector<16xf32>,
      %mul3A_322 = arith.mulf %gather3A_319, %gather3A_320 : vector<16xf32>
      %add3A_323 = arith.addf %add3A_312, %mul3A_322 : vector<16xf32>
      %mul3A_324 = arith.mulf %gather3A_319, %gather3A_321 : vector<16xf32>
      %add3A_325 = arith.addf %add3A_314, %mul3A_324 : vector<16xf32>
      %add3A_326 = arith.constant 7 : i32
      %add3A_327 = vector.broadcast %add3A_326 : i32 to vector<16xi32>
      %add3A_328 = arith.addi %iota3A, %add3A_327 : vector<16xi32>
      %and3A_329 = arith.andi %add3A_328, %broadcast_in_dim3A_3 : vector<16xi32>
      %gather3A_330 = tpu.vector_load_idx %arg14[%add3A_246, %and3A_329] : memref<128x64xf32, #tpu.memory_space<vmem>>[vector<16xi32>, vector<16xi32>], vector<16xf32>,
      %gather3A_331 = tpu.vector_load_idx %arg16[%add3A_246, %and3A_329] : memref<128x64xf32, #tpu.memory_space<vmem>>[vector<16xi32>, vector<16xi32>], vector<16xf32>,
      %gather3A_332 = tpu.vector_load_idx %arg18[%add3A_246, %and3A_329] : memref<128x64xf32, #tpu.memory_space<vmem>>[vector<16xi32>, vector<16xi32>], vector<16xf32>,
      %mul3A_333 = arith.mulf %gather3A_330, %gather3A_331 : vector<16xf32>
      %add3A_334 = arith.addf %add3A_323, %mul3A_333 : vector<16xf32>
      %mul3A_335 = arith.mulf %gather3A_330, %gather3A_332 : vector<16xf32>
      %add3A_336 = arith.addf %add3A_325, %mul3A_335 : vector<16xf32>
      %add3A_337 = arith.constant 8 : i32
      %add3A_338 = vector.broadcast %add3A_337 : i32 to vector<16xi32>
      %add3A_339 = arith.addi %iota3A, %add3A_338 : vector<16xi32>
      %and3A_340 = arith.andi %add3A_339, %broadcast_in_dim3A_3 : vector<16xi32>
      %gather3A_341 = tpu.vector_load_idx %arg14[%add3A_246, %and3A_340] : memref<128x64xf32, #tpu.memory_space<vmem>>[vector<16xi32>, vector<16xi32>], vector<16xf32>,
      %gather3A_342 = tpu.vector_load_idx %arg16[%add3A_246, %and3A_340] : memref<128x64xf32, #tpu.memory_space<vmem>>[vector<16xi32>, vector<16xi32>], vector<16xf32>,
      %gather3A_343 = tpu.vector_load_idx %arg18[%add3A_246, %and3A_340] : memref<128x64xf32, #tpu.memory_space<vmem>>[vector<16xi32>, vector<16xi32>], vector<16xf32>,
      %mul3A_344 = arith.mulf %gather3A_341, %gather3A_342 : vector<16xf32>
      %add3A_345 = arith.addf %add3A_334, %mul3A_344 : vector<16xf32>
      %mul3A_346 = arith.mulf %gather3A_341, %gather3A_343 : vector<16xf32>
      %add3A_347 = arith.addf %add3A_336, %mul3A_346 : vector<16xf32>
      %add3A_348 = arith.constant 9 : i32
      %add3A_349 = vector.broadcast %add3A_348 : i32 to vector<16xi32>
      %add3A_350 = arith.addi %iota3A, %add3A_349 : vector<16xi32>
      %and3A_351 = arith.andi %add3A_350, %broadcast_in_dim3A_3 : vector<16xi32>
      %gather3A_352 = tpu.vector_load_idx %arg14[%add3A_246, %and3A_351] : memref<128x64xf32, #tpu.memory_space<vmem>>[vector<16xi32>, vector<16xi32>], vector<16xf32>,
      %gather3A_353 = tpu.vector_load_idx %arg16[%add3A_246, %and3A_351] : memref<128x64xf32, #tpu.memory_space<vmem>>[vector<16xi32>, vector<16xi32>], vector<16xf32>,
      %gather3A_354 = tpu.vector_load_idx %arg18[%add3A_246, %and3A_351] : memref<128x64xf32, #tpu.memory_space<vmem>>[vector<16xi32>, vector<16xi32>], vector<16xf32>,
      %mul3A_355 = arith.mulf %gather3A_352, %gather3A_353 : vector<16xf32>
      %add3A_356 = arith.addf %add3A_345, %mul3A_355 : vector<16xf32>
      %mul3A_357 = arith.mulf %gather3A_352, %gather3A_354 : vector<16xf32>
      %add3A_358 = arith.addf %add3A_347, %mul3A_357 : vector<16xf32>
      %add3A_359 = arith.constant 10 : i32
      %add3A_360 = vector.broadcast %add3A_359 : i32 to vector<16xi32>
      %add3A_361 = arith.addi %iota3A, %add3A_360 : vector<16xi32>
      %and3A_362 = arith.andi %add3A_361, %broadcast_in_dim3A_3 : vector<16xi32>
      %gather3A_363 = tpu.vector_load_idx %arg14[%add3A_246, %and3A_362] : memref<128x64xf32, #tpu.memory_space<vmem>>[vector<16xi32>, vector<16xi32>], vector<16xf32>,
      %gather3A_364 = tpu.vector_load_idx %arg16[%add3A_246, %and3A_362] : memref<128x64xf32, #tpu.memory_space<vmem>>[vector<16xi32>, vector<16xi32>], vector<16xf32>,
      %gather3A_365 = tpu.vector_load_idx %arg18[%add3A_246, %and3A_362] : memref<128x64xf32, #tpu.memory_space<vmem>>[vector<16xi32>, vector<16xi32>], vector<16xf32>,
      %mul3A_366 = arith.mulf %gather3A_363, %gather3A_364 : vector<16xf32>
      %add3A_367 = arith.addf %add3A_356, %mul3A_366 : vector<16xf32>
      %mul3A_368 = arith.mulf %gather3A_363, %gather3A_365 : vector<16xf32>
      %add3A_369 = arith.addf %add3A_358, %mul3A_368 : vector<16xf32>
      %add3A_370 = arith.constant 11 : i32
      %add3A_371 = vector.broadcast %add3A_370 : i32 to vector<16xi32>
      %add3A_372 = arith.addi %iota3A, %add3A_371 : vector<16xi32>
      %and3A_373 = arith.andi %add3A_372, %broadcast_in_dim3A_3 : vector<16xi32>
      %gather3A_374 = tpu.vector_load_idx %arg14[%add3A_246, %and3A_373] : memref<128x64xf32, #tpu.memory_space<vmem>>[vector<16xi32>, vector<16xi32>], vector<16xf32>,
      %gather3A_375 = tpu.vector_load_idx %arg16[%add3A_246, %and3A_373] : memref<128x64xf32, #tpu.memory_space<vmem>>[vector<16xi32>, vector<16xi32>], vector<16xf32>,
      %gather3A_376 = tpu.vector_load_idx %arg18[%add3A_246, %and3A_373] : memref<128x64xf32, #tpu.memory_space<vmem>>[vector<16xi32>, vector<16xi32>], vector<16xf32>,
      %mul3A_377 = arith.mulf %gather3A_374, %gather3A_375 : vector<16xf32>
      %add3A_378 = arith.addf %add3A_367, %mul3A_377 : vector<16xf32>
      %mul3A_379 = arith.mulf %gather3A_374, %gather3A_376 : vector<16xf32>
      %add3A_380 = arith.addf %add3A_369, %mul3A_379 : vector<16xf32>
      %add3A_381 = arith.constant 12 : i32
      %add3A_382 = vector.broadcast %add3A_381 : i32 to vector<16xi32>
      %add3A_383 = arith.addi %iota3A, %add3A_382 : vector<16xi32>
      %and3A_384 = arith.andi %add3A_383, %broadcast_in_dim3A_3 : vector<16xi32>
      %gather3A_385 = tpu.vector_load_idx %arg14[%add3A_246, %and3A_384] : memref<128x64xf32, #tpu.memory_space<vmem>>[vector<16xi32>, vector<16xi32>], vector<16xf32>,
      %gather3A_386 = tpu.vector_load_idx %arg16[%add3A_246, %and3A_384] : memref<128x64xf32, #tpu.memory_space<vmem>>[vector<16xi32>, vector<16xi32>], vector<16xf32>,
      %gather3A_387 = tpu.vector_load_idx %arg18[%add3A_246, %and3A_384] : memref<128x64xf32, #tpu.memory_space<vmem>>[vector<16xi32>, vector<16xi32>], vector<16xf32>,
      %mul3A_388 = arith.mulf %gather3A_385, %gather3A_386 : vector<16xf32>
      %add3A_389 = arith.addf %add3A_378, %mul3A_388 : vector<16xf32>
      %mul3A_390 = arith.mulf %gather3A_385, %gather3A_387 : vector<16xf32>
      %add3A_391 = arith.addf %add3A_380, %mul3A_390 : vector<16xf32>
      %add3A_392 = arith.constant 13 : i32
      %add3A_393 = vector.broadcast %add3A_392 : i32 to vector<16xi32>
      %add3A_394 = arith.addi %iota3A, %add3A_393 : vector<16xi32>
      %and3A_395 = arith.andi %add3A_394, %broadcast_in_dim3A_3 : vector<16xi32>
      %gather3A_396 = tpu.vector_load_idx %arg14[%add3A_246, %and3A_395] : memref<128x64xf32, #tpu.memory_space<vmem>>[vector<16xi32>, vector<16xi32>], vector<16xf32>,
      %gather3A_397 = tpu.vector_load_idx %arg16[%add3A_246, %and3A_395] : memref<128x64xf32, #tpu.memory_space<vmem>>[vector<16xi32>, vector<16xi32>], vector<16xf32>,
      %gather3A_398 = tpu.vector_load_idx %arg18[%add3A_246, %and3A_395] : memref<128x64xf32, #tpu.memory_space<vmem>>[vector<16xi32>, vector<16xi32>], vector<16xf32>,
      %mul3A_399 = arith.mulf %gather3A_396, %gather3A_397 : vector<16xf32>
      %add3A_400 = arith.addf %add3A_389, %mul3A_399 : vector<16xf32>
      %mul3A_401 = arith.mulf %gather3A_396, %gather3A_398 : vector<16xf32>
      %add3A_402 = arith.addf %add3A_391, %mul3A_401 : vector<16xf32>
      %add3A_403 = arith.constant 14 : i32
      %add3A_404 = vector.broadcast %add3A_403 : i32 to vector<16xi32>
      %add3A_405 = arith.addi %iota3A, %add3A_404 : vector<16xi32>
      %and3A_406 = arith.andi %add3A_405, %broadcast_in_dim3A_3 : vector<16xi32>
      %gather3A_407 = tpu.vector_load_idx %arg14[%add3A_246, %and3A_406] : memref<128x64xf32, #tpu.memory_space<vmem>>[vector<16xi32>, vector<16xi32>], vector<16xf32>,
      %gather3A_408 = tpu.vector_load_idx %arg16[%add3A_246, %and3A_406] : memref<128x64xf32, #tpu.memory_space<vmem>>[vector<16xi32>, vector<16xi32>], vector<16xf32>,
      %gather3A_409 = tpu.vector_load_idx %arg18[%add3A_246, %and3A_406] : memref<128x64xf32, #tpu.memory_space<vmem>>[vector<16xi32>, vector<16xi32>], vector<16xf32>,
      %mul3A_410 = arith.mulf %gather3A_407, %gather3A_408 : vector<16xf32>
      %add3A_411 = arith.addf %add3A_400, %mul3A_410 : vector<16xf32>
      %mul3A_412 = arith.mulf %gather3A_407, %gather3A_409 : vector<16xf32>
      %add3A_413 = arith.addf %add3A_402, %mul3A_412 : vector<16xf32>
      %add3A_414 = arith.constant 15 : i32
      %add3A_415 = vector.broadcast %add3A_414 : i32 to vector<16xi32>
      %add3A_416 = arith.addi %iota3A, %add3A_415 : vector<16xi32>
      %and3A_417 = arith.andi %add3A_416, %broadcast_in_dim3A_3 : vector<16xi32>
      %gather3A_418 = tpu.vector_load_idx %arg14[%add3A_246, %and3A_417] : memref<128x64xf32, #tpu.memory_space<vmem>>[vector<16xi32>, vector<16xi32>], vector<16xf32>,
      %gather3A_419 = tpu.vector_load_idx %arg16[%add3A_246, %and3A_417] : memref<128x64xf32, #tpu.memory_space<vmem>>[vector<16xi32>, vector<16xi32>], vector<16xf32>,
      %gather3A_420 = tpu.vector_load_idx %arg18[%add3A_246, %and3A_417] : memref<128x64xf32, #tpu.memory_space<vmem>>[vector<16xi32>, vector<16xi32>], vector<16xf32>,
      %mul3A_421 = arith.mulf %gather3A_418, %gather3A_419 : vector<16xf32>
      %add3A_422 = arith.addf %add3A_411, %mul3A_421 : vector<16xf32>
      %mul3A_423 = arith.mulf %gather3A_418, %gather3A_420 : vector<16xf32>
      %add3A_424 = arith.addf %add3A_413, %mul3A_423 : vector<16xf32>
      %add3A_425 = arith.constant 16 : i32
      %add3A_426 = vector.broadcast %add3A_425 : i32 to vector<16xi32>
      %add3A_427 = arith.addi %iota3A, %add3A_426 : vector<16xi32>
      %and3A_428 = arith.andi %add3A_427, %broadcast_in_dim3A_3 : vector<16xi32>
      %gather3A_429 = tpu.vector_load_idx %arg14[%add3A_246, %and3A_428] : memref<128x64xf32, #tpu.memory_space<vmem>>[vector<16xi32>, vector<16xi32>], vector<16xf32>,
      %gather3A_430 = tpu.vector_load_idx %arg16[%add3A_246, %and3A_428] : memref<128x64xf32, #tpu.memory_space<vmem>>[vector<16xi32>, vector<16xi32>], vector<16xf32>,
      %gather3A_431 = tpu.vector_load_idx %arg18[%add3A_246, %and3A_428] : memref<128x64xf32, #tpu.memory_space<vmem>>[vector<16xi32>, vector<16xi32>], vector<16xf32>,
      %mul3A_432 = arith.mulf %gather3A_429, %gather3A_430 : vector<16xf32>
      %add3A_433 = arith.addf %add3A_422, %mul3A_432 : vector<16xf32>
      %mul3A_434 = arith.mulf %gather3A_429, %gather3A_431 : vector<16xf32>
      %add3A_435 = arith.addf %add3A_424, %mul3A_434 : vector<16xf32>
      %add3A_436 = arith.constant 17 : i32
      %add3A_437 = vector.broadcast %add3A_436 : i32 to vector<16xi32>
      %add3A_438 = arith.addi %iota3A, %add3A_437 : vector<16xi32>
      %and3A_439 = arith.andi %add3A_438, %broadcast_in_dim3A_3 : vector<16xi32>
      %gather3A_440 = tpu.vector_load_idx %arg14[%add3A_246, %and3A_439] : memref<128x64xf32, #tpu.memory_space<vmem>>[vector<16xi32>, vector<16xi32>], vector<16xf32>,
      %gather3A_441 = tpu.vector_load_idx %arg16[%add3A_246, %and3A_439] : memref<128x64xf32, #tpu.memory_space<vmem>>[vector<16xi32>, vector<16xi32>], vector<16xf32>,
      %gather3A_442 = tpu.vector_load_idx %arg18[%add3A_246, %and3A_439] : memref<128x64xf32, #tpu.memory_space<vmem>>[vector<16xi32>, vector<16xi32>], vector<16xf32>,
      %mul3A_443 = arith.mulf %gather3A_440, %gather3A_441 : vector<16xf32>
      %add3A_444 = arith.addf %add3A_433, %mul3A_443 : vector<16xf32>
      %mul3A_445 = arith.mulf %gather3A_440, %gather3A_442 : vector<16xf32>
      %add3A_446 = arith.addf %add3A_435, %mul3A_445 : vector<16xf32>
      %add3A_447 = arith.constant 18 : i32
      %add3A_448 = vector.broadcast %add3A_447 : i32 to vector<16xi32>
      %add3A_449 = arith.addi %iota3A, %add3A_448 : vector<16xi32>
      %and3A_450 = arith.andi %add3A_449, %broadcast_in_dim3A_3 : vector<16xi32>
      %gather3A_451 = tpu.vector_load_idx %arg14[%add3A_246, %and3A_450] : memref<128x64xf32, #tpu.memory_space<vmem>>[vector<16xi32>, vector<16xi32>], vector<16xf32>,
      %gather3A_452 = tpu.vector_load_idx %arg16[%add3A_246, %and3A_450] : memref<128x64xf32, #tpu.memory_space<vmem>>[vector<16xi32>, vector<16xi32>], vector<16xf32>,
      %gather3A_453 = tpu.vector_load_idx %arg18[%add3A_246, %and3A_450] : memref<128x64xf32, #tpu.memory_space<vmem>>[vector<16xi32>, vector<16xi32>], vector<16xf32>,
      %mul3A_454 = arith.mulf %gather3A_451, %gather3A_452 : vector<16xf32>
      %add3A_455 = arith.addf %add3A_444, %mul3A_454 : vector<16xf32>
      %mul3A_456 = arith.mulf %gather3A_451, %gather3A_453 : vector<16xf32>
      %add3A_457 = arith.addf %add3A_446, %mul3A_456 : vector<16xf32>
      %add3A_458 = arith.constant 19 : i32
      %add3A_459 = vector.broadcast %add3A_458 : i32 to vector<16xi32>
      %add3A_460 = arith.addi %iota3A, %add3A_459 : vector<16xi32>
      %and3A_461 = arith.andi %add3A_460, %broadcast_in_dim3A_3 : vector<16xi32>
      %gather3A_462 = tpu.vector_load_idx %arg14[%add3A_246, %and3A_461] : memref<128x64xf32, #tpu.memory_space<vmem>>[vector<16xi32>, vector<16xi32>], vector<16xf32>,
      %gather3A_463 = tpu.vector_load_idx %arg16[%add3A_246, %and3A_461] : memref<128x64xf32, #tpu.memory_space<vmem>>[vector<16xi32>, vector<16xi32>], vector<16xf32>,
      %gather3A_464 = tpu.vector_load_idx %arg18[%add3A_246, %and3A_461] : memref<128x64xf32, #tpu.memory_space<vmem>>[vector<16xi32>, vector<16xi32>], vector<16xf32>,
      %mul3A_465 = arith.mulf %gather3A_462, %gather3A_463 : vector<16xf32>
      %add3A_466 = arith.addf %add3A_455, %mul3A_465 : vector<16xf32>
      %mul3A_467 = arith.mulf %gather3A_462, %gather3A_464 : vector<16xf32>
      %add3A_468 = arith.addf %add3A_457, %mul3A_467 : vector<16xf32>
      %add3A_469 = arith.constant 20 : i32
      %add3A_470 = vector.broadcast %add3A_469 : i32 to vector<16xi32>
      %add3A_471 = arith.addi %iota3A, %add3A_470 : vector<16xi32>
      %and3A_472 = arith.andi %add3A_471, %broadcast_in_dim3A_3 : vector<16xi32>
      %gather3A_473 = tpu.vector_load_idx %arg14[%add3A_246, %and3A_472] : memref<128x64xf32, #tpu.memory_space<vmem>>[vector<16xi32>, vector<16xi32>], vector<16xf32>,
      %gather3A_474 = tpu.vector_load_idx %arg16[%add3A_246, %and3A_472] : memref<128x64xf32, #tpu.memory_space<vmem>>[vector<16xi32>, vector<16xi32>], vector<16xf32>,
      %gather3A_475 = tpu.vector_load_idx %arg18[%add3A_246, %and3A_472] : memref<128x64xf32, #tpu.memory_space<vmem>>[vector<16xi32>, vector<16xi32>], vector<16xf32>,
      %mul3A_476 = arith.mulf %gather3A_473, %gather3A_474 : vector<16xf32>
      %add3A_477 = arith.addf %add3A_466, %mul3A_476 : vector<16xf32>
      %mul3A_478 = arith.mulf %gather3A_473, %gather3A_475 : vector<16xf32>
      %add3A_479 = arith.addf %add3A_468, %mul3A_478 : vector<16xf32>
      %add3A_480 = arith.constant 21 : i32
      %add3A_481 = vector.broadcast %add3A_480 : i32 to vector<16xi32>
      %add3A_482 = arith.addi %iota3A, %add3A_481 : vector<16xi32>
      %and3A_483 = arith.andi %add3A_482, %broadcast_in_dim3A_3 : vector<16xi32>
      %gather3A_484 = tpu.vector_load_idx %arg14[%add3A_246, %and3A_483] : memref<128x64xf32, #tpu.memory_space<vmem>>[vector<16xi32>, vector<16xi32>], vector<16xf32>,
      %gather3A_485 = tpu.vector_load_idx %arg16[%add3A_246, %and3A_483] : memref<128x64xf32, #tpu.memory_space<vmem>>[vector<16xi32>, vector<16xi32>], vector<16xf32>,
      %gather3A_486 = tpu.vector_load_idx %arg18[%add3A_246, %and3A_483] : memref<128x64xf32, #tpu.memory_space<vmem>>[vector<16xi32>, vector<16xi32>], vector<16xf32>,
      %mul3A_487 = arith.mulf %gather3A_484, %gather3A_485 : vector<16xf32>
      %add3A_488 = arith.addf %add3A_477, %mul3A_487 : vector<16xf32>
      %mul3A_489 = arith.mulf %gather3A_484, %gather3A_486 : vector<16xf32>
      %add3A_490 = arith.addf %add3A_479, %mul3A_489 : vector<16xf32>
      %add3A_491 = arith.constant 22 : i32
      %add3A_492 = vector.broadcast %add3A_491 : i32 to vector<16xi32>
      %add3A_493 = arith.addi %iota3A, %add3A_492 : vector<16xi32>
      %and3A_494 = arith.andi %add3A_493, %broadcast_in_dim3A_3 : vector<16xi32>
      %gather3A_495 = tpu.vector_load_idx %arg14[%add3A_246, %and3A_494] : memref<128x64xf32, #tpu.memory_space<vmem>>[vector<16xi32>, vector<16xi32>], vector<16xf32>,
      %gather3A_496 = tpu.vector_load_idx %arg16[%add3A_246, %and3A_494] : memref<128x64xf32, #tpu.memory_space<vmem>>[vector<16xi32>, vector<16xi32>], vector<16xf32>,
      %gather3A_497 = tpu.vector_load_idx %arg18[%add3A_246, %and3A_494] : memref<128x64xf32, #tpu.memory_space<vmem>>[vector<16xi32>, vector<16xi32>], vector<16xf32>,
      %mul3A_498 = arith.mulf %gather3A_495, %gather3A_496 : vector<16xf32>
      %add3A_499 = arith.addf %add3A_488, %mul3A_498 : vector<16xf32>
      %mul3A_500 = arith.mulf %gather3A_495, %gather3A_497 : vector<16xf32>
      %add3A_501 = arith.addf %add3A_490, %mul3A_500 : vector<16xf32>
      %add3A_502 = arith.constant 23 : i32
      %add3A_503 = vector.broadcast %add3A_502 : i32 to vector<16xi32>
      %add3A_504 = arith.addi %iota3A, %add3A_503 : vector<16xi32>
      %and3A_505 = arith.andi %add3A_504, %broadcast_in_dim3A_3 : vector<16xi32>
      %gather3A_506 = tpu.vector_load_idx %arg14[%add3A_246, %and3A_505] : memref<128x64xf32, #tpu.memory_space<vmem>>[vector<16xi32>, vector<16xi32>], vector<16xf32>,
      %gather3A_507 = tpu.vector_load_idx %arg16[%add3A_246, %and3A_505] : memref<128x64xf32, #tpu.memory_space<vmem>>[vector<16xi32>, vector<16xi32>], vector<16xf32>,
      %gather3A_508 = tpu.vector_load_idx %arg18[%add3A_246, %and3A_505] : memref<128x64xf32, #tpu.memory_space<vmem>>[vector<16xi32>, vector<16xi32>], vector<16xf32>,
      %mul3A_509 = arith.mulf %gather3A_506, %gather3A_507 : vector<16xf32>
      %add3A_510 = arith.addf %add3A_499, %mul3A_509 : vector<16xf32>
      %mul3A_511 = arith.mulf %gather3A_506, %gather3A_508 : vector<16xf32>
      %add3A_512 = arith.addf %add3A_501, %mul3A_511 : vector<16xf32>
      %add3A_513 = arith.constant 24 : i32
      %add3A_514 = vector.broadcast %add3A_513 : i32 to vector<16xi32>
      %add3A_515 = arith.addi %iota3A, %add3A_514 : vector<16xi32>
      %and3A_516 = arith.andi %add3A_515, %broadcast_in_dim3A_3 : vector<16xi32>
      %gather3A_517 = tpu.vector_load_idx %arg14[%add3A_246, %and3A_516] : memref<128x64xf32, #tpu.memory_space<vmem>>[vector<16xi32>, vector<16xi32>], vector<16xf32>,
      %gather3A_518 = tpu.vector_load_idx %arg16[%add3A_246, %and3A_516] : memref<128x64xf32, #tpu.memory_space<vmem>>[vector<16xi32>, vector<16xi32>], vector<16xf32>,
      %gather3A_519 = tpu.vector_load_idx %arg18[%add3A_246, %and3A_516] : memref<128x64xf32, #tpu.memory_space<vmem>>[vector<16xi32>, vector<16xi32>], vector<16xf32>,
      %mul3A_520 = arith.mulf %gather3A_517, %gather3A_518 : vector<16xf32>
      %add3A_521 = arith.addf %add3A_510, %mul3A_520 : vector<16xf32>
      %mul3A_522 = arith.mulf %gather3A_517, %gather3A_519 : vector<16xf32>
      %add3A_523 = arith.addf %add3A_512, %mul3A_522 : vector<16xf32>
      %add3A_524 = arith.constant 25 : i32
      %add3A_525 = vector.broadcast %add3A_524 : i32 to vector<16xi32>
      %add3A_526 = arith.addi %iota3A, %add3A_525 : vector<16xi32>
      %and3A_527 = arith.andi %add3A_526, %broadcast_in_dim3A_3 : vector<16xi32>
      %gather3A_528 = tpu.vector_load_idx %arg14[%add3A_246, %and3A_527] : memref<128x64xf32, #tpu.memory_space<vmem>>[vector<16xi32>, vector<16xi32>], vector<16xf32>,
      %gather3A_529 = tpu.vector_load_idx %arg16[%add3A_246, %and3A_527] : memref<128x64xf32, #tpu.memory_space<vmem>>[vector<16xi32>, vector<16xi32>], vector<16xf32>,
      %gather3A_530 = tpu.vector_load_idx %arg18[%add3A_246, %and3A_527] : memref<128x64xf32, #tpu.memory_space<vmem>>[vector<16xi32>, vector<16xi32>], vector<16xf32>,
      %mul3A_531 = arith.mulf %gather3A_528, %gather3A_529 : vector<16xf32>
      %add3A_532 = arith.addf %add3A_521, %mul3A_531 : vector<16xf32>
      %mul3A_533 = arith.mulf %gather3A_528, %gather3A_530 : vector<16xf32>
      %add3A_534 = arith.addf %add3A_523, %mul3A_533 : vector<16xf32>
      %add3A_535 = arith.constant 26 : i32
      %add3A_536 = vector.broadcast %add3A_535 : i32 to vector<16xi32>
      %add3A_537 = arith.addi %iota3A, %add3A_536 : vector<16xi32>
      %and3A_538 = arith.andi %add3A_537, %broadcast_in_dim3A_3 : vector<16xi32>
      %gather3A_539 = tpu.vector_load_idx %arg14[%add3A_246, %and3A_538] : memref<128x64xf32, #tpu.memory_space<vmem>>[vector<16xi32>, vector<16xi32>], vector<16xf32>,
      %gather3A_540 = tpu.vector_load_idx %arg16[%add3A_246, %and3A_538] : memref<128x64xf32, #tpu.memory_space<vmem>>[vector<16xi32>, vector<16xi32>], vector<16xf32>,
      %gather3A_541 = tpu.vector_load_idx %arg18[%add3A_246, %and3A_538] : memref<128x64xf32, #tpu.memory_space<vmem>>[vector<16xi32>, vector<16xi32>], vector<16xf32>,
      %mul3A_542 = arith.mulf %gather3A_539, %gather3A_540 : vector<16xf32>
      %add3A_543 = arith.addf %add3A_532, %mul3A_542 : vector<16xf32>
      %mul3A_544 = arith.mulf %gather3A_539, %gather3A_541 : vector<16xf32>
      %add3A_545 = arith.addf %add3A_534, %mul3A_544 : vector<16xf32>
      %add3A_546 = arith.constant 27 : i32
      %add3A_547 = vector.broadcast %add3A_546 : i32 to vector<16xi32>
      %add3A_548 = arith.addi %iota3A, %add3A_547 : vector<16xi32>
      %and3A_549 = arith.andi %add3A_548, %broadcast_in_dim3A_3 : vector<16xi32>
      %gather3A_550 = tpu.vector_load_idx %arg14[%add3A_246, %and3A_549] : memref<128x64xf32, #tpu.memory_space<vmem>>[vector<16xi32>, vector<16xi32>], vector<16xf32>,
      %gather3A_551 = tpu.vector_load_idx %arg16[%add3A_246, %and3A_549] : memref<128x64xf32, #tpu.memory_space<vmem>>[vector<16xi32>, vector<16xi32>], vector<16xf32>,
      %gather3A_552 = tpu.vector_load_idx %arg18[%add3A_246, %and3A_549] : memref<128x64xf32, #tpu.memory_space<vmem>>[vector<16xi32>, vector<16xi32>], vector<16xf32>,
      %mul3A_553 = arith.mulf %gather3A_550, %gather3A_551 : vector<16xf32>
      %add3A_554 = arith.addf %add3A_543, %mul3A_553 : vector<16xf32>
      %mul3A_555 = arith.mulf %gather3A_550, %gather3A_552 : vector<16xf32>
      %add3A_556 = arith.addf %add3A_545, %mul3A_555 : vector<16xf32>
      %add3A_557 = arith.constant 28 : i32
      %add3A_558 = vector.broadcast %add3A_557 : i32 to vector<16xi32>
      %add3A_559 = arith.addi %iota3A, %add3A_558 : vector<16xi32>
      %and3A_560 = arith.andi %add3A_559, %broadcast_in_dim3A_3 : vector<16xi32>
      %gather3A_561 = tpu.vector_load_idx %arg14[%add3A_246, %and3A_560] : memref<128x64xf32, #tpu.memory_space<vmem>>[vector<16xi32>, vector<16xi32>], vector<16xf32>,
      %gather3A_562 = tpu.vector_load_idx %arg16[%add3A_246, %and3A_560] : memref<128x64xf32, #tpu.memory_space<vmem>>[vector<16xi32>, vector<16xi32>], vector<16xf32>,
      %gather3A_563 = tpu.vector_load_idx %arg18[%add3A_246, %and3A_560] : memref<128x64xf32, #tpu.memory_space<vmem>>[vector<16xi32>, vector<16xi32>], vector<16xf32>,
      %mul3A_564 = arith.mulf %gather3A_561, %gather3A_562 : vector<16xf32>
      %add3A_565 = arith.addf %add3A_554, %mul3A_564 : vector<16xf32>
      %mul3A_566 = arith.mulf %gather3A_561, %gather3A_563 : vector<16xf32>
      %add3A_567 = arith.addf %add3A_556, %mul3A_566 : vector<16xf32>
      %add3A_568 = arith.constant 29 : i32
      %add3A_569 = vector.broadcast %add3A_568 : i32 to vector<16xi32>
      %add3A_570 = arith.addi %iota3A, %add3A_569 : vector<16xi32>
      %and3A_571 = arith.andi %add3A_570, %broadcast_in_dim3A_3 : vector<16xi32>
      %gather3A_572 = tpu.vector_load_idx %arg14[%add3A_246, %and3A_571] : memref<128x64xf32, #tpu.memory_space<vmem>>[vector<16xi32>, vector<16xi32>], vector<16xf32>,
      %gather3A_573 = tpu.vector_load_idx %arg16[%add3A_246, %and3A_571] : memref<128x64xf32, #tpu.memory_space<vmem>>[vector<16xi32>, vector<16xi32>], vector<16xf32>,
      %gather3A_574 = tpu.vector_load_idx %arg18[%add3A_246, %and3A_571] : memref<128x64xf32, #tpu.memory_space<vmem>>[vector<16xi32>, vector<16xi32>], vector<16xf32>,
      %mul3A_575 = arith.mulf %gather3A_572, %gather3A_573 : vector<16xf32>
      %add3A_576 = arith.addf %add3A_565, %mul3A_575 : vector<16xf32>
      %mul3A_577 = arith.mulf %gather3A_572, %gather3A_574 : vector<16xf32>
      %add3A_578 = arith.addf %add3A_567, %mul3A_577 : vector<16xf32>
      %add3A_579 = arith.constant 30 : i32
      %add3A_580 = vector.broadcast %add3A_579 : i32 to vector<16xi32>
      %add3A_581 = arith.addi %iota3A, %add3A_580 : vector<16xi32>
      %and3A_582 = arith.andi %add3A_581, %broadcast_in_dim3A_3 : vector<16xi32>
      %gather3A_583 = tpu.vector_load_idx %arg14[%add3A_246, %and3A_582] : memref<128x64xf32, #tpu.memory_space<vmem>>[vector<16xi32>, vector<16xi32>], vector<16xf32>,
      %gather3A_584 = tpu.vector_load_idx %arg16[%add3A_246, %and3A_582] : memref<128x64xf32, #tpu.memory_space<vmem>>[vector<16xi32>, vector<16xi32>], vector<16xf32>,
      %gather3A_585 = tpu.vector_load_idx %arg18[%add3A_246, %and3A_582] : memref<128x64xf32, #tpu.memory_space<vmem>>[vector<16xi32>, vector<16xi32>], vector<16xf32>,
      %mul3A_586 = arith.mulf %gather3A_583, %gather3A_584 : vector<16xf32>
      %add3A_587 = arith.addf %add3A_576, %mul3A_586 : vector<16xf32>
      %mul3A_588 = arith.mulf %gather3A_583, %gather3A_585 : vector<16xf32>
      %add3A_589 = arith.addf %add3A_578, %mul3A_588 : vector<16xf32>
      %add3A_590 = arith.constant 31 : i32
      %add3A_591 = vector.broadcast %add3A_590 : i32 to vector<16xi32>
      %add3A_592 = arith.addi %iota3A, %add3A_591 : vector<16xi32>
      %and3A_593 = arith.andi %add3A_592, %broadcast_in_dim3A_3 : vector<16xi32>
      %gather3A_594 = tpu.vector_load_idx %arg14[%add3A_246, %and3A_593] : memref<128x64xf32, #tpu.memory_space<vmem>>[vector<16xi32>, vector<16xi32>], vector<16xf32>,
      %gather3A_595 = tpu.vector_load_idx %arg16[%add3A_246, %and3A_593] : memref<128x64xf32, #tpu.memory_space<vmem>>[vector<16xi32>, vector<16xi32>], vector<16xf32>,
      %gather3A_596 = tpu.vector_load_idx %arg18[%add3A_246, %and3A_593] : memref<128x64xf32, #tpu.memory_space<vmem>>[vector<16xi32>, vector<16xi32>], vector<16xf32>,
      %mul3A_597 = arith.mulf %gather3A_594, %gather3A_595 : vector<16xf32>
      %add3A_598 = arith.addf %add3A_587, %mul3A_597 : vector<16xf32>
      %mul3A_599 = arith.mulf %gather3A_594, %gather3A_596 : vector<16xf32>
      %add3A_600 = arith.addf %add3A_589, %mul3A_599 : vector<16xf32>
      %add3A_601 = arith.constant 32 : i32
      %add3A_602 = vector.broadcast %add3A_601 : i32 to vector<16xi32>
      %add3A_603 = arith.addi %iota3A, %add3A_602 : vector<16xi32>
      %and3A_604 = arith.andi %add3A_603, %broadcast_in_dim3A_3 : vector<16xi32>
      %gather3A_605 = tpu.vector_load_idx %arg14[%add3A_246, %and3A_604] : memref<128x64xf32, #tpu.memory_space<vmem>>[vector<16xi32>, vector<16xi32>], vector<16xf32>,
      %gather3A_606 = tpu.vector_load_idx %arg16[%add3A_246, %and3A_604] : memref<128x64xf32, #tpu.memory_space<vmem>>[vector<16xi32>, vector<16xi32>], vector<16xf32>,
      %gather3A_607 = tpu.vector_load_idx %arg18[%add3A_246, %and3A_604] : memref<128x64xf32, #tpu.memory_space<vmem>>[vector<16xi32>, vector<16xi32>], vector<16xf32>,
      %mul3A_608 = arith.mulf %gather3A_605, %gather3A_606 : vector<16xf32>
      %add3A_609 = arith.addf %add3A_598, %mul3A_608 : vector<16xf32>
      %mul3A_610 = arith.mulf %gather3A_605, %gather3A_607 : vector<16xf32>
      %add3A_611 = arith.addf %add3A_600, %mul3A_610 : vector<16xf32>
      %add3A_612 = arith.constant 33 : i32
      %add3A_613 = vector.broadcast %add3A_612 : i32 to vector<16xi32>
      %add3A_614 = arith.addi %iota3A, %add3A_613 : vector<16xi32>
      %and3A_615 = arith.andi %add3A_614, %broadcast_in_dim3A_3 : vector<16xi32>
      %gather3A_616 = tpu.vector_load_idx %arg14[%add3A_246, %and3A_615] : memref<128x64xf32, #tpu.memory_space<vmem>>[vector<16xi32>, vector<16xi32>], vector<16xf32>,
      %gather3A_617 = tpu.vector_load_idx %arg16[%add3A_246, %and3A_615] : memref<128x64xf32, #tpu.memory_space<vmem>>[vector<16xi32>, vector<16xi32>], vector<16xf32>,
      %gather3A_618 = tpu.vector_load_idx %arg18[%add3A_246, %and3A_615] : memref<128x64xf32, #tpu.memory_space<vmem>>[vector<16xi32>, vector<16xi32>], vector<16xf32>,
      %mul3A_619 = arith.mulf %gather3A_616, %gather3A_617 : vector<16xf32>
      %add3A_620 = arith.addf %add3A_609, %mul3A_619 : vector<16xf32>
      %mul3A_621 = arith.mulf %gather3A_616, %gather3A_618 : vector<16xf32>
      %add3A_622 = arith.addf %add3A_611, %mul3A_621 : vector<16xf32>
      %add3A_623 = arith.constant 34 : i32
      %add3A_624 = vector.broadcast %add3A_623 : i32 to vector<16xi32>
      %add3A_625 = arith.addi %iota3A, %add3A_624 : vector<16xi32>
      %and3A_626 = arith.andi %add3A_625, %broadcast_in_dim3A_3 : vector<16xi32>
      %gather3A_627 = tpu.vector_load_idx %arg14[%add3A_246, %and3A_626] : memref<128x64xf32, #tpu.memory_space<vmem>>[vector<16xi32>, vector<16xi32>], vector<16xf32>,
      %gather3A_628 = tpu.vector_load_idx %arg16[%add3A_246, %and3A_626] : memref<128x64xf32, #tpu.memory_space<vmem>>[vector<16xi32>, vector<16xi32>], vector<16xf32>,
      %gather3A_629 = tpu.vector_load_idx %arg18[%add3A_246, %and3A_626] : memref<128x64xf32, #tpu.memory_space<vmem>>[vector<16xi32>, vector<16xi32>], vector<16xf32>,
      %mul3A_630 = arith.mulf %gather3A_627, %gather3A_628 : vector<16xf32>
      %add3A_631 = arith.addf %add3A_620, %mul3A_630 : vector<16xf32>
      %mul3A_632 = arith.mulf %gather3A_627, %gather3A_629 : vector<16xf32>
      %add3A_633 = arith.addf %add3A_622, %mul3A_632 : vector<16xf32>
      %add3A_634 = arith.constant 35 : i32
      %add3A_635 = vector.broadcast %add3A_634 : i32 to vector<16xi32>
      %add3A_636 = arith.addi %iota3A, %add3A_635 : vector<16xi32>
      %and3A_637 = arith.andi %add3A_636, %broadcast_in_dim3A_3 : vector<16xi32>
      %gather3A_638 = tpu.vector_load_idx %arg14[%add3A_246, %and3A_637] : memref<128x64xf32, #tpu.memory_space<vmem>>[vector<16xi32>, vector<16xi32>], vector<16xf32>,
      %gather3A_639 = tpu.vector_load_idx %arg16[%add3A_246, %and3A_637] : memref<128x64xf32, #tpu.memory_space<vmem>>[vector<16xi32>, vector<16xi32>], vector<16xf32>,
      %gather3A_640 = tpu.vector_load_idx %arg18[%add3A_246, %and3A_637] : memref<128x64xf32, #tpu.memory_space<vmem>>[vector<16xi32>, vector<16xi32>], vector<16xf32>,
      %mul3A_641 = arith.mulf %gather3A_638, %gather3A_639 : vector<16xf32>
      %add3A_642 = arith.addf %add3A_631, %mul3A_641 : vector<16xf32>
      %mul3A_643 = arith.mulf %gather3A_638, %gather3A_640 : vector<16xf32>
      %add3A_644 = arith.addf %add3A_633, %mul3A_643 : vector<16xf32>
      %add3A_645 = arith.constant 36 : i32
      %add3A_646 = vector.broadcast %add3A_645 : i32 to vector<16xi32>
      %add3A_647 = arith.addi %iota3A, %add3A_646 : vector<16xi32>
      %and3A_648 = arith.andi %add3A_647, %broadcast_in_dim3A_3 : vector<16xi32>
      %gather3A_649 = tpu.vector_load_idx %arg14[%add3A_246, %and3A_648] : memref<128x64xf32, #tpu.memory_space<vmem>>[vector<16xi32>, vector<16xi32>], vector<16xf32>,
      %gather3A_650 = tpu.vector_load_idx %arg16[%add3A_246, %and3A_648] : memref<128x64xf32, #tpu.memory_space<vmem>>[vector<16xi32>, vector<16xi32>], vector<16xf32>,
      %gather3A_651 = tpu.vector_load_idx %arg18[%add3A_246, %and3A_648] : memref<128x64xf32, #tpu.memory_space<vmem>>[vector<16xi32>, vector<16xi32>], vector<16xf32>,
      %mul3A_652 = arith.mulf %gather3A_649, %gather3A_650 : vector<16xf32>
      %add3A_653 = arith.addf %add3A_642, %mul3A_652 : vector<16xf32>
      %mul3A_654 = arith.mulf %gather3A_649, %gather3A_651 : vector<16xf32>
      %add3A_655 = arith.addf %add3A_644, %mul3A_654 : vector<16xf32>
      %add3A_656 = arith.constant 37 : i32
      %add3A_657 = vector.broadcast %add3A_656 : i32 to vector<16xi32>
      %add3A_658 = arith.addi %iota3A, %add3A_657 : vector<16xi32>
      %and3A_659 = arith.andi %add3A_658, %broadcast_in_dim3A_3 : vector<16xi32>
      %gather3A_660 = tpu.vector_load_idx %arg14[%add3A_246, %and3A_659] : memref<128x64xf32, #tpu.memory_space<vmem>>[vector<16xi32>, vector<16xi32>], vector<16xf32>,
      %gather3A_661 = tpu.vector_load_idx %arg16[%add3A_246, %and3A_659] : memref<128x64xf32, #tpu.memory_space<vmem>>[vector<16xi32>, vector<16xi32>], vector<16xf32>,
      %gather3A_662 = tpu.vector_load_idx %arg18[%add3A_246, %and3A_659] : memref<128x64xf32, #tpu.memory_space<vmem>>[vector<16xi32>, vector<16xi32>], vector<16xf32>,
      %mul3A_663 = arith.mulf %gather3A_660, %gather3A_661 : vector<16xf32>
      %add3A_664 = arith.addf %add3A_653, %mul3A_663 : vector<16xf32>
      %mul3A_665 = arith.mulf %gather3A_660, %gather3A_662 : vector<16xf32>
      %add3A_666 = arith.addf %add3A_655, %mul3A_665 : vector<16xf32>
      %add3A_667 = arith.constant 38 : i32
      %add3A_668 = vector.broadcast %add3A_667 : i32 to vector<16xi32>
      %add3A_669 = arith.addi %iota3A, %add3A_668 : vector<16xi32>
      %and3A_670 = arith.andi %add3A_669, %broadcast_in_dim3A_3 : vector<16xi32>
      %gather3A_671 = tpu.vector_load_idx %arg14[%add3A_246, %and3A_670] : memref<128x64xf32, #tpu.memory_space<vmem>>[vector<16xi32>, vector<16xi32>], vector<16xf32>,
      %gather3A_672 = tpu.vector_load_idx %arg16[%add3A_246, %and3A_670] : memref<128x64xf32, #tpu.memory_space<vmem>>[vector<16xi32>, vector<16xi32>], vector<16xf32>,
      %gather3A_673 = tpu.vector_load_idx %arg18[%add3A_246, %and3A_670] : memref<128x64xf32, #tpu.memory_space<vmem>>[vector<16xi32>, vector<16xi32>], vector<16xf32>,
      %mul3A_674 = arith.mulf %gather3A_671, %gather3A_672 : vector<16xf32>
      %add3A_675 = arith.addf %add3A_664, %mul3A_674 : vector<16xf32>
      %mul3A_676 = arith.mulf %gather3A_671, %gather3A_673 : vector<16xf32>
      %add3A_677 = arith.addf %add3A_666, %mul3A_676 : vector<16xf32>
      %add3A_678 = arith.constant 39 : i32
      %add3A_679 = vector.broadcast %add3A_678 : i32 to vector<16xi32>
      %add3A_680 = arith.addi %iota3A, %add3A_679 : vector<16xi32>
      %and3A_681 = arith.andi %add3A_680, %broadcast_in_dim3A_3 : vector<16xi32>
      %gather3A_682 = tpu.vector_load_idx %arg14[%add3A_246, %and3A_681] : memref<128x64xf32, #tpu.memory_space<vmem>>[vector<16xi32>, vector<16xi32>], vector<16xf32>,
      %gather3A_683 = tpu.vector_load_idx %arg16[%add3A_246, %and3A_681] : memref<128x64xf32, #tpu.memory_space<vmem>>[vector<16xi32>, vector<16xi32>], vector<16xf32>,
      %gather3A_684 = tpu.vector_load_idx %arg18[%add3A_246, %and3A_681] : memref<128x64xf32, #tpu.memory_space<vmem>>[vector<16xi32>, vector<16xi32>], vector<16xf32>,
      %mul3A_685 = arith.mulf %gather3A_682, %gather3A_683 : vector<16xf32>
      %add3A_686 = arith.addf %add3A_675, %mul3A_685 : vector<16xf32>
      %mul3A_687 = arith.mulf %gather3A_682, %gather3A_684 : vector<16xf32>
      %add3A_688 = arith.addf %add3A_677, %mul3A_687 : vector<16xf32>
      %add3A_689 = arith.constant 40 : i32
      %add3A_690 = vector.broadcast %add3A_689 : i32 to vector<16xi32>
      %add3A_691 = arith.addi %iota3A, %add3A_690 : vector<16xi32>
      %and3A_692 = arith.andi %add3A_691, %broadcast_in_dim3A_3 : vector<16xi32>
      %gather3A_693 = tpu.vector_load_idx %arg14[%add3A_246, %and3A_692] : memref<128x64xf32, #tpu.memory_space<vmem>>[vector<16xi32>, vector<16xi32>], vector<16xf32>,
      %gather3A_694 = tpu.vector_load_idx %arg16[%add3A_246, %and3A_692] : memref<128x64xf32, #tpu.memory_space<vmem>>[vector<16xi32>, vector<16xi32>], vector<16xf32>,
      %gather3A_695 = tpu.vector_load_idx %arg18[%add3A_246, %and3A_692] : memref<128x64xf32, #tpu.memory_space<vmem>>[vector<16xi32>, vector<16xi32>], vector<16xf32>,
      %mul3A_696 = arith.mulf %gather3A_693, %gather3A_694 : vector<16xf32>
      %add3A_697 = arith.addf %add3A_686, %mul3A_696 : vector<16xf32>
      %mul3A_698 = arith.mulf %gather3A_693, %gather3A_695 : vector<16xf32>
      %add3A_699 = arith.addf %add3A_688, %mul3A_698 : vector<16xf32>
      %add3A_700 = arith.constant 41 : i32
      %add3A_701 = vector.broadcast %add3A_700 : i32 to vector<16xi32>
      %add3A_702 = arith.addi %iota3A, %add3A_701 : vector<16xi32>
      %and3A_703 = arith.andi %add3A_702, %broadcast_in_dim3A_3 : vector<16xi32>
      %gather3A_704 = tpu.vector_load_idx %arg14[%add3A_246, %and3A_703] : memref<128x64xf32, #tpu.memory_space<vmem>>[vector<16xi32>, vector<16xi32>], vector<16xf32>,
      %gather3A_705 = tpu.vector_load_idx %arg16[%add3A_246, %and3A_703] : memref<128x64xf32, #tpu.memory_space<vmem>>[vector<16xi32>, vector<16xi32>], vector<16xf32>,
      %gather3A_706 = tpu.vector_load_idx %arg18[%add3A_246, %and3A_703] : memref<128x64xf32, #tpu.memory_space<vmem>>[vector<16xi32>, vector<16xi32>], vector<16xf32>,
      %mul3A_707 = arith.mulf %gather3A_704, %gather3A_705 : vector<16xf32>
      %add3A_708 = arith.addf %add3A_697, %mul3A_707 : vector<16xf32>
      %mul3A_709 = arith.mulf %gather3A_704, %gather3A_706 : vector<16xf32>
      %add3A_710 = arith.addf %add3A_699, %mul3A_709 : vector<16xf32>
      %add3A_711 = arith.constant 42 : i32
      %add3A_712 = vector.broadcast %add3A_711 : i32 to vector<16xi32>
      %add3A_713 = arith.addi %iota3A, %add3A_712 : vector<16xi32>
      %and3A_714 = arith.andi %add3A_713, %broadcast_in_dim3A_3 : vector<16xi32>
      %gather3A_715 = tpu.vector_load_idx %arg14[%add3A_246, %and3A_714] : memref<128x64xf32, #tpu.memory_space<vmem>>[vector<16xi32>, vector<16xi32>], vector<16xf32>,
      %gather3A_716 = tpu.vector_load_idx %arg16[%add3A_246, %and3A_714] : memref<128x64xf32, #tpu.memory_space<vmem>>[vector<16xi32>, vector<16xi32>], vector<16xf32>,
      %gather3A_717 = tpu.vector_load_idx %arg18[%add3A_246, %and3A_714] : memref<128x64xf32, #tpu.memory_space<vmem>>[vector<16xi32>, vector<16xi32>], vector<16xf32>,
      %mul3A_718 = arith.mulf %gather3A_715, %gather3A_716 : vector<16xf32>
      %add3A_719 = arith.addf %add3A_708, %mul3A_718 : vector<16xf32>
      %mul3A_720 = arith.mulf %gather3A_715, %gather3A_717 : vector<16xf32>
      %add3A_721 = arith.addf %add3A_710, %mul3A_720 : vector<16xf32>
      %add3A_722 = arith.constant 43 : i32
      %add3A_723 = vector.broadcast %add3A_722 : i32 to vector<16xi32>
      %add3A_724 = arith.addi %iota3A, %add3A_723 : vector<16xi32>
      %and3A_725 = arith.andi %add3A_724, %broadcast_in_dim3A_3 : vector<16xi32>
      %gather3A_726 = tpu.vector_load_idx %arg14[%add3A_246, %and3A_725] : memref<128x64xf32, #tpu.memory_space<vmem>>[vector<16xi32>, vector<16xi32>], vector<16xf32>,
      %gather3A_727 = tpu.vector_load_idx %arg16[%add3A_246, %and3A_725] : memref<128x64xf32, #tpu.memory_space<vmem>>[vector<16xi32>, vector<16xi32>], vector<16xf32>,
      %gather3A_728 = tpu.vector_load_idx %arg18[%add3A_246, %and3A_725] : memref<128x64xf32, #tpu.memory_space<vmem>>[vector<16xi32>, vector<16xi32>], vector<16xf32>,
      %mul3A_729 = arith.mulf %gather3A_726, %gather3A_727 : vector<16xf32>
      %add3A_730 = arith.addf %add3A_719, %mul3A_729 : vector<16xf32>
      %mul3A_731 = arith.mulf %gather3A_726, %gather3A_728 : vector<16xf32>
      %add3A_732 = arith.addf %add3A_721, %mul3A_731 : vector<16xf32>
      %add3A_733 = arith.constant 44 : i32
      %add3A_734 = vector.broadcast %add3A_733 : i32 to vector<16xi32>
      %add3A_735 = arith.addi %iota3A, %add3A_734 : vector<16xi32>
      %and3A_736 = arith.andi %add3A_735, %broadcast_in_dim3A_3 : vector<16xi32>
      %gather3A_737 = tpu.vector_load_idx %arg14[%add3A_246, %and3A_736] : memref<128x64xf32, #tpu.memory_space<vmem>>[vector<16xi32>, vector<16xi32>], vector<16xf32>,
      %gather3A_738 = tpu.vector_load_idx %arg16[%add3A_246, %and3A_736] : memref<128x64xf32, #tpu.memory_space<vmem>>[vector<16xi32>, vector<16xi32>], vector<16xf32>,
      %gather3A_739 = tpu.vector_load_idx %arg18[%add3A_246, %and3A_736] : memref<128x64xf32, #tpu.memory_space<vmem>>[vector<16xi32>, vector<16xi32>], vector<16xf32>,
      %mul3A_740 = arith.mulf %gather3A_737, %gather3A_738 : vector<16xf32>
      %add3A_741 = arith.addf %add3A_730, %mul3A_740 : vector<16xf32>
      %mul3A_742 = arith.mulf %gather3A_737, %gather3A_739 : vector<16xf32>
      %add3A_743 = arith.addf %add3A_732, %mul3A_742 : vector<16xf32>
      %add3A_744 = arith.constant 45 : i32
      %add3A_745 = vector.broadcast %add3A_744 : i32 to vector<16xi32>
      %add3A_746 = arith.addi %iota3A, %add3A_745 : vector<16xi32>
      %and3A_747 = arith.andi %add3A_746, %broadcast_in_dim3A_3 : vector<16xi32>
      %gather3A_748 = tpu.vector_load_idx %arg14[%add3A_246, %and3A_747] : memref<128x64xf32, #tpu.memory_space<vmem>>[vector<16xi32>, vector<16xi32>], vector<16xf32>,
      %gather3A_749 = tpu.vector_load_idx %arg16[%add3A_246, %and3A_747] : memref<128x64xf32, #tpu.memory_space<vmem>>[vector<16xi32>, vector<16xi32>], vector<16xf32>,
      %gather3A_750 = tpu.vector_load_idx %arg18[%add3A_246, %and3A_747] : memref<128x64xf32, #tpu.memory_space<vmem>>[vector<16xi32>, vector<16xi32>], vector<16xf32>,
      %mul3A_751 = arith.mulf %gather3A_748, %gather3A_749 : vector<16xf32>
      %add3A_752 = arith.addf %add3A_741, %mul3A_751 : vector<16xf32>
      %mul3A_753 = arith.mulf %gather3A_748, %gather3A_750 : vector<16xf32>
      %add3A_754 = arith.addf %add3A_743, %mul3A_753 : vector<16xf32>
      %add3A_755 = arith.constant 46 : i32
      %add3A_756 = vector.broadcast %add3A_755 : i32 to vector<16xi32>
      %add3A_757 = arith.addi %iota3A, %add3A_756 : vector<16xi32>
      %and3A_758 = arith.andi %add3A_757, %broadcast_in_dim3A_3 : vector<16xi32>
      %gather3A_759 = tpu.vector_load_idx %arg14[%add3A_246, %and3A_758] : memref<128x64xf32, #tpu.memory_space<vmem>>[vector<16xi32>, vector<16xi32>], vector<16xf32>,
      %gather3A_760 = tpu.vector_load_idx %arg16[%add3A_246, %and3A_758] : memref<128x64xf32, #tpu.memory_space<vmem>>[vector<16xi32>, vector<16xi32>], vector<16xf32>,
      %gather3A_761 = tpu.vector_load_idx %arg18[%add3A_246, %and3A_758] : memref<128x64xf32, #tpu.memory_space<vmem>>[vector<16xi32>, vector<16xi32>], vector<16xf32>,
      %mul3A_762 = arith.mulf %gather3A_759, %gather3A_760 : vector<16xf32>
      %add3A_763 = arith.addf %add3A_752, %mul3A_762 : vector<16xf32>
      %mul3A_764 = arith.mulf %gather3A_759, %gather3A_761 : vector<16xf32>
      %add3A_765 = arith.addf %add3A_754, %mul3A_764 : vector<16xf32>
      %add3A_766 = arith.constant 47 : i32
      %add3A_767 = vector.broadcast %add3A_766 : i32 to vector<16xi32>
      %add3A_768 = arith.addi %iota3A, %add3A_767 : vector<16xi32>
      %and3A_769 = arith.andi %add3A_768, %broadcast_in_dim3A_3 : vector<16xi32>
      %gather3A_770 = tpu.vector_load_idx %arg14[%add3A_246, %and3A_769] : memref<128x64xf32, #tpu.memory_space<vmem>>[vector<16xi32>, vector<16xi32>], vector<16xf32>,
      %gather3A_771 = tpu.vector_load_idx %arg16[%add3A_246, %and3A_769] : memref<128x64xf32, #tpu.memory_space<vmem>>[vector<16xi32>, vector<16xi32>], vector<16xf32>,
      %gather3A_772 = tpu.vector_load_idx %arg18[%add3A_246, %and3A_769] : memref<128x64xf32, #tpu.memory_space<vmem>>[vector<16xi32>, vector<16xi32>], vector<16xf32>,
      %mul3A_773 = arith.mulf %gather3A_770, %gather3A_771 : vector<16xf32>
      %add3A_774 = arith.addf %add3A_763, %mul3A_773 : vector<16xf32>
      %mul3A_775 = arith.mulf %gather3A_770, %gather3A_772 : vector<16xf32>
      %add3A_776 = arith.addf %add3A_765, %mul3A_775 : vector<16xf32>
      %add3A_777 = arith.constant 48 : i32
      %add3A_778 = vector.broadcast %add3A_777 : i32 to vector<16xi32>
      %add3A_779 = arith.addi %iota3A, %add3A_778 : vector<16xi32>
      %and3A_780 = arith.andi %add3A_779, %broadcast_in_dim3A_3 : vector<16xi32>
      %gather3A_781 = tpu.vector_load_idx %arg14[%add3A_246, %and3A_780] : memref<128x64xf32, #tpu.memory_space<vmem>>[vector<16xi32>, vector<16xi32>], vector<16xf32>,
      %gather3A_782 = tpu.vector_load_idx %arg16[%add3A_246, %and3A_780] : memref<128x64xf32, #tpu.memory_space<vmem>>[vector<16xi32>, vector<16xi32>], vector<16xf32>,
      %gather3A_783 = tpu.vector_load_idx %arg18[%add3A_246, %and3A_780] : memref<128x64xf32, #tpu.memory_space<vmem>>[vector<16xi32>, vector<16xi32>], vector<16xf32>,
      %mul3A_784 = arith.mulf %gather3A_781, %gather3A_782 : vector<16xf32>
      %add3A_785 = arith.addf %add3A_774, %mul3A_784 : vector<16xf32>
      %mul3A_786 = arith.mulf %gather3A_781, %gather3A_783 : vector<16xf32>
      %add3A_787 = arith.addf %add3A_776, %mul3A_786 : vector<16xf32>
      %add3A_788 = arith.constant 49 : i32
      %add3A_789 = vector.broadcast %add3A_788 : i32 to vector<16xi32>
      %add3A_790 = arith.addi %iota3A, %add3A_789 : vector<16xi32>
      %and3A_791 = arith.andi %add3A_790, %broadcast_in_dim3A_3 : vector<16xi32>
      %gather3A_792 = tpu.vector_load_idx %arg14[%add3A_246, %and3A_791] : memref<128x64xf32, #tpu.memory_space<vmem>>[vector<16xi32>, vector<16xi32>], vector<16xf32>,
      %gather3A_793 = tpu.vector_load_idx %arg16[%add3A_246, %and3A_791] : memref<128x64xf32, #tpu.memory_space<vmem>>[vector<16xi32>, vector<16xi32>], vector<16xf32>,
      %gather3A_794 = tpu.vector_load_idx %arg18[%add3A_246, %and3A_791] : memref<128x64xf32, #tpu.memory_space<vmem>>[vector<16xi32>, vector<16xi32>], vector<16xf32>,
      %mul3A_795 = arith.mulf %gather3A_792, %gather3A_793 : vector<16xf32>
      %add3A_796 = arith.addf %add3A_785, %mul3A_795 : vector<16xf32>
      %mul3A_797 = arith.mulf %gather3A_792, %gather3A_794 : vector<16xf32>
      %add3A_798 = arith.addf %add3A_787, %mul3A_797 : vector<16xf32>
      %add3A_799 = arith.constant 50 : i32
      %add3A_800 = vector.broadcast %add3A_799 : i32 to vector<16xi32>
      %add3A_801 = arith.addi %iota3A, %add3A_800 : vector<16xi32>
      %and3A_802 = arith.andi %add3A_801, %broadcast_in_dim3A_3 : vector<16xi32>
      %gather3A_803 = tpu.vector_load_idx %arg14[%add3A_246, %and3A_802] : memref<128x64xf32, #tpu.memory_space<vmem>>[vector<16xi32>, vector<16xi32>], vector<16xf32>,
      %gather3A_804 = tpu.vector_load_idx %arg16[%add3A_246, %and3A_802] : memref<128x64xf32, #tpu.memory_space<vmem>>[vector<16xi32>, vector<16xi32>], vector<16xf32>,
      %gather3A_805 = tpu.vector_load_idx %arg18[%add3A_246, %and3A_802] : memref<128x64xf32, #tpu.memory_space<vmem>>[vector<16xi32>, vector<16xi32>], vector<16xf32>,
      %mul3A_806 = arith.mulf %gather3A_803, %gather3A_804 : vector<16xf32>
      %add3A_807 = arith.addf %add3A_796, %mul3A_806 : vector<16xf32>
      %mul3A_808 = arith.mulf %gather3A_803, %gather3A_805 : vector<16xf32>
      %add3A_809 = arith.addf %add3A_798, %mul3A_808 : vector<16xf32>
      %add3A_810 = arith.constant 51 : i32
      %add3A_811 = vector.broadcast %add3A_810 : i32 to vector<16xi32>
      %add3A_812 = arith.addi %iota3A, %add3A_811 : vector<16xi32>
      %and3A_813 = arith.andi %add3A_812, %broadcast_in_dim3A_3 : vector<16xi32>
      %gather3A_814 = tpu.vector_load_idx %arg14[%add3A_246, %and3A_813] : memref<128x64xf32, #tpu.memory_space<vmem>>[vector<16xi32>, vector<16xi32>], vector<16xf32>,
      %gather3A_815 = tpu.vector_load_idx %arg16[%add3A_246, %and3A_813] : memref<128x64xf32, #tpu.memory_space<vmem>>[vector<16xi32>, vector<16xi32>], vector<16xf32>,
      %gather3A_816 = tpu.vector_load_idx %arg18[%add3A_246, %and3A_813] : memref<128x64xf32, #tpu.memory_space<vmem>>[vector<16xi32>, vector<16xi32>], vector<16xf32>,
      %mul3A_817 = arith.mulf %gather3A_814, %gather3A_815 : vector<16xf32>
      %add3A_818 = arith.addf %add3A_807, %mul3A_817 : vector<16xf32>
      %mul3A_819 = arith.mulf %gather3A_814, %gather3A_816 : vector<16xf32>
      %add3A_820 = arith.addf %add3A_809, %mul3A_819 : vector<16xf32>
      %add3A_821 = arith.constant 52 : i32
      %add3A_822 = vector.broadcast %add3A_821 : i32 to vector<16xi32>
      %add3A_823 = arith.addi %iota3A, %add3A_822 : vector<16xi32>
      %and3A_824 = arith.andi %add3A_823, %broadcast_in_dim3A_3 : vector<16xi32>
      %gather3A_825 = tpu.vector_load_idx %arg14[%add3A_246, %and3A_824] : memref<128x64xf32, #tpu.memory_space<vmem>>[vector<16xi32>, vector<16xi32>], vector<16xf32>,
      %gather3A_826 = tpu.vector_load_idx %arg16[%add3A_246, %and3A_824] : memref<128x64xf32, #tpu.memory_space<vmem>>[vector<16xi32>, vector<16xi32>], vector<16xf32>,
      %gather3A_827 = tpu.vector_load_idx %arg18[%add3A_246, %and3A_824] : memref<128x64xf32, #tpu.memory_space<vmem>>[vector<16xi32>, vector<16xi32>], vector<16xf32>,
      %mul3A_828 = arith.mulf %gather3A_825, %gather3A_826 : vector<16xf32>
      %add3A_829 = arith.addf %add3A_818, %mul3A_828 : vector<16xf32>
      %mul3A_830 = arith.mulf %gather3A_825, %gather3A_827 : vector<16xf32>
      %add3A_831 = arith.addf %add3A_820, %mul3A_830 : vector<16xf32>
      %add3A_832 = arith.constant 53 : i32
      %add3A_833 = vector.broadcast %add3A_832 : i32 to vector<16xi32>
      %add3A_834 = arith.addi %iota3A, %add3A_833 : vector<16xi32>
      %and3A_835 = arith.andi %add3A_834, %broadcast_in_dim3A_3 : vector<16xi32>
      %gather3A_836 = tpu.vector_load_idx %arg14[%add3A_246, %and3A_835] : memref<128x64xf32, #tpu.memory_space<vmem>>[vector<16xi32>, vector<16xi32>], vector<16xf32>,
      %gather3A_837 = tpu.vector_load_idx %arg16[%add3A_246, %and3A_835] : memref<128x64xf32, #tpu.memory_space<vmem>>[vector<16xi32>, vector<16xi32>], vector<16xf32>,
      %gather3A_838 = tpu.vector_load_idx %arg18[%add3A_246, %and3A_835] : memref<128x64xf32, #tpu.memory_space<vmem>>[vector<16xi32>, vector<16xi32>], vector<16xf32>,
      %mul3A_839 = arith.mulf %gather3A_836, %gather3A_837 : vector<16xf32>
      %add3A_840 = arith.addf %add3A_829, %mul3A_839 : vector<16xf32>
      %mul3A_841 = arith.mulf %gather3A_836, %gather3A_838 : vector<16xf32>
      %add3A_842 = arith.addf %add3A_831, %mul3A_841 : vector<16xf32>
      %add3A_843 = arith.constant 54 : i32
      %add3A_844 = vector.broadcast %add3A_843 : i32 to vector<16xi32>
      %add3A_845 = arith.addi %iota3A, %add3A_844 : vector<16xi32>
      %and3A_846 = arith.andi %add3A_845, %broadcast_in_dim3A_3 : vector<16xi32>
      %gather3A_847 = tpu.vector_load_idx %arg14[%add3A_246, %and3A_846] : memref<128x64xf32, #tpu.memory_space<vmem>>[vector<16xi32>, vector<16xi32>], vector<16xf32>,
      %gather3A_848 = tpu.vector_load_idx %arg16[%add3A_246, %and3A_846] : memref<128x64xf32, #tpu.memory_space<vmem>>[vector<16xi32>, vector<16xi32>], vector<16xf32>,
      %gather3A_849 = tpu.vector_load_idx %arg18[%add3A_246, %and3A_846] : memref<128x64xf32, #tpu.memory_space<vmem>>[vector<16xi32>, vector<16xi32>], vector<16xf32>,
      %mul3A_850 = arith.mulf %gather3A_847, %gather3A_848 : vector<16xf32>
      %add3A_851 = arith.addf %add3A_840, %mul3A_850 : vector<16xf32>
      %mul3A_852 = arith.mulf %gather3A_847, %gather3A_849 : vector<16xf32>
      %add3A_853 = arith.addf %add3A_842, %mul3A_852 : vector<16xf32>
      %add3A_854 = arith.constant 55 : i32
      %add3A_855 = vector.broadcast %add3A_854 : i32 to vector<16xi32>
      %add3A_856 = arith.addi %iota3A, %add3A_855 : vector<16xi32>
      %and3A_857 = arith.andi %add3A_856, %broadcast_in_dim3A_3 : vector<16xi32>
      %gather3A_858 = tpu.vector_load_idx %arg14[%add3A_246, %and3A_857] : memref<128x64xf32, #tpu.memory_space<vmem>>[vector<16xi32>, vector<16xi32>], vector<16xf32>,
      %gather3A_859 = tpu.vector_load_idx %arg16[%add3A_246, %and3A_857] : memref<128x64xf32, #tpu.memory_space<vmem>>[vector<16xi32>, vector<16xi32>], vector<16xf32>,
      %gather3A_860 = tpu.vector_load_idx %arg18[%add3A_246, %and3A_857] : memref<128x64xf32, #tpu.memory_space<vmem>>[vector<16xi32>, vector<16xi32>], vector<16xf32>,
      %mul3A_861 = arith.mulf %gather3A_858, %gather3A_859 : vector<16xf32>
      %add3A_862 = arith.addf %add3A_851, %mul3A_861 : vector<16xf32>
      %mul3A_863 = arith.mulf %gather3A_858, %gather3A_860 : vector<16xf32>
      %add3A_864 = arith.addf %add3A_853, %mul3A_863 : vector<16xf32>
      %add3A_865 = arith.constant 56 : i32
      %add3A_866 = vector.broadcast %add3A_865 : i32 to vector<16xi32>
      %add3A_867 = arith.addi %iota3A, %add3A_866 : vector<16xi32>
      %and3A_868 = arith.andi %add3A_867, %broadcast_in_dim3A_3 : vector<16xi32>
      %gather3A_869 = tpu.vector_load_idx %arg14[%add3A_246, %and3A_868] : memref<128x64xf32, #tpu.memory_space<vmem>>[vector<16xi32>, vector<16xi32>], vector<16xf32>,
      %gather3A_870 = tpu.vector_load_idx %arg16[%add3A_246, %and3A_868] : memref<128x64xf32, #tpu.memory_space<vmem>>[vector<16xi32>, vector<16xi32>], vector<16xf32>,
      %gather3A_871 = tpu.vector_load_idx %arg18[%add3A_246, %and3A_868] : memref<128x64xf32, #tpu.memory_space<vmem>>[vector<16xi32>, vector<16xi32>], vector<16xf32>,
      %mul3A_872 = arith.mulf %gather3A_869, %gather3A_870 : vector<16xf32>
      %add3A_873 = arith.addf %add3A_862, %mul3A_872 : vector<16xf32>
      %mul3A_874 = arith.mulf %gather3A_869, %gather3A_871 : vector<16xf32>
      %add3A_875 = arith.addf %add3A_864, %mul3A_874 : vector<16xf32>
      %add3A_876 = arith.constant 57 : i32
      %add3A_877 = vector.broadcast %add3A_876 : i32 to vector<16xi32>
      %add3A_878 = arith.addi %iota3A, %add3A_877 : vector<16xi32>
      %and3A_879 = arith.andi %add3A_878, %broadcast_in_dim3A_3 : vector<16xi32>
      %gather3A_880 = tpu.vector_load_idx %arg14[%add3A_246, %and3A_879] : memref<128x64xf32, #tpu.memory_space<vmem>>[vector<16xi32>, vector<16xi32>], vector<16xf32>,
      %gather3A_881 = tpu.vector_load_idx %arg16[%add3A_246, %and3A_879] : memref<128x64xf32, #tpu.memory_space<vmem>>[vector<16xi32>, vector<16xi32>], vector<16xf32>,
      %gather3A_882 = tpu.vector_load_idx %arg18[%add3A_246, %and3A_879] : memref<128x64xf32, #tpu.memory_space<vmem>>[vector<16xi32>, vector<16xi32>], vector<16xf32>,
      %mul3A_883 = arith.mulf %gather3A_880, %gather3A_881 : vector<16xf32>
      %add3A_884 = arith.addf %add3A_873, %mul3A_883 : vector<16xf32>
      %mul3A_885 = arith.mulf %gather3A_880, %gather3A_882 : vector<16xf32>
      %add3A_886 = arith.addf %add3A_875, %mul3A_885 : vector<16xf32>
      %add3A_887 = arith.constant 58 : i32
      %add3A_888 = vector.broadcast %add3A_887 : i32 to vector<16xi32>
      %add3A_889 = arith.addi %iota3A, %add3A_888 : vector<16xi32>
      %and3A_890 = arith.andi %add3A_889, %broadcast_in_dim3A_3 : vector<16xi32>
      %gather3A_891 = tpu.vector_load_idx %arg14[%add3A_246, %and3A_890] : memref<128x64xf32, #tpu.memory_space<vmem>>[vector<16xi32>, vector<16xi32>], vector<16xf32>,
      %gather3A_892 = tpu.vector_load_idx %arg16[%add3A_246, %and3A_890] : memref<128x64xf32, #tpu.memory_space<vmem>>[vector<16xi32>, vector<16xi32>], vector<16xf32>,
      %gather3A_893 = tpu.vector_load_idx %arg18[%add3A_246, %and3A_890] : memref<128x64xf32, #tpu.memory_space<vmem>>[vector<16xi32>, vector<16xi32>], vector<16xf32>,
      %mul3A_894 = arith.mulf %gather3A_891, %gather3A_892 : vector<16xf32>
      %add3A_895 = arith.addf %add3A_884, %mul3A_894 : vector<16xf32>
      %mul3A_896 = arith.mulf %gather3A_891, %gather3A_893 : vector<16xf32>
      %add3A_897 = arith.addf %add3A_886, %mul3A_896 : vector<16xf32>
      %add3A_898 = arith.constant 59 : i32
      %add3A_899 = vector.broadcast %add3A_898 : i32 to vector<16xi32>
      %add3A_900 = arith.addi %iota3A, %add3A_899 : vector<16xi32>
      %and3A_901 = arith.andi %add3A_900, %broadcast_in_dim3A_3 : vector<16xi32>
      %gather3A_902 = tpu.vector_load_idx %arg14[%add3A_246, %and3A_901] : memref<128x64xf32, #tpu.memory_space<vmem>>[vector<16xi32>, vector<16xi32>], vector<16xf32>,
      %gather3A_903 = tpu.vector_load_idx %arg16[%add3A_246, %and3A_901] : memref<128x64xf32, #tpu.memory_space<vmem>>[vector<16xi32>, vector<16xi32>], vector<16xf32>,
      %gather3A_904 = tpu.vector_load_idx %arg18[%add3A_246, %and3A_901] : memref<128x64xf32, #tpu.memory_space<vmem>>[vector<16xi32>, vector<16xi32>], vector<16xf32>,
      %mul3A_905 = arith.mulf %gather3A_902, %gather3A_903 : vector<16xf32>
      %add3A_906 = arith.addf %add3A_895, %mul3A_905 : vector<16xf32>
      %mul3A_907 = arith.mulf %gather3A_902, %gather3A_904 : vector<16xf32>
      %add3A_908 = arith.addf %add3A_897, %mul3A_907 : vector<16xf32>
      %add3A_909 = arith.constant 60 : i32
      %add3A_910 = vector.broadcast %add3A_909 : i32 to vector<16xi32>
      %add3A_911 = arith.addi %iota3A, %add3A_910 : vector<16xi32>
      %and3A_912 = arith.andi %add3A_911, %broadcast_in_dim3A_3 : vector<16xi32>
      %gather3A_913 = tpu.vector_load_idx %arg14[%add3A_246, %and3A_912] : memref<128x64xf32, #tpu.memory_space<vmem>>[vector<16xi32>, vector<16xi32>], vector<16xf32>,
      %gather3A_914 = tpu.vector_load_idx %arg16[%add3A_246, %and3A_912] : memref<128x64xf32, #tpu.memory_space<vmem>>[vector<16xi32>, vector<16xi32>], vector<16xf32>,
      %gather3A_915 = tpu.vector_load_idx %arg18[%add3A_246, %and3A_912] : memref<128x64xf32, #tpu.memory_space<vmem>>[vector<16xi32>, vector<16xi32>], vector<16xf32>,
      %mul3A_916 = arith.mulf %gather3A_913, %gather3A_914 : vector<16xf32>
      %add3A_917 = arith.addf %add3A_906, %mul3A_916 : vector<16xf32>
      %mul3A_918 = arith.mulf %gather3A_913, %gather3A_915 : vector<16xf32>
      %add3A_919 = arith.addf %add3A_908, %mul3A_918 : vector<16xf32>
      %add3A_920 = arith.constant 61 : i32
      %add3A_921 = vector.broadcast %add3A_920 : i32 to vector<16xi32>
      %add3A_922 = arith.addi %iota3A, %add3A_921 : vector<16xi32>
      %and3A_923 = arith.andi %add3A_922, %broadcast_in_dim3A_3 : vector<16xi32>
      %gather3A_924 = tpu.vector_load_idx %arg14[%add3A_246, %and3A_923] : memref<128x64xf32, #tpu.memory_space<vmem>>[vector<16xi32>, vector<16xi32>], vector<16xf32>,
      %gather3A_925 = tpu.vector_load_idx %arg16[%add3A_246, %and3A_923] : memref<128x64xf32, #tpu.memory_space<vmem>>[vector<16xi32>, vector<16xi32>], vector<16xf32>,
      %gather3A_926 = tpu.vector_load_idx %arg18[%add3A_246, %and3A_923] : memref<128x64xf32, #tpu.memory_space<vmem>>[vector<16xi32>, vector<16xi32>], vector<16xf32>,
      %mul3A_927 = arith.mulf %gather3A_924, %gather3A_925 : vector<16xf32>
      %add3A_928 = arith.addf %add3A_917, %mul3A_927 : vector<16xf32>
      %mul3A_929 = arith.mulf %gather3A_924, %gather3A_926 : vector<16xf32>
      %add3A_930 = arith.addf %add3A_919, %mul3A_929 : vector<16xf32>
      %add3A_931 = arith.constant 62 : i32
      %add3A_932 = vector.broadcast %add3A_931 : i32 to vector<16xi32>
      %add3A_933 = arith.addi %iota3A, %add3A_932 : vector<16xi32>
      %and3A_934 = arith.andi %add3A_933, %broadcast_in_dim3A_3 : vector<16xi32>
      %gather3A_935 = tpu.vector_load_idx %arg14[%add3A_246, %and3A_934] : memref<128x64xf32, #tpu.memory_space<vmem>>[vector<16xi32>, vector<16xi32>], vector<16xf32>,
      %gather3A_936 = tpu.vector_load_idx %arg16[%add3A_246, %and3A_934] : memref<128x64xf32, #tpu.memory_space<vmem>>[vector<16xi32>, vector<16xi32>], vector<16xf32>,
      %gather3A_937 = tpu.vector_load_idx %arg18[%add3A_246, %and3A_934] : memref<128x64xf32, #tpu.memory_space<vmem>>[vector<16xi32>, vector<16xi32>], vector<16xf32>,
      %mul3A_938 = arith.mulf %gather3A_935, %gather3A_936 : vector<16xf32>
      %add3A_939 = arith.addf %add3A_928, %mul3A_938 : vector<16xf32>
      %mul3A_940 = arith.mulf %gather3A_935, %gather3A_937 : vector<16xf32>
      %add3A_941 = arith.addf %add3A_930, %mul3A_940 : vector<16xf32>
      %add3A_942 = arith.constant 63 : i32
      %add3A_943 = vector.broadcast %add3A_942 : i32 to vector<16xi32>
      %add3A_944 = arith.addi %iota3A, %add3A_943 : vector<16xi32>
      %and3A_945 = arith.andi %add3A_944, %broadcast_in_dim3A_3 : vector<16xi32>
      %gather3A_946 = tpu.vector_load_idx %arg14[%add3A_246, %and3A_945] : memref<128x64xf32, #tpu.memory_space<vmem>>[vector<16xi32>, vector<16xi32>], vector<16xf32>,
      %gather3A_947 = tpu.vector_load_idx %arg16[%add3A_246, %and3A_945] : memref<128x64xf32, #tpu.memory_space<vmem>>[vector<16xi32>, vector<16xi32>], vector<16xf32>,
      %gather3A_948 = tpu.vector_load_idx %arg18[%add3A_246, %and3A_945] : memref<128x64xf32, #tpu.memory_space<vmem>>[vector<16xi32>, vector<16xi32>], vector<16xf32>,
      %mul3A_949 = arith.mulf %gather3A_946, %gather3A_947 : vector<16xf32>
      %add3A_950 = arith.addf %add3A_939, %mul3A_949 : vector<16xf32>
      %mul3A_951 = arith.mulf %gather3A_946, %gather3A_948 : vector<16xf32>
      %add3A_952 = arith.addf %add3A_941, %mul3A_951 : vector<16xf32>
      %get3A = arith.index_cast %mul3A_244 : i32 to index
      %get3A_953 = tpu.vector_load %arg20[%get3A] {strides = array<i32>} : memref<128xf32, #tpu.memory_space<vmem>>, vector<16xf32>,
      %add3A_954 = arith.addf %add3A_950, %get3A_953 : vector<16xf32>
      %get3A_955 = arith.index_cast %mul3A_244 : i32 to index
      %get3A_956 = tpu.vector_load %arg22[%get3A_955] {strides = array<i32>} : memref<128xf32, #tpu.memory_space<vmem>>, vector<16xf32>,
      %add3A_957 = arith.addf %add3A_954, %get3A_956 : vector<16xf32>
      %add3A_958 = arith.constant 128 : i32
      %add3A_959 = arith.addi %add3A_958, %mul3A_244 : i32
      %swap3A = arith.index_cast %add3A_959 : i32 to index
      %swap3A_960 = tpu.vector_load %arg25[%swap3A] {strides = array<i32>} : memref<512xf32, #tpu.memory_space<vmem>>, vector<16xf32>,
      tpu.vector_store %arg25[%swap3A], %add3A_957 {strides = array<i32>} : memref<512xf32, #tpu.memory_space<vmem>>, vector<16xf32>,
      %add3A_961 = arith.addf %add3A_952, %get3A_953 : vector<16xf32>
      %get3A_962 = arith.index_cast %mul3A_244 : i32 to index
      %get3A_963 = tpu.vector_load %arg24[%get3A_962] {strides = array<i32>} : memref<128xf32, #tpu.memory_space<vmem>>, vector<16xf32>,
      %add3A_964 = arith.addf %add3A_961, %get3A_963 : vector<16xf32>
      %add3A_965 = arith.constant 128 : i32
      %add3A_966 = arith.addi %add3A_965, %mul3A_244 : i32
      %swap3A_967 = arith.index_cast %add3A_966 : i32 to index
      %swap3A_968 = tpu.vector_load %arg26[%swap3A_967] {strides = array<i32>} : memref<512xf32, #tpu.memory_space<vmem>>, vector<16xf32>,
      tpu.vector_store %arg26[%swap3A_967], %add3A_964 {strides = array<i32>} : memref<512xf32, #tpu.memory_space<vmem>>, vector<16xf32>,
    }
    %scan3A_147 = arith.constant 8 : i32
    %dma_start3A_148 = arith.constant 384 : i32
    %dma_start3A_149 = tpu.memref_slice %arg10[%dma_start3A_148] : memref<512xi32, #tpu.memory_space<vmem>> -> memref<128xi32, #tpu.memory_space<vmem>>
    %dma_start3A_150 = arith.constant 0 : i32
    %dma_start3A_151 = arith.constant 0 : i32
    %dma_start3A_152 = tpu.memref_slice %arg2[%dma_start3A_150, %dma_start3A_151] : memref<100000x64xf32, #tpu.memory_space<hbm>> -> memref<100000x64xf32, #tpu.memory_space<hbm>>
    tpu.enqueue_indirect_dma source(%dma_start3A_152 : memref<100000x64xf32, #tpu.memory_space<hbm>>) target(%arg14 : memref<128x64xf32, #tpu.memory_space<vmem>>) offsets(%dma_start3A_149 : memref<128xi32, #tpu.memory_space<vmem>>) semaphore(%arg28 : memref<!tpu.dma_semaphore, #tpu.memory_space<semaphore_mem>>)
    %dma_start3A_153 = arith.constant 384 : i32
    %dma_start3A_154 = tpu.memref_slice %arg11[%dma_start3A_153] : memref<512xi32, #tpu.memory_space<vmem>> -> memref<128xi32, #tpu.memory_space<vmem>>
    %dma_start3A_155 = arith.constant 0 : i32
    %dma_start3A_156 = arith.constant 0 : i32
    %dma_start3A_157 = tpu.memref_slice %arg3[%dma_start3A_155, %dma_start3A_156] : memref<100000x64xf32, #tpu.memory_space<hbm>> -> memref<100000x64xf32, #tpu.memory_space<hbm>>
    tpu.enqueue_indirect_dma source(%dma_start3A_157 : memref<100000x64xf32, #tpu.memory_space<hbm>>) target(%arg16 : memref<128x64xf32, #tpu.memory_space<vmem>>) offsets(%dma_start3A_154 : memref<128xi32, #tpu.memory_space<vmem>>) semaphore(%arg30 : memref<!tpu.dma_semaphore, #tpu.memory_space<semaphore_mem>>)
    %dma_start3A_158 = arith.constant 384 : i32
    %dma_start3A_159 = tpu.memref_slice %arg12[%dma_start3A_158] : memref<512xi32, #tpu.memory_space<vmem>> -> memref<128xi32, #tpu.memory_space<vmem>>
    %dma_start3A_160 = arith.constant 0 : i32
    %dma_start3A_161 = arith.constant 0 : i32
    %dma_start3A_162 = tpu.memref_slice %arg3[%dma_start3A_160, %dma_start3A_161] : memref<100000x64xf32, #tpu.memory_space<hbm>> -> memref<100000x64xf32, #tpu.memory_space<hbm>>
    tpu.enqueue_indirect_dma source(%dma_start3A_162 : memref<100000x64xf32, #tpu.memory_space<hbm>>) target(%arg18 : memref<128x64xf32, #tpu.memory_space<vmem>>) offsets(%dma_start3A_159 : memref<128xi32, #tpu.memory_space<vmem>>) semaphore(%arg32 : memref<!tpu.dma_semaphore, #tpu.memory_space<semaphore_mem>>)
    %dma_start3A_163 = arith.constant 384 : i32
    %dma_start3A_164 = tpu.memref_slice %arg10[%dma_start3A_163] : memref<512xi32, #tpu.memory_space<vmem>> -> memref<128xi32, #tpu.memory_space<vmem>>
    %dma_start3A_165 = arith.constant 0 : i32
    %dma_start3A_166 = tpu.memref_slice %arg4[%dma_start3A_165] : memref<100000xf32, #tpu.memory_space<hbm>> -> memref<100000xf32, #tpu.memory_space<hbm>>
    tpu.enqueue_indirect_dma source(%dma_start3A_166 : memref<100000xf32, #tpu.memory_space<hbm>>) target(%arg20 : memref<128xf32, #tpu.memory_space<vmem>>) offsets(%dma_start3A_164 : memref<128xi32, #tpu.memory_space<vmem>>) semaphore(%arg28 : memref<!tpu.dma_semaphore, #tpu.memory_space<semaphore_mem>>)
    %dma_start3A_167 = arith.constant 384 : i32
    %dma_start3A_168 = tpu.memref_slice %arg11[%dma_start3A_167] : memref<512xi32, #tpu.memory_space<vmem>> -> memref<128xi32, #tpu.memory_space<vmem>>
    %dma_start3A_169 = arith.constant 0 : i32
    %dma_start3A_170 = tpu.memref_slice %arg5[%dma_start3A_169] : memref<100000xf32, #tpu.memory_space<hbm>> -> memref<100000xf32, #tpu.memory_space<hbm>>
    tpu.enqueue_indirect_dma source(%dma_start3A_170 : memref<100000xf32, #tpu.memory_space<hbm>>) target(%arg22 : memref<128xf32, #tpu.memory_space<vmem>>) offsets(%dma_start3A_168 : memref<128xi32, #tpu.memory_space<vmem>>) semaphore(%arg30 : memref<!tpu.dma_semaphore, #tpu.memory_space<semaphore_mem>>)
    %dma_start3A_171 = arith.constant 384 : i32
    %dma_start3A_172 = tpu.memref_slice %arg12[%dma_start3A_171] : memref<512xi32, #tpu.memory_space<vmem>> -> memref<128xi32, #tpu.memory_space<vmem>>
    %dma_start3A_173 = arith.constant 0 : i32
    %dma_start3A_174 = tpu.memref_slice %arg5[%dma_start3A_173] : memref<100000xf32, #tpu.memory_space<hbm>> -> memref<100000xf32, #tpu.memory_space<hbm>>
    tpu.enqueue_indirect_dma source(%dma_start3A_174 : memref<100000xf32, #tpu.memory_space<hbm>>) target(%arg24 : memref<128xf32, #tpu.memory_space<vmem>>) offsets(%dma_start3A_172 : memref<128xi32, #tpu.memory_space<vmem>>) semaphore(%arg32 : memref<!tpu.dma_semaphore, #tpu.memory_space<semaphore_mem>>)
    %dma_wait3A_175 = arith.constant 256 : i32
    %dma_wait3A_176 = tpu.memref_slice %arg10[%dma_wait3A_175] : memref<512xi32, #tpu.memory_space<vmem>> -> memref<128xi32, #tpu.memory_space<vmem>>
    %dma_wait3A_177 = arith.constant 0 : i32
    %dma_wait3A_178 = arith.constant 0 : i32
    %dma_wait3A_179 = tpu.memref_slice %arg2[%dma_wait3A_177, %dma_wait3A_178] : memref<100000x64xf32, #tpu.memory_space<hbm>> -> memref<100000x64xf32, #tpu.memory_space<hbm>>
    tpu.wait_indirect_dma semaphore(%arg27 : memref<!tpu.dma_semaphore, #tpu.memory_space<semaphore_mem>>) src(%dma_wait3A_179 : memref<100000x64xf32, #tpu.memory_space<hbm>>) dst(%arg13 : memref<128x64xf32, #tpu.memory_space<vmem>>)
    %dma_wait3A_180 = arith.constant 256 : i32
    %dma_wait3A_181 = tpu.memref_slice %arg11[%dma_wait3A_180] : memref<512xi32, #tpu.memory_space<vmem>> -> memref<128xi32, #tpu.memory_space<vmem>>
    %dma_wait3A_182 = arith.constant 0 : i32
    %dma_wait3A_183 = arith.constant 0 : i32
    %dma_wait3A_184 = tpu.memref_slice %arg3[%dma_wait3A_182, %dma_wait3A_183] : memref<100000x64xf32, #tpu.memory_space<hbm>> -> memref<100000x64xf32, #tpu.memory_space<hbm>>
    tpu.wait_indirect_dma semaphore(%arg29 : memref<!tpu.dma_semaphore, #tpu.memory_space<semaphore_mem>>) src(%dma_wait3A_184 : memref<100000x64xf32, #tpu.memory_space<hbm>>) dst(%arg15 : memref<128x64xf32, #tpu.memory_space<vmem>>)
    %dma_wait3A_185 = arith.constant 256 : i32
    %dma_wait3A_186 = tpu.memref_slice %arg12[%dma_wait3A_185] : memref<512xi32, #tpu.memory_space<vmem>> -> memref<128xi32, #tpu.memory_space<vmem>>
    %dma_wait3A_187 = arith.constant 0 : i32
    %dma_wait3A_188 = arith.constant 0 : i32
    %dma_wait3A_189 = tpu.memref_slice %arg3[%dma_wait3A_187, %dma_wait3A_188] : memref<100000x64xf32, #tpu.memory_space<hbm>> -> memref<100000x64xf32, #tpu.memory_space<hbm>>
    tpu.wait_indirect_dma semaphore(%arg31 : memref<!tpu.dma_semaphore, #tpu.memory_space<semaphore_mem>>) src(%dma_wait3A_189 : memref<100000x64xf32, #tpu.memory_space<hbm>>) dst(%arg17 : memref<128x64xf32, #tpu.memory_space<vmem>>)
    %dma_wait3A_190 = arith.constant 256 : i32
    %dma_wait3A_191 = tpu.memref_slice %arg10[%dma_wait3A_190] : memref<512xi32, #tpu.memory_space<vmem>> -> memref<128xi32, #tpu.memory_space<vmem>>
    %dma_wait3A_192 = arith.constant 0 : i32
    %dma_wait3A_193 = tpu.memref_slice %arg4[%dma_wait3A_192] : memref<100000xf32, #tpu.memory_space<hbm>> -> memref<100000xf32, #tpu.memory_space<hbm>>
    tpu.wait_indirect_dma semaphore(%arg27 : memref<!tpu.dma_semaphore, #tpu.memory_space<semaphore_mem>>) src(%dma_wait3A_193 : memref<100000xf32, #tpu.memory_space<hbm>>) dst(%arg19 : memref<128xf32, #tpu.memory_space<vmem>>)
    %dma_wait3A_194 = arith.constant 256 : i32
    %dma_wait3A_195 = tpu.memref_slice %arg11[%dma_wait3A_194] : memref<512xi32, #tpu.memory_space<vmem>> -> memref<128xi32, #tpu.memory_space<vmem>>
    %dma_wait3A_196 = arith.constant 0 : i32
    %dma_wait3A_197 = tpu.memref_slice %arg5[%dma_wait3A_196] : memref<100000xf32, #tpu.memory_space<hbm>> -> memref<100000xf32, #tpu.memory_space<hbm>>
    tpu.wait_indirect_dma semaphore(%arg29 : memref<!tpu.dma_semaphore, #tpu.memory_space<semaphore_mem>>) src(%dma_wait3A_197 : memref<100000xf32, #tpu.memory_space<hbm>>) dst(%arg21 : memref<128xf32, #tpu.memory_space<vmem>>)
    %dma_wait3A_198 = arith.constant 256 : i32
    %dma_wait3A_199 = tpu.memref_slice %arg12[%dma_wait3A_198] : memref<512xi32, #tpu.memory_space<vmem>> -> memref<128xi32, #tpu.memory_space<vmem>>
    %dma_wait3A_200 = arith.constant 0 : i32
    %dma_wait3A_201 = tpu.memref_slice %arg5[%dma_wait3A_200] : memref<100000xf32, #tpu.memory_space<hbm>> -> memref<100000xf32, #tpu.memory_space<hbm>>
    tpu.wait_indirect_dma semaphore(%arg31 : memref<!tpu.dma_semaphore, #tpu.memory_space<semaphore_mem>>) src(%dma_wait3A_201 : memref<100000xf32, #tpu.memory_space<hbm>>) dst(%arg23 : memref<128xf32, #tpu.memory_space<vmem>>)
    %scan3A_202 = arith.constant 0 : i32
    %scan3A_203 = arith.constant 0 : i32
    %scan3A_204 = arith.constant 8 : i32
    %scan3A_205 = arith.addi %scan3A_203, %scan3A_204 : i32
    %scan3A_206 = arith.constant 1 : i32
    scf.for %scan3A_242 = %scan3A_203 to %scan3A_205 step %scan3A_206  : i32 {
      %mul3A_243 = arith.constant 16 : i32
      %mul3A_244 = arith.muli %scan3A_242, %mul3A_243 : i32
      %add3A_245 = vector.broadcast %mul3A_244 : i32 to vector<16xi32>
      %add3A_246 = arith.addi %add3A_245, %iota3A : vector<16xi32>
      %broadcast_in_dim3A_247 = arith.constant 0.000000e+00 : f32
      %broadcast_in_dim3A_248 = vector.broadcast %broadcast_in_dim3A_247 : f32 to vector<16xf32>
      %broadcast_in_dim3A_249 = arith.constant 0.000000e+00 : f32
      %broadcast_in_dim3A_250 = vector.broadcast %broadcast_in_dim3A_249 : f32 to vector<16xf32>
      %add3A_251 = arith.constant 0 : i32
      %add3A_252 = vector.broadcast %add3A_251 : i32 to vector<16xi32>
      %add3A_253 = arith.addi %iota3A, %add3A_252 : vector<16xi32>
      %and3A = arith.andi %add3A_253, %broadcast_in_dim3A_3 : vector<16xi32>
      %gather3A = tpu.vector_load_idx %arg13[%add3A_246, %and3A] : memref<128x64xf32, #tpu.memory_space<vmem>>[vector<16xi32>, vector<16xi32>], vector<16xf32>,
      %gather3A_254 = tpu.vector_load_idx %arg15[%add3A_246, %and3A] : memref<128x64xf32, #tpu.memory_space<vmem>>[vector<16xi32>, vector<16xi32>], vector<16xf32>,
      %gather3A_255 = tpu.vector_load_idx %arg17[%add3A_246, %and3A] : memref<128x64xf32, #tpu.memory_space<vmem>>[vector<16xi32>, vector<16xi32>], vector<16xf32>,
      %mul3A_256 = arith.mulf %gather3A, %gather3A_254 : vector<16xf32>
      %add3A_257 = arith.addf %broadcast_in_dim3A_248, %mul3A_256 : vector<16xf32>
      %mul3A_258 = arith.mulf %gather3A, %gather3A_255 : vector<16xf32>
      %add3A_259 = arith.addf %broadcast_in_dim3A_250, %mul3A_258 : vector<16xf32>
      %add3A_260 = arith.constant 1 : i32
      %add3A_261 = vector.broadcast %add3A_260 : i32 to vector<16xi32>
      %add3A_262 = arith.addi %iota3A, %add3A_261 : vector<16xi32>
      %and3A_263 = arith.andi %add3A_262, %broadcast_in_dim3A_3 : vector<16xi32>
      %gather3A_264 = tpu.vector_load_idx %arg13[%add3A_246, %and3A_263] : memref<128x64xf32, #tpu.memory_space<vmem>>[vector<16xi32>, vector<16xi32>], vector<16xf32>,
      %gather3A_265 = tpu.vector_load_idx %arg15[%add3A_246, %and3A_263] : memref<128x64xf32, #tpu.memory_space<vmem>>[vector<16xi32>, vector<16xi32>], vector<16xf32>,
      %gather3A_266 = tpu.vector_load_idx %arg17[%add3A_246, %and3A_263] : memref<128x64xf32, #tpu.memory_space<vmem>>[vector<16xi32>, vector<16xi32>], vector<16xf32>,
      %mul3A_267 = arith.mulf %gather3A_264, %gather3A_265 : vector<16xf32>
      %add3A_268 = arith.addf %add3A_257, %mul3A_267 : vector<16xf32>
      %mul3A_269 = arith.mulf %gather3A_264, %gather3A_266 : vector<16xf32>
      %add3A_270 = arith.addf %add3A_259, %mul3A_269 : vector<16xf32>
      %add3A_271 = arith.constant 2 : i32
      %add3A_272 = vector.broadcast %add3A_271 : i32 to vector<16xi32>
      %add3A_273 = arith.addi %iota3A, %add3A_272 : vector<16xi32>
      %and3A_274 = arith.andi %add3A_273, %broadcast_in_dim3A_3 : vector<16xi32>
      %gather3A_275 = tpu.vector_load_idx %arg13[%add3A_246, %and3A_274] : memref<128x64xf32, #tpu.memory_space<vmem>>[vector<16xi32>, vector<16xi32>], vector<16xf32>,
      %gather3A_276 = tpu.vector_load_idx %arg15[%add3A_246, %and3A_274] : memref<128x64xf32, #tpu.memory_space<vmem>>[vector<16xi32>, vector<16xi32>], vector<16xf32>,
      %gather3A_277 = tpu.vector_load_idx %arg17[%add3A_246, %and3A_274] : memref<128x64xf32, #tpu.memory_space<vmem>>[vector<16xi32>, vector<16xi32>], vector<16xf32>,
      %mul3A_278 = arith.mulf %gather3A_275, %gather3A_276 : vector<16xf32>
      %add3A_279 = arith.addf %add3A_268, %mul3A_278 : vector<16xf32>
      %mul3A_280 = arith.mulf %gather3A_275, %gather3A_277 : vector<16xf32>
      %add3A_281 = arith.addf %add3A_270, %mul3A_280 : vector<16xf32>
      %add3A_282 = arith.constant 3 : i32
      %add3A_283 = vector.broadcast %add3A_282 : i32 to vector<16xi32>
      %add3A_284 = arith.addi %iota3A, %add3A_283 : vector<16xi32>
      %and3A_285 = arith.andi %add3A_284, %broadcast_in_dim3A_3 : vector<16xi32>
      %gather3A_286 = tpu.vector_load_idx %arg13[%add3A_246, %and3A_285] : memref<128x64xf32, #tpu.memory_space<vmem>>[vector<16xi32>, vector<16xi32>], vector<16xf32>,
      %gather3A_287 = tpu.vector_load_idx %arg15[%add3A_246, %and3A_285] : memref<128x64xf32, #tpu.memory_space<vmem>>[vector<16xi32>, vector<16xi32>], vector<16xf32>,
      %gather3A_288 = tpu.vector_load_idx %arg17[%add3A_246, %and3A_285] : memref<128x64xf32, #tpu.memory_space<vmem>>[vector<16xi32>, vector<16xi32>], vector<16xf32>,
      %mul3A_289 = arith.mulf %gather3A_286, %gather3A_287 : vector<16xf32>
      %add3A_290 = arith.addf %add3A_279, %mul3A_289 : vector<16xf32>
      %mul3A_291 = arith.mulf %gather3A_286, %gather3A_288 : vector<16xf32>
      %add3A_292 = arith.addf %add3A_281, %mul3A_291 : vector<16xf32>
      %add3A_293 = arith.constant 4 : i32
      %add3A_294 = vector.broadcast %add3A_293 : i32 to vector<16xi32>
      %add3A_295 = arith.addi %iota3A, %add3A_294 : vector<16xi32>
      %and3A_296 = arith.andi %add3A_295, %broadcast_in_dim3A_3 : vector<16xi32>
      %gather3A_297 = tpu.vector_load_idx %arg13[%add3A_246, %and3A_296] : memref<128x64xf32, #tpu.memory_space<vmem>>[vector<16xi32>, vector<16xi32>], vector<16xf32>,
      %gather3A_298 = tpu.vector_load_idx %arg15[%add3A_246, %and3A_296] : memref<128x64xf32, #tpu.memory_space<vmem>>[vector<16xi32>, vector<16xi32>], vector<16xf32>,
      %gather3A_299 = tpu.vector_load_idx %arg17[%add3A_246, %and3A_296] : memref<128x64xf32, #tpu.memory_space<vmem>>[vector<16xi32>, vector<16xi32>], vector<16xf32>,
      %mul3A_300 = arith.mulf %gather3A_297, %gather3A_298 : vector<16xf32>
      %add3A_301 = arith.addf %add3A_290, %mul3A_300 : vector<16xf32>
      %mul3A_302 = arith.mulf %gather3A_297, %gather3A_299 : vector<16xf32>
      %add3A_303 = arith.addf %add3A_292, %mul3A_302 : vector<16xf32>
      %add3A_304 = arith.constant 5 : i32
      %add3A_305 = vector.broadcast %add3A_304 : i32 to vector<16xi32>
      %add3A_306 = arith.addi %iota3A, %add3A_305 : vector<16xi32>
      %and3A_307 = arith.andi %add3A_306, %broadcast_in_dim3A_3 : vector<16xi32>
      %gather3A_308 = tpu.vector_load_idx %arg13[%add3A_246, %and3A_307] : memref<128x64xf32, #tpu.memory_space<vmem>>[vector<16xi32>, vector<16xi32>], vector<16xf32>,
      %gather3A_309 = tpu.vector_load_idx %arg15[%add3A_246, %and3A_307] : memref<128x64xf32, #tpu.memory_space<vmem>>[vector<16xi32>, vector<16xi32>], vector<16xf32>,
      %gather3A_310 = tpu.vector_load_idx %arg17[%add3A_246, %and3A_307] : memref<128x64xf32, #tpu.memory_space<vmem>>[vector<16xi32>, vector<16xi32>], vector<16xf32>,
      %mul3A_311 = arith.mulf %gather3A_308, %gather3A_309 : vector<16xf32>
      %add3A_312 = arith.addf %add3A_301, %mul3A_311 : vector<16xf32>
      %mul3A_313 = arith.mulf %gather3A_308, %gather3A_310 : vector<16xf32>
      %add3A_314 = arith.addf %add3A_303, %mul3A_313 : vector<16xf32>
      %add3A_315 = arith.constant 6 : i32
      %add3A_316 = vector.broadcast %add3A_315 : i32 to vector<16xi32>
      %add3A_317 = arith.addi %iota3A, %add3A_316 : vector<16xi32>
      %and3A_318 = arith.andi %add3A_317, %broadcast_in_dim3A_3 : vector<16xi32>
      %gather3A_319 = tpu.vector_load_idx %arg13[%add3A_246, %and3A_318] : memref<128x64xf32, #tpu.memory_space<vmem>>[vector<16xi32>, vector<16xi32>], vector<16xf32>,
      %gather3A_320 = tpu.vector_load_idx %arg15[%add3A_246, %and3A_318] : memref<128x64xf32, #tpu.memory_space<vmem>>[vector<16xi32>, vector<16xi32>], vector<16xf32>,
      %gather3A_321 = tpu.vector_load_idx %arg17[%add3A_246, %and3A_318] : memref<128x64xf32, #tpu.memory_space<vmem>>[vector<16xi32>, vector<16xi32>], vector<16xf32>,
      %mul3A_322 = arith.mulf %gather3A_319, %gather3A_320 : vector<16xf32>
      %add3A_323 = arith.addf %add3A_312, %mul3A_322 : vector<16xf32>
      %mul3A_324 = arith.mulf %gather3A_319, %gather3A_321 : vector<16xf32>
      %add3A_325 = arith.addf %add3A_314, %mul3A_324 : vector<16xf32>
      %add3A_326 = arith.constant 7 : i32
      %add3A_327 = vector.broadcast %add3A_326 : i32 to vector<16xi32>
      %add3A_328 = arith.addi %iota3A, %add3A_327 : vector<16xi32>
      %and3A_329 = arith.andi %add3A_328, %broadcast_in_dim3A_3 : vector<16xi32>
      %gather3A_330 = tpu.vector_load_idx %arg13[%add3A_246, %and3A_329] : memref<128x64xf32, #tpu.memory_space<vmem>>[vector<16xi32>, vector<16xi32>], vector<16xf32>,
      %gather3A_331 = tpu.vector_load_idx %arg15[%add3A_246, %and3A_329] : memref<128x64xf32, #tpu.memory_space<vmem>>[vector<16xi32>, vector<16xi32>], vector<16xf32>,
      %gather3A_332 = tpu.vector_load_idx %arg17[%add3A_246, %and3A_329] : memref<128x64xf32, #tpu.memory_space<vmem>>[vector<16xi32>, vector<16xi32>], vector<16xf32>,
      %mul3A_333 = arith.mulf %gather3A_330, %gather3A_331 : vector<16xf32>
      %add3A_334 = arith.addf %add3A_323, %mul3A_333 : vector<16xf32>
      %mul3A_335 = arith.mulf %gather3A_330, %gather3A_332 : vector<16xf32>
      %add3A_336 = arith.addf %add3A_325, %mul3A_335 : vector<16xf32>
      %add3A_337 = arith.constant 8 : i32
      %add3A_338 = vector.broadcast %add3A_337 : i32 to vector<16xi32>
      %add3A_339 = arith.addi %iota3A, %add3A_338 : vector<16xi32>
      %and3A_340 = arith.andi %add3A_339, %broadcast_in_dim3A_3 : vector<16xi32>
      %gather3A_341 = tpu.vector_load_idx %arg13[%add3A_246, %and3A_340] : memref<128x64xf32, #tpu.memory_space<vmem>>[vector<16xi32>, vector<16xi32>], vector<16xf32>,
      %gather3A_342 = tpu.vector_load_idx %arg15[%add3A_246, %and3A_340] : memref<128x64xf32, #tpu.memory_space<vmem>>[vector<16xi32>, vector<16xi32>], vector<16xf32>,
      %gather3A_343 = tpu.vector_load_idx %arg17[%add3A_246, %and3A_340] : memref<128x64xf32, #tpu.memory_space<vmem>>[vector<16xi32>, vector<16xi32>], vector<16xf32>,
      %mul3A_344 = arith.mulf %gather3A_341, %gather3A_342 : vector<16xf32>
      %add3A_345 = arith.addf %add3A_334, %mul3A_344 : vector<16xf32>
      %mul3A_346 = arith.mulf %gather3A_341, %gather3A_343 : vector<16xf32>
      %add3A_347 = arith.addf %add3A_336, %mul3A_346 : vector<16xf32>
      %add3A_348 = arith.constant 9 : i32
      %add3A_349 = vector.broadcast %add3A_348 : i32 to vector<16xi32>
      %add3A_350 = arith.addi %iota3A, %add3A_349 : vector<16xi32>
      %and3A_351 = arith.andi %add3A_350, %broadcast_in_dim3A_3 : vector<16xi32>
      %gather3A_352 = tpu.vector_load_idx %arg13[%add3A_246, %and3A_351] : memref<128x64xf32, #tpu.memory_space<vmem>>[vector<16xi32>, vector<16xi32>], vector<16xf32>,
      %gather3A_353 = tpu.vector_load_idx %arg15[%add3A_246, %and3A_351] : memref<128x64xf32, #tpu.memory_space<vmem>>[vector<16xi32>, vector<16xi32>], vector<16xf32>,
      %gather3A_354 = tpu.vector_load_idx %arg17[%add3A_246, %and3A_351] : memref<128x64xf32, #tpu.memory_space<vmem>>[vector<16xi32>, vector<16xi32>], vector<16xf32>,
      %mul3A_355 = arith.mulf %gather3A_352, %gather3A_353 : vector<16xf32>
      %add3A_356 = arith.addf %add3A_345, %mul3A_355 : vector<16xf32>
      %mul3A_357 = arith.mulf %gather3A_352, %gather3A_354 : vector<16xf32>
      %add3A_358 = arith.addf %add3A_347, %mul3A_357 : vector<16xf32>
      %add3A_359 = arith.constant 10 : i32
      %add3A_360 = vector.broadcast %add3A_359 : i32 to vector<16xi32>
      %add3A_361 = arith.addi %iota3A, %add3A_360 : vector<16xi32>
      %and3A_362 = arith.andi %add3A_361, %broadcast_in_dim3A_3 : vector<16xi32>
      %gather3A_363 = tpu.vector_load_idx %arg13[%add3A_246, %and3A_362] : memref<128x64xf32, #tpu.memory_space<vmem>>[vector<16xi32>, vector<16xi32>], vector<16xf32>,
      %gather3A_364 = tpu.vector_load_idx %arg15[%add3A_246, %and3A_362] : memref<128x64xf32, #tpu.memory_space<vmem>>[vector<16xi32>, vector<16xi32>], vector<16xf32>,
      %gather3A_365 = tpu.vector_load_idx %arg17[%add3A_246, %and3A_362] : memref<128x64xf32, #tpu.memory_space<vmem>>[vector<16xi32>, vector<16xi32>], vector<16xf32>,
      %mul3A_366 = arith.mulf %gather3A_363, %gather3A_364 : vector<16xf32>
      %add3A_367 = arith.addf %add3A_356, %mul3A_366 : vector<16xf32>
      %mul3A_368 = arith.mulf %gather3A_363, %gather3A_365 : vector<16xf32>
      %add3A_369 = arith.addf %add3A_358, %mul3A_368 : vector<16xf32>
      %add3A_370 = arith.constant 11 : i32
      %add3A_371 = vector.broadcast %add3A_370 : i32 to vector<16xi32>
      %add3A_372 = arith.addi %iota3A, %add3A_371 : vector<16xi32>
      %and3A_373 = arith.andi %add3A_372, %broadcast_in_dim3A_3 : vector<16xi32>
      %gather3A_374 = tpu.vector_load_idx %arg13[%add3A_246, %and3A_373] : memref<128x64xf32, #tpu.memory_space<vmem>>[vector<16xi32>, vector<16xi32>], vector<16xf32>,
      %gather3A_375 = tpu.vector_load_idx %arg15[%add3A_246, %and3A_373] : memref<128x64xf32, #tpu.memory_space<vmem>>[vector<16xi32>, vector<16xi32>], vector<16xf32>,
      %gather3A_376 = tpu.vector_load_idx %arg17[%add3A_246, %and3A_373] : memref<128x64xf32, #tpu.memory_space<vmem>>[vector<16xi32>, vector<16xi32>], vector<16xf32>,
      %mul3A_377 = arith.mulf %gather3A_374, %gather3A_375 : vector<16xf32>
      %add3A_378 = arith.addf %add3A_367, %mul3A_377 : vector<16xf32>
      %mul3A_379 = arith.mulf %gather3A_374, %gather3A_376 : vector<16xf32>
      %add3A_380 = arith.addf %add3A_369, %mul3A_379 : vector<16xf32>
      %add3A_381 = arith.constant 12 : i32
      %add3A_382 = vector.broadcast %add3A_381 : i32 to vector<16xi32>
      %add3A_383 = arith.addi %iota3A, %add3A_382 : vector<16xi32>
      %and3A_384 = arith.andi %add3A_383, %broadcast_in_dim3A_3 : vector<16xi32>
      %gather3A_385 = tpu.vector_load_idx %arg13[%add3A_246, %and3A_384] : memref<128x64xf32, #tpu.memory_space<vmem>>[vector<16xi32>, vector<16xi32>], vector<16xf32>,
      %gather3A_386 = tpu.vector_load_idx %arg15[%add3A_246, %and3A_384] : memref<128x64xf32, #tpu.memory_space<vmem>>[vector<16xi32>, vector<16xi32>], vector<16xf32>,
      %gather3A_387 = tpu.vector_load_idx %arg17[%add3A_246, %and3A_384] : memref<128x64xf32, #tpu.memory_space<vmem>>[vector<16xi32>, vector<16xi32>], vector<16xf32>,
      %mul3A_388 = arith.mulf %gather3A_385, %gather3A_386 : vector<16xf32>
      %add3A_389 = arith.addf %add3A_378, %mul3A_388 : vector<16xf32>
      %mul3A_390 = arith.mulf %gather3A_385, %gather3A_387 : vector<16xf32>
      %add3A_391 = arith.addf %add3A_380, %mul3A_390 : vector<16xf32>
      %add3A_392 = arith.constant 13 : i32
      %add3A_393 = vector.broadcast %add3A_392 : i32 to vector<16xi32>
      %add3A_394 = arith.addi %iota3A, %add3A_393 : vector<16xi32>
      %and3A_395 = arith.andi %add3A_394, %broadcast_in_dim3A_3 : vector<16xi32>
      %gather3A_396 = tpu.vector_load_idx %arg13[%add3A_246, %and3A_395] : memref<128x64xf32, #tpu.memory_space<vmem>>[vector<16xi32>, vector<16xi32>], vector<16xf32>,
      %gather3A_397 = tpu.vector_load_idx %arg15[%add3A_246, %and3A_395] : memref<128x64xf32, #tpu.memory_space<vmem>>[vector<16xi32>, vector<16xi32>], vector<16xf32>,
      %gather3A_398 = tpu.vector_load_idx %arg17[%add3A_246, %and3A_395] : memref<128x64xf32, #tpu.memory_space<vmem>>[vector<16xi32>, vector<16xi32>], vector<16xf32>,
      %mul3A_399 = arith.mulf %gather3A_396, %gather3A_397 : vector<16xf32>
      %add3A_400 = arith.addf %add3A_389, %mul3A_399 : vector<16xf32>
      %mul3A_401 = arith.mulf %gather3A_396, %gather3A_398 : vector<16xf32>
      %add3A_402 = arith.addf %add3A_391, %mul3A_401 : vector<16xf32>
      %add3A_403 = arith.constant 14 : i32
      %add3A_404 = vector.broadcast %add3A_403 : i32 to vector<16xi32>
      %add3A_405 = arith.addi %iota3A, %add3A_404 : vector<16xi32>
      %and3A_406 = arith.andi %add3A_405, %broadcast_in_dim3A_3 : vector<16xi32>
      %gather3A_407 = tpu.vector_load_idx %arg13[%add3A_246, %and3A_406] : memref<128x64xf32, #tpu.memory_space<vmem>>[vector<16xi32>, vector<16xi32>], vector<16xf32>,
      %gather3A_408 = tpu.vector_load_idx %arg15[%add3A_246, %and3A_406] : memref<128x64xf32, #tpu.memory_space<vmem>>[vector<16xi32>, vector<16xi32>], vector<16xf32>,
      %gather3A_409 = tpu.vector_load_idx %arg17[%add3A_246, %and3A_406] : memref<128x64xf32, #tpu.memory_space<vmem>>[vector<16xi32>, vector<16xi32>], vector<16xf32>,
      %mul3A_410 = arith.mulf %gather3A_407, %gather3A_408 : vector<16xf32>
      %add3A_411 = arith.addf %add3A_400, %mul3A_410 : vector<16xf32>
      %mul3A_412 = arith.mulf %gather3A_407, %gather3A_409 : vector<16xf32>
      %add3A_413 = arith.addf %add3A_402, %mul3A_412 : vector<16xf32>
      %add3A_414 = arith.constant 15 : i32
      %add3A_415 = vector.broadcast %add3A_414 : i32 to vector<16xi32>
      %add3A_416 = arith.addi %iota3A, %add3A_415 : vector<16xi32>
      %and3A_417 = arith.andi %add3A_416, %broadcast_in_dim3A_3 : vector<16xi32>
      %gather3A_418 = tpu.vector_load_idx %arg13[%add3A_246, %and3A_417] : memref<128x64xf32, #tpu.memory_space<vmem>>[vector<16xi32>, vector<16xi32>], vector<16xf32>,
      %gather3A_419 = tpu.vector_load_idx %arg15[%add3A_246, %and3A_417] : memref<128x64xf32, #tpu.memory_space<vmem>>[vector<16xi32>, vector<16xi32>], vector<16xf32>,
      %gather3A_420 = tpu.vector_load_idx %arg17[%add3A_246, %and3A_417] : memref<128x64xf32, #tpu.memory_space<vmem>>[vector<16xi32>, vector<16xi32>], vector<16xf32>,
      %mul3A_421 = arith.mulf %gather3A_418, %gather3A_419 : vector<16xf32>
      %add3A_422 = arith.addf %add3A_411, %mul3A_421 : vector<16xf32>
      %mul3A_423 = arith.mulf %gather3A_418, %gather3A_420 : vector<16xf32>
      %add3A_424 = arith.addf %add3A_413, %mul3A_423 : vector<16xf32>
      %add3A_425 = arith.constant 16 : i32
      %add3A_426 = vector.broadcast %add3A_425 : i32 to vector<16xi32>
      %add3A_427 = arith.addi %iota3A, %add3A_426 : vector<16xi32>
      %and3A_428 = arith.andi %add3A_427, %broadcast_in_dim3A_3 : vector<16xi32>
      %gather3A_429 = tpu.vector_load_idx %arg13[%add3A_246, %and3A_428] : memref<128x64xf32, #tpu.memory_space<vmem>>[vector<16xi32>, vector<16xi32>], vector<16xf32>,
      %gather3A_430 = tpu.vector_load_idx %arg15[%add3A_246, %and3A_428] : memref<128x64xf32, #tpu.memory_space<vmem>>[vector<16xi32>, vector<16xi32>], vector<16xf32>,
      %gather3A_431 = tpu.vector_load_idx %arg17[%add3A_246, %and3A_428] : memref<128x64xf32, #tpu.memory_space<vmem>>[vector<16xi32>, vector<16xi32>], vector<16xf32>,
      %mul3A_432 = arith.mulf %gather3A_429, %gather3A_430 : vector<16xf32>
      %add3A_433 = arith.addf %add3A_422, %mul3A_432 : vector<16xf32>
      %mul3A_434 = arith.mulf %gather3A_429, %gather3A_431 : vector<16xf32>
      %add3A_435 = arith.addf %add3A_424, %mul3A_434 : vector<16xf32>
      %add3A_436 = arith.constant 17 : i32
      %add3A_437 = vector.broadcast %add3A_436 : i32 to vector<16xi32>
      %add3A_438 = arith.addi %iota3A, %add3A_437 : vector<16xi32>
      %and3A_439 = arith.andi %add3A_438, %broadcast_in_dim3A_3 : vector<16xi32>
      %gather3A_440 = tpu.vector_load_idx %arg13[%add3A_246, %and3A_439] : memref<128x64xf32, #tpu.memory_space<vmem>>[vector<16xi32>, vector<16xi32>], vector<16xf32>,
      %gather3A_441 = tpu.vector_load_idx %arg15[%add3A_246, %and3A_439] : memref<128x64xf32, #tpu.memory_space<vmem>>[vector<16xi32>, vector<16xi32>], vector<16xf32>,
      %gather3A_442 = tpu.vector_load_idx %arg17[%add3A_246, %and3A_439] : memref<128x64xf32, #tpu.memory_space<vmem>>[vector<16xi32>, vector<16xi32>], vector<16xf32>,
      %mul3A_443 = arith.mulf %gather3A_440, %gather3A_441 : vector<16xf32>
      %add3A_444 = arith.addf %add3A_433, %mul3A_443 : vector<16xf32>
      %mul3A_445 = arith.mulf %gather3A_440, %gather3A_442 : vector<16xf32>
      %add3A_446 = arith.addf %add3A_435, %mul3A_445 : vector<16xf32>
      %add3A_447 = arith.constant 18 : i32
      %add3A_448 = vector.broadcast %add3A_447 : i32 to vector<16xi32>
      %add3A_449 = arith.addi %iota3A, %add3A_448 : vector<16xi32>
      %and3A_450 = arith.andi %add3A_449, %broadcast_in_dim3A_3 : vector<16xi32>
      %gather3A_451 = tpu.vector_load_idx %arg13[%add3A_246, %and3A_450] : memref<128x64xf32, #tpu.memory_space<vmem>>[vector<16xi32>, vector<16xi32>], vector<16xf32>,
      %gather3A_452 = tpu.vector_load_idx %arg15[%add3A_246, %and3A_450] : memref<128x64xf32, #tpu.memory_space<vmem>>[vector<16xi32>, vector<16xi32>], vector<16xf32>,
      %gather3A_453 = tpu.vector_load_idx %arg17[%add3A_246, %and3A_450] : memref<128x64xf32, #tpu.memory_space<vmem>>[vector<16xi32>, vector<16xi32>], vector<16xf32>,
      %mul3A_454 = arith.mulf %gather3A_451, %gather3A_452 : vector<16xf32>
      %add3A_455 = arith.addf %add3A_444, %mul3A_454 : vector<16xf32>
      %mul3A_456 = arith.mulf %gather3A_451, %gather3A_453 : vector<16xf32>
      %add3A_457 = arith.addf %add3A_446, %mul3A_456 : vector<16xf32>
      %add3A_458 = arith.constant 19 : i32
      %add3A_459 = vector.broadcast %add3A_458 : i32 to vector<16xi32>
      %add3A_460 = arith.addi %iota3A, %add3A_459 : vector<16xi32>
      %and3A_461 = arith.andi %add3A_460, %broadcast_in_dim3A_3 : vector<16xi32>
      %gather3A_462 = tpu.vector_load_idx %arg13[%add3A_246, %and3A_461] : memref<128x64xf32, #tpu.memory_space<vmem>>[vector<16xi32>, vector<16xi32>], vector<16xf32>,
      %gather3A_463 = tpu.vector_load_idx %arg15[%add3A_246, %and3A_461] : memref<128x64xf32, #tpu.memory_space<vmem>>[vector<16xi32>, vector<16xi32>], vector<16xf32>,
      %gather3A_464 = tpu.vector_load_idx %arg17[%add3A_246, %and3A_461] : memref<128x64xf32, #tpu.memory_space<vmem>>[vector<16xi32>, vector<16xi32>], vector<16xf32>,
      %mul3A_465 = arith.mulf %gather3A_462, %gather3A_463 : vector<16xf32>
      %add3A_466 = arith.addf %add3A_455, %mul3A_465 : vector<16xf32>
      %mul3A_467 = arith.mulf %gather3A_462, %gather3A_464 : vector<16xf32>
      %add3A_468 = arith.addf %add3A_457, %mul3A_467 : vector<16xf32>
      %add3A_469 = arith.constant 20 : i32
      %add3A_470 = vector.broadcast %add3A_469 : i32 to vector<16xi32>
      %add3A_471 = arith.addi %iota3A, %add3A_470 : vector<16xi32>
      %and3A_472 = arith.andi %add3A_471, %broadcast_in_dim3A_3 : vector<16xi32>
      %gather3A_473 = tpu.vector_load_idx %arg13[%add3A_246, %and3A_472] : memref<128x64xf32, #tpu.memory_space<vmem>>[vector<16xi32>, vector<16xi32>], vector<16xf32>,
      %gather3A_474 = tpu.vector_load_idx %arg15[%add3A_246, %and3A_472] : memref<128x64xf32, #tpu.memory_space<vmem>>[vector<16xi32>, vector<16xi32>], vector<16xf32>,
      %gather3A_475 = tpu.vector_load_idx %arg17[%add3A_246, %and3A_472] : memref<128x64xf32, #tpu.memory_space<vmem>>[vector<16xi32>, vector<16xi32>], vector<16xf32>,
      %mul3A_476 = arith.mulf %gather3A_473, %gather3A_474 : vector<16xf32>
      %add3A_477 = arith.addf %add3A_466, %mul3A_476 : vector<16xf32>
      %mul3A_478 = arith.mulf %gather3A_473, %gather3A_475 : vector<16xf32>
      %add3A_479 = arith.addf %add3A_468, %mul3A_478 : vector<16xf32>
      %add3A_480 = arith.constant 21 : i32
      %add3A_481 = vector.broadcast %add3A_480 : i32 to vector<16xi32>
      %add3A_482 = arith.addi %iota3A, %add3A_481 : vector<16xi32>
      %and3A_483 = arith.andi %add3A_482, %broadcast_in_dim3A_3 : vector<16xi32>
      %gather3A_484 = tpu.vector_load_idx %arg13[%add3A_246, %and3A_483] : memref<128x64xf32, #tpu.memory_space<vmem>>[vector<16xi32>, vector<16xi32>], vector<16xf32>,
      %gather3A_485 = tpu.vector_load_idx %arg15[%add3A_246, %and3A_483] : memref<128x64xf32, #tpu.memory_space<vmem>>[vector<16xi32>, vector<16xi32>], vector<16xf32>,
      %gather3A_486 = tpu.vector_load_idx %arg17[%add3A_246, %and3A_483] : memref<128x64xf32, #tpu.memory_space<vmem>>[vector<16xi32>, vector<16xi32>], vector<16xf32>,
      %mul3A_487 = arith.mulf %gather3A_484, %gather3A_485 : vector<16xf32>
      %add3A_488 = arith.addf %add3A_477, %mul3A_487 : vector<16xf32>
      %mul3A_489 = arith.mulf %gather3A_484, %gather3A_486 : vector<16xf32>
      %add3A_490 = arith.addf %add3A_479, %mul3A_489 : vector<16xf32>
      %add3A_491 = arith.constant 22 : i32
      %add3A_492 = vector.broadcast %add3A_491 : i32 to vector<16xi32>
      %add3A_493 = arith.addi %iota3A, %add3A_492 : vector<16xi32>
      %and3A_494 = arith.andi %add3A_493, %broadcast_in_dim3A_3 : vector<16xi32>
      %gather3A_495 = tpu.vector_load_idx %arg13[%add3A_246, %and3A_494] : memref<128x64xf32, #tpu.memory_space<vmem>>[vector<16xi32>, vector<16xi32>], vector<16xf32>,
      %gather3A_496 = tpu.vector_load_idx %arg15[%add3A_246, %and3A_494] : memref<128x64xf32, #tpu.memory_space<vmem>>[vector<16xi32>, vector<16xi32>], vector<16xf32>,
      %gather3A_497 = tpu.vector_load_idx %arg17[%add3A_246, %and3A_494] : memref<128x64xf32, #tpu.memory_space<vmem>>[vector<16xi32>, vector<16xi32>], vector<16xf32>,
      %mul3A_498 = arith.mulf %gather3A_495, %gather3A_496 : vector<16xf32>
      %add3A_499 = arith.addf %add3A_488, %mul3A_498 : vector<16xf32>
      %mul3A_500 = arith.mulf %gather3A_495, %gather3A_497 : vector<16xf32>
      %add3A_501 = arith.addf %add3A_490, %mul3A_500 : vector<16xf32>
      %add3A_502 = arith.constant 23 : i32
      %add3A_503 = vector.broadcast %add3A_502 : i32 to vector<16xi32>
      %add3A_504 = arith.addi %iota3A, %add3A_503 : vector<16xi32>
      %and3A_505 = arith.andi %add3A_504, %broadcast_in_dim3A_3 : vector<16xi32>
      %gather3A_506 = tpu.vector_load_idx %arg13[%add3A_246, %and3A_505] : memref<128x64xf32, #tpu.memory_space<vmem>>[vector<16xi32>, vector<16xi32>], vector<16xf32>,
      %gather3A_507 = tpu.vector_load_idx %arg15[%add3A_246, %and3A_505] : memref<128x64xf32, #tpu.memory_space<vmem>>[vector<16xi32>, vector<16xi32>], vector<16xf32>,
      %gather3A_508 = tpu.vector_load_idx %arg17[%add3A_246, %and3A_505] : memref<128x64xf32, #tpu.memory_space<vmem>>[vector<16xi32>, vector<16xi32>], vector<16xf32>,
      %mul3A_509 = arith.mulf %gather3A_506, %gather3A_507 : vector<16xf32>
      %add3A_510 = arith.addf %add3A_499, %mul3A_509 : vector<16xf32>
      %mul3A_511 = arith.mulf %gather3A_506, %gather3A_508 : vector<16xf32>
      %add3A_512 = arith.addf %add3A_501, %mul3A_511 : vector<16xf32>
      %add3A_513 = arith.constant 24 : i32
      %add3A_514 = vector.broadcast %add3A_513 : i32 to vector<16xi32>
      %add3A_515 = arith.addi %iota3A, %add3A_514 : vector<16xi32>
      %and3A_516 = arith.andi %add3A_515, %broadcast_in_dim3A_3 : vector<16xi32>
      %gather3A_517 = tpu.vector_load_idx %arg13[%add3A_246, %and3A_516] : memref<128x64xf32, #tpu.memory_space<vmem>>[vector<16xi32>, vector<16xi32>], vector<16xf32>,
      %gather3A_518 = tpu.vector_load_idx %arg15[%add3A_246, %and3A_516] : memref<128x64xf32, #tpu.memory_space<vmem>>[vector<16xi32>, vector<16xi32>], vector<16xf32>,
      %gather3A_519 = tpu.vector_load_idx %arg17[%add3A_246, %and3A_516] : memref<128x64xf32, #tpu.memory_space<vmem>>[vector<16xi32>, vector<16xi32>], vector<16xf32>,
      %mul3A_520 = arith.mulf %gather3A_517, %gather3A_518 : vector<16xf32>
      %add3A_521 = arith.addf %add3A_510, %mul3A_520 : vector<16xf32>
      %mul3A_522 = arith.mulf %gather3A_517, %gather3A_519 : vector<16xf32>
      %add3A_523 = arith.addf %add3A_512, %mul3A_522 : vector<16xf32>
      %add3A_524 = arith.constant 25 : i32
      %add3A_525 = vector.broadcast %add3A_524 : i32 to vector<16xi32>
      %add3A_526 = arith.addi %iota3A, %add3A_525 : vector<16xi32>
      %and3A_527 = arith.andi %add3A_526, %broadcast_in_dim3A_3 : vector<16xi32>
      %gather3A_528 = tpu.vector_load_idx %arg13[%add3A_246, %and3A_527] : memref<128x64xf32, #tpu.memory_space<vmem>>[vector<16xi32>, vector<16xi32>], vector<16xf32>,
      %gather3A_529 = tpu.vector_load_idx %arg15[%add3A_246, %and3A_527] : memref<128x64xf32, #tpu.memory_space<vmem>>[vector<16xi32>, vector<16xi32>], vector<16xf32>,
      %gather3A_530 = tpu.vector_load_idx %arg17[%add3A_246, %and3A_527] : memref<128x64xf32, #tpu.memory_space<vmem>>[vector<16xi32>, vector<16xi32>], vector<16xf32>,
      %mul3A_531 = arith.mulf %gather3A_528, %gather3A_529 : vector<16xf32>
      %add3A_532 = arith.addf %add3A_521, %mul3A_531 : vector<16xf32>
      %mul3A_533 = arith.mulf %gather3A_528, %gather3A_530 : vector<16xf32>
      %add3A_534 = arith.addf %add3A_523, %mul3A_533 : vector<16xf32>
      %add3A_535 = arith.constant 26 : i32
      %add3A_536 = vector.broadcast %add3A_535 : i32 to vector<16xi32>
      %add3A_537 = arith.addi %iota3A, %add3A_536 : vector<16xi32>
      %and3A_538 = arith.andi %add3A_537, %broadcast_in_dim3A_3 : vector<16xi32>
      %gather3A_539 = tpu.vector_load_idx %arg13[%add3A_246, %and3A_538] : memref<128x64xf32, #tpu.memory_space<vmem>>[vector<16xi32>, vector<16xi32>], vector<16xf32>,
      %gather3A_540 = tpu.vector_load_idx %arg15[%add3A_246, %and3A_538] : memref<128x64xf32, #tpu.memory_space<vmem>>[vector<16xi32>, vector<16xi32>], vector<16xf32>,
      %gather3A_541 = tpu.vector_load_idx %arg17[%add3A_246, %and3A_538] : memref<128x64xf32, #tpu.memory_space<vmem>>[vector<16xi32>, vector<16xi32>], vector<16xf32>,
      %mul3A_542 = arith.mulf %gather3A_539, %gather3A_540 : vector<16xf32>
      %add3A_543 = arith.addf %add3A_532, %mul3A_542 : vector<16xf32>
      %mul3A_544 = arith.mulf %gather3A_539, %gather3A_541 : vector<16xf32>
      %add3A_545 = arith.addf %add3A_534, %mul3A_544 : vector<16xf32>
      %add3A_546 = arith.constant 27 : i32
      %add3A_547 = vector.broadcast %add3A_546 : i32 to vector<16xi32>
      %add3A_548 = arith.addi %iota3A, %add3A_547 : vector<16xi32>
      %and3A_549 = arith.andi %add3A_548, %broadcast_in_dim3A_3 : vector<16xi32>
      %gather3A_550 = tpu.vector_load_idx %arg13[%add3A_246, %and3A_549] : memref<128x64xf32, #tpu.memory_space<vmem>>[vector<16xi32>, vector<16xi32>], vector<16xf32>,
      %gather3A_551 = tpu.vector_load_idx %arg15[%add3A_246, %and3A_549] : memref<128x64xf32, #tpu.memory_space<vmem>>[vector<16xi32>, vector<16xi32>], vector<16xf32>,
      %gather3A_552 = tpu.vector_load_idx %arg17[%add3A_246, %and3A_549] : memref<128x64xf32, #tpu.memory_space<vmem>>[vector<16xi32>, vector<16xi32>], vector<16xf32>,
      %mul3A_553 = arith.mulf %gather3A_550, %gather3A_551 : vector<16xf32>
      %add3A_554 = arith.addf %add3A_543, %mul3A_553 : vector<16xf32>
      %mul3A_555 = arith.mulf %gather3A_550, %gather3A_552 : vector<16xf32>
      %add3A_556 = arith.addf %add3A_545, %mul3A_555 : vector<16xf32>
      %add3A_557 = arith.constant 28 : i32
      %add3A_558 = vector.broadcast %add3A_557 : i32 to vector<16xi32>
      %add3A_559 = arith.addi %iota3A, %add3A_558 : vector<16xi32>
      %and3A_560 = arith.andi %add3A_559, %broadcast_in_dim3A_3 : vector<16xi32>
      %gather3A_561 = tpu.vector_load_idx %arg13[%add3A_246, %and3A_560] : memref<128x64xf32, #tpu.memory_space<vmem>>[vector<16xi32>, vector<16xi32>], vector<16xf32>,
      %gather3A_562 = tpu.vector_load_idx %arg15[%add3A_246, %and3A_560] : memref<128x64xf32, #tpu.memory_space<vmem>>[vector<16xi32>, vector<16xi32>], vector<16xf32>,
      %gather3A_563 = tpu.vector_load_idx %arg17[%add3A_246, %and3A_560] : memref<128x64xf32, #tpu.memory_space<vmem>>[vector<16xi32>, vector<16xi32>], vector<16xf32>,
      %mul3A_564 = arith.mulf %gather3A_561, %gather3A_562 : vector<16xf32>
      %add3A_565 = arith.addf %add3A_554, %mul3A_564 : vector<16xf32>
      %mul3A_566 = arith.mulf %gather3A_561, %gather3A_563 : vector<16xf32>
      %add3A_567 = arith.addf %add3A_556, %mul3A_566 : vector<16xf32>
      %add3A_568 = arith.constant 29 : i32
      %add3A_569 = vector.broadcast %add3A_568 : i32 to vector<16xi32>
      %add3A_570 = arith.addi %iota3A, %add3A_569 : vector<16xi32>
      %and3A_571 = arith.andi %add3A_570, %broadcast_in_dim3A_3 : vector<16xi32>
      %gather3A_572 = tpu.vector_load_idx %arg13[%add3A_246, %and3A_571] : memref<128x64xf32, #tpu.memory_space<vmem>>[vector<16xi32>, vector<16xi32>], vector<16xf32>,
      %gather3A_573 = tpu.vector_load_idx %arg15[%add3A_246, %and3A_571] : memref<128x64xf32, #tpu.memory_space<vmem>>[vector<16xi32>, vector<16xi32>], vector<16xf32>,
      %gather3A_574 = tpu.vector_load_idx %arg17[%add3A_246, %and3A_571] : memref<128x64xf32, #tpu.memory_space<vmem>>[vector<16xi32>, vector<16xi32>], vector<16xf32>,
      %mul3A_575 = arith.mulf %gather3A_572, %gather3A_573 : vector<16xf32>
      %add3A_576 = arith.addf %add3A_565, %mul3A_575 : vector<16xf32>
      %mul3A_577 = arith.mulf %gather3A_572, %gather3A_574 : vector<16xf32>
      %add3A_578 = arith.addf %add3A_567, %mul3A_577 : vector<16xf32>
      %add3A_579 = arith.constant 30 : i32
      %add3A_580 = vector.broadcast %add3A_579 : i32 to vector<16xi32>
      %add3A_581 = arith.addi %iota3A, %add3A_580 : vector<16xi32>
      %and3A_582 = arith.andi %add3A_581, %broadcast_in_dim3A_3 : vector<16xi32>
      %gather3A_583 = tpu.vector_load_idx %arg13[%add3A_246, %and3A_582] : memref<128x64xf32, #tpu.memory_space<vmem>>[vector<16xi32>, vector<16xi32>], vector<16xf32>,
      %gather3A_584 = tpu.vector_load_idx %arg15[%add3A_246, %and3A_582] : memref<128x64xf32, #tpu.memory_space<vmem>>[vector<16xi32>, vector<16xi32>], vector<16xf32>,
      %gather3A_585 = tpu.vector_load_idx %arg17[%add3A_246, %and3A_582] : memref<128x64xf32, #tpu.memory_space<vmem>>[vector<16xi32>, vector<16xi32>], vector<16xf32>,
      %mul3A_586 = arith.mulf %gather3A_583, %gather3A_584 : vector<16xf32>
      %add3A_587 = arith.addf %add3A_576, %mul3A_586 : vector<16xf32>
      %mul3A_588 = arith.mulf %gather3A_583, %gather3A_585 : vector<16xf32>
      %add3A_589 = arith.addf %add3A_578, %mul3A_588 : vector<16xf32>
      %add3A_590 = arith.constant 31 : i32
      %add3A_591 = vector.broadcast %add3A_590 : i32 to vector<16xi32>
      %add3A_592 = arith.addi %iota3A, %add3A_591 : vector<16xi32>
      %and3A_593 = arith.andi %add3A_592, %broadcast_in_dim3A_3 : vector<16xi32>
      %gather3A_594 = tpu.vector_load_idx %arg13[%add3A_246, %and3A_593] : memref<128x64xf32, #tpu.memory_space<vmem>>[vector<16xi32>, vector<16xi32>], vector<16xf32>,
      %gather3A_595 = tpu.vector_load_idx %arg15[%add3A_246, %and3A_593] : memref<128x64xf32, #tpu.memory_space<vmem>>[vector<16xi32>, vector<16xi32>], vector<16xf32>,
      %gather3A_596 = tpu.vector_load_idx %arg17[%add3A_246, %and3A_593] : memref<128x64xf32, #tpu.memory_space<vmem>>[vector<16xi32>, vector<16xi32>], vector<16xf32>,
      %mul3A_597 = arith.mulf %gather3A_594, %gather3A_595 : vector<16xf32>
      %add3A_598 = arith.addf %add3A_587, %mul3A_597 : vector<16xf32>
      %mul3A_599 = arith.mulf %gather3A_594, %gather3A_596 : vector<16xf32>
      %add3A_600 = arith.addf %add3A_589, %mul3A_599 : vector<16xf32>
      %add3A_601 = arith.constant 32 : i32
      %add3A_602 = vector.broadcast %add3A_601 : i32 to vector<16xi32>
      %add3A_603 = arith.addi %iota3A, %add3A_602 : vector<16xi32>
      %and3A_604 = arith.andi %add3A_603, %broadcast_in_dim3A_3 : vector<16xi32>
      %gather3A_605 = tpu.vector_load_idx %arg13[%add3A_246, %and3A_604] : memref<128x64xf32, #tpu.memory_space<vmem>>[vector<16xi32>, vector<16xi32>], vector<16xf32>,
      %gather3A_606 = tpu.vector_load_idx %arg15[%add3A_246, %and3A_604] : memref<128x64xf32, #tpu.memory_space<vmem>>[vector<16xi32>, vector<16xi32>], vector<16xf32>,
      %gather3A_607 = tpu.vector_load_idx %arg17[%add3A_246, %and3A_604] : memref<128x64xf32, #tpu.memory_space<vmem>>[vector<16xi32>, vector<16xi32>], vector<16xf32>,
      %mul3A_608 = arith.mulf %gather3A_605, %gather3A_606 : vector<16xf32>
      %add3A_609 = arith.addf %add3A_598, %mul3A_608 : vector<16xf32>
      %mul3A_610 = arith.mulf %gather3A_605, %gather3A_607 : vector<16xf32>
      %add3A_611 = arith.addf %add3A_600, %mul3A_610 : vector<16xf32>
      %add3A_612 = arith.constant 33 : i32
      %add3A_613 = vector.broadcast %add3A_612 : i32 to vector<16xi32>
      %add3A_614 = arith.addi %iota3A, %add3A_613 : vector<16xi32>
      %and3A_615 = arith.andi %add3A_614, %broadcast_in_dim3A_3 : vector<16xi32>
      %gather3A_616 = tpu.vector_load_idx %arg13[%add3A_246, %and3A_615] : memref<128x64xf32, #tpu.memory_space<vmem>>[vector<16xi32>, vector<16xi32>], vector<16xf32>,
      %gather3A_617 = tpu.vector_load_idx %arg15[%add3A_246, %and3A_615] : memref<128x64xf32, #tpu.memory_space<vmem>>[vector<16xi32>, vector<16xi32>], vector<16xf32>,
      %gather3A_618 = tpu.vector_load_idx %arg17[%add3A_246, %and3A_615] : memref<128x64xf32, #tpu.memory_space<vmem>>[vector<16xi32>, vector<16xi32>], vector<16xf32>,
      %mul3A_619 = arith.mulf %gather3A_616, %gather3A_617 : vector<16xf32>
      %add3A_620 = arith.addf %add3A_609, %mul3A_619 : vector<16xf32>
      %mul3A_621 = arith.mulf %gather3A_616, %gather3A_618 : vector<16xf32>
      %add3A_622 = arith.addf %add3A_611, %mul3A_621 : vector<16xf32>
      %add3A_623 = arith.constant 34 : i32
      %add3A_624 = vector.broadcast %add3A_623 : i32 to vector<16xi32>
      %add3A_625 = arith.addi %iota3A, %add3A_624 : vector<16xi32>
      %and3A_626 = arith.andi %add3A_625, %broadcast_in_dim3A_3 : vector<16xi32>
      %gather3A_627 = tpu.vector_load_idx %arg13[%add3A_246, %and3A_626] : memref<128x64xf32, #tpu.memory_space<vmem>>[vector<16xi32>, vector<16xi32>], vector<16xf32>,
      %gather3A_628 = tpu.vector_load_idx %arg15[%add3A_246, %and3A_626] : memref<128x64xf32, #tpu.memory_space<vmem>>[vector<16xi32>, vector<16xi32>], vector<16xf32>,
      %gather3A_629 = tpu.vector_load_idx %arg17[%add3A_246, %and3A_626] : memref<128x64xf32, #tpu.memory_space<vmem>>[vector<16xi32>, vector<16xi32>], vector<16xf32>,
      %mul3A_630 = arith.mulf %gather3A_627, %gather3A_628 : vector<16xf32>
      %add3A_631 = arith.addf %add3A_620, %mul3A_630 : vector<16xf32>
      %mul3A_632 = arith.mulf %gather3A_627, %gather3A_629 : vector<16xf32>
      %add3A_633 = arith.addf %add3A_622, %mul3A_632 : vector<16xf32>
      %add3A_634 = arith.constant 35 : i32
      %add3A_635 = vector.broadcast %add3A_634 : i32 to vector<16xi32>
      %add3A_636 = arith.addi %iota3A, %add3A_635 : vector<16xi32>
      %and3A_637 = arith.andi %add3A_636, %broadcast_in_dim3A_3 : vector<16xi32>
      %gather3A_638 = tpu.vector_load_idx %arg13[%add3A_246, %and3A_637] : memref<128x64xf32, #tpu.memory_space<vmem>>[vector<16xi32>, vector<16xi32>], vector<16xf32>,
      %gather3A_639 = tpu.vector_load_idx %arg15[%add3A_246, %and3A_637] : memref<128x64xf32, #tpu.memory_space<vmem>>[vector<16xi32>, vector<16xi32>], vector<16xf32>,
      %gather3A_640 = tpu.vector_load_idx %arg17[%add3A_246, %and3A_637] : memref<128x64xf32, #tpu.memory_space<vmem>>[vector<16xi32>, vector<16xi32>], vector<16xf32>,
      %mul3A_641 = arith.mulf %gather3A_638, %gather3A_639 : vector<16xf32>
      %add3A_642 = arith.addf %add3A_631, %mul3A_641 : vector<16xf32>
      %mul3A_643 = arith.mulf %gather3A_638, %gather3A_640 : vector<16xf32>
      %add3A_644 = arith.addf %add3A_633, %mul3A_643 : vector<16xf32>
      %add3A_645 = arith.constant 36 : i32
      %add3A_646 = vector.broadcast %add3A_645 : i32 to vector<16xi32>
      %add3A_647 = arith.addi %iota3A, %add3A_646 : vector<16xi32>
      %and3A_648 = arith.andi %add3A_647, %broadcast_in_dim3A_3 : vector<16xi32>
      %gather3A_649 = tpu.vector_load_idx %arg13[%add3A_246, %and3A_648] : memref<128x64xf32, #tpu.memory_space<vmem>>[vector<16xi32>, vector<16xi32>], vector<16xf32>,
      %gather3A_650 = tpu.vector_load_idx %arg15[%add3A_246, %and3A_648] : memref<128x64xf32, #tpu.memory_space<vmem>>[vector<16xi32>, vector<16xi32>], vector<16xf32>,
      %gather3A_651 = tpu.vector_load_idx %arg17[%add3A_246, %and3A_648] : memref<128x64xf32, #tpu.memory_space<vmem>>[vector<16xi32>, vector<16xi32>], vector<16xf32>,
      %mul3A_652 = arith.mulf %gather3A_649, %gather3A_650 : vector<16xf32>
      %add3A_653 = arith.addf %add3A_642, %mul3A_652 : vector<16xf32>
      %mul3A_654 = arith.mulf %gather3A_649, %gather3A_651 : vector<16xf32>
      %add3A_655 = arith.addf %add3A_644, %mul3A_654 : vector<16xf32>
      %add3A_656 = arith.constant 37 : i32
      %add3A_657 = vector.broadcast %add3A_656 : i32 to vector<16xi32>
      %add3A_658 = arith.addi %iota3A, %add3A_657 : vector<16xi32>
      %and3A_659 = arith.andi %add3A_658, %broadcast_in_dim3A_3 : vector<16xi32>
      %gather3A_660 = tpu.vector_load_idx %arg13[%add3A_246, %and3A_659] : memref<128x64xf32, #tpu.memory_space<vmem>>[vector<16xi32>, vector<16xi32>], vector<16xf32>,
      %gather3A_661 = tpu.vector_load_idx %arg15[%add3A_246, %and3A_659] : memref<128x64xf32, #tpu.memory_space<vmem>>[vector<16xi32>, vector<16xi32>], vector<16xf32>,
      %gather3A_662 = tpu.vector_load_idx %arg17[%add3A_246, %and3A_659] : memref<128x64xf32, #tpu.memory_space<vmem>>[vector<16xi32>, vector<16xi32>], vector<16xf32>,
      %mul3A_663 = arith.mulf %gather3A_660, %gather3A_661 : vector<16xf32>
      %add3A_664 = arith.addf %add3A_653, %mul3A_663 : vector<16xf32>
      %mul3A_665 = arith.mulf %gather3A_660, %gather3A_662 : vector<16xf32>
      %add3A_666 = arith.addf %add3A_655, %mul3A_665 : vector<16xf32>
      %add3A_667 = arith.constant 38 : i32
      %add3A_668 = vector.broadcast %add3A_667 : i32 to vector<16xi32>
      %add3A_669 = arith.addi %iota3A, %add3A_668 : vector<16xi32>
      %and3A_670 = arith.andi %add3A_669, %broadcast_in_dim3A_3 : vector<16xi32>
      %gather3A_671 = tpu.vector_load_idx %arg13[%add3A_246, %and3A_670] : memref<128x64xf32, #tpu.memory_space<vmem>>[vector<16xi32>, vector<16xi32>], vector<16xf32>,
      %gather3A_672 = tpu.vector_load_idx %arg15[%add3A_246, %and3A_670] : memref<128x64xf32, #tpu.memory_space<vmem>>[vector<16xi32>, vector<16xi32>], vector<16xf32>,
      %gather3A_673 = tpu.vector_load_idx %arg17[%add3A_246, %and3A_670] : memref<128x64xf32, #tpu.memory_space<vmem>>[vector<16xi32>, vector<16xi32>], vector<16xf32>,
      %mul3A_674 = arith.mulf %gather3A_671, %gather3A_672 : vector<16xf32>
      %add3A_675 = arith.addf %add3A_664, %mul3A_674 : vector<16xf32>
      %mul3A_676 = arith.mulf %gather3A_671, %gather3A_673 : vector<16xf32>
      %add3A_677 = arith.addf %add3A_666, %mul3A_676 : vector<16xf32>
      %add3A_678 = arith.constant 39 : i32
      %add3A_679 = vector.broadcast %add3A_678 : i32 to vector<16xi32>
      %add3A_680 = arith.addi %iota3A, %add3A_679 : vector<16xi32>
      %and3A_681 = arith.andi %add3A_680, %broadcast_in_dim3A_3 : vector<16xi32>
      %gather3A_682 = tpu.vector_load_idx %arg13[%add3A_246, %and3A_681] : memref<128x64xf32, #tpu.memory_space<vmem>>[vector<16xi32>, vector<16xi32>], vector<16xf32>,
      %gather3A_683 = tpu.vector_load_idx %arg15[%add3A_246, %and3A_681] : memref<128x64xf32, #tpu.memory_space<vmem>>[vector<16xi32>, vector<16xi32>], vector<16xf32>,
      %gather3A_684 = tpu.vector_load_idx %arg17[%add3A_246, %and3A_681] : memref<128x64xf32, #tpu.memory_space<vmem>>[vector<16xi32>, vector<16xi32>], vector<16xf32>,
      %mul3A_685 = arith.mulf %gather3A_682, %gather3A_683 : vector<16xf32>
      %add3A_686 = arith.addf %add3A_675, %mul3A_685 : vector<16xf32>
      %mul3A_687 = arith.mulf %gather3A_682, %gather3A_684 : vector<16xf32>
      %add3A_688 = arith.addf %add3A_677, %mul3A_687 : vector<16xf32>
      %add3A_689 = arith.constant 40 : i32
      %add3A_690 = vector.broadcast %add3A_689 : i32 to vector<16xi32>
      %add3A_691 = arith.addi %iota3A, %add3A_690 : vector<16xi32>
      %and3A_692 = arith.andi %add3A_691, %broadcast_in_dim3A_3 : vector<16xi32>
      %gather3A_693 = tpu.vector_load_idx %arg13[%add3A_246, %and3A_692] : memref<128x64xf32, #tpu.memory_space<vmem>>[vector<16xi32>, vector<16xi32>], vector<16xf32>,
      %gather3A_694 = tpu.vector_load_idx %arg15[%add3A_246, %and3A_692] : memref<128x64xf32, #tpu.memory_space<vmem>>[vector<16xi32>, vector<16xi32>], vector<16xf32>,
      %gather3A_695 = tpu.vector_load_idx %arg17[%add3A_246, %and3A_692] : memref<128x64xf32, #tpu.memory_space<vmem>>[vector<16xi32>, vector<16xi32>], vector<16xf32>,
      %mul3A_696 = arith.mulf %gather3A_693, %gather3A_694 : vector<16xf32>
      %add3A_697 = arith.addf %add3A_686, %mul3A_696 : vector<16xf32>
      %mul3A_698 = arith.mulf %gather3A_693, %gather3A_695 : vector<16xf32>
      %add3A_699 = arith.addf %add3A_688, %mul3A_698 : vector<16xf32>
      %add3A_700 = arith.constant 41 : i32
      %add3A_701 = vector.broadcast %add3A_700 : i32 to vector<16xi32>
      %add3A_702 = arith.addi %iota3A, %add3A_701 : vector<16xi32>
      %and3A_703 = arith.andi %add3A_702, %broadcast_in_dim3A_3 : vector<16xi32>
      %gather3A_704 = tpu.vector_load_idx %arg13[%add3A_246, %and3A_703] : memref<128x64xf32, #tpu.memory_space<vmem>>[vector<16xi32>, vector<16xi32>], vector<16xf32>,
      %gather3A_705 = tpu.vector_load_idx %arg15[%add3A_246, %and3A_703] : memref<128x64xf32, #tpu.memory_space<vmem>>[vector<16xi32>, vector<16xi32>], vector<16xf32>,
      %gather3A_706 = tpu.vector_load_idx %arg17[%add3A_246, %and3A_703] : memref<128x64xf32, #tpu.memory_space<vmem>>[vector<16xi32>, vector<16xi32>], vector<16xf32>,
      %mul3A_707 = arith.mulf %gather3A_704, %gather3A_705 : vector<16xf32>
      %add3A_708 = arith.addf %add3A_697, %mul3A_707 : vector<16xf32>
      %mul3A_709 = arith.mulf %gather3A_704, %gather3A_706 : vector<16xf32>
      %add3A_710 = arith.addf %add3A_699, %mul3A_709 : vector<16xf32>
      %add3A_711 = arith.constant 42 : i32
      %add3A_712 = vector.broadcast %add3A_711 : i32 to vector<16xi32>
      %add3A_713 = arith.addi %iota3A, %add3A_712 : vector<16xi32>
      %and3A_714 = arith.andi %add3A_713, %broadcast_in_dim3A_3 : vector<16xi32>
      %gather3A_715 = tpu.vector_load_idx %arg13[%add3A_246, %and3A_714] : memref<128x64xf32, #tpu.memory_space<vmem>>[vector<16xi32>, vector<16xi32>], vector<16xf32>,
      %gather3A_716 = tpu.vector_load_idx %arg15[%add3A_246, %and3A_714] : memref<128x64xf32, #tpu.memory_space<vmem>>[vector<16xi32>, vector<16xi32>], vector<16xf32>,
      %gather3A_717 = tpu.vector_load_idx %arg17[%add3A_246, %and3A_714] : memref<128x64xf32, #tpu.memory_space<vmem>>[vector<16xi32>, vector<16xi32>], vector<16xf32>,
      %mul3A_718 = arith.mulf %gather3A_715, %gather3A_716 : vector<16xf32>
      %add3A_719 = arith.addf %add3A_708, %mul3A_718 : vector<16xf32>
      %mul3A_720 = arith.mulf %gather3A_715, %gather3A_717 : vector<16xf32>
      %add3A_721 = arith.addf %add3A_710, %mul3A_720 : vector<16xf32>
      %add3A_722 = arith.constant 43 : i32
      %add3A_723 = vector.broadcast %add3A_722 : i32 to vector<16xi32>
      %add3A_724 = arith.addi %iota3A, %add3A_723 : vector<16xi32>
      %and3A_725 = arith.andi %add3A_724, %broadcast_in_dim3A_3 : vector<16xi32>
      %gather3A_726 = tpu.vector_load_idx %arg13[%add3A_246, %and3A_725] : memref<128x64xf32, #tpu.memory_space<vmem>>[vector<16xi32>, vector<16xi32>], vector<16xf32>,
      %gather3A_727 = tpu.vector_load_idx %arg15[%add3A_246, %and3A_725] : memref<128x64xf32, #tpu.memory_space<vmem>>[vector<16xi32>, vector<16xi32>], vector<16xf32>,
      %gather3A_728 = tpu.vector_load_idx %arg17[%add3A_246, %and3A_725] : memref<128x64xf32, #tpu.memory_space<vmem>>[vector<16xi32>, vector<16xi32>], vector<16xf32>,
      %mul3A_729 = arith.mulf %gather3A_726, %gather3A_727 : vector<16xf32>
      %add3A_730 = arith.addf %add3A_719, %mul3A_729 : vector<16xf32>
      %mul3A_731 = arith.mulf %gather3A_726, %gather3A_728 : vector<16xf32>
      %add3A_732 = arith.addf %add3A_721, %mul3A_731 : vector<16xf32>
      %add3A_733 = arith.constant 44 : i32
      %add3A_734 = vector.broadcast %add3A_733 : i32 to vector<16xi32>
      %add3A_735 = arith.addi %iota3A, %add3A_734 : vector<16xi32>
      %and3A_736 = arith.andi %add3A_735, %broadcast_in_dim3A_3 : vector<16xi32>
      %gather3A_737 = tpu.vector_load_idx %arg13[%add3A_246, %and3A_736] : memref<128x64xf32, #tpu.memory_space<vmem>>[vector<16xi32>, vector<16xi32>], vector<16xf32>,
      %gather3A_738 = tpu.vector_load_idx %arg15[%add3A_246, %and3A_736] : memref<128x64xf32, #tpu.memory_space<vmem>>[vector<16xi32>, vector<16xi32>], vector<16xf32>,
      %gather3A_739 = tpu.vector_load_idx %arg17[%add3A_246, %and3A_736] : memref<128x64xf32, #tpu.memory_space<vmem>>[vector<16xi32>, vector<16xi32>], vector<16xf32>,
      %mul3A_740 = arith.mulf %gather3A_737, %gather3A_738 : vector<16xf32>
      %add3A_741 = arith.addf %add3A_730, %mul3A_740 : vector<16xf32>
      %mul3A_742 = arith.mulf %gather3A_737, %gather3A_739 : vector<16xf32>
      %add3A_743 = arith.addf %add3A_732, %mul3A_742 : vector<16xf32>
      %add3A_744 = arith.constant 45 : i32
      %add3A_745 = vector.broadcast %add3A_744 : i32 to vector<16xi32>
      %add3A_746 = arith.addi %iota3A, %add3A_745 : vector<16xi32>
      %and3A_747 = arith.andi %add3A_746, %broadcast_in_dim3A_3 : vector<16xi32>
      %gather3A_748 = tpu.vector_load_idx %arg13[%add3A_246, %and3A_747] : memref<128x64xf32, #tpu.memory_space<vmem>>[vector<16xi32>, vector<16xi32>], vector<16xf32>,
      %gather3A_749 = tpu.vector_load_idx %arg15[%add3A_246, %and3A_747] : memref<128x64xf32, #tpu.memory_space<vmem>>[vector<16xi32>, vector<16xi32>], vector<16xf32>,
      %gather3A_750 = tpu.vector_load_idx %arg17[%add3A_246, %and3A_747] : memref<128x64xf32, #tpu.memory_space<vmem>>[vector<16xi32>, vector<16xi32>], vector<16xf32>,
      %mul3A_751 = arith.mulf %gather3A_748, %gather3A_749 : vector<16xf32>
      %add3A_752 = arith.addf %add3A_741, %mul3A_751 : vector<16xf32>
      %mul3A_753 = arith.mulf %gather3A_748, %gather3A_750 : vector<16xf32>
      %add3A_754 = arith.addf %add3A_743, %mul3A_753 : vector<16xf32>
      %add3A_755 = arith.constant 46 : i32
      %add3A_756 = vector.broadcast %add3A_755 : i32 to vector<16xi32>
      %add3A_757 = arith.addi %iota3A, %add3A_756 : vector<16xi32>
      %and3A_758 = arith.andi %add3A_757, %broadcast_in_dim3A_3 : vector<16xi32>
      %gather3A_759 = tpu.vector_load_idx %arg13[%add3A_246, %and3A_758] : memref<128x64xf32, #tpu.memory_space<vmem>>[vector<16xi32>, vector<16xi32>], vector<16xf32>,
      %gather3A_760 = tpu.vector_load_idx %arg15[%add3A_246, %and3A_758] : memref<128x64xf32, #tpu.memory_space<vmem>>[vector<16xi32>, vector<16xi32>], vector<16xf32>,
      %gather3A_761 = tpu.vector_load_idx %arg17[%add3A_246, %and3A_758] : memref<128x64xf32, #tpu.memory_space<vmem>>[vector<16xi32>, vector<16xi32>], vector<16xf32>,
      %mul3A_762 = arith.mulf %gather3A_759, %gather3A_760 : vector<16xf32>
      %add3A_763 = arith.addf %add3A_752, %mul3A_762 : vector<16xf32>
      %mul3A_764 = arith.mulf %gather3A_759, %gather3A_761 : vector<16xf32>
      %add3A_765 = arith.addf %add3A_754, %mul3A_764 : vector<16xf32>
      %add3A_766 = arith.constant 47 : i32
      %add3A_767 = vector.broadcast %add3A_766 : i32 to vector<16xi32>
      %add3A_768 = arith.addi %iota3A, %add3A_767 : vector<16xi32>
      %and3A_769 = arith.andi %add3A_768, %broadcast_in_dim3A_3 : vector<16xi32>
      %gather3A_770 = tpu.vector_load_idx %arg13[%add3A_246, %and3A_769] : memref<128x64xf32, #tpu.memory_space<vmem>>[vector<16xi32>, vector<16xi32>], vector<16xf32>,
      %gather3A_771 = tpu.vector_load_idx %arg15[%add3A_246, %and3A_769] : memref<128x64xf32, #tpu.memory_space<vmem>>[vector<16xi32>, vector<16xi32>], vector<16xf32>,
      %gather3A_772 = tpu.vector_load_idx %arg17[%add3A_246, %and3A_769] : memref<128x64xf32, #tpu.memory_space<vmem>>[vector<16xi32>, vector<16xi32>], vector<16xf32>,
      %mul3A_773 = arith.mulf %gather3A_770, %gather3A_771 : vector<16xf32>
      %add3A_774 = arith.addf %add3A_763, %mul3A_773 : vector<16xf32>
      %mul3A_775 = arith.mulf %gather3A_770, %gather3A_772 : vector<16xf32>
      %add3A_776 = arith.addf %add3A_765, %mul3A_775 : vector<16xf32>
      %add3A_777 = arith.constant 48 : i32
      %add3A_778 = vector.broadcast %add3A_777 : i32 to vector<16xi32>
      %add3A_779 = arith.addi %iota3A, %add3A_778 : vector<16xi32>
      %and3A_780 = arith.andi %add3A_779, %broadcast_in_dim3A_3 : vector<16xi32>
      %gather3A_781 = tpu.vector_load_idx %arg13[%add3A_246, %and3A_780] : memref<128x64xf32, #tpu.memory_space<vmem>>[vector<16xi32>, vector<16xi32>], vector<16xf32>,
      %gather3A_782 = tpu.vector_load_idx %arg15[%add3A_246, %and3A_780] : memref<128x64xf32, #tpu.memory_space<vmem>>[vector<16xi32>, vector<16xi32>], vector<16xf32>,
      %gather3A_783 = tpu.vector_load_idx %arg17[%add3A_246, %and3A_780] : memref<128x64xf32, #tpu.memory_space<vmem>>[vector<16xi32>, vector<16xi32>], vector<16xf32>,
      %mul3A_784 = arith.mulf %gather3A_781, %gather3A_782 : vector<16xf32>
      %add3A_785 = arith.addf %add3A_774, %mul3A_784 : vector<16xf32>
      %mul3A_786 = arith.mulf %gather3A_781, %gather3A_783 : vector<16xf32>
      %add3A_787 = arith.addf %add3A_776, %mul3A_786 : vector<16xf32>
      %add3A_788 = arith.constant 49 : i32
      %add3A_789 = vector.broadcast %add3A_788 : i32 to vector<16xi32>
      %add3A_790 = arith.addi %iota3A, %add3A_789 : vector<16xi32>
      %and3A_791 = arith.andi %add3A_790, %broadcast_in_dim3A_3 : vector<16xi32>
      %gather3A_792 = tpu.vector_load_idx %arg13[%add3A_246, %and3A_791] : memref<128x64xf32, #tpu.memory_space<vmem>>[vector<16xi32>, vector<16xi32>], vector<16xf32>,
      %gather3A_793 = tpu.vector_load_idx %arg15[%add3A_246, %and3A_791] : memref<128x64xf32, #tpu.memory_space<vmem>>[vector<16xi32>, vector<16xi32>], vector<16xf32>,
      %gather3A_794 = tpu.vector_load_idx %arg17[%add3A_246, %and3A_791] : memref<128x64xf32, #tpu.memory_space<vmem>>[vector<16xi32>, vector<16xi32>], vector<16xf32>,
      %mul3A_795 = arith.mulf %gather3A_792, %gather3A_793 : vector<16xf32>
      %add3A_796 = arith.addf %add3A_785, %mul3A_795 : vector<16xf32>
      %mul3A_797 = arith.mulf %gather3A_792, %gather3A_794 : vector<16xf32>
      %add3A_798 = arith.addf %add3A_787, %mul3A_797 : vector<16xf32>
      %add3A_799 = arith.constant 50 : i32
      %add3A_800 = vector.broadcast %add3A_799 : i32 to vector<16xi32>
      %add3A_801 = arith.addi %iota3A, %add3A_800 : vector<16xi32>
      %and3A_802 = arith.andi %add3A_801, %broadcast_in_dim3A_3 : vector<16xi32>
      %gather3A_803 = tpu.vector_load_idx %arg13[%add3A_246, %and3A_802] : memref<128x64xf32, #tpu.memory_space<vmem>>[vector<16xi32>, vector<16xi32>], vector<16xf32>,
      %gather3A_804 = tpu.vector_load_idx %arg15[%add3A_246, %and3A_802] : memref<128x64xf32, #tpu.memory_space<vmem>>[vector<16xi32>, vector<16xi32>], vector<16xf32>,
      %gather3A_805 = tpu.vector_load_idx %arg17[%add3A_246, %and3A_802] : memref<128x64xf32, #tpu.memory_space<vmem>>[vector<16xi32>, vector<16xi32>], vector<16xf32>,
      %mul3A_806 = arith.mulf %gather3A_803, %gather3A_804 : vector<16xf32>
      %add3A_807 = arith.addf %add3A_796, %mul3A_806 : vector<16xf32>
      %mul3A_808 = arith.mulf %gather3A_803, %gather3A_805 : vector<16xf32>
      %add3A_809 = arith.addf %add3A_798, %mul3A_808 : vector<16xf32>
      %add3A_810 = arith.constant 51 : i32
      %add3A_811 = vector.broadcast %add3A_810 : i32 to vector<16xi32>
      %add3A_812 = arith.addi %iota3A, %add3A_811 : vector<16xi32>
      %and3A_813 = arith.andi %add3A_812, %broadcast_in_dim3A_3 : vector<16xi32>
      %gather3A_814 = tpu.vector_load_idx %arg13[%add3A_246, %and3A_813] : memref<128x64xf32, #tpu.memory_space<vmem>>[vector<16xi32>, vector<16xi32>], vector<16xf32>,
      %gather3A_815 = tpu.vector_load_idx %arg15[%add3A_246, %and3A_813] : memref<128x64xf32, #tpu.memory_space<vmem>>[vector<16xi32>, vector<16xi32>], vector<16xf32>,
      %gather3A_816 = tpu.vector_load_idx %arg17[%add3A_246, %and3A_813] : memref<128x64xf32, #tpu.memory_space<vmem>>[vector<16xi32>, vector<16xi32>], vector<16xf32>,
      %mul3A_817 = arith.mulf %gather3A_814, %gather3A_815 : vector<16xf32>
      %add3A_818 = arith.addf %add3A_807, %mul3A_817 : vector<16xf32>
      %mul3A_819 = arith.mulf %gather3A_814, %gather3A_816 : vector<16xf32>
      %add3A_820 = arith.addf %add3A_809, %mul3A_819 : vector<16xf32>
      %add3A_821 = arith.constant 52 : i32
      %add3A_822 = vector.broadcast %add3A_821 : i32 to vector<16xi32>
      %add3A_823 = arith.addi %iota3A, %add3A_822 : vector<16xi32>
      %and3A_824 = arith.andi %add3A_823, %broadcast_in_dim3A_3 : vector<16xi32>
      %gather3A_825 = tpu.vector_load_idx %arg13[%add3A_246, %and3A_824] : memref<128x64xf32, #tpu.memory_space<vmem>>[vector<16xi32>, vector<16xi32>], vector<16xf32>,
      %gather3A_826 = tpu.vector_load_idx %arg15[%add3A_246, %and3A_824] : memref<128x64xf32, #tpu.memory_space<vmem>>[vector<16xi32>, vector<16xi32>], vector<16xf32>,
      %gather3A_827 = tpu.vector_load_idx %arg17[%add3A_246, %and3A_824] : memref<128x64xf32, #tpu.memory_space<vmem>>[vector<16xi32>, vector<16xi32>], vector<16xf32>,
      %mul3A_828 = arith.mulf %gather3A_825, %gather3A_826 : vector<16xf32>
      %add3A_829 = arith.addf %add3A_818, %mul3A_828 : vector<16xf32>
      %mul3A_830 = arith.mulf %gather3A_825, %gather3A_827 : vector<16xf32>
      %add3A_831 = arith.addf %add3A_820, %mul3A_830 : vector<16xf32>
      %add3A_832 = arith.constant 53 : i32
      %add3A_833 = vector.broadcast %add3A_832 : i32 to vector<16xi32>
      %add3A_834 = arith.addi %iota3A, %add3A_833 : vector<16xi32>
      %and3A_835 = arith.andi %add3A_834, %broadcast_in_dim3A_3 : vector<16xi32>
      %gather3A_836 = tpu.vector_load_idx %arg13[%add3A_246, %and3A_835] : memref<128x64xf32, #tpu.memory_space<vmem>>[vector<16xi32>, vector<16xi32>], vector<16xf32>,
      %gather3A_837 = tpu.vector_load_idx %arg15[%add3A_246, %and3A_835] : memref<128x64xf32, #tpu.memory_space<vmem>>[vector<16xi32>, vector<16xi32>], vector<16xf32>,
      %gather3A_838 = tpu.vector_load_idx %arg17[%add3A_246, %and3A_835] : memref<128x64xf32, #tpu.memory_space<vmem>>[vector<16xi32>, vector<16xi32>], vector<16xf32>,
      %mul3A_839 = arith.mulf %gather3A_836, %gather3A_837 : vector<16xf32>
      %add3A_840 = arith.addf %add3A_829, %mul3A_839 : vector<16xf32>
      %mul3A_841 = arith.mulf %gather3A_836, %gather3A_838 : vector<16xf32>
      %add3A_842 = arith.addf %add3A_831, %mul3A_841 : vector<16xf32>
      %add3A_843 = arith.constant 54 : i32
      %add3A_844 = vector.broadcast %add3A_843 : i32 to vector<16xi32>
      %add3A_845 = arith.addi %iota3A, %add3A_844 : vector<16xi32>
      %and3A_846 = arith.andi %add3A_845, %broadcast_in_dim3A_3 : vector<16xi32>
      %gather3A_847 = tpu.vector_load_idx %arg13[%add3A_246, %and3A_846] : memref<128x64xf32, #tpu.memory_space<vmem>>[vector<16xi32>, vector<16xi32>], vector<16xf32>,
      %gather3A_848 = tpu.vector_load_idx %arg15[%add3A_246, %and3A_846] : memref<128x64xf32, #tpu.memory_space<vmem>>[vector<16xi32>, vector<16xi32>], vector<16xf32>,
      %gather3A_849 = tpu.vector_load_idx %arg17[%add3A_246, %and3A_846] : memref<128x64xf32, #tpu.memory_space<vmem>>[vector<16xi32>, vector<16xi32>], vector<16xf32>,
      %mul3A_850 = arith.mulf %gather3A_847, %gather3A_848 : vector<16xf32>
      %add3A_851 = arith.addf %add3A_840, %mul3A_850 : vector<16xf32>
      %mul3A_852 = arith.mulf %gather3A_847, %gather3A_849 : vector<16xf32>
      %add3A_853 = arith.addf %add3A_842, %mul3A_852 : vector<16xf32>
      %add3A_854 = arith.constant 55 : i32
      %add3A_855 = vector.broadcast %add3A_854 : i32 to vector<16xi32>
      %add3A_856 = arith.addi %iota3A, %add3A_855 : vector<16xi32>
      %and3A_857 = arith.andi %add3A_856, %broadcast_in_dim3A_3 : vector<16xi32>
      %gather3A_858 = tpu.vector_load_idx %arg13[%add3A_246, %and3A_857] : memref<128x64xf32, #tpu.memory_space<vmem>>[vector<16xi32>, vector<16xi32>], vector<16xf32>,
      %gather3A_859 = tpu.vector_load_idx %arg15[%add3A_246, %and3A_857] : memref<128x64xf32, #tpu.memory_space<vmem>>[vector<16xi32>, vector<16xi32>], vector<16xf32>,
      %gather3A_860 = tpu.vector_load_idx %arg17[%add3A_246, %and3A_857] : memref<128x64xf32, #tpu.memory_space<vmem>>[vector<16xi32>, vector<16xi32>], vector<16xf32>,
      %mul3A_861 = arith.mulf %gather3A_858, %gather3A_859 : vector<16xf32>
      %add3A_862 = arith.addf %add3A_851, %mul3A_861 : vector<16xf32>
      %mul3A_863 = arith.mulf %gather3A_858, %gather3A_860 : vector<16xf32>
      %add3A_864 = arith.addf %add3A_853, %mul3A_863 : vector<16xf32>
      %add3A_865 = arith.constant 56 : i32
      %add3A_866 = vector.broadcast %add3A_865 : i32 to vector<16xi32>
      %add3A_867 = arith.addi %iota3A, %add3A_866 : vector<16xi32>
      %and3A_868 = arith.andi %add3A_867, %broadcast_in_dim3A_3 : vector<16xi32>
      %gather3A_869 = tpu.vector_load_idx %arg13[%add3A_246, %and3A_868] : memref<128x64xf32, #tpu.memory_space<vmem>>[vector<16xi32>, vector<16xi32>], vector<16xf32>,
      %gather3A_870 = tpu.vector_load_idx %arg15[%add3A_246, %and3A_868] : memref<128x64xf32, #tpu.memory_space<vmem>>[vector<16xi32>, vector<16xi32>], vector<16xf32>,
      %gather3A_871 = tpu.vector_load_idx %arg17[%add3A_246, %and3A_868] : memref<128x64xf32, #tpu.memory_space<vmem>>[vector<16xi32>, vector<16xi32>], vector<16xf32>,
      %mul3A_872 = arith.mulf %gather3A_869, %gather3A_870 : vector<16xf32>
      %add3A_873 = arith.addf %add3A_862, %mul3A_872 : vector<16xf32>
      %mul3A_874 = arith.mulf %gather3A_869, %gather3A_871 : vector<16xf32>
      %add3A_875 = arith.addf %add3A_864, %mul3A_874 : vector<16xf32>
      %add3A_876 = arith.constant 57 : i32
      %add3A_877 = vector.broadcast %add3A_876 : i32 to vector<16xi32>
      %add3A_878 = arith.addi %iota3A, %add3A_877 : vector<16xi32>
      %and3A_879 = arith.andi %add3A_878, %broadcast_in_dim3A_3 : vector<16xi32>
      %gather3A_880 = tpu.vector_load_idx %arg13[%add3A_246, %and3A_879] : memref<128x64xf32, #tpu.memory_space<vmem>>[vector<16xi32>, vector<16xi32>], vector<16xf32>,
      %gather3A_881 = tpu.vector_load_idx %arg15[%add3A_246, %and3A_879] : memref<128x64xf32, #tpu.memory_space<vmem>>[vector<16xi32>, vector<16xi32>], vector<16xf32>,
      %gather3A_882 = tpu.vector_load_idx %arg17[%add3A_246, %and3A_879] : memref<128x64xf32, #tpu.memory_space<vmem>>[vector<16xi32>, vector<16xi32>], vector<16xf32>,
      %mul3A_883 = arith.mulf %gather3A_880, %gather3A_881 : vector<16xf32>
      %add3A_884 = arith.addf %add3A_873, %mul3A_883 : vector<16xf32>
      %mul3A_885 = arith.mulf %gather3A_880, %gather3A_882 : vector<16xf32>
      %add3A_886 = arith.addf %add3A_875, %mul3A_885 : vector<16xf32>
      %add3A_887 = arith.constant 58 : i32
      %add3A_888 = vector.broadcast %add3A_887 : i32 to vector<16xi32>
      %add3A_889 = arith.addi %iota3A, %add3A_888 : vector<16xi32>
      %and3A_890 = arith.andi %add3A_889, %broadcast_in_dim3A_3 : vector<16xi32>
      %gather3A_891 = tpu.vector_load_idx %arg13[%add3A_246, %and3A_890] : memref<128x64xf32, #tpu.memory_space<vmem>>[vector<16xi32>, vector<16xi32>], vector<16xf32>,
      %gather3A_892 = tpu.vector_load_idx %arg15[%add3A_246, %and3A_890] : memref<128x64xf32, #tpu.memory_space<vmem>>[vector<16xi32>, vector<16xi32>], vector<16xf32>,
      %gather3A_893 = tpu.vector_load_idx %arg17[%add3A_246, %and3A_890] : memref<128x64xf32, #tpu.memory_space<vmem>>[vector<16xi32>, vector<16xi32>], vector<16xf32>,
      %mul3A_894 = arith.mulf %gather3A_891, %gather3A_892 : vector<16xf32>
      %add3A_895 = arith.addf %add3A_884, %mul3A_894 : vector<16xf32>
      %mul3A_896 = arith.mulf %gather3A_891, %gather3A_893 : vector<16xf32>
      %add3A_897 = arith.addf %add3A_886, %mul3A_896 : vector<16xf32>
      %add3A_898 = arith.constant 59 : i32
      %add3A_899 = vector.broadcast %add3A_898 : i32 to vector<16xi32>
      %add3A_900 = arith.addi %iota3A, %add3A_899 : vector<16xi32>
      %and3A_901 = arith.andi %add3A_900, %broadcast_in_dim3A_3 : vector<16xi32>
      %gather3A_902 = tpu.vector_load_idx %arg13[%add3A_246, %and3A_901] : memref<128x64xf32, #tpu.memory_space<vmem>>[vector<16xi32>, vector<16xi32>], vector<16xf32>,
      %gather3A_903 = tpu.vector_load_idx %arg15[%add3A_246, %and3A_901] : memref<128x64xf32, #tpu.memory_space<vmem>>[vector<16xi32>, vector<16xi32>], vector<16xf32>,
      %gather3A_904 = tpu.vector_load_idx %arg17[%add3A_246, %and3A_901] : memref<128x64xf32, #tpu.memory_space<vmem>>[vector<16xi32>, vector<16xi32>], vector<16xf32>,
      %mul3A_905 = arith.mulf %gather3A_902, %gather3A_903 : vector<16xf32>
      %add3A_906 = arith.addf %add3A_895, %mul3A_905 : vector<16xf32>
      %mul3A_907 = arith.mulf %gather3A_902, %gather3A_904 : vector<16xf32>
      %add3A_908 = arith.addf %add3A_897, %mul3A_907 : vector<16xf32>
      %add3A_909 = arith.constant 60 : i32
      %add3A_910 = vector.broadcast %add3A_909 : i32 to vector<16xi32>
      %add3A_911 = arith.addi %iota3A, %add3A_910 : vector<16xi32>
      %and3A_912 = arith.andi %add3A_911, %broadcast_in_dim3A_3 : vector<16xi32>
      %gather3A_913 = tpu.vector_load_idx %arg13[%add3A_246, %and3A_912] : memref<128x64xf32, #tpu.memory_space<vmem>>[vector<16xi32>, vector<16xi32>], vector<16xf32>,
      %gather3A_914 = tpu.vector_load_idx %arg15[%add3A_246, %and3A_912] : memref<128x64xf32, #tpu.memory_space<vmem>>[vector<16xi32>, vector<16xi32>], vector<16xf32>,
      %gather3A_915 = tpu.vector_load_idx %arg17[%add3A_246, %and3A_912] : memref<128x64xf32, #tpu.memory_space<vmem>>[vector<16xi32>, vector<16xi32>], vector<16xf32>,
      %mul3A_916 = arith.mulf %gather3A_913, %gather3A_914 : vector<16xf32>
      %add3A_917 = arith.addf %add3A_906, %mul3A_916 : vector<16xf32>
      %mul3A_918 = arith.mulf %gather3A_913, %gather3A_915 : vector<16xf32>
      %add3A_919 = arith.addf %add3A_908, %mul3A_918 : vector<16xf32>
      %add3A_920 = arith.constant 61 : i32
      %add3A_921 = vector.broadcast %add3A_920 : i32 to vector<16xi32>
      %add3A_922 = arith.addi %iota3A, %add3A_921 : vector<16xi32>
      %and3A_923 = arith.andi %add3A_922, %broadcast_in_dim3A_3 : vector<16xi32>
      %gather3A_924 = tpu.vector_load_idx %arg13[%add3A_246, %and3A_923] : memref<128x64xf32, #tpu.memory_space<vmem>>[vector<16xi32>, vector<16xi32>], vector<16xf32>,
      %gather3A_925 = tpu.vector_load_idx %arg15[%add3A_246, %and3A_923] : memref<128x64xf32, #tpu.memory_space<vmem>>[vector<16xi32>, vector<16xi32>], vector<16xf32>,
      %gather3A_926 = tpu.vector_load_idx %arg17[%add3A_246, %and3A_923] : memref<128x64xf32, #tpu.memory_space<vmem>>[vector<16xi32>, vector<16xi32>], vector<16xf32>,
      %mul3A_927 = arith.mulf %gather3A_924, %gather3A_925 : vector<16xf32>
      %add3A_928 = arith.addf %add3A_917, %mul3A_927 : vector<16xf32>
      %mul3A_929 = arith.mulf %gather3A_924, %gather3A_926 : vector<16xf32>
      %add3A_930 = arith.addf %add3A_919, %mul3A_929 : vector<16xf32>
      %add3A_931 = arith.constant 62 : i32
      %add3A_932 = vector.broadcast %add3A_931 : i32 to vector<16xi32>
      %add3A_933 = arith.addi %iota3A, %add3A_932 : vector<16xi32>
      %and3A_934 = arith.andi %add3A_933, %broadcast_in_dim3A_3 : vector<16xi32>
      %gather3A_935 = tpu.vector_load_idx %arg13[%add3A_246, %and3A_934] : memref<128x64xf32, #tpu.memory_space<vmem>>[vector<16xi32>, vector<16xi32>], vector<16xf32>,
      %gather3A_936 = tpu.vector_load_idx %arg15[%add3A_246, %and3A_934] : memref<128x64xf32, #tpu.memory_space<vmem>>[vector<16xi32>, vector<16xi32>], vector<16xf32>,
      %gather3A_937 = tpu.vector_load_idx %arg17[%add3A_246, %and3A_934] : memref<128x64xf32, #tpu.memory_space<vmem>>[vector<16xi32>, vector<16xi32>], vector<16xf32>,
      %mul3A_938 = arith.mulf %gather3A_935, %gather3A_936 : vector<16xf32>
      %add3A_939 = arith.addf %add3A_928, %mul3A_938 : vector<16xf32>
      %mul3A_940 = arith.mulf %gather3A_935, %gather3A_937 : vector<16xf32>
      %add3A_941 = arith.addf %add3A_930, %mul3A_940 : vector<16xf32>
      %add3A_942 = arith.constant 63 : i32
      %add3A_943 = vector.broadcast %add3A_942 : i32 to vector<16xi32>
      %add3A_944 = arith.addi %iota3A, %add3A_943 : vector<16xi32>
      %and3A_945 = arith.andi %add3A_944, %broadcast_in_dim3A_3 : vector<16xi32>
      %gather3A_946 = tpu.vector_load_idx %arg13[%add3A_246, %and3A_945] : memref<128x64xf32, #tpu.memory_space<vmem>>[vector<16xi32>, vector<16xi32>], vector<16xf32>,
      %gather3A_947 = tpu.vector_load_idx %arg15[%add3A_246, %and3A_945] : memref<128x64xf32, #tpu.memory_space<vmem>>[vector<16xi32>, vector<16xi32>], vector<16xf32>,
      %gather3A_948 = tpu.vector_load_idx %arg17[%add3A_246, %and3A_945] : memref<128x64xf32, #tpu.memory_space<vmem>>[vector<16xi32>, vector<16xi32>], vector<16xf32>,
      %mul3A_949 = arith.mulf %gather3A_946, %gather3A_947 : vector<16xf32>
      %add3A_950 = arith.addf %add3A_939, %mul3A_949 : vector<16xf32>
      %mul3A_951 = arith.mulf %gather3A_946, %gather3A_948 : vector<16xf32>
      %add3A_952 = arith.addf %add3A_941, %mul3A_951 : vector<16xf32>
      %get3A = arith.index_cast %mul3A_244 : i32 to index
      %get3A_953 = tpu.vector_load %arg19[%get3A] {strides = array<i32>} : memref<128xf32, #tpu.memory_space<vmem>>, vector<16xf32>,
      %add3A_954 = arith.addf %add3A_950, %get3A_953 : vector<16xf32>
      %get3A_955 = arith.index_cast %mul3A_244 : i32 to index
      %get3A_956 = tpu.vector_load %arg21[%get3A_955] {strides = array<i32>} : memref<128xf32, #tpu.memory_space<vmem>>, vector<16xf32>,
      %add3A_957 = arith.addf %add3A_954, %get3A_956 : vector<16xf32>
      %add3A_958 = arith.constant 256 : i32
      %add3A_959 = arith.addi %add3A_958, %mul3A_244 : i32
      %swap3A = arith.index_cast %add3A_959 : i32 to index
      %swap3A_960 = tpu.vector_load %arg25[%swap3A] {strides = array<i32>} : memref<512xf32, #tpu.memory_space<vmem>>, vector<16xf32>,
      tpu.vector_store %arg25[%swap3A], %add3A_957 {strides = array<i32>} : memref<512xf32, #tpu.memory_space<vmem>>, vector<16xf32>,
      %add3A_961 = arith.addf %add3A_952, %get3A_953 : vector<16xf32>
      %get3A_962 = arith.index_cast %mul3A_244 : i32 to index
      %get3A_963 = tpu.vector_load %arg23[%get3A_962] {strides = array<i32>} : memref<128xf32, #tpu.memory_space<vmem>>, vector<16xf32>,
      %add3A_964 = arith.addf %add3A_961, %get3A_963 : vector<16xf32>
      %add3A_965 = arith.constant 256 : i32
      %add3A_966 = arith.addi %add3A_965, %mul3A_244 : i32
      %swap3A_967 = arith.index_cast %add3A_966 : i32 to index
      %swap3A_968 = tpu.vector_load %arg26[%swap3A_967] {strides = array<i32>} : memref<512xf32, #tpu.memory_space<vmem>>, vector<16xf32>,
      tpu.vector_store %arg26[%swap3A_967], %add3A_964 {strides = array<i32>} : memref<512xf32, #tpu.memory_space<vmem>>, vector<16xf32>,
    }
    %scan3A_207 = arith.constant 8 : i32
    %dma_wait3A_208 = arith.constant 384 : i32
    %dma_wait3A_209 = tpu.memref_slice %arg10[%dma_wait3A_208] : memref<512xi32, #tpu.memory_space<vmem>> -> memref<128xi32, #tpu.memory_space<vmem>>
    %dma_wait3A_210 = arith.constant 0 : i32
    %dma_wait3A_211 = arith.constant 0 : i32
    %dma_wait3A_212 = tpu.memref_slice %arg2[%dma_wait3A_210, %dma_wait3A_211] : memref<100000x64xf32, #tpu.memory_space<hbm>> -> memref<100000x64xf32, #tpu.memory_space<hbm>>
    tpu.wait_indirect_dma semaphore(%arg28 : memref<!tpu.dma_semaphore, #tpu.memory_space<semaphore_mem>>) src(%dma_wait3A_212 : memref<100000x64xf32, #tpu.memory_space<hbm>>) dst(%arg14 : memref<128x64xf32, #tpu.memory_space<vmem>>)
    %dma_wait3A_213 = arith.constant 384 : i32
    %dma_wait3A_214 = tpu.memref_slice %arg11[%dma_wait3A_213] : memref<512xi32, #tpu.memory_space<vmem>> -> memref<128xi32, #tpu.memory_space<vmem>>
    %dma_wait3A_215 = arith.constant 0 : i32
    %dma_wait3A_216 = arith.constant 0 : i32
    %dma_wait3A_217 = tpu.memref_slice %arg3[%dma_wait3A_215, %dma_wait3A_216] : memref<100000x64xf32, #tpu.memory_space<hbm>> -> memref<100000x64xf32, #tpu.memory_space<hbm>>
    tpu.wait_indirect_dma semaphore(%arg30 : memref<!tpu.dma_semaphore, #tpu.memory_space<semaphore_mem>>) src(%dma_wait3A_217 : memref<100000x64xf32, #tpu.memory_space<hbm>>) dst(%arg16 : memref<128x64xf32, #tpu.memory_space<vmem>>)
    %dma_wait3A_218 = arith.constant 384 : i32
    %dma_wait3A_219 = tpu.memref_slice %arg12[%dma_wait3A_218] : memref<512xi32, #tpu.memory_space<vmem>> -> memref<128xi32, #tpu.memory_space<vmem>>
    %dma_wait3A_220 = arith.constant 0 : i32
    %dma_wait3A_221 = arith.constant 0 : i32
    %dma_wait3A_222 = tpu.memref_slice %arg3[%dma_wait3A_220, %dma_wait3A_221] : memref<100000x64xf32, #tpu.memory_space<hbm>> -> memref<100000x64xf32, #tpu.memory_space<hbm>>
    tpu.wait_indirect_dma semaphore(%arg32 : memref<!tpu.dma_semaphore, #tpu.memory_space<semaphore_mem>>) src(%dma_wait3A_222 : memref<100000x64xf32, #tpu.memory_space<hbm>>) dst(%arg18 : memref<128x64xf32, #tpu.memory_space<vmem>>)
    %dma_wait3A_223 = arith.constant 384 : i32
    %dma_wait3A_224 = tpu.memref_slice %arg10[%dma_wait3A_223] : memref<512xi32, #tpu.memory_space<vmem>> -> memref<128xi32, #tpu.memory_space<vmem>>
    %dma_wait3A_225 = arith.constant 0 : i32
    %dma_wait3A_226 = tpu.memref_slice %arg4[%dma_wait3A_225] : memref<100000xf32, #tpu.memory_space<hbm>> -> memref<100000xf32, #tpu.memory_space<hbm>>
    tpu.wait_indirect_dma semaphore(%arg28 : memref<!tpu.dma_semaphore, #tpu.memory_space<semaphore_mem>>) src(%dma_wait3A_226 : memref<100000xf32, #tpu.memory_space<hbm>>) dst(%arg20 : memref<128xf32, #tpu.memory_space<vmem>>)
    %dma_wait3A_227 = arith.constant 384 : i32
    %dma_wait3A_228 = tpu.memref_slice %arg11[%dma_wait3A_227] : memref<512xi32, #tpu.memory_space<vmem>> -> memref<128xi32, #tpu.memory_space<vmem>>
    %dma_wait3A_229 = arith.constant 0 : i32
    %dma_wait3A_230 = tpu.memref_slice %arg5[%dma_wait3A_229] : memref<100000xf32, #tpu.memory_space<hbm>> -> memref<100000xf32, #tpu.memory_space<hbm>>
    tpu.wait_indirect_dma semaphore(%arg30 : memref<!tpu.dma_semaphore, #tpu.memory_space<semaphore_mem>>) src(%dma_wait3A_230 : memref<100000xf32, #tpu.memory_space<hbm>>) dst(%arg22 : memref<128xf32, #tpu.memory_space<vmem>>)
    %dma_wait3A_231 = arith.constant 384 : i32
    %dma_wait3A_232 = tpu.memref_slice %arg12[%dma_wait3A_231] : memref<512xi32, #tpu.memory_space<vmem>> -> memref<128xi32, #tpu.memory_space<vmem>>
    %dma_wait3A_233 = arith.constant 0 : i32
    %dma_wait3A_234 = tpu.memref_slice %arg5[%dma_wait3A_233] : memref<100000xf32, #tpu.memory_space<hbm>> -> memref<100000xf32, #tpu.memory_space<hbm>>
    tpu.wait_indirect_dma semaphore(%arg32 : memref<!tpu.dma_semaphore, #tpu.memory_space<semaphore_mem>>) src(%dma_wait3A_234 : memref<100000xf32, #tpu.memory_space<hbm>>) dst(%arg24 : memref<128xf32, #tpu.memory_space<vmem>>)
    %scan3A_235 = arith.constant 0 : i32
    %scan3A_236 = arith.constant 0 : i32
    %scan3A_237 = arith.constant 8 : i32
    %scan3A_238 = arith.addi %scan3A_236, %scan3A_237 : i32
    %scan3A_239 = arith.constant 1 : i32
    scf.for %scan3A_242 = %scan3A_236 to %scan3A_238 step %scan3A_239  : i32 {
      %mul3A_243 = arith.constant 16 : i32
      %mul3A_244 = arith.muli %scan3A_242, %mul3A_243 : i32
      %add3A_245 = vector.broadcast %mul3A_244 : i32 to vector<16xi32>
      %add3A_246 = arith.addi %add3A_245, %iota3A : vector<16xi32>
      %broadcast_in_dim3A_247 = arith.constant 0.000000e+00 : f32
      %broadcast_in_dim3A_248 = vector.broadcast %broadcast_in_dim3A_247 : f32 to vector<16xf32>
      %broadcast_in_dim3A_249 = arith.constant 0.000000e+00 : f32
      %broadcast_in_dim3A_250 = vector.broadcast %broadcast_in_dim3A_249 : f32 to vector<16xf32>
      %add3A_251 = arith.constant 0 : i32
      %add3A_252 = vector.broadcast %add3A_251 : i32 to vector<16xi32>
      %add3A_253 = arith.addi %iota3A, %add3A_252 : vector<16xi32>
      %and3A = arith.andi %add3A_253, %broadcast_in_dim3A_3 : vector<16xi32>
      %gather3A = tpu.vector_load_idx %arg14[%add3A_246, %and3A] : memref<128x64xf32, #tpu.memory_space<vmem>>[vector<16xi32>, vector<16xi32>], vector<16xf32>,
      %gather3A_254 = tpu.vector_load_idx %arg16[%add3A_246, %and3A] : memref<128x64xf32, #tpu.memory_space<vmem>>[vector<16xi32>, vector<16xi32>], vector<16xf32>,
      %gather3A_255 = tpu.vector_load_idx %arg18[%add3A_246, %and3A] : memref<128x64xf32, #tpu.memory_space<vmem>>[vector<16xi32>, vector<16xi32>], vector<16xf32>,
      %mul3A_256 = arith.mulf %gather3A, %gather3A_254 : vector<16xf32>
      %add3A_257 = arith.addf %broadcast_in_dim3A_248, %mul3A_256 : vector<16xf32>
      %mul3A_258 = arith.mulf %gather3A, %gather3A_255 : vector<16xf32>
      %add3A_259 = arith.addf %broadcast_in_dim3A_250, %mul3A_258 : vector<16xf32>
      %add3A_260 = arith.constant 1 : i32
      %add3A_261 = vector.broadcast %add3A_260 : i32 to vector<16xi32>
      %add3A_262 = arith.addi %iota3A, %add3A_261 : vector<16xi32>
      %and3A_263 = arith.andi %add3A_262, %broadcast_in_dim3A_3 : vector<16xi32>
      %gather3A_264 = tpu.vector_load_idx %arg14[%add3A_246, %and3A_263] : memref<128x64xf32, #tpu.memory_space<vmem>>[vector<16xi32>, vector<16xi32>], vector<16xf32>,
      %gather3A_265 = tpu.vector_load_idx %arg16[%add3A_246, %and3A_263] : memref<128x64xf32, #tpu.memory_space<vmem>>[vector<16xi32>, vector<16xi32>], vector<16xf32>,
      %gather3A_266 = tpu.vector_load_idx %arg18[%add3A_246, %and3A_263] : memref<128x64xf32, #tpu.memory_space<vmem>>[vector<16xi32>, vector<16xi32>], vector<16xf32>,
      %mul3A_267 = arith.mulf %gather3A_264, %gather3A_265 : vector<16xf32>
      %add3A_268 = arith.addf %add3A_257, %mul3A_267 : vector<16xf32>
      %mul3A_269 = arith.mulf %gather3A_264, %gather3A_266 : vector<16xf32>
      %add3A_270 = arith.addf %add3A_259, %mul3A_269 : vector<16xf32>
      %add3A_271 = arith.constant 2 : i32
      %add3A_272 = vector.broadcast %add3A_271 : i32 to vector<16xi32>
      %add3A_273 = arith.addi %iota3A, %add3A_272 : vector<16xi32>
      %and3A_274 = arith.andi %add3A_273, %broadcast_in_dim3A_3 : vector<16xi32>
      %gather3A_275 = tpu.vector_load_idx %arg14[%add3A_246, %and3A_274] : memref<128x64xf32, #tpu.memory_space<vmem>>[vector<16xi32>, vector<16xi32>], vector<16xf32>,
      %gather3A_276 = tpu.vector_load_idx %arg16[%add3A_246, %and3A_274] : memref<128x64xf32, #tpu.memory_space<vmem>>[vector<16xi32>, vector<16xi32>], vector<16xf32>,
      %gather3A_277 = tpu.vector_load_idx %arg18[%add3A_246, %and3A_274] : memref<128x64xf32, #tpu.memory_space<vmem>>[vector<16xi32>, vector<16xi32>], vector<16xf32>,
      %mul3A_278 = arith.mulf %gather3A_275, %gather3A_276 : vector<16xf32>
      %add3A_279 = arith.addf %add3A_268, %mul3A_278 : vector<16xf32>
      %mul3A_280 = arith.mulf %gather3A_275, %gather3A_277 : vector<16xf32>
      %add3A_281 = arith.addf %add3A_270, %mul3A_280 : vector<16xf32>
      %add3A_282 = arith.constant 3 : i32
      %add3A_283 = vector.broadcast %add3A_282 : i32 to vector<16xi32>
      %add3A_284 = arith.addi %iota3A, %add3A_283 : vector<16xi32>
      %and3A_285 = arith.andi %add3A_284, %broadcast_in_dim3A_3 : vector<16xi32>
      %gather3A_286 = tpu.vector_load_idx %arg14[%add3A_246, %and3A_285] : memref<128x64xf32, #tpu.memory_space<vmem>>[vector<16xi32>, vector<16xi32>], vector<16xf32>,
      %gather3A_287 = tpu.vector_load_idx %arg16[%add3A_246, %and3A_285] : memref<128x64xf32, #tpu.memory_space<vmem>>[vector<16xi32>, vector<16xi32>], vector<16xf32>,
      %gather3A_288 = tpu.vector_load_idx %arg18[%add3A_246, %and3A_285] : memref<128x64xf32, #tpu.memory_space<vmem>>[vector<16xi32>, vector<16xi32>], vector<16xf32>,
      %mul3A_289 = arith.mulf %gather3A_286, %gather3A_287 : vector<16xf32>
      %add3A_290 = arith.addf %add3A_279, %mul3A_289 : vector<16xf32>
      %mul3A_291 = arith.mulf %gather3A_286, %gather3A_288 : vector<16xf32>
      %add3A_292 = arith.addf %add3A_281, %mul3A_291 : vector<16xf32>
      %add3A_293 = arith.constant 4 : i32
      %add3A_294 = vector.broadcast %add3A_293 : i32 to vector<16xi32>
      %add3A_295 = arith.addi %iota3A, %add3A_294 : vector<16xi32>
      %and3A_296 = arith.andi %add3A_295, %broadcast_in_dim3A_3 : vector<16xi32>
      %gather3A_297 = tpu.vector_load_idx %arg14[%add3A_246, %and3A_296] : memref<128x64xf32, #tpu.memory_space<vmem>>[vector<16xi32>, vector<16xi32>], vector<16xf32>,
      %gather3A_298 = tpu.vector_load_idx %arg16[%add3A_246, %and3A_296] : memref<128x64xf32, #tpu.memory_space<vmem>>[vector<16xi32>, vector<16xi32>], vector<16xf32>,
      %gather3A_299 = tpu.vector_load_idx %arg18[%add3A_246, %and3A_296] : memref<128x64xf32, #tpu.memory_space<vmem>>[vector<16xi32>, vector<16xi32>], vector<16xf32>,
      %mul3A_300 = arith.mulf %gather3A_297, %gather3A_298 : vector<16xf32>
      %add3A_301 = arith.addf %add3A_290, %mul3A_300 : vector<16xf32>
      %mul3A_302 = arith.mulf %gather3A_297, %gather3A_299 : vector<16xf32>
      %add3A_303 = arith.addf %add3A_292, %mul3A_302 : vector<16xf32>
      %add3A_304 = arith.constant 5 : i32
      %add3A_305 = vector.broadcast %add3A_304 : i32 to vector<16xi32>
      %add3A_306 = arith.addi %iota3A, %add3A_305 : vector<16xi32>
      %and3A_307 = arith.andi %add3A_306, %broadcast_in_dim3A_3 : vector<16xi32>
      %gather3A_308 = tpu.vector_load_idx %arg14[%add3A_246, %and3A_307] : memref<128x64xf32, #tpu.memory_space<vmem>>[vector<16xi32>, vector<16xi32>], vector<16xf32>,
      %gather3A_309 = tpu.vector_load_idx %arg16[%add3A_246, %and3A_307] : memref<128x64xf32, #tpu.memory_space<vmem>>[vector<16xi32>, vector<16xi32>], vector<16xf32>,
      %gather3A_310 = tpu.vector_load_idx %arg18[%add3A_246, %and3A_307] : memref<128x64xf32, #tpu.memory_space<vmem>>[vector<16xi32>, vector<16xi32>], vector<16xf32>,
      %mul3A_311 = arith.mulf %gather3A_308, %gather3A_309 : vector<16xf32>
      %add3A_312 = arith.addf %add3A_301, %mul3A_311 : vector<16xf32>
      %mul3A_313 = arith.mulf %gather3A_308, %gather3A_310 : vector<16xf32>
      %add3A_314 = arith.addf %add3A_303, %mul3A_313 : vector<16xf32>
      %add3A_315 = arith.constant 6 : i32
      %add3A_316 = vector.broadcast %add3A_315 : i32 to vector<16xi32>
      %add3A_317 = arith.addi %iota3A, %add3A_316 : vector<16xi32>
      %and3A_318 = arith.andi %add3A_317, %broadcast_in_dim3A_3 : vector<16xi32>
      %gather3A_319 = tpu.vector_load_idx %arg14[%add3A_246, %and3A_318] : memref<128x64xf32, #tpu.memory_space<vmem>>[vector<16xi32>, vector<16xi32>], vector<16xf32>,
      %gather3A_320 = tpu.vector_load_idx %arg16[%add3A_246, %and3A_318] : memref<128x64xf32, #tpu.memory_space<vmem>>[vector<16xi32>, vector<16xi32>], vector<16xf32>,
      %gather3A_321 = tpu.vector_load_idx %arg18[%add3A_246, %and3A_318] : memref<128x64xf32, #tpu.memory_space<vmem>>[vector<16xi32>, vector<16xi32>], vector<16xf32>,
      %mul3A_322 = arith.mulf %gather3A_319, %gather3A_320 : vector<16xf32>
      %add3A_323 = arith.addf %add3A_312, %mul3A_322 : vector<16xf32>
      %mul3A_324 = arith.mulf %gather3A_319, %gather3A_321 : vector<16xf32>
      %add3A_325 = arith.addf %add3A_314, %mul3A_324 : vector<16xf32>
      %add3A_326 = arith.constant 7 : i32
      %add3A_327 = vector.broadcast %add3A_326 : i32 to vector<16xi32>
      %add3A_328 = arith.addi %iota3A, %add3A_327 : vector<16xi32>
      %and3A_329 = arith.andi %add3A_328, %broadcast_in_dim3A_3 : vector<16xi32>
      %gather3A_330 = tpu.vector_load_idx %arg14[%add3A_246, %and3A_329] : memref<128x64xf32, #tpu.memory_space<vmem>>[vector<16xi32>, vector<16xi32>], vector<16xf32>,
      %gather3A_331 = tpu.vector_load_idx %arg16[%add3A_246, %and3A_329] : memref<128x64xf32, #tpu.memory_space<vmem>>[vector<16xi32>, vector<16xi32>], vector<16xf32>,
      %gather3A_332 = tpu.vector_load_idx %arg18[%add3A_246, %and3A_329] : memref<128x64xf32, #tpu.memory_space<vmem>>[vector<16xi32>, vector<16xi32>], vector<16xf32>,
      %mul3A_333 = arith.mulf %gather3A_330, %gather3A_331 : vector<16xf32>
      %add3A_334 = arith.addf %add3A_323, %mul3A_333 : vector<16xf32>
      %mul3A_335 = arith.mulf %gather3A_330, %gather3A_332 : vector<16xf32>
      %add3A_336 = arith.addf %add3A_325, %mul3A_335 : vector<16xf32>
      %add3A_337 = arith.constant 8 : i32
      %add3A_338 = vector.broadcast %add3A_337 : i32 to vector<16xi32>
      %add3A_339 = arith.addi %iota3A, %add3A_338 : vector<16xi32>
      %and3A_340 = arith.andi %add3A_339, %broadcast_in_dim3A_3 : vector<16xi32>
      %gather3A_341 = tpu.vector_load_idx %arg14[%add3A_246, %and3A_340] : memref<128x64xf32, #tpu.memory_space<vmem>>[vector<16xi32>, vector<16xi32>], vector<16xf32>,
      %gather3A_342 = tpu.vector_load_idx %arg16[%add3A_246, %and3A_340] : memref<128x64xf32, #tpu.memory_space<vmem>>[vector<16xi32>, vector<16xi32>], vector<16xf32>,
      %gather3A_343 = tpu.vector_load_idx %arg18[%add3A_246, %and3A_340] : memref<128x64xf32, #tpu.memory_space<vmem>>[vector<16xi32>, vector<16xi32>], vector<16xf32>,
      %mul3A_344 = arith.mulf %gather3A_341, %gather3A_342 : vector<16xf32>
      %add3A_345 = arith.addf %add3A_334, %mul3A_344 : vector<16xf32>
      %mul3A_346 = arith.mulf %gather3A_341, %gather3A_343 : vector<16xf32>
      %add3A_347 = arith.addf %add3A_336, %mul3A_346 : vector<16xf32>
      %add3A_348 = arith.constant 9 : i32
      %add3A_349 = vector.broadcast %add3A_348 : i32 to vector<16xi32>
      %add3A_350 = arith.addi %iota3A, %add3A_349 : vector<16xi32>
      %and3A_351 = arith.andi %add3A_350, %broadcast_in_dim3A_3 : vector<16xi32>
      %gather3A_352 = tpu.vector_load_idx %arg14[%add3A_246, %and3A_351] : memref<128x64xf32, #tpu.memory_space<vmem>>[vector<16xi32>, vector<16xi32>], vector<16xf32>,
      %gather3A_353 = tpu.vector_load_idx %arg16[%add3A_246, %and3A_351] : memref<128x64xf32, #tpu.memory_space<vmem>>[vector<16xi32>, vector<16xi32>], vector<16xf32>,
      %gather3A_354 = tpu.vector_load_idx %arg18[%add3A_246, %and3A_351] : memref<128x64xf32, #tpu.memory_space<vmem>>[vector<16xi32>, vector<16xi32>], vector<16xf32>,
      %mul3A_355 = arith.mulf %gather3A_352, %gather3A_353 : vector<16xf32>
      %add3A_356 = arith.addf %add3A_345, %mul3A_355 : vector<16xf32>
      %mul3A_357 = arith.mulf %gather3A_352, %gather3A_354 : vector<16xf32>
      %add3A_358 = arith.addf %add3A_347, %mul3A_357 : vector<16xf32>
      %add3A_359 = arith.constant 10 : i32
      %add3A_360 = vector.broadcast %add3A_359 : i32 to vector<16xi32>
      %add3A_361 = arith.addi %iota3A, %add3A_360 : vector<16xi32>
      %and3A_362 = arith.andi %add3A_361, %broadcast_in_dim3A_3 : vector<16xi32>
      %gather3A_363 = tpu.vector_load_idx %arg14[%add3A_246, %and3A_362] : memref<128x64xf32, #tpu.memory_space<vmem>>[vector<16xi32>, vector<16xi32>], vector<16xf32>,
      %gather3A_364 = tpu.vector_load_idx %arg16[%add3A_246, %and3A_362] : memref<128x64xf32, #tpu.memory_space<vmem>>[vector<16xi32>, vector<16xi32>], vector<16xf32>,
      %gather3A_365 = tpu.vector_load_idx %arg18[%add3A_246, %and3A_362] : memref<128x64xf32, #tpu.memory_space<vmem>>[vector<16xi32>, vector<16xi32>], vector<16xf32>,
      %mul3A_366 = arith.mulf %gather3A_363, %gather3A_364 : vector<16xf32>
      %add3A_367 = arith.addf %add3A_356, %mul3A_366 : vector<16xf32>
      %mul3A_368 = arith.mulf %gather3A_363, %gather3A_365 : vector<16xf32>
      %add3A_369 = arith.addf %add3A_358, %mul3A_368 : vector<16xf32>
      %add3A_370 = arith.constant 11 : i32
      %add3A_371 = vector.broadcast %add3A_370 : i32 to vector<16xi32>
      %add3A_372 = arith.addi %iota3A, %add3A_371 : vector<16xi32>
      %and3A_373 = arith.andi %add3A_372, %broadcast_in_dim3A_3 : vector<16xi32>
      %gather3A_374 = tpu.vector_load_idx %arg14[%add3A_246, %and3A_373] : memref<128x64xf32, #tpu.memory_space<vmem>>[vector<16xi32>, vector<16xi32>], vector<16xf32>,
      %gather3A_375 = tpu.vector_load_idx %arg16[%add3A_246, %and3A_373] : memref<128x64xf32, #tpu.memory_space<vmem>>[vector<16xi32>, vector<16xi32>], vector<16xf32>,
      %gather3A_376 = tpu.vector_load_idx %arg18[%add3A_246, %and3A_373] : memref<128x64xf32, #tpu.memory_space<vmem>>[vector<16xi32>, vector<16xi32>], vector<16xf32>,
      %mul3A_377 = arith.mulf %gather3A_374, %gather3A_375 : vector<16xf32>
      %add3A_378 = arith.addf %add3A_367, %mul3A_377 : vector<16xf32>
      %mul3A_379 = arith.mulf %gather3A_374, %gather3A_376 : vector<16xf32>
      %add3A_380 = arith.addf %add3A_369, %mul3A_379 : vector<16xf32>
      %add3A_381 = arith.constant 12 : i32
      %add3A_382 = vector.broadcast %add3A_381 : i32 to vector<16xi32>
      %add3A_383 = arith.addi %iota3A, %add3A_382 : vector<16xi32>
      %and3A_384 = arith.andi %add3A_383, %broadcast_in_dim3A_3 : vector<16xi32>
      %gather3A_385 = tpu.vector_load_idx %arg14[%add3A_246, %and3A_384] : memref<128x64xf32, #tpu.memory_space<vmem>>[vector<16xi32>, vector<16xi32>], vector<16xf32>,
      %gather3A_386 = tpu.vector_load_idx %arg16[%add3A_246, %and3A_384] : memref<128x64xf32, #tpu.memory_space<vmem>>[vector<16xi32>, vector<16xi32>], vector<16xf32>,
      %gather3A_387 = tpu.vector_load_idx %arg18[%add3A_246, %and3A_384] : memref<128x64xf32, #tpu.memory_space<vmem>>[vector<16xi32>, vector<16xi32>], vector<16xf32>,
      %mul3A_388 = arith.mulf %gather3A_385, %gather3A_386 : vector<16xf32>
      %add3A_389 = arith.addf %add3A_378, %mul3A_388 : vector<16xf32>
      %mul3A_390 = arith.mulf %gather3A_385, %gather3A_387 : vector<16xf32>
      %add3A_391 = arith.addf %add3A_380, %mul3A_390 : vector<16xf32>
      %add3A_392 = arith.constant 13 : i32
      %add3A_393 = vector.broadcast %add3A_392 : i32 to vector<16xi32>
      %add3A_394 = arith.addi %iota3A, %add3A_393 : vector<16xi32>
      %and3A_395 = arith.andi %add3A_394, %broadcast_in_dim3A_3 : vector<16xi32>
      %gather3A_396 = tpu.vector_load_idx %arg14[%add3A_246, %and3A_395] : memref<128x64xf32, #tpu.memory_space<vmem>>[vector<16xi32>, vector<16xi32>], vector<16xf32>,
      %gather3A_397 = tpu.vector_load_idx %arg16[%add3A_246, %and3A_395] : memref<128x64xf32, #tpu.memory_space<vmem>>[vector<16xi32>, vector<16xi32>], vector<16xf32>,
      %gather3A_398 = tpu.vector_load_idx %arg18[%add3A_246, %and3A_395] : memref<128x64xf32, #tpu.memory_space<vmem>>[vector<16xi32>, vector<16xi32>], vector<16xf32>,
      %mul3A_399 = arith.mulf %gather3A_396, %gather3A_397 : vector<16xf32>
      %add3A_400 = arith.addf %add3A_389, %mul3A_399 : vector<16xf32>
      %mul3A_401 = arith.mulf %gather3A_396, %gather3A_398 : vector<16xf32>
      %add3A_402 = arith.addf %add3A_391, %mul3A_401 : vector<16xf32>
      %add3A_403 = arith.constant 14 : i32
      %add3A_404 = vector.broadcast %add3A_403 : i32 to vector<16xi32>
      %add3A_405 = arith.addi %iota3A, %add3A_404 : vector<16xi32>
      %and3A_406 = arith.andi %add3A_405, %broadcast_in_dim3A_3 : vector<16xi32>
      %gather3A_407 = tpu.vector_load_idx %arg14[%add3A_246, %and3A_406] : memref<128x64xf32, #tpu.memory_space<vmem>>[vector<16xi32>, vector<16xi32>], vector<16xf32>,
      %gather3A_408 = tpu.vector_load_idx %arg16[%add3A_246, %and3A_406] : memref<128x64xf32, #tpu.memory_space<vmem>>[vector<16xi32>, vector<16xi32>], vector<16xf32>,
      %gather3A_409 = tpu.vector_load_idx %arg18[%add3A_246, %and3A_406] : memref<128x64xf32, #tpu.memory_space<vmem>>[vector<16xi32>, vector<16xi32>], vector<16xf32>,
      %mul3A_410 = arith.mulf %gather3A_407, %gather3A_408 : vector<16xf32>
      %add3A_411 = arith.addf %add3A_400, %mul3A_410 : vector<16xf32>
      %mul3A_412 = arith.mulf %gather3A_407, %gather3A_409 : vector<16xf32>
      %add3A_413 = arith.addf %add3A_402, %mul3A_412 : vector<16xf32>
      %add3A_414 = arith.constant 15 : i32
      %add3A_415 = vector.broadcast %add3A_414 : i32 to vector<16xi32>
      %add3A_416 = arith.addi %iota3A, %add3A_415 : vector<16xi32>
      %and3A_417 = arith.andi %add3A_416, %broadcast_in_dim3A_3 : vector<16xi32>
      %gather3A_418 = tpu.vector_load_idx %arg14[%add3A_246, %and3A_417] : memref<128x64xf32, #tpu.memory_space<vmem>>[vector<16xi32>, vector<16xi32>], vector<16xf32>,
      %gather3A_419 = tpu.vector_load_idx %arg16[%add3A_246, %and3A_417] : memref<128x64xf32, #tpu.memory_space<vmem>>[vector<16xi32>, vector<16xi32>], vector<16xf32>,
      %gather3A_420 = tpu.vector_load_idx %arg18[%add3A_246, %and3A_417] : memref<128x64xf32, #tpu.memory_space<vmem>>[vector<16xi32>, vector<16xi32>], vector<16xf32>,
      %mul3A_421 = arith.mulf %gather3A_418, %gather3A_419 : vector<16xf32>
      %add3A_422 = arith.addf %add3A_411, %mul3A_421 : vector<16xf32>
      %mul3A_423 = arith.mulf %gather3A_418, %gather3A_420 : vector<16xf32>
      %add3A_424 = arith.addf %add3A_413, %mul3A_423 : vector<16xf32>
      %add3A_425 = arith.constant 16 : i32
      %add3A_426 = vector.broadcast %add3A_425 : i32 to vector<16xi32>
      %add3A_427 = arith.addi %iota3A, %add3A_426 : vector<16xi32>
      %and3A_428 = arith.andi %add3A_427, %broadcast_in_dim3A_3 : vector<16xi32>
      %gather3A_429 = tpu.vector_load_idx %arg14[%add3A_246, %and3A_428] : memref<128x64xf32, #tpu.memory_space<vmem>>[vector<16xi32>, vector<16xi32>], vector<16xf32>,
      %gather3A_430 = tpu.vector_load_idx %arg16[%add3A_246, %and3A_428] : memref<128x64xf32, #tpu.memory_space<vmem>>[vector<16xi32>, vector<16xi32>], vector<16xf32>,
      %gather3A_431 = tpu.vector_load_idx %arg18[%add3A_246, %and3A_428] : memref<128x64xf32, #tpu.memory_space<vmem>>[vector<16xi32>, vector<16xi32>], vector<16xf32>,
      %mul3A_432 = arith.mulf %gather3A_429, %gather3A_430 : vector<16xf32>
      %add3A_433 = arith.addf %add3A_422, %mul3A_432 : vector<16xf32>
      %mul3A_434 = arith.mulf %gather3A_429, %gather3A_431 : vector<16xf32>
      %add3A_435 = arith.addf %add3A_424, %mul3A_434 : vector<16xf32>
      %add3A_436 = arith.constant 17 : i32
      %add3A_437 = vector.broadcast %add3A_436 : i32 to vector<16xi32>
      %add3A_438 = arith.addi %iota3A, %add3A_437 : vector<16xi32>
      %and3A_439 = arith.andi %add3A_438, %broadcast_in_dim3A_3 : vector<16xi32>
      %gather3A_440 = tpu.vector_load_idx %arg14[%add3A_246, %and3A_439] : memref<128x64xf32, #tpu.memory_space<vmem>>[vector<16xi32>, vector<16xi32>], vector<16xf32>,
      %gather3A_441 = tpu.vector_load_idx %arg16[%add3A_246, %and3A_439] : memref<128x64xf32, #tpu.memory_space<vmem>>[vector<16xi32>, vector<16xi32>], vector<16xf32>,
      %gather3A_442 = tpu.vector_load_idx %arg18[%add3A_246, %and3A_439] : memref<128x64xf32, #tpu.memory_space<vmem>>[vector<16xi32>, vector<16xi32>], vector<16xf32>,
      %mul3A_443 = arith.mulf %gather3A_440, %gather3A_441 : vector<16xf32>
      %add3A_444 = arith.addf %add3A_433, %mul3A_443 : vector<16xf32>
      %mul3A_445 = arith.mulf %gather3A_440, %gather3A_442 : vector<16xf32>
      %add3A_446 = arith.addf %add3A_435, %mul3A_445 : vector<16xf32>
      %add3A_447 = arith.constant 18 : i32
      %add3A_448 = vector.broadcast %add3A_447 : i32 to vector<16xi32>
      %add3A_449 = arith.addi %iota3A, %add3A_448 : vector<16xi32>
      %and3A_450 = arith.andi %add3A_449, %broadcast_in_dim3A_3 : vector<16xi32>
      %gather3A_451 = tpu.vector_load_idx %arg14[%add3A_246, %and3A_450] : memref<128x64xf32, #tpu.memory_space<vmem>>[vector<16xi32>, vector<16xi32>], vector<16xf32>,
      %gather3A_452 = tpu.vector_load_idx %arg16[%add3A_246, %and3A_450] : memref<128x64xf32, #tpu.memory_space<vmem>>[vector<16xi32>, vector<16xi32>], vector<16xf32>,
      %gather3A_453 = tpu.vector_load_idx %arg18[%add3A_246, %and3A_450] : memref<128x64xf32, #tpu.memory_space<vmem>>[vector<16xi32>, vector<16xi32>], vector<16xf32>,
      %mul3A_454 = arith.mulf %gather3A_451, %gather3A_452 : vector<16xf32>
      %add3A_455 = arith.addf %add3A_444, %mul3A_454 : vector<16xf32>
      %mul3A_456 = arith.mulf %gather3A_451, %gather3A_453 : vector<16xf32>
      %add3A_457 = arith.addf %add3A_446, %mul3A_456 : vector<16xf32>
      %add3A_458 = arith.constant 19 : i32
      %add3A_459 = vector.broadcast %add3A_458 : i32 to vector<16xi32>
      %add3A_460 = arith.addi %iota3A, %add3A_459 : vector<16xi32>
      %and3A_461 = arith.andi %add3A_460, %broadcast_in_dim3A_3 : vector<16xi32>
      %gather3A_462 = tpu.vector_load_idx %arg14[%add3A_246, %and3A_461] : memref<128x64xf32, #tpu.memory_space<vmem>>[vector<16xi32>, vector<16xi32>], vector<16xf32>,
      %gather3A_463 = tpu.vector_load_idx %arg16[%add3A_246, %and3A_461] : memref<128x64xf32, #tpu.memory_space<vmem>>[vector<16xi32>, vector<16xi32>], vector<16xf32>,
      %gather3A_464 = tpu.vector_load_idx %arg18[%add3A_246, %and3A_461] : memref<128x64xf32, #tpu.memory_space<vmem>>[vector<16xi32>, vector<16xi32>], vector<16xf32>,
      %mul3A_465 = arith.mulf %gather3A_462, %gather3A_463 : vector<16xf32>
      %add3A_466 = arith.addf %add3A_455, %mul3A_465 : vector<16xf32>
      %mul3A_467 = arith.mulf %gather3A_462, %gather3A_464 : vector<16xf32>
      %add3A_468 = arith.addf %add3A_457, %mul3A_467 : vector<16xf32>
      %add3A_469 = arith.constant 20 : i32
      %add3A_470 = vector.broadcast %add3A_469 : i32 to vector<16xi32>
      %add3A_471 = arith.addi %iota3A, %add3A_470 : vector<16xi32>
      %and3A_472 = arith.andi %add3A_471, %broadcast_in_dim3A_3 : vector<16xi32>
      %gather3A_473 = tpu.vector_load_idx %arg14[%add3A_246, %and3A_472] : memref<128x64xf32, #tpu.memory_space<vmem>>[vector<16xi32>, vector<16xi32>], vector<16xf32>,
      %gather3A_474 = tpu.vector_load_idx %arg16[%add3A_246, %and3A_472] : memref<128x64xf32, #tpu.memory_space<vmem>>[vector<16xi32>, vector<16xi32>], vector<16xf32>,
      %gather3A_475 = tpu.vector_load_idx %arg18[%add3A_246, %and3A_472] : memref<128x64xf32, #tpu.memory_space<vmem>>[vector<16xi32>, vector<16xi32>], vector<16xf32>,
      %mul3A_476 = arith.mulf %gather3A_473, %gather3A_474 : vector<16xf32>
      %add3A_477 = arith.addf %add3A_466, %mul3A_476 : vector<16xf32>
      %mul3A_478 = arith.mulf %gather3A_473, %gather3A_475 : vector<16xf32>
      %add3A_479 = arith.addf %add3A_468, %mul3A_478 : vector<16xf32>
      %add3A_480 = arith.constant 21 : i32
      %add3A_481 = vector.broadcast %add3A_480 : i32 to vector<16xi32>
      %add3A_482 = arith.addi %iota3A, %add3A_481 : vector<16xi32>
      %and3A_483 = arith.andi %add3A_482, %broadcast_in_dim3A_3 : vector<16xi32>
      %gather3A_484 = tpu.vector_load_idx %arg14[%add3A_246, %and3A_483] : memref<128x64xf32, #tpu.memory_space<vmem>>[vector<16xi32>, vector<16xi32>], vector<16xf32>,
      %gather3A_485 = tpu.vector_load_idx %arg16[%add3A_246, %and3A_483] : memref<128x64xf32, #tpu.memory_space<vmem>>[vector<16xi32>, vector<16xi32>], vector<16xf32>,
      %gather3A_486 = tpu.vector_load_idx %arg18[%add3A_246, %and3A_483] : memref<128x64xf32, #tpu.memory_space<vmem>>[vector<16xi32>, vector<16xi32>], vector<16xf32>,
      %mul3A_487 = arith.mulf %gather3A_484, %gather3A_485 : vector<16xf32>
      %add3A_488 = arith.addf %add3A_477, %mul3A_487 : vector<16xf32>
      %mul3A_489 = arith.mulf %gather3A_484, %gather3A_486 : vector<16xf32>
      %add3A_490 = arith.addf %add3A_479, %mul3A_489 : vector<16xf32>
      %add3A_491 = arith.constant 22 : i32
      %add3A_492 = vector.broadcast %add3A_491 : i32 to vector<16xi32>
      %add3A_493 = arith.addi %iota3A, %add3A_492 : vector<16xi32>
      %and3A_494 = arith.andi %add3A_493, %broadcast_in_dim3A_3 : vector<16xi32>
      %gather3A_495 = tpu.vector_load_idx %arg14[%add3A_246, %and3A_494] : memref<128x64xf32, #tpu.memory_space<vmem>>[vector<16xi32>, vector<16xi32>], vector<16xf32>,
      %gather3A_496 = tpu.vector_load_idx %arg16[%add3A_246, %and3A_494] : memref<128x64xf32, #tpu.memory_space<vmem>>[vector<16xi32>, vector<16xi32>], vector<16xf32>,
      %gather3A_497 = tpu.vector_load_idx %arg18[%add3A_246, %and3A_494] : memref<128x64xf32, #tpu.memory_space<vmem>>[vector<16xi32>, vector<16xi32>], vector<16xf32>,
      %mul3A_498 = arith.mulf %gather3A_495, %gather3A_496 : vector<16xf32>
      %add3A_499 = arith.addf %add3A_488, %mul3A_498 : vector<16xf32>
      %mul3A_500 = arith.mulf %gather3A_495, %gather3A_497 : vector<16xf32>
      %add3A_501 = arith.addf %add3A_490, %mul3A_500 : vector<16xf32>
      %add3A_502 = arith.constant 23 : i32
      %add3A_503 = vector.broadcast %add3A_502 : i32 to vector<16xi32>
      %add3A_504 = arith.addi %iota3A, %add3A_503 : vector<16xi32>
      %and3A_505 = arith.andi %add3A_504, %broadcast_in_dim3A_3 : vector<16xi32>
      %gather3A_506 = tpu.vector_load_idx %arg14[%add3A_246, %and3A_505] : memref<128x64xf32, #tpu.memory_space<vmem>>[vector<16xi32>, vector<16xi32>], vector<16xf32>,
      %gather3A_507 = tpu.vector_load_idx %arg16[%add3A_246, %and3A_505] : memref<128x64xf32, #tpu.memory_space<vmem>>[vector<16xi32>, vector<16xi32>], vector<16xf32>,
      %gather3A_508 = tpu.vector_load_idx %arg18[%add3A_246, %and3A_505] : memref<128x64xf32, #tpu.memory_space<vmem>>[vector<16xi32>, vector<16xi32>], vector<16xf32>,
      %mul3A_509 = arith.mulf %gather3A_506, %gather3A_507 : vector<16xf32>
      %add3A_510 = arith.addf %add3A_499, %mul3A_509 : vector<16xf32>
      %mul3A_511 = arith.mulf %gather3A_506, %gather3A_508 : vector<16xf32>
      %add3A_512 = arith.addf %add3A_501, %mul3A_511 : vector<16xf32>
      %add3A_513 = arith.constant 24 : i32
      %add3A_514 = vector.broadcast %add3A_513 : i32 to vector<16xi32>
      %add3A_515 = arith.addi %iota3A, %add3A_514 : vector<16xi32>
      %and3A_516 = arith.andi %add3A_515, %broadcast_in_dim3A_3 : vector<16xi32>
      %gather3A_517 = tpu.vector_load_idx %arg14[%add3A_246, %and3A_516] : memref<128x64xf32, #tpu.memory_space<vmem>>[vector<16xi32>, vector<16xi32>], vector<16xf32>,
      %gather3A_518 = tpu.vector_load_idx %arg16[%add3A_246, %and3A_516] : memref<128x64xf32, #tpu.memory_space<vmem>>[vector<16xi32>, vector<16xi32>], vector<16xf32>,
      %gather3A_519 = tpu.vector_load_idx %arg18[%add3A_246, %and3A_516] : memref<128x64xf32, #tpu.memory_space<vmem>>[vector<16xi32>, vector<16xi32>], vector<16xf32>,
      %mul3A_520 = arith.mulf %gather3A_517, %gather3A_518 : vector<16xf32>
      %add3A_521 = arith.addf %add3A_510, %mul3A_520 : vector<16xf32>
      %mul3A_522 = arith.mulf %gather3A_517, %gather3A_519 : vector<16xf32>
      %add3A_523 = arith.addf %add3A_512, %mul3A_522 : vector<16xf32>
      %add3A_524 = arith.constant 25 : i32
      %add3A_525 = vector.broadcast %add3A_524 : i32 to vector<16xi32>
      %add3A_526 = arith.addi %iota3A, %add3A_525 : vector<16xi32>
      %and3A_527 = arith.andi %add3A_526, %broadcast_in_dim3A_3 : vector<16xi32>
      %gather3A_528 = tpu.vector_load_idx %arg14[%add3A_246, %and3A_527] : memref<128x64xf32, #tpu.memory_space<vmem>>[vector<16xi32>, vector<16xi32>], vector<16xf32>,
      %gather3A_529 = tpu.vector_load_idx %arg16[%add3A_246, %and3A_527] : memref<128x64xf32, #tpu.memory_space<vmem>>[vector<16xi32>, vector<16xi32>], vector<16xf32>,
      %gather3A_530 = tpu.vector_load_idx %arg18[%add3A_246, %and3A_527] : memref<128x64xf32, #tpu.memory_space<vmem>>[vector<16xi32>, vector<16xi32>], vector<16xf32>,
      %mul3A_531 = arith.mulf %gather3A_528, %gather3A_529 : vector<16xf32>
      %add3A_532 = arith.addf %add3A_521, %mul3A_531 : vector<16xf32>
      %mul3A_533 = arith.mulf %gather3A_528, %gather3A_530 : vector<16xf32>
      %add3A_534 = arith.addf %add3A_523, %mul3A_533 : vector<16xf32>
      %add3A_535 = arith.constant 26 : i32
      %add3A_536 = vector.broadcast %add3A_535 : i32 to vector<16xi32>
      %add3A_537 = arith.addi %iota3A, %add3A_536 : vector<16xi32>
      %and3A_538 = arith.andi %add3A_537, %broadcast_in_dim3A_3 : vector<16xi32>
      %gather3A_539 = tpu.vector_load_idx %arg14[%add3A_246, %and3A_538] : memref<128x64xf32, #tpu.memory_space<vmem>>[vector<16xi32>, vector<16xi32>], vector<16xf32>,
      %gather3A_540 = tpu.vector_load_idx %arg16[%add3A_246, %and3A_538] : memref<128x64xf32, #tpu.memory_space<vmem>>[vector<16xi32>, vector<16xi32>], vector<16xf32>,
      %gather3A_541 = tpu.vector_load_idx %arg18[%add3A_246, %and3A_538] : memref<128x64xf32, #tpu.memory_space<vmem>>[vector<16xi32>, vector<16xi32>], vector<16xf32>,
      %mul3A_542 = arith.mulf %gather3A_539, %gather3A_540 : vector<16xf32>
      %add3A_543 = arith.addf %add3A_532, %mul3A_542 : vector<16xf32>
      %mul3A_544 = arith.mulf %gather3A_539, %gather3A_541 : vector<16xf32>
      %add3A_545 = arith.addf %add3A_534, %mul3A_544 : vector<16xf32>
      %add3A_546 = arith.constant 27 : i32
      %add3A_547 = vector.broadcast %add3A_546 : i32 to vector<16xi32>
      %add3A_548 = arith.addi %iota3A, %add3A_547 : vector<16xi32>
      %and3A_549 = arith.andi %add3A_548, %broadcast_in_dim3A_3 : vector<16xi32>
      %gather3A_550 = tpu.vector_load_idx %arg14[%add3A_246, %and3A_549] : memref<128x64xf32, #tpu.memory_space<vmem>>[vector<16xi32>, vector<16xi32>], vector<16xf32>,
      %gather3A_551 = tpu.vector_load_idx %arg16[%add3A_246, %and3A_549] : memref<128x64xf32, #tpu.memory_space<vmem>>[vector<16xi32>, vector<16xi32>], vector<16xf32>,
      %gather3A_552 = tpu.vector_load_idx %arg18[%add3A_246, %and3A_549] : memref<128x64xf32, #tpu.memory_space<vmem>>[vector<16xi32>, vector<16xi32>], vector<16xf32>,
      %mul3A_553 = arith.mulf %gather3A_550, %gather3A_551 : vector<16xf32>
      %add3A_554 = arith.addf %add3A_543, %mul3A_553 : vector<16xf32>
      %mul3A_555 = arith.mulf %gather3A_550, %gather3A_552 : vector<16xf32>
      %add3A_556 = arith.addf %add3A_545, %mul3A_555 : vector<16xf32>
      %add3A_557 = arith.constant 28 : i32
      %add3A_558 = vector.broadcast %add3A_557 : i32 to vector<16xi32>
      %add3A_559 = arith.addi %iota3A, %add3A_558 : vector<16xi32>
      %and3A_560 = arith.andi %add3A_559, %broadcast_in_dim3A_3 : vector<16xi32>
      %gather3A_561 = tpu.vector_load_idx %arg14[%add3A_246, %and3A_560] : memref<128x64xf32, #tpu.memory_space<vmem>>[vector<16xi32>, vector<16xi32>], vector<16xf32>,
      %gather3A_562 = tpu.vector_load_idx %arg16[%add3A_246, %and3A_560] : memref<128x64xf32, #tpu.memory_space<vmem>>[vector<16xi32>, vector<16xi32>], vector<16xf32>,
      %gather3A_563 = tpu.vector_load_idx %arg18[%add3A_246, %and3A_560] : memref<128x64xf32, #tpu.memory_space<vmem>>[vector<16xi32>, vector<16xi32>], vector<16xf32>,
      %mul3A_564 = arith.mulf %gather3A_561, %gather3A_562 : vector<16xf32>
      %add3A_565 = arith.addf %add3A_554, %mul3A_564 : vector<16xf32>
      %mul3A_566 = arith.mulf %gather3A_561, %gather3A_563 : vector<16xf32>
      %add3A_567 = arith.addf %add3A_556, %mul3A_566 : vector<16xf32>
      %add3A_568 = arith.constant 29 : i32
      %add3A_569 = vector.broadcast %add3A_568 : i32 to vector<16xi32>
      %add3A_570 = arith.addi %iota3A, %add3A_569 : vector<16xi32>
      %and3A_571 = arith.andi %add3A_570, %broadcast_in_dim3A_3 : vector<16xi32>
      %gather3A_572 = tpu.vector_load_idx %arg14[%add3A_246, %and3A_571] : memref<128x64xf32, #tpu.memory_space<vmem>>[vector<16xi32>, vector<16xi32>], vector<16xf32>,
      %gather3A_573 = tpu.vector_load_idx %arg16[%add3A_246, %and3A_571] : memref<128x64xf32, #tpu.memory_space<vmem>>[vector<16xi32>, vector<16xi32>], vector<16xf32>,
      %gather3A_574 = tpu.vector_load_idx %arg18[%add3A_246, %and3A_571] : memref<128x64xf32, #tpu.memory_space<vmem>>[vector<16xi32>, vector<16xi32>], vector<16xf32>,
      %mul3A_575 = arith.mulf %gather3A_572, %gather3A_573 : vector<16xf32>
      %add3A_576 = arith.addf %add3A_565, %mul3A_575 : vector<16xf32>
      %mul3A_577 = arith.mulf %gather3A_572, %gather3A_574 : vector<16xf32>
      %add3A_578 = arith.addf %add3A_567, %mul3A_577 : vector<16xf32>
      %add3A_579 = arith.constant 30 : i32
      %add3A_580 = vector.broadcast %add3A_579 : i32 to vector<16xi32>
      %add3A_581 = arith.addi %iota3A, %add3A_580 : vector<16xi32>
      %and3A_582 = arith.andi %add3A_581, %broadcast_in_dim3A_3 : vector<16xi32>
      %gather3A_583 = tpu.vector_load_idx %arg14[%add3A_246, %and3A_582] : memref<128x64xf32, #tpu.memory_space<vmem>>[vector<16xi32>, vector<16xi32>], vector<16xf32>,
      %gather3A_584 = tpu.vector_load_idx %arg16[%add3A_246, %and3A_582] : memref<128x64xf32, #tpu.memory_space<vmem>>[vector<16xi32>, vector<16xi32>], vector<16xf32>,
      %gather3A_585 = tpu.vector_load_idx %arg18[%add3A_246, %and3A_582] : memref<128x64xf32, #tpu.memory_space<vmem>>[vector<16xi32>, vector<16xi32>], vector<16xf32>,
      %mul3A_586 = arith.mulf %gather3A_583, %gather3A_584 : vector<16xf32>
      %add3A_587 = arith.addf %add3A_576, %mul3A_586 : vector<16xf32>
      %mul3A_588 = arith.mulf %gather3A_583, %gather3A_585 : vector<16xf32>
      %add3A_589 = arith.addf %add3A_578, %mul3A_588 : vector<16xf32>
      %add3A_590 = arith.constant 31 : i32
      %add3A_591 = vector.broadcast %add3A_590 : i32 to vector<16xi32>
      %add3A_592 = arith.addi %iota3A, %add3A_591 : vector<16xi32>
      %and3A_593 = arith.andi %add3A_592, %broadcast_in_dim3A_3 : vector<16xi32>
      %gather3A_594 = tpu.vector_load_idx %arg14[%add3A_246, %and3A_593] : memref<128x64xf32, #tpu.memory_space<vmem>>[vector<16xi32>, vector<16xi32>], vector<16xf32>,
      %gather3A_595 = tpu.vector_load_idx %arg16[%add3A_246, %and3A_593] : memref<128x64xf32, #tpu.memory_space<vmem>>[vector<16xi32>, vector<16xi32>], vector<16xf32>,
      %gather3A_596 = tpu.vector_load_idx %arg18[%add3A_246, %and3A_593] : memref<128x64xf32, #tpu.memory_space<vmem>>[vector<16xi32>, vector<16xi32>], vector<16xf32>,
      %mul3A_597 = arith.mulf %gather3A_594, %gather3A_595 : vector<16xf32>
      %add3A_598 = arith.addf %add3A_587, %mul3A_597 : vector<16xf32>
      %mul3A_599 = arith.mulf %gather3A_594, %gather3A_596 : vector<16xf32>
      %add3A_600 = arith.addf %add3A_589, %mul3A_599 : vector<16xf32>
      %add3A_601 = arith.constant 32 : i32
      %add3A_602 = vector.broadcast %add3A_601 : i32 to vector<16xi32>
      %add3A_603 = arith.addi %iota3A, %add3A_602 : vector<16xi32>
      %and3A_604 = arith.andi %add3A_603, %broadcast_in_dim3A_3 : vector<16xi32>
      %gather3A_605 = tpu.vector_load_idx %arg14[%add3A_246, %and3A_604] : memref<128x64xf32, #tpu.memory_space<vmem>>[vector<16xi32>, vector<16xi32>], vector<16xf32>,
      %gather3A_606 = tpu.vector_load_idx %arg16[%add3A_246, %and3A_604] : memref<128x64xf32, #tpu.memory_space<vmem>>[vector<16xi32>, vector<16xi32>], vector<16xf32>,
      %gather3A_607 = tpu.vector_load_idx %arg18[%add3A_246, %and3A_604] : memref<128x64xf32, #tpu.memory_space<vmem>>[vector<16xi32>, vector<16xi32>], vector<16xf32>,
      %mul3A_608 = arith.mulf %gather3A_605, %gather3A_606 : vector<16xf32>
      %add3A_609 = arith.addf %add3A_598, %mul3A_608 : vector<16xf32>
      %mul3A_610 = arith.mulf %gather3A_605, %gather3A_607 : vector<16xf32>
      %add3A_611 = arith.addf %add3A_600, %mul3A_610 : vector<16xf32>
      %add3A_612 = arith.constant 33 : i32
      %add3A_613 = vector.broadcast %add3A_612 : i32 to vector<16xi32>
      %add3A_614 = arith.addi %iota3A, %add3A_613 : vector<16xi32>
      %and3A_615 = arith.andi %add3A_614, %broadcast_in_dim3A_3 : vector<16xi32>
      %gather3A_616 = tpu.vector_load_idx %arg14[%add3A_246, %and3A_615] : memref<128x64xf32, #tpu.memory_space<vmem>>[vector<16xi32>, vector<16xi32>], vector<16xf32>,
      %gather3A_617 = tpu.vector_load_idx %arg16[%add3A_246, %and3A_615] : memref<128x64xf32, #tpu.memory_space<vmem>>[vector<16xi32>, vector<16xi32>], vector<16xf32>,
      %gather3A_618 = tpu.vector_load_idx %arg18[%add3A_246, %and3A_615] : memref<128x64xf32, #tpu.memory_space<vmem>>[vector<16xi32>, vector<16xi32>], vector<16xf32>,
      %mul3A_619 = arith.mulf %gather3A_616, %gather3A_617 : vector<16xf32>
      %add3A_620 = arith.addf %add3A_609, %mul3A_619 : vector<16xf32>
      %mul3A_621 = arith.mulf %gather3A_616, %gather3A_618 : vector<16xf32>
      %add3A_622 = arith.addf %add3A_611, %mul3A_621 : vector<16xf32>
      %add3A_623 = arith.constant 34 : i32
      %add3A_624 = vector.broadcast %add3A_623 : i32 to vector<16xi32>
      %add3A_625 = arith.addi %iota3A, %add3A_624 : vector<16xi32>
      %and3A_626 = arith.andi %add3A_625, %broadcast_in_dim3A_3 : vector<16xi32>
      %gather3A_627 = tpu.vector_load_idx %arg14[%add3A_246, %and3A_626] : memref<128x64xf32, #tpu.memory_space<vmem>>[vector<16xi32>, vector<16xi32>], vector<16xf32>,
      %gather3A_628 = tpu.vector_load_idx %arg16[%add3A_246, %and3A_626] : memref<128x64xf32, #tpu.memory_space<vmem>>[vector<16xi32>, vector<16xi32>], vector<16xf32>,
      %gather3A_629 = tpu.vector_load_idx %arg18[%add3A_246, %and3A_626] : memref<128x64xf32, #tpu.memory_space<vmem>>[vector<16xi32>, vector<16xi32>], vector<16xf32>,
      %mul3A_630 = arith.mulf %gather3A_627, %gather3A_628 : vector<16xf32>
      %add3A_631 = arith.addf %add3A_620, %mul3A_630 : vector<16xf32>
      %mul3A_632 = arith.mulf %gather3A_627, %gather3A_629 : vector<16xf32>
      %add3A_633 = arith.addf %add3A_622, %mul3A_632 : vector<16xf32>
      %add3A_634 = arith.constant 35 : i32
      %add3A_635 = vector.broadcast %add3A_634 : i32 to vector<16xi32>
      %add3A_636 = arith.addi %iota3A, %add3A_635 : vector<16xi32>
      %and3A_637 = arith.andi %add3A_636, %broadcast_in_dim3A_3 : vector<16xi32>
      %gather3A_638 = tpu.vector_load_idx %arg14[%add3A_246, %and3A_637] : memref<128x64xf32, #tpu.memory_space<vmem>>[vector<16xi32>, vector<16xi32>], vector<16xf32>,
      %gather3A_639 = tpu.vector_load_idx %arg16[%add3A_246, %and3A_637] : memref<128x64xf32, #tpu.memory_space<vmem>>[vector<16xi32>, vector<16xi32>], vector<16xf32>,
      %gather3A_640 = tpu.vector_load_idx %arg18[%add3A_246, %and3A_637] : memref<128x64xf32, #tpu.memory_space<vmem>>[vector<16xi32>, vector<16xi32>], vector<16xf32>,
      %mul3A_641 = arith.mulf %gather3A_638, %gather3A_639 : vector<16xf32>
      %add3A_642 = arith.addf %add3A_631, %mul3A_641 : vector<16xf32>
      %mul3A_643 = arith.mulf %gather3A_638, %gather3A_640 : vector<16xf32>
      %add3A_644 = arith.addf %add3A_633, %mul3A_643 : vector<16xf32>
      %add3A_645 = arith.constant 36 : i32
      %add3A_646 = vector.broadcast %add3A_645 : i32 to vector<16xi32>
      %add3A_647 = arith.addi %iota3A, %add3A_646 : vector<16xi32>
      %and3A_648 = arith.andi %add3A_647, %broadcast_in_dim3A_3 : vector<16xi32>
      %gather3A_649 = tpu.vector_load_idx %arg14[%add3A_246, %and3A_648] : memref<128x64xf32, #tpu.memory_space<vmem>>[vector<16xi32>, vector<16xi32>], vector<16xf32>,
      %gather3A_650 = tpu.vector_load_idx %arg16[%add3A_246, %and3A_648] : memref<128x64xf32, #tpu.memory_space<vmem>>[vector<16xi32>, vector<16xi32>], vector<16xf32>,
      %gather3A_651 = tpu.vector_load_idx %arg18[%add3A_246, %and3A_648] : memref<128x64xf32, #tpu.memory_space<vmem>>[vector<16xi32>, vector<16xi32>], vector<16xf32>,
      %mul3A_652 = arith.mulf %gather3A_649, %gather3A_650 : vector<16xf32>
      %add3A_653 = arith.addf %add3A_642, %mul3A_652 : vector<16xf32>
      %mul3A_654 = arith.mulf %gather3A_649, %gather3A_651 : vector<16xf32>
      %add3A_655 = arith.addf %add3A_644, %mul3A_654 : vector<16xf32>
      %add3A_656 = arith.constant 37 : i32
      %add3A_657 = vector.broadcast %add3A_656 : i32 to vector<16xi32>
      %add3A_658 = arith.addi %iota3A, %add3A_657 : vector<16xi32>
      %and3A_659 = arith.andi %add3A_658, %broadcast_in_dim3A_3 : vector<16xi32>
      %gather3A_660 = tpu.vector_load_idx %arg14[%add3A_246, %and3A_659] : memref<128x64xf32, #tpu.memory_space<vmem>>[vector<16xi32>, vector<16xi32>], vector<16xf32>,
      %gather3A_661 = tpu.vector_load_idx %arg16[%add3A_246, %and3A_659] : memref<128x64xf32, #tpu.memory_space<vmem>>[vector<16xi32>, vector<16xi32>], vector<16xf32>,
      %gather3A_662 = tpu.vector_load_idx %arg18[%add3A_246, %and3A_659] : memref<128x64xf32, #tpu.memory_space<vmem>>[vector<16xi32>, vector<16xi32>], vector<16xf32>,
      %mul3A_663 = arith.mulf %gather3A_660, %gather3A_661 : vector<16xf32>
      %add3A_664 = arith.addf %add3A_653, %mul3A_663 : vector<16xf32>
      %mul3A_665 = arith.mulf %gather3A_660, %gather3A_662 : vector<16xf32>
      %add3A_666 = arith.addf %add3A_655, %mul3A_665 : vector<16xf32>
      %add3A_667 = arith.constant 38 : i32
      %add3A_668 = vector.broadcast %add3A_667 : i32 to vector<16xi32>
      %add3A_669 = arith.addi %iota3A, %add3A_668 : vector<16xi32>
      %and3A_670 = arith.andi %add3A_669, %broadcast_in_dim3A_3 : vector<16xi32>
      %gather3A_671 = tpu.vector_load_idx %arg14[%add3A_246, %and3A_670] : memref<128x64xf32, #tpu.memory_space<vmem>>[vector<16xi32>, vector<16xi32>], vector<16xf32>,
      %gather3A_672 = tpu.vector_load_idx %arg16[%add3A_246, %and3A_670] : memref<128x64xf32, #tpu.memory_space<vmem>>[vector<16xi32>, vector<16xi32>], vector<16xf32>,
      %gather3A_673 = tpu.vector_load_idx %arg18[%add3A_246, %and3A_670] : memref<128x64xf32, #tpu.memory_space<vmem>>[vector<16xi32>, vector<16xi32>], vector<16xf32>,
      %mul3A_674 = arith.mulf %gather3A_671, %gather3A_672 : vector<16xf32>
      %add3A_675 = arith.addf %add3A_664, %mul3A_674 : vector<16xf32>
      %mul3A_676 = arith.mulf %gather3A_671, %gather3A_673 : vector<16xf32>
      %add3A_677 = arith.addf %add3A_666, %mul3A_676 : vector<16xf32>
      %add3A_678 = arith.constant 39 : i32
      %add3A_679 = vector.broadcast %add3A_678 : i32 to vector<16xi32>
      %add3A_680 = arith.addi %iota3A, %add3A_679 : vector<16xi32>
      %and3A_681 = arith.andi %add3A_680, %broadcast_in_dim3A_3 : vector<16xi32>
      %gather3A_682 = tpu.vector_load_idx %arg14[%add3A_246, %and3A_681] : memref<128x64xf32, #tpu.memory_space<vmem>>[vector<16xi32>, vector<16xi32>], vector<16xf32>,
      %gather3A_683 = tpu.vector_load_idx %arg16[%add3A_246, %and3A_681] : memref<128x64xf32, #tpu.memory_space<vmem>>[vector<16xi32>, vector<16xi32>], vector<16xf32>,
      %gather3A_684 = tpu.vector_load_idx %arg18[%add3A_246, %and3A_681] : memref<128x64xf32, #tpu.memory_space<vmem>>[vector<16xi32>, vector<16xi32>], vector<16xf32>,
      %mul3A_685 = arith.mulf %gather3A_682, %gather3A_683 : vector<16xf32>
      %add3A_686 = arith.addf %add3A_675, %mul3A_685 : vector<16xf32>
      %mul3A_687 = arith.mulf %gather3A_682, %gather3A_684 : vector<16xf32>
      %add3A_688 = arith.addf %add3A_677, %mul3A_687 : vector<16xf32>
      %add3A_689 = arith.constant 40 : i32
      %add3A_690 = vector.broadcast %add3A_689 : i32 to vector<16xi32>
      %add3A_691 = arith.addi %iota3A, %add3A_690 : vector<16xi32>
      %and3A_692 = arith.andi %add3A_691, %broadcast_in_dim3A_3 : vector<16xi32>
      %gather3A_693 = tpu.vector_load_idx %arg14[%add3A_246, %and3A_692] : memref<128x64xf32, #tpu.memory_space<vmem>>[vector<16xi32>, vector<16xi32>], vector<16xf32>,
      %gather3A_694 = tpu.vector_load_idx %arg16[%add3A_246, %and3A_692] : memref<128x64xf32, #tpu.memory_space<vmem>>[vector<16xi32>, vector<16xi32>], vector<16xf32>,
      %gather3A_695 = tpu.vector_load_idx %arg18[%add3A_246, %and3A_692] : memref<128x64xf32, #tpu.memory_space<vmem>>[vector<16xi32>, vector<16xi32>], vector<16xf32>,
      %mul3A_696 = arith.mulf %gather3A_693, %gather3A_694 : vector<16xf32>
      %add3A_697 = arith.addf %add3A_686, %mul3A_696 : vector<16xf32>
      %mul3A_698 = arith.mulf %gather3A_693, %gather3A_695 : vector<16xf32>
      %add3A_699 = arith.addf %add3A_688, %mul3A_698 : vector<16xf32>
      %add3A_700 = arith.constant 41 : i32
      %add3A_701 = vector.broadcast %add3A_700 : i32 to vector<16xi32>
      %add3A_702 = arith.addi %iota3A, %add3A_701 : vector<16xi32>
      %and3A_703 = arith.andi %add3A_702, %broadcast_in_dim3A_3 : vector<16xi32>
      %gather3A_704 = tpu.vector_load_idx %arg14[%add3A_246, %and3A_703] : memref<128x64xf32, #tpu.memory_space<vmem>>[vector<16xi32>, vector<16xi32>], vector<16xf32>,
      %gather3A_705 = tpu.vector_load_idx %arg16[%add3A_246, %and3A_703] : memref<128x64xf32, #tpu.memory_space<vmem>>[vector<16xi32>, vector<16xi32>], vector<16xf32>,
      %gather3A_706 = tpu.vector_load_idx %arg18[%add3A_246, %and3A_703] : memref<128x64xf32, #tpu.memory_space<vmem>>[vector<16xi32>, vector<16xi32>], vector<16xf32>,
      %mul3A_707 = arith.mulf %gather3A_704, %gather3A_705 : vector<16xf32>
      %add3A_708 = arith.addf %add3A_697, %mul3A_707 : vector<16xf32>
      %mul3A_709 = arith.mulf %gather3A_704, %gather3A_706 : vector<16xf32>
      %add3A_710 = arith.addf %add3A_699, %mul3A_709 : vector<16xf32>
      %add3A_711 = arith.constant 42 : i32
      %add3A_712 = vector.broadcast %add3A_711 : i32 to vector<16xi32>
      %add3A_713 = arith.addi %iota3A, %add3A_712 : vector<16xi32>
      %and3A_714 = arith.andi %add3A_713, %broadcast_in_dim3A_3 : vector<16xi32>
      %gather3A_715 = tpu.vector_load_idx %arg14[%add3A_246, %and3A_714] : memref<128x64xf32, #tpu.memory_space<vmem>>[vector<16xi32>, vector<16xi32>], vector<16xf32>,
      %gather3A_716 = tpu.vector_load_idx %arg16[%add3A_246, %and3A_714] : memref<128x64xf32, #tpu.memory_space<vmem>>[vector<16xi32>, vector<16xi32>], vector<16xf32>,
      %gather3A_717 = tpu.vector_load_idx %arg18[%add3A_246, %and3A_714] : memref<128x64xf32, #tpu.memory_space<vmem>>[vector<16xi32>, vector<16xi32>], vector<16xf32>,
      %mul3A_718 = arith.mulf %gather3A_715, %gather3A_716 : vector<16xf32>
      %add3A_719 = arith.addf %add3A_708, %mul3A_718 : vector<16xf32>
      %mul3A_720 = arith.mulf %gather3A_715, %gather3A_717 : vector<16xf32>
      %add3A_721 = arith.addf %add3A_710, %mul3A_720 : vector<16xf32>
      %add3A_722 = arith.constant 43 : i32
      %add3A_723 = vector.broadcast %add3A_722 : i32 to vector<16xi32>
      %add3A_724 = arith.addi %iota3A, %add3A_723 : vector<16xi32>
      %and3A_725 = arith.andi %add3A_724, %broadcast_in_dim3A_3 : vector<16xi32>
      %gather3A_726 = tpu.vector_load_idx %arg14[%add3A_246, %and3A_725] : memref<128x64xf32, #tpu.memory_space<vmem>>[vector<16xi32>, vector<16xi32>], vector<16xf32>,
      %gather3A_727 = tpu.vector_load_idx %arg16[%add3A_246, %and3A_725] : memref<128x64xf32, #tpu.memory_space<vmem>>[vector<16xi32>, vector<16xi32>], vector<16xf32>,
      %gather3A_728 = tpu.vector_load_idx %arg18[%add3A_246, %and3A_725] : memref<128x64xf32, #tpu.memory_space<vmem>>[vector<16xi32>, vector<16xi32>], vector<16xf32>,
      %mul3A_729 = arith.mulf %gather3A_726, %gather3A_727 : vector<16xf32>
      %add3A_730 = arith.addf %add3A_719, %mul3A_729 : vector<16xf32>
      %mul3A_731 = arith.mulf %gather3A_726, %gather3A_728 : vector<16xf32>
      %add3A_732 = arith.addf %add3A_721, %mul3A_731 : vector<16xf32>
      %add3A_733 = arith.constant 44 : i32
      %add3A_734 = vector.broadcast %add3A_733 : i32 to vector<16xi32>
      %add3A_735 = arith.addi %iota3A, %add3A_734 : vector<16xi32>
      %and3A_736 = arith.andi %add3A_735, %broadcast_in_dim3A_3 : vector<16xi32>
      %gather3A_737 = tpu.vector_load_idx %arg14[%add3A_246, %and3A_736] : memref<128x64xf32, #tpu.memory_space<vmem>>[vector<16xi32>, vector<16xi32>], vector<16xf32>,
      %gather3A_738 = tpu.vector_load_idx %arg16[%add3A_246, %and3A_736] : memref<128x64xf32, #tpu.memory_space<vmem>>[vector<16xi32>, vector<16xi32>], vector<16xf32>,
      %gather3A_739 = tpu.vector_load_idx %arg18[%add3A_246, %and3A_736] : memref<128x64xf32, #tpu.memory_space<vmem>>[vector<16xi32>, vector<16xi32>], vector<16xf32>,
      %mul3A_740 = arith.mulf %gather3A_737, %gather3A_738 : vector<16xf32>
      %add3A_741 = arith.addf %add3A_730, %mul3A_740 : vector<16xf32>
      %mul3A_742 = arith.mulf %gather3A_737, %gather3A_739 : vector<16xf32>
      %add3A_743 = arith.addf %add3A_732, %mul3A_742 : vector<16xf32>
      %add3A_744 = arith.constant 45 : i32
      %add3A_745 = vector.broadcast %add3A_744 : i32 to vector<16xi32>
      %add3A_746 = arith.addi %iota3A, %add3A_745 : vector<16xi32>
      %and3A_747 = arith.andi %add3A_746, %broadcast_in_dim3A_3 : vector<16xi32>
      %gather3A_748 = tpu.vector_load_idx %arg14[%add3A_246, %and3A_747] : memref<128x64xf32, #tpu.memory_space<vmem>>[vector<16xi32>, vector<16xi32>], vector<16xf32>,
      %gather3A_749 = tpu.vector_load_idx %arg16[%add3A_246, %and3A_747] : memref<128x64xf32, #tpu.memory_space<vmem>>[vector<16xi32>, vector<16xi32>], vector<16xf32>,
      %gather3A_750 = tpu.vector_load_idx %arg18[%add3A_246, %and3A_747] : memref<128x64xf32, #tpu.memory_space<vmem>>[vector<16xi32>, vector<16xi32>], vector<16xf32>,
      %mul3A_751 = arith.mulf %gather3A_748, %gather3A_749 : vector<16xf32>
      %add3A_752 = arith.addf %add3A_741, %mul3A_751 : vector<16xf32>
      %mul3A_753 = arith.mulf %gather3A_748, %gather3A_750 : vector<16xf32>
      %add3A_754 = arith.addf %add3A_743, %mul3A_753 : vector<16xf32>
      %add3A_755 = arith.constant 46 : i32
      %add3A_756 = vector.broadcast %add3A_755 : i32 to vector<16xi32>
      %add3A_757 = arith.addi %iota3A, %add3A_756 : vector<16xi32>
      %and3A_758 = arith.andi %add3A_757, %broadcast_in_dim3A_3 : vector<16xi32>
      %gather3A_759 = tpu.vector_load_idx %arg14[%add3A_246, %and3A_758] : memref<128x64xf32, #tpu.memory_space<vmem>>[vector<16xi32>, vector<16xi32>], vector<16xf32>,
      %gather3A_760 = tpu.vector_load_idx %arg16[%add3A_246, %and3A_758] : memref<128x64xf32, #tpu.memory_space<vmem>>[vector<16xi32>, vector<16xi32>], vector<16xf32>,
      %gather3A_761 = tpu.vector_load_idx %arg18[%add3A_246, %and3A_758] : memref<128x64xf32, #tpu.memory_space<vmem>>[vector<16xi32>, vector<16xi32>], vector<16xf32>,
      %mul3A_762 = arith.mulf %gather3A_759, %gather3A_760 : vector<16xf32>
      %add3A_763 = arith.addf %add3A_752, %mul3A_762 : vector<16xf32>
      %mul3A_764 = arith.mulf %gather3A_759, %gather3A_761 : vector<16xf32>
      %add3A_765 = arith.addf %add3A_754, %mul3A_764 : vector<16xf32>
      %add3A_766 = arith.constant 47 : i32
      %add3A_767 = vector.broadcast %add3A_766 : i32 to vector<16xi32>
      %add3A_768 = arith.addi %iota3A, %add3A_767 : vector<16xi32>
      %and3A_769 = arith.andi %add3A_768, %broadcast_in_dim3A_3 : vector<16xi32>
      %gather3A_770 = tpu.vector_load_idx %arg14[%add3A_246, %and3A_769] : memref<128x64xf32, #tpu.memory_space<vmem>>[vector<16xi32>, vector<16xi32>], vector<16xf32>,
      %gather3A_771 = tpu.vector_load_idx %arg16[%add3A_246, %and3A_769] : memref<128x64xf32, #tpu.memory_space<vmem>>[vector<16xi32>, vector<16xi32>], vector<16xf32>,
      %gather3A_772 = tpu.vector_load_idx %arg18[%add3A_246, %and3A_769] : memref<128x64xf32, #tpu.memory_space<vmem>>[vector<16xi32>, vector<16xi32>], vector<16xf32>,
      %mul3A_773 = arith.mulf %gather3A_770, %gather3A_771 : vector<16xf32>
      %add3A_774 = arith.addf %add3A_763, %mul3A_773 : vector<16xf32>
      %mul3A_775 = arith.mulf %gather3A_770, %gather3A_772 : vector<16xf32>
      %add3A_776 = arith.addf %add3A_765, %mul3A_775 : vector<16xf32>
      %add3A_777 = arith.constant 48 : i32
      %add3A_778 = vector.broadcast %add3A_777 : i32 to vector<16xi32>
      %add3A_779 = arith.addi %iota3A, %add3A_778 : vector<16xi32>
      %and3A_780 = arith.andi %add3A_779, %broadcast_in_dim3A_3 : vector<16xi32>
      %gather3A_781 = tpu.vector_load_idx %arg14[%add3A_246, %and3A_780] : memref<128x64xf32, #tpu.memory_space<vmem>>[vector<16xi32>, vector<16xi32>], vector<16xf32>,
      %gather3A_782 = tpu.vector_load_idx %arg16[%add3A_246, %and3A_780] : memref<128x64xf32, #tpu.memory_space<vmem>>[vector<16xi32>, vector<16xi32>], vector<16xf32>,
      %gather3A_783 = tpu.vector_load_idx %arg18[%add3A_246, %and3A_780] : memref<128x64xf32, #tpu.memory_space<vmem>>[vector<16xi32>, vector<16xi32>], vector<16xf32>,
      %mul3A_784 = arith.mulf %gather3A_781, %gather3A_782 : vector<16xf32>
      %add3A_785 = arith.addf %add3A_774, %mul3A_784 : vector<16xf32>
      %mul3A_786 = arith.mulf %gather3A_781, %gather3A_783 : vector<16xf32>
      %add3A_787 = arith.addf %add3A_776, %mul3A_786 : vector<16xf32>
      %add3A_788 = arith.constant 49 : i32
      %add3A_789 = vector.broadcast %add3A_788 : i32 to vector<16xi32>
      %add3A_790 = arith.addi %iota3A, %add3A_789 : vector<16xi32>
      %and3A_791 = arith.andi %add3A_790, %broadcast_in_dim3A_3 : vector<16xi32>
      %gather3A_792 = tpu.vector_load_idx %arg14[%add3A_246, %and3A_791] : memref<128x64xf32, #tpu.memory_space<vmem>>[vector<16xi32>, vector<16xi32>], vector<16xf32>,
      %gather3A_793 = tpu.vector_load_idx %arg16[%add3A_246, %and3A_791] : memref<128x64xf32, #tpu.memory_space<vmem>>[vector<16xi32>, vector<16xi32>], vector<16xf32>,
      %gather3A_794 = tpu.vector_load_idx %arg18[%add3A_246, %and3A_791] : memref<128x64xf32, #tpu.memory_space<vmem>>[vector<16xi32>, vector<16xi32>], vector<16xf32>,
      %mul3A_795 = arith.mulf %gather3A_792, %gather3A_793 : vector<16xf32>
      %add3A_796 = arith.addf %add3A_785, %mul3A_795 : vector<16xf32>
      %mul3A_797 = arith.mulf %gather3A_792, %gather3A_794 : vector<16xf32>
      %add3A_798 = arith.addf %add3A_787, %mul3A_797 : vector<16xf32>
      %add3A_799 = arith.constant 50 : i32
      %add3A_800 = vector.broadcast %add3A_799 : i32 to vector<16xi32>
      %add3A_801 = arith.addi %iota3A, %add3A_800 : vector<16xi32>
      %and3A_802 = arith.andi %add3A_801, %broadcast_in_dim3A_3 : vector<16xi32>
      %gather3A_803 = tpu.vector_load_idx %arg14[%add3A_246, %and3A_802] : memref<128x64xf32, #tpu.memory_space<vmem>>[vector<16xi32>, vector<16xi32>], vector<16xf32>,
      %gather3A_804 = tpu.vector_load_idx %arg16[%add3A_246, %and3A_802] : memref<128x64xf32, #tpu.memory_space<vmem>>[vector<16xi32>, vector<16xi32>], vector<16xf32>,
      %gather3A_805 = tpu.vector_load_idx %arg18[%add3A_246, %and3A_802] : memref<128x64xf32, #tpu.memory_space<vmem>>[vector<16xi32>, vector<16xi32>], vector<16xf32>,
      %mul3A_806 = arith.mulf %gather3A_803, %gather3A_804 : vector<16xf32>
      %add3A_807 = arith.addf %add3A_796, %mul3A_806 : vector<16xf32>
      %mul3A_808 = arith.mulf %gather3A_803, %gather3A_805 : vector<16xf32>
      %add3A_809 = arith.addf %add3A_798, %mul3A_808 : vector<16xf32>
      %add3A_810 = arith.constant 51 : i32
      %add3A_811 = vector.broadcast %add3A_810 : i32 to vector<16xi32>
      %add3A_812 = arith.addi %iota3A, %add3A_811 : vector<16xi32>
      %and3A_813 = arith.andi %add3A_812, %broadcast_in_dim3A_3 : vector<16xi32>
      %gather3A_814 = tpu.vector_load_idx %arg14[%add3A_246, %and3A_813] : memref<128x64xf32, #tpu.memory_space<vmem>>[vector<16xi32>, vector<16xi32>], vector<16xf32>,
      %gather3A_815 = tpu.vector_load_idx %arg16[%add3A_246, %and3A_813] : memref<128x64xf32, #tpu.memory_space<vmem>>[vector<16xi32>, vector<16xi32>], vector<16xf32>,
      %gather3A_816 = tpu.vector_load_idx %arg18[%add3A_246, %and3A_813] : memref<128x64xf32, #tpu.memory_space<vmem>>[vector<16xi32>, vector<16xi32>], vector<16xf32>,
      %mul3A_817 = arith.mulf %gather3A_814, %gather3A_815 : vector<16xf32>
      %add3A_818 = arith.addf %add3A_807, %mul3A_817 : vector<16xf32>
      %mul3A_819 = arith.mulf %gather3A_814, %gather3A_816 : vector<16xf32>
      %add3A_820 = arith.addf %add3A_809, %mul3A_819 : vector<16xf32>
      %add3A_821 = arith.constant 52 : i32
      %add3A_822 = vector.broadcast %add3A_821 : i32 to vector<16xi32>
      %add3A_823 = arith.addi %iota3A, %add3A_822 : vector<16xi32>
      %and3A_824 = arith.andi %add3A_823, %broadcast_in_dim3A_3 : vector<16xi32>
      %gather3A_825 = tpu.vector_load_idx %arg14[%add3A_246, %and3A_824] : memref<128x64xf32, #tpu.memory_space<vmem>>[vector<16xi32>, vector<16xi32>], vector<16xf32>,
      %gather3A_826 = tpu.vector_load_idx %arg16[%add3A_246, %and3A_824] : memref<128x64xf32, #tpu.memory_space<vmem>>[vector<16xi32>, vector<16xi32>], vector<16xf32>,
      %gather3A_827 = tpu.vector_load_idx %arg18[%add3A_246, %and3A_824] : memref<128x64xf32, #tpu.memory_space<vmem>>[vector<16xi32>, vector<16xi32>], vector<16xf32>,
      %mul3A_828 = arith.mulf %gather3A_825, %gather3A_826 : vector<16xf32>
      %add3A_829 = arith.addf %add3A_818, %mul3A_828 : vector<16xf32>
      %mul3A_830 = arith.mulf %gather3A_825, %gather3A_827 : vector<16xf32>
      %add3A_831 = arith.addf %add3A_820, %mul3A_830 : vector<16xf32>
      %add3A_832 = arith.constant 53 : i32
      %add3A_833 = vector.broadcast %add3A_832 : i32 to vector<16xi32>
      %add3A_834 = arith.addi %iota3A, %add3A_833 : vector<16xi32>
      %and3A_835 = arith.andi %add3A_834, %broadcast_in_dim3A_3 : vector<16xi32>
      %gather3A_836 = tpu.vector_load_idx %arg14[%add3A_246, %and3A_835] : memref<128x64xf32, #tpu.memory_space<vmem>>[vector<16xi32>, vector<16xi32>], vector<16xf32>,
      %gather3A_837 = tpu.vector_load_idx %arg16[%add3A_246, %and3A_835] : memref<128x64xf32, #tpu.memory_space<vmem>>[vector<16xi32>, vector<16xi32>], vector<16xf32>,
      %gather3A_838 = tpu.vector_load_idx %arg18[%add3A_246, %and3A_835] : memref<128x64xf32, #tpu.memory_space<vmem>>[vector<16xi32>, vector<16xi32>], vector<16xf32>,
      %mul3A_839 = arith.mulf %gather3A_836, %gather3A_837 : vector<16xf32>
      %add3A_840 = arith.addf %add3A_829, %mul3A_839 : vector<16xf32>
      %mul3A_841 = arith.mulf %gather3A_836, %gather3A_838 : vector<16xf32>
      %add3A_842 = arith.addf %add3A_831, %mul3A_841 : vector<16xf32>
      %add3A_843 = arith.constant 54 : i32
      %add3A_844 = vector.broadcast %add3A_843 : i32 to vector<16xi32>
      %add3A_845 = arith.addi %iota3A, %add3A_844 : vector<16xi32>
      %and3A_846 = arith.andi %add3A_845, %broadcast_in_dim3A_3 : vector<16xi32>
      %gather3A_847 = tpu.vector_load_idx %arg14[%add3A_246, %and3A_846] : memref<128x64xf32, #tpu.memory_space<vmem>>[vector<16xi32>, vector<16xi32>], vector<16xf32>,
      %gather3A_848 = tpu.vector_load_idx %arg16[%add3A_246, %and3A_846] : memref<128x64xf32, #tpu.memory_space<vmem>>[vector<16xi32>, vector<16xi32>], vector<16xf32>,
      %gather3A_849 = tpu.vector_load_idx %arg18[%add3A_246, %and3A_846] : memref<128x64xf32, #tpu.memory_space<vmem>>[vector<16xi32>, vector<16xi32>], vector<16xf32>,
      %mul3A_850 = arith.mulf %gather3A_847, %gather3A_848 : vector<16xf32>
      %add3A_851 = arith.addf %add3A_840, %mul3A_850 : vector<16xf32>
      %mul3A_852 = arith.mulf %gather3A_847, %gather3A_849 : vector<16xf32>
      %add3A_853 = arith.addf %add3A_842, %mul3A_852 : vector<16xf32>
      %add3A_854 = arith.constant 55 : i32
      %add3A_855 = vector.broadcast %add3A_854 : i32 to vector<16xi32>
      %add3A_856 = arith.addi %iota3A, %add3A_855 : vector<16xi32>
      %and3A_857 = arith.andi %add3A_856, %broadcast_in_dim3A_3 : vector<16xi32>
      %gather3A_858 = tpu.vector_load_idx %arg14[%add3A_246, %and3A_857] : memref<128x64xf32, #tpu.memory_space<vmem>>[vector<16xi32>, vector<16xi32>], vector<16xf32>,
      %gather3A_859 = tpu.vector_load_idx %arg16[%add3A_246, %and3A_857] : memref<128x64xf32, #tpu.memory_space<vmem>>[vector<16xi32>, vector<16xi32>], vector<16xf32>,
      %gather3A_860 = tpu.vector_load_idx %arg18[%add3A_246, %and3A_857] : memref<128x64xf32, #tpu.memory_space<vmem>>[vector<16xi32>, vector<16xi32>], vector<16xf32>,
      %mul3A_861 = arith.mulf %gather3A_858, %gather3A_859 : vector<16xf32>
      %add3A_862 = arith.addf %add3A_851, %mul3A_861 : vector<16xf32>
      %mul3A_863 = arith.mulf %gather3A_858, %gather3A_860 : vector<16xf32>
      %add3A_864 = arith.addf %add3A_853, %mul3A_863 : vector<16xf32>
      %add3A_865 = arith.constant 56 : i32
      %add3A_866 = vector.broadcast %add3A_865 : i32 to vector<16xi32>
      %add3A_867 = arith.addi %iota3A, %add3A_866 : vector<16xi32>
      %and3A_868 = arith.andi %add3A_867, %broadcast_in_dim3A_3 : vector<16xi32>
      %gather3A_869 = tpu.vector_load_idx %arg14[%add3A_246, %and3A_868] : memref<128x64xf32, #tpu.memory_space<vmem>>[vector<16xi32>, vector<16xi32>], vector<16xf32>,
      %gather3A_870 = tpu.vector_load_idx %arg16[%add3A_246, %and3A_868] : memref<128x64xf32, #tpu.memory_space<vmem>>[vector<16xi32>, vector<16xi32>], vector<16xf32>,
      %gather3A_871 = tpu.vector_load_idx %arg18[%add3A_246, %and3A_868] : memref<128x64xf32, #tpu.memory_space<vmem>>[vector<16xi32>, vector<16xi32>], vector<16xf32>,
      %mul3A_872 = arith.mulf %gather3A_869, %gather3A_870 : vector<16xf32>
      %add3A_873 = arith.addf %add3A_862, %mul3A_872 : vector<16xf32>
      %mul3A_874 = arith.mulf %gather3A_869, %gather3A_871 : vector<16xf32>
      %add3A_875 = arith.addf %add3A_864, %mul3A_874 : vector<16xf32>
      %add3A_876 = arith.constant 57 : i32
      %add3A_877 = vector.broadcast %add3A_876 : i32 to vector<16xi32>
      %add3A_878 = arith.addi %iota3A, %add3A_877 : vector<16xi32>
      %and3A_879 = arith.andi %add3A_878, %broadcast_in_dim3A_3 : vector<16xi32>
      %gather3A_880 = tpu.vector_load_idx %arg14[%add3A_246, %and3A_879] : memref<128x64xf32, #tpu.memory_space<vmem>>[vector<16xi32>, vector<16xi32>], vector<16xf32>,
      %gather3A_881 = tpu.vector_load_idx %arg16[%add3A_246, %and3A_879] : memref<128x64xf32, #tpu.memory_space<vmem>>[vector<16xi32>, vector<16xi32>], vector<16xf32>,
      %gather3A_882 = tpu.vector_load_idx %arg18[%add3A_246, %and3A_879] : memref<128x64xf32, #tpu.memory_space<vmem>>[vector<16xi32>, vector<16xi32>], vector<16xf32>,
      %mul3A_883 = arith.mulf %gather3A_880, %gather3A_881 : vector<16xf32>
      %add3A_884 = arith.addf %add3A_873, %mul3A_883 : vector<16xf32>
      %mul3A_885 = arith.mulf %gather3A_880, %gather3A_882 : vector<16xf32>
      %add3A_886 = arith.addf %add3A_875, %mul3A_885 : vector<16xf32>
      %add3A_887 = arith.constant 58 : i32
      %add3A_888 = vector.broadcast %add3A_887 : i32 to vector<16xi32>
      %add3A_889 = arith.addi %iota3A, %add3A_888 : vector<16xi32>
      %and3A_890 = arith.andi %add3A_889, %broadcast_in_dim3A_3 : vector<16xi32>
      %gather3A_891 = tpu.vector_load_idx %arg14[%add3A_246, %and3A_890] : memref<128x64xf32, #tpu.memory_space<vmem>>[vector<16xi32>, vector<16xi32>], vector<16xf32>,
      %gather3A_892 = tpu.vector_load_idx %arg16[%add3A_246, %and3A_890] : memref<128x64xf32, #tpu.memory_space<vmem>>[vector<16xi32>, vector<16xi32>], vector<16xf32>,
      %gather3A_893 = tpu.vector_load_idx %arg18[%add3A_246, %and3A_890] : memref<128x64xf32, #tpu.memory_space<vmem>>[vector<16xi32>, vector<16xi32>], vector<16xf32>,
      %mul3A_894 = arith.mulf %gather3A_891, %gather3A_892 : vector<16xf32>
      %add3A_895 = arith.addf %add3A_884, %mul3A_894 : vector<16xf32>
      %mul3A_896 = arith.mulf %gather3A_891, %gather3A_893 : vector<16xf32>
      %add3A_897 = arith.addf %add3A_886, %mul3A_896 : vector<16xf32>
      %add3A_898 = arith.constant 59 : i32
      %add3A_899 = vector.broadcast %add3A_898 : i32 to vector<16xi32>
      %add3A_900 = arith.addi %iota3A, %add3A_899 : vector<16xi32>
      %and3A_901 = arith.andi %add3A_900, %broadcast_in_dim3A_3 : vector<16xi32>
      %gather3A_902 = tpu.vector_load_idx %arg14[%add3A_246, %and3A_901] : memref<128x64xf32, #tpu.memory_space<vmem>>[vector<16xi32>, vector<16xi32>], vector<16xf32>,
      %gather3A_903 = tpu.vector_load_idx %arg16[%add3A_246, %and3A_901] : memref<128x64xf32, #tpu.memory_space<vmem>>[vector<16xi32>, vector<16xi32>], vector<16xf32>,
      %gather3A_904 = tpu.vector_load_idx %arg18[%add3A_246, %and3A_901] : memref<128x64xf32, #tpu.memory_space<vmem>>[vector<16xi32>, vector<16xi32>], vector<16xf32>,
      %mul3A_905 = arith.mulf %gather3A_902, %gather3A_903 : vector<16xf32>
      %add3A_906 = arith.addf %add3A_895, %mul3A_905 : vector<16xf32>
      %mul3A_907 = arith.mulf %gather3A_902, %gather3A_904 : vector<16xf32>
      %add3A_908 = arith.addf %add3A_897, %mul3A_907 : vector<16xf32>
      %add3A_909 = arith.constant 60 : i32
      %add3A_910 = vector.broadcast %add3A_909 : i32 to vector<16xi32>
      %add3A_911 = arith.addi %iota3A, %add3A_910 : vector<16xi32>
      %and3A_912 = arith.andi %add3A_911, %broadcast_in_dim3A_3 : vector<16xi32>
      %gather3A_913 = tpu.vector_load_idx %arg14[%add3A_246, %and3A_912] : memref<128x64xf32, #tpu.memory_space<vmem>>[vector<16xi32>, vector<16xi32>], vector<16xf32>,
      %gather3A_914 = tpu.vector_load_idx %arg16[%add3A_246, %and3A_912] : memref<128x64xf32, #tpu.memory_space<vmem>>[vector<16xi32>, vector<16xi32>], vector<16xf32>,
      %gather3A_915 = tpu.vector_load_idx %arg18[%add3A_246, %and3A_912] : memref<128x64xf32, #tpu.memory_space<vmem>>[vector<16xi32>, vector<16xi32>], vector<16xf32>,
      %mul3A_916 = arith.mulf %gather3A_913, %gather3A_914 : vector<16xf32>
      %add3A_917 = arith.addf %add3A_906, %mul3A_916 : vector<16xf32>
      %mul3A_918 = arith.mulf %gather3A_913, %gather3A_915 : vector<16xf32>
      %add3A_919 = arith.addf %add3A_908, %mul3A_918 : vector<16xf32>
      %add3A_920 = arith.constant 61 : i32
      %add3A_921 = vector.broadcast %add3A_920 : i32 to vector<16xi32>
      %add3A_922 = arith.addi %iota3A, %add3A_921 : vector<16xi32>
      %and3A_923 = arith.andi %add3A_922, %broadcast_in_dim3A_3 : vector<16xi32>
      %gather3A_924 = tpu.vector_load_idx %arg14[%add3A_246, %and3A_923] : memref<128x64xf32, #tpu.memory_space<vmem>>[vector<16xi32>, vector<16xi32>], vector<16xf32>,
      %gather3A_925 = tpu.vector_load_idx %arg16[%add3A_246, %and3A_923] : memref<128x64xf32, #tpu.memory_space<vmem>>[vector<16xi32>, vector<16xi32>], vector<16xf32>,
      %gather3A_926 = tpu.vector_load_idx %arg18[%add3A_246, %and3A_923] : memref<128x64xf32, #tpu.memory_space<vmem>>[vector<16xi32>, vector<16xi32>], vector<16xf32>,
      %mul3A_927 = arith.mulf %gather3A_924, %gather3A_925 : vector<16xf32>
      %add3A_928 = arith.addf %add3A_917, %mul3A_927 : vector<16xf32>
      %mul3A_929 = arith.mulf %gather3A_924, %gather3A_926 : vector<16xf32>
      %add3A_930 = arith.addf %add3A_919, %mul3A_929 : vector<16xf32>
      %add3A_931 = arith.constant 62 : i32
      %add3A_932 = vector.broadcast %add3A_931 : i32 to vector<16xi32>
      %add3A_933 = arith.addi %iota3A, %add3A_932 : vector<16xi32>
      %and3A_934 = arith.andi %add3A_933, %broadcast_in_dim3A_3 : vector<16xi32>
      %gather3A_935 = tpu.vector_load_idx %arg14[%add3A_246, %and3A_934] : memref<128x64xf32, #tpu.memory_space<vmem>>[vector<16xi32>, vector<16xi32>], vector<16xf32>,
      %gather3A_936 = tpu.vector_load_idx %arg16[%add3A_246, %and3A_934] : memref<128x64xf32, #tpu.memory_space<vmem>>[vector<16xi32>, vector<16xi32>], vector<16xf32>,
      %gather3A_937 = tpu.vector_load_idx %arg18[%add3A_246, %and3A_934] : memref<128x64xf32, #tpu.memory_space<vmem>>[vector<16xi32>, vector<16xi32>], vector<16xf32>,
      %mul3A_938 = arith.mulf %gather3A_935, %gather3A_936 : vector<16xf32>
      %add3A_939 = arith.addf %add3A_928, %mul3A_938 : vector<16xf32>
      %mul3A_940 = arith.mulf %gather3A_935, %gather3A_937 : vector<16xf32>
      %add3A_941 = arith.addf %add3A_930, %mul3A_940 : vector<16xf32>
      %add3A_942 = arith.constant 63 : i32
      %add3A_943 = vector.broadcast %add3A_942 : i32 to vector<16xi32>
      %add3A_944 = arith.addi %iota3A, %add3A_943 : vector<16xi32>
      %and3A_945 = arith.andi %add3A_944, %broadcast_in_dim3A_3 : vector<16xi32>
      %gather3A_946 = tpu.vector_load_idx %arg14[%add3A_246, %and3A_945] : memref<128x64xf32, #tpu.memory_space<vmem>>[vector<16xi32>, vector<16xi32>], vector<16xf32>,
      %gather3A_947 = tpu.vector_load_idx %arg16[%add3A_246, %and3A_945] : memref<128x64xf32, #tpu.memory_space<vmem>>[vector<16xi32>, vector<16xi32>], vector<16xf32>,
      %gather3A_948 = tpu.vector_load_idx %arg18[%add3A_246, %and3A_945] : memref<128x64xf32, #tpu.memory_space<vmem>>[vector<16xi32>, vector<16xi32>], vector<16xf32>,
      %mul3A_949 = arith.mulf %gather3A_946, %gather3A_947 : vector<16xf32>
      %add3A_950 = arith.addf %add3A_939, %mul3A_949 : vector<16xf32>
      %mul3A_951 = arith.mulf %gather3A_946, %gather3A_948 : vector<16xf32>
      %add3A_952 = arith.addf %add3A_941, %mul3A_951 : vector<16xf32>
      %get3A = arith.index_cast %mul3A_244 : i32 to index
      %get3A_953 = tpu.vector_load %arg20[%get3A] {strides = array<i32>} : memref<128xf32, #tpu.memory_space<vmem>>, vector<16xf32>,
      %add3A_954 = arith.addf %add3A_950, %get3A_953 : vector<16xf32>
      %get3A_955 = arith.index_cast %mul3A_244 : i32 to index
      %get3A_956 = tpu.vector_load %arg22[%get3A_955] {strides = array<i32>} : memref<128xf32, #tpu.memory_space<vmem>>, vector<16xf32>,
      %add3A_957 = arith.addf %add3A_954, %get3A_956 : vector<16xf32>
      %add3A_958 = arith.constant 384 : i32
      %add3A_959 = arith.addi %add3A_958, %mul3A_244 : i32
      %swap3A = arith.index_cast %add3A_959 : i32 to index
      %swap3A_960 = tpu.vector_load %arg25[%swap3A] {strides = array<i32>} : memref<512xf32, #tpu.memory_space<vmem>>, vector<16xf32>,
      tpu.vector_store %arg25[%swap3A], %add3A_957 {strides = array<i32>} : memref<512xf32, #tpu.memory_space<vmem>>, vector<16xf32>,
      %add3A_961 = arith.addf %add3A_952, %get3A_953 : vector<16xf32>
      %get3A_962 = arith.index_cast %mul3A_244 : i32 to index
      %get3A_963 = tpu.vector_load %arg24[%get3A_962] {strides = array<i32>} : memref<128xf32, #tpu.memory_space<vmem>>, vector<16xf32>,
      %add3A_964 = arith.addf %add3A_961, %get3A_963 : vector<16xf32>
      %add3A_965 = arith.constant 384 : i32
      %add3A_966 = arith.addi %add3A_965, %mul3A_244 : i32
      %swap3A_967 = arith.index_cast %add3A_966 : i32 to index
      %swap3A_968 = tpu.vector_load %arg26[%swap3A_967] {strides = array<i32>} : memref<512xf32, #tpu.memory_space<vmem>>, vector<16xf32>,
      tpu.vector_store %arg26[%swap3A_967], %add3A_964 {strides = array<i32>} : memref<512xf32, #tpu.memory_space<vmem>>, vector<16xf32>,
    }
    %scan3A_240 = arith.constant 8 : i32
    %run_scoped3A = arith.constant 0 : i32
    "tpu.region"() ({
      %run_scoped3A_242 = tpu.sem_alloc : memref<!tpu.dma_semaphore, #tpu.memory_space<semaphore_mem>>
      %dma_start3A_243 = tpu.memref_slice %arg9[%run_scoped3A, %mul3A_2] : memref<2x16384xf32, #tpu.memory_space<hbm>> -> memref<1x512xf32, #tpu.memory_space<hbm>>
      %dma_start3A_244 = tpu.memref_squeeze %dma_start3A_243 : memref<1x512xf32, #tpu.memory_space<hbm>> -> memref<512xf32, #tpu.memory_space<hbm>>
      %dma_start3A_245 = tpu.memref_slice %arg9[%run_scoped3A, %mul3A_2] : memref<2x16384xf32, #tpu.memory_space<hbm>> -> memref<1x512xf32, #tpu.memory_space<hbm>>
      %dma_start3A_246 = tpu.memref_squeeze %dma_start3A_245 : memref<1x512xf32, #tpu.memory_space<hbm>> -> memref<512xf32, #tpu.memory_space<hbm>>
      tpu.enqueue_dma source(%arg25 : memref<512xf32, #tpu.memory_space<vmem>>) target(%dma_start3A_246 : memref<512xf32, #tpu.memory_space<hbm>>) target_semaphore(%run_scoped3A_242 : memref<!tpu.dma_semaphore, #tpu.memory_space<semaphore_mem>>)
      %dma_wait3A_247 = tpu.memref_slice %arg9[%run_scoped3A, %mul3A_2] : memref<2x16384xf32, #tpu.memory_space<hbm>> -> memref<1x512xf32, #tpu.memory_space<hbm>>
      %dma_wait3A_248 = tpu.memref_squeeze %dma_wait3A_247 : memref<1x512xf32, #tpu.memory_space<hbm>> -> memref<512xf32, #tpu.memory_space<hbm>>
      %dma_wait3A_249 = tpu.memref_slice %arg9[%run_scoped3A, %mul3A_2] : memref<2x16384xf32, #tpu.memory_space<hbm>> -> memref<1x512xf32, #tpu.memory_space<hbm>>
      %dma_wait3A_250 = tpu.memref_squeeze %dma_wait3A_249 : memref<1x512xf32, #tpu.memory_space<hbm>> -> memref<512xf32, #tpu.memory_space<hbm>>
      tpu.wait_dma2 semaphore(%run_scoped3A_242 : memref<!tpu.dma_semaphore, #tpu.memory_space<semaphore_mem>>) src(%arg25 : memref<512xf32, #tpu.memory_space<vmem>>) dst(%dma_wait3A_250 : memref<512xf32, #tpu.memory_space<hbm>>)
      tpu.yield
    }) : () -> ()
    %run_scoped3A_241 = arith.constant 1 : i32
    "tpu.region"() ({
      %run_scoped3A_242 = tpu.sem_alloc : memref<!tpu.dma_semaphore, #tpu.memory_space<semaphore_mem>>
      %dma_start3A_243 = tpu.memref_slice %arg9[%run_scoped3A_241, %mul3A_2] : memref<2x16384xf32, #tpu.memory_space<hbm>> -> memref<1x512xf32, #tpu.memory_space<hbm>>
      %dma_start3A_244 = tpu.memref_squeeze %dma_start3A_243 : memref<1x512xf32, #tpu.memory_space<hbm>> -> memref<512xf32, #tpu.memory_space<hbm>>
      %dma_start3A_245 = tpu.memref_slice %arg9[%run_scoped3A_241, %mul3A_2] : memref<2x16384xf32, #tpu.memory_space<hbm>> -> memref<1x512xf32, #tpu.memory_space<hbm>>
      %dma_start3A_246 = tpu.memref_squeeze %dma_start3A_245 : memref<1x512xf32, #tpu.memory_space<hbm>> -> memref<512xf32, #tpu.memory_space<hbm>>
      tpu.enqueue_dma source(%arg26 : memref<512xf32, #tpu.memory_space<vmem>>) target(%dma_start3A_246 : memref<512xf32, #tpu.memory_space<hbm>>) target_semaphore(%run_scoped3A_242 : memref<!tpu.dma_semaphore, #tpu.memory_space<semaphore_mem>>)
      %dma_wait3A_247 = tpu.memref_slice %arg9[%run_scoped3A_241, %mul3A_2] : memref<2x16384xf32, #tpu.memory_space<hbm>> -> memref<1x512xf32, #tpu.memory_space<hbm>>
      %dma_wait3A_248 = tpu.memref_squeeze %dma_wait3A_247 : memref<1x512xf32, #tpu.memory_space<hbm>> -> memref<512xf32, #tpu.memory_space<hbm>>
      %dma_wait3A_249 = tpu.memref_slice %arg9[%run_scoped3A_241, %mul3A_2] : memref<2x16384xf32, #tpu.memory_space<hbm>> -> memref<1x512xf32, #tpu.memory_space<hbm>>
      %dma_wait3A_250 = tpu.memref_squeeze %dma_wait3A_249 : memref<1x512xf32, #tpu.memory_space<hbm>> -> memref<512xf32, #tpu.memory_space<hbm>>
      tpu.wait_dma2 semaphore(%run_scoped3A_242 : memref<!tpu.dma_semaphore, #tpu.memory_space<semaphore_mem>>) src(%arg26 : memref<512xf32, #tpu.memory_space<vmem>>) dst(%dma_wait3A_250 : memref<512xf32, #tpu.memory_space<hbm>>)
      tpu.yield
    }) : () -> ()
    return
  }
}

</mosaic_0001>

<sc_bundles>
// kernel: kernel.3.cloned.1.call-start
scs
__scs_entry_jumppad:
0x0: {  	(pc) =	sbr.rel $0x88, $3  }
0x1: {  	(tag) =	ssettag $0x0;
	lr =	simm.s32 $0x1  }
0x2: {  	[smem:$0x3F9A] =	sst lr;
	_ =	strace $0xD0000000  }
0x3: {  	_ = 	snop  }
0x4: {  	_ = 	snop  }
0x5: {  	_ = 	snop  }
0x6: {  	_ = 	snop  }
0x7: {  	_ = 	snop  }
__scs_overlays_trampoline_lowered:
0x8: {  	[smem:$0x3FA9] =	sst s0  }
0x9: {  	[smem:$0x3FAA] =	sst s1  }
0xa: {  	[smem:$0x3FAB] =	sst s2  }
0xb: {  	[smem:$0x3FAC] =	sst s3  }
0xc: {  	[smem:$0x3FAD] =	sst s4  }
0xd: {  	[smem:$0x3FAE] =	sst s5  }
0xe: {  	[smem:$0x3FAF] =	sst s6  }
0xf: {  	[smem:$0x3FB0] =	sst s7  }
0x10: {  	[smem:$0x3FB1] =	sst s8  }
0x11: {  	[smem:$0x3FB2] =	sst s9;
	s0 =	simm.s32 @!p0 $0x0  }
0x12: {  	s1 =	sld [smem:$0x3F98];
	s0 =	simm.s32 @p0 $0x1  }
0x13: {  	[smem:$0x3FB3] =	sst s0;
	s0 =	simm.s32 @!p1 $0x0  }
0x14: {  	s2 =	sld [smem:$0x3F97];
	s0 =	simm.s32 @p1 $0x1  }
0x15: {  	[smem:$0x3FB4] =	sst s0;
	s0 =	simm.s32 @!p2 $0x0  }
0x16: {  	s3 =	sld [smem:$0x3FDB];
	s0 =	simm.s32 @p2 $0x1  }
0x17: {  	s4 =	simm.s32 $0x1BF5;
	[smem:$0x3FB6] =	sst s0  }
0x18: {  	s0 =	sld [smem:$0x3F99];
	_ =	swait.ge [sflag:s4], $0x0  }
0x19: {  	s7 =	sld [smem:$0x3F9A]  }
0x1a: {  	s8 =	sadd.s32 $0xFFFFE003, lr  }
0x1b: {  	s9 =	sadd.s32 $0xFFFFFEF7, lr;
	s5 =	simm.s32 $0xFFFFFFFF;
	p2 =	slt.u32 s8, $0xFFFFF086  }
0x1c: {  	p1 =	slt.u32 s9, $0xF7A;
	s5 =	simm.s32 @!p2 $0x0  }
0x1d: {  	s5 =	simm.s32 @p1 $0x1;
	p0 =	seq.s32 s7, s2  }
0x1e: {  	s7 =	smul.u32 @!p0 $0xF7A, s2;
	p2 =	seq.s32 @!p0 s5, $0x0  }
0x1f: {  	s9 =	smul.u32 $0xF7A, s1;
	s8 =	simm.s32 @!p0 $0x1BF5;
	p2 =	por !p2, p0  }
0x20: {  	[sflag:s8] =	ssyncset.s32 @!p0 $0xFFFFF086;
	s6 =	sadd.s32 @!p0 s3, s7;
	s7 =	simm.s32 @!p0 $0x108  }
0x21: {  	s3 =	sadd.s32 s3, s9;
	s6 =	sadd.s32 @!p0 $0x88, s6;
	s7 =	simm.s32 @p2 $0x1082  }
0x22: {  	[simem:s7], [sflag:s8] =	dma.local @!p0 [hbm:s6], $0xF7A  }
0x23: {  	s9 =	sor.u32 $0xD0000000, s2;
	s6 =	simm.s32 $0x108;
	_ =	swait.ge @!p0 [sflag:s8], $0x0  }
0x24: {  	s3 =	sadd.s32 $0x88, s3;
	s6 =	simm.s32 @!p1 $0x1082;
	[sflag:s4] =	ssyncset.s32 $0xFFFFF086  }
0x25: {  	[simem:s6], [sflag:s4] =	dma.local [hbm:s3], $0xF7A  }
0x26: {  	[smem:$0x3F9A] =	sst s1;
	(tag) =	ssettag s2;
	_ =	strace s9  }
0x27: {  	s1 =	sld [smem:$0x3FAA]  }
0x28: {  	s2 =	sld [smem:$0x3FAB]  }
0x29: {  	s4 =	sld [smem:$0x3FAD]  }
0x2a: {  	p0 =	seq.s32 s5, $0x0;
	s5 =	sld [smem:$0x3FAE]  }
0x2b: {  	s6 =	sld [smem:$0x3FAF]  }
0x2c: {  	s7 =	sld [smem:$0x3FB0]  }
0x2d: {  	s3 =	simm.s32 $0x108;
	s8 =	sld [smem:$0x3FB1]  }
0x2e: {  	s3 =	simm.s32 @!p0 $0x1082;
	s9 =	sld [smem:$0x3FB2]  }
0x2f: {  	lr =	sadd.s32 s0, s3;
	s0 =	sld [smem:$0x3FA9]  }
0x30: {  	s3 =	sld [smem:$0x3FAC]  }
0x31: {  	[smem:$0x3FB5] =	sst s10  }
0x32: {  	s10 =	sld [smem:$0x3FB3];
	_ =	sdelay $0x3  }
0x33: {  	p0 =	seq.s32 s10, $0x1;
	s10 =	sld [smem:$0x3FB5];
	_ =	sdelay $0x3  }
0x34: {  	[smem:$0x3FB5] =	sst s10  }
0x35: {  	s10 =	sld [smem:$0x3FB4];
	_ =	sdelay $0x3  }
0x36: {  	p1 =	seq.s32 s10, $0x1;
	s10 =	sld [smem:$0x3FB5];
	_ =	sdelay $0x3  }
0x37: {  	[smem:$0x3FB5] =	sst s10  }
0x38: {  	s10 =	sld [smem:$0x3FB6]  }
0x39: {  	_ = 	snop;
	(pc) =	sbr.ind lr, $3  }
0x3a: {  	_ = 	snop  }
0x3b: {  	_ = 	snop  }
0x3c: {  	p2 =	seq.s32 s10, $0x1;
	s10 =	sld [smem:$0x3FB5]  }
0x3d: {  	_ =	shalt  }
0x3e: {  	_ =	shalt  }
0x3f: {  	_ =	shalt  }
0x40: {  	_ =	shalt  }
0x41: {  	_ =	shalt  }
0x42: {  	_ =	shalt  }
0x43: {  	_ =	shalt  }
0x44: {  	_ =	shalt  }
0x45: {  	_ =	shalt  }
0x46: {  	_ =	shalt  }
0x47: {  	_ =	shalt  }
0x48: {  	_ =	shalt  }
0x49: {  	_ =	shalt  }
0x4a: {  	_ =	shalt  }
0x4b: {  	_ =	shalt  }
0x4c: {  	_ =	shalt  }
0x4d: {  	_ =	shalt  }
0x4e: {  	_ =	shalt  }
0x4f: {  	_ =	shalt  }
0x50: {  	_ =	shalt  }
0x51: {  	_ =	shalt  }
0x52: {  	_ =	shalt  }
0x53: {  	_ =	shalt  }
0x54: {  	_ =	shalt  }
0x55: {  	_ =	shalt  }
0x56: {  	_ =	shalt  }
0x57: {  	_ =	shalt  }
0x58: {  	_ =	shalt  }
0x59: {  	_ =	shalt  }
0x5a: {  	_ =	shalt  }
0x5b: {  	_ =	shalt  }
0x5c: {  	_ =	shalt  }
0x5d: {  	_ =	shalt  }
0x5e: {  	_ =	shalt  }
0x5f: {  	_ =	shalt  }
0x60: {  	_ =	shalt  }
0x61: {  	_ =	shalt  }
0x62: {  	_ =	shalt  }
0x63: {  	_ =	shalt  }
0x64: {  	_ =	shalt  }
0x65: {  	_ =	shalt  }
0x66: {  	_ =	shalt  }
0x67: {  	_ =	shalt  }
0x68: {  	_ =	shalt  }
0x69: {  	_ =	shalt  }
0x6a: {  	_ =	shalt  }
0x6b: {  	_ =	shalt  }
0x6c: {  	_ =	shalt  }
0x6d: {  	_ =	shalt  }
0x6e: {  	_ =	shalt  }
0x6f: {  	_ =	shalt  }
0x70: {  	_ =	shalt  }
0x71: {  	_ =	shalt  }
0x72: {  	_ =	shalt  }
0x73: {  	_ =	shalt  }
0x74: {  	_ =	shalt  }
0x75: {  	_ =	shalt  }
0x76: {  	_ =	shalt  }
0x77: {  	_ =	shalt  }
0x78: {  	_ =	shalt  }
0x79: {  	_ =	shalt  }
0x7a: {  	_ =	shalt  }
0x7b: {  	_ =	shalt  }
0x7c: {  	_ =	shalt  }
0x7d: {  	_ =	shalt  }
0x7e: {  	_ =	shalt  }
0x7f: {  	_ =	shalt  }
0x80: {  	_ =	shalt  }
0x81: {  	_ =	shalt  }
0x82: {  	_ =	shalt  }
0x83: {  	_ =	shalt  }
0x84: {  	_ =	shalt  }
0x85: {  	_ =	shalt  }
0x86: {  	_ =	shalt  }
0x87: {  	_ =	shalt  }
.Lfunc_end0:
.L_simem_size_0:
called_computation_lowered:
.L_overlay_start_0:
0x88: {  	s2 =	sld [smem:$0x3FD9]  }
0x89: {  	s3 =	sld [smem:$0x3FFE];
	_ =	sdelay $0x1  }
0x8a: {  	s1 =	srdreg.scid  }
0x8b: {  	s0 =	sand.u32 $0x1, s1  }
0x8c: {  	s17 =	sshll.u32 s0, $0xA;
	s2 =	sadd.s32 s3, s2  }
0x8d: {  	s2 =	sadd.s32 s2, s17  }
0x8e: {  	[smem:$0x3FC1] =	sst s2  }
0x8f: {  	_ = 	snop  }
0x90: {  	s2 =	sld [smem:$0x3FC7]  }
0x91: {  	s18 =	sld [smem:$0x3FC6]  }
0x92: {  	s4 =	sld [smem:$0x3FC5]  }
0x93: {  	s5 =	sld [smem:$0x3FC4]  }
0x94: {  	s6 =	sld [smem:$0x3FC3];
	(tm) =	ssettm $0x1  }
0x95: {  	s7 =	sld [smem:$0x3FFB];
	_ =	sdelay $0x3  }
0x96: {  	_ =	strace s7  }
0x97: {  	s7 =	sld [smem:$0x3FFC];
	_ =	sdelay $0x3  }
0x98: {  	_ =	strace s7  }
0x99: {  	s7 =	sld [smem:$0x3FFD];
	_ =	sdelay $0x3  }
0x9a: {  	_ =	strace s7  }
0x9b: {  	_ =	strace $0x8FFFFFFF  }
0x9c: {  	s19 =	sld [smem:$0x3FDB];
	_ =	sdelay $0x1  }
0x9d: {  	s8 =	simm.s32 $_scs_section_size  }
0x9e: {  	s9 =	simm.s32 $_size__tile_overlayer_lowered;
	s10 =	simm.s32 $_tile_overlayer_lowered  }
0x9f: {  	s22 =	simm.s32 $0x1BFF;
	s21 =	sshll.u32 s10, $0x1;
	s7 =	sadd.s32 s8, s19  }
0xa0: {  	s11 =	simm.s32 $0x0;
	s20 =	sshll.u32 s9, $0x1;
	s9 =	sadd.s32 s21, s7  }
0xa1: {  	[timem:s11], [sflag:s22] =	dma.local [hbm:s9], s20  }
0xa2: {  	_ =	swait.ge [sflag:s22], s20  }
0xa3: {  	s8 =	ssub.s32 $0x0, s20;
	[sflag:s22] =	ssyncset.done $0x0  }
0xa4: {  	[sflag:s22] =	ssyncadd.s32 s8;
	_ =	sdelay $0x1  }
0xa5: {  	s23 =	simm.s32 $0x1B8B  }
0xa6: {  	_ =	swait.ge [sflag:s23], $0x1  }
0xa7: {  	[sflag:s23] =	ssyncset.done $0x0  }
0xa8: {  	s25 =	simm.s32 $0x1B8E;
	s24 =	sld [smem:$0x3FFE];
	[sflag:s23] =	ssyncadd.s32 $0xFFFFFFFF  }
0xa9: {  	s26 =	simm.s32 $execute0_lowered;
	[smem:$0x3FD2] =	sst s25  }
0xaa: {  	s9 =	sshll.u32 s26, $0x1;
	_ =	strace $0x80000046;
	[dreg:$0x1] =	wrdreg $0xFFFFFFFF  }
0xab: {  	s28 =	simm.s32 $_size_execute0_lowered;
	s7 =	sadd.s32 s7, s9;
	[dreg:$0x0] =	wrdreg $0x0  }
0xac: {  	s9 =	sshll.u32 s28, $0x1;
	[dreg:$0x2] =	wrdreg s7  }
0xad: {  	[dreg:$0x3] =	wrdreg s9  }
0xae: {  	[dreg:$0x4] =	wrdreg $0xC0  }
0xaf: {  	_ =	task [dreg:s11], $0x5FFFF  }
0xb0: {  	[dreg:$0x1] =	wrdreg $0xFFFFFFFF  }
0xb1: {  	[dreg:$0x0] =	wrdreg $0x60  }
0xb2: {  	[dreg:$0x2] =	wrdreg s24  }
0xb3: {  	[dreg:$0x3] =	wrdreg s2  }
0xb4: {  	[dreg:$0x4] =	wrdreg s18  }
0xb5: {  	[dreg:$0x5] =	wrdreg s4  }
0xb6: {  	[dreg:$0x6] =	wrdreg s5  }
0xb7: {  	[dreg:$0x7] =	wrdreg s6  }
0xb8: {  	[dreg:$0x8] =	wrdreg $0x9  }
0xb9: {  	_ =	task.clear_ibuf [dreg:s11], $0x9FFFF;
	_ =	strace $0x90000046  }
0xba: {  	s29 =	simm.s32 $0x9;
	_ =	strace $0x80000048  }
0xbb: {  	_ =	swait.ge [sflag:s29], $0x1  }
0xbc: {  	[sflag:s29] =	ssyncadd.s32 $0xFFFFFFFF  }
0xbd: {  	_ =	strace $0x90000048  }
0xbe: {  	_ =	sfence  }
0xbf: {  	s30 =	sld [smem:$0x0];
	_ =	sdelay $0x2  }
0xc0: {  	s31 =	sshll.u32 s1, $0xD;
	s1 =	sshrl.u32 s1, $0x2  }
0xc1: {  	s3 =	sand.u32 $0x4000, s31;
	s1 =	sadd.s32 s1, s30  }
0xc2: {  	s0 =	sor.u32 s3, s0;
	s1 =	sshll.u32 s1, $0x11  }
0xc3: {  	s0 =	sor.u32 s1, s0  }
0xc4: {  	s0 =	sadd.s32 $0x8F2B, s0  }
0xc5: {  	[sflag:s0] =	ssyncadd.remote.s32 $0x1  }
0xc6: {  	_ =	sfence.sel $0xFFFF  }
0xc7: {  	[dreg:$0x0] =	wrdreg $0xFFFFFFFF;
	(pc) =	sbr.abs _section_cstart, $3  }
0xc8: {  	[dreg:$0x1] =	wrdreg $0xFFFFFFFF  }
0xc9: {  	_ =	task.clear_ibuf [dreg:s11], $0x2FFFF;
	_ =	strace $0x9FFFFFFF  }
0xca: {  	(tm) =	ssettm $0x7FFFFFFF  }
0xcb: {  	_ =	shalt  }
tec
execute0_lowered:
.L_overlay_start_1:
0x0: {  	(tag) =	ssettag $0x1  }
0x1: {  	v11 =	vlaneseq.u32;
	v41 =	vimm.s32 $0x34333231  }
0x2: {  	v1 =	vimm.s32 $0x38373635;
	v2 =	vimm.s32 $0x3C3B3A39;
	v3 =	vimm.s32 $0x3F3E3D  }
0x3: {  	vm0 =	vcmask $0x1F10;
	v42 =	vimm.s32 $0x35343332;
	v0 =	vadd.s32 $0x15, v11  }
0x4: {  	v43 =	vimm.s32 $0x39383736;
	v46 =	vimm.s32 $0x3D3C3B3A;
	v5 =	vadd.s32 $0x16, v11;
	[tilespmem:$0x1FB70] =	vst v0  }
0x5: {  	v49 =	vimm.s32 $0x3020100;
	v8 =	vimm.s32 $0x3F3E3D3C;
	v6 =	vadd.s32 $0x17, v11;
	[tilespmem:$0x1FB80] =	vst v5  }
0x6: {  	v9 =	vimm.s32 $0x37363534;
	v10 =	vimm.s32 $0x3B3A3938;
	v7 =	vadd.s32 $0x18, v11;
	[tilespmem:$0x1FB90] =	vst v6  }
0x7: {  	v33 =	vadd.s32 $0x19, v11;
	v34 =	vadd.s32 $0x1A, v11;
	v35 =	vadd.s32 $0x1B, v11;
	[tilespmem:$0x1FBA0] =	vst v7  }
0x8: {  	v36 =	vadd.s32 $0x1C, v11;
	v4 =	vunpack.c.0.s8.s32 v1;
	[tilespmem:$0x1FBB0] =	vst v33;
	v0 =	vunpack.c.0.s8.s32 v41  }
0x9: {  	v1 =	vunpack.c.0.s8.s32 v3;
	[tilespmem:$0x1FBC0] =	vst v34;
	v5 =	vunpack.c.0.s8.s32 v2;
	v2 =	vunpack.c.0.s8.s32 v42  }
0xa: {  	v6 =	vimm.s32 $0x1003F3E;
	v7 =	vunpack.c.0.s8.s32 v43;
	[tilespmem:$0x1FC00] =	vst v4;
	v0 =	vsel vm0, v4, v0  }
0xb: {  	[tilespmem:$0x1FC10] =	vst v5;
	v3 =	vsel vm0, v1, v5;
	v5 =	vunpack.c.0.s8.s32 v46;
	v4 =	vunpack.c.0.s8.s32 v6  }
0xc: {  	v17 =	vunpack.c.0.s8.s32 v8;
	v8 =	vunpack.c.0.s8.s32 v9;
	v9 =	vunpack.c.0.s8.s32 v10;
	[tilespmem:$0x1FBD0] =	vst v35  }
0xd: {  	v47 =	vsel vm0, v7, v2;
	[tilespmem:$0x1FC30] =	vst v5;
	v2 =	vsel vm0, v4, v5;
	v5 =	vunpack.c.0.s8.s32 v49  }
0xe: {  	s2 =	rddreg [dreg:$0x0];
	v40 =	vadd.s32 $0x1D, v11;
	[tilespmem:$0x1FBE0] =	vst v36;
	v34 =	vsel vm0, v9, v8;
	v8 =	vimm.s32 $0x5040302  }
0xf: {  	s0 =	rddreg [dreg:$0x1];
	[tilespmem:$0x1FBF0] =	vst v40;
	v35 =	vimm.s32 $0x4030201;
	v8 =	vunpack.c.0.s8.s32 v8;
	v5 =	vsel vm0, v5, v17  }
0x10: {  	s1 =	rddreg [dreg:$0x2];
	[tilespmem:$0x1FC40] =	vst v9;
	v43 =	vcombine.low v34, v5;
	v5 =	vunpack.c.0.s8.s32 v35  }
0x11: {  	s4 =	rddreg [dreg:$0x3];
	[tilespmem:$0x1FC20] =	vst v7;
	v41 =	vsel vm0, v8, v4  }
0x12: {  	v48 =	vimm.s32 $0x36353433;
	v54 =	vimm.s32 $0x3A393837;
	s7 =	rddreg [dreg:$0x4];
	s3 =	simm.s32 $0x0;
	[tilespmem:$0x1FC60] =	vst v41;
	v5 =	vsel vm0, v5, v1  }
0x13: {  	v10 =	vunpack.c.0.s8.s32 v54;
	[smem:$0x7FF] =	sst s3;
	v42 =	vcombine.low v0, v3;
	v0 =	vunpack.c.0.s8.s32 v48;
	[tilespmem:$0x1FC50] =	vst v5  }
0x14: {  	v58 =	vimm.s32 $0x201003F;
	s8 =	rddreg [dreg:$0x5];
	_ =	strace $0x80000047;
	[tilespmem:$0x1FC70] =	vst v17  }
0x15: {  	v18 =	vunpack.c.0.s8.s32 v58;
	v0 =	vsel vm0, v10, v0;
	[tilespmem:$0x1FC80] =	vst v10  }
0x16: {  	v12 =	vmul.u32 $0x40, v11;
	[tilespmem:$0x1FC90] =	vst v0  }
0x17: {  	[tilespmem:$0x1FCB0] =	vst v18  }
0x18: {  	v13 =	vadd.s32 $0x1, v11;
	[tilespmem:$0x1FD20] =	vst v12  }
0x19: {  	v14 =	vadd.s32 $0x2, v11;
	[tilespmem:$0x1FD30] =	vst v13  }
0x1a: {  	v15 =	vadd.s32 $0x3, v11;
	[tilespmem:$0x1FD40] =	vst v14  }
0x1b: {  	v16 =	vadd.s32 $0x4, v11;
	[tilespmem:$0x1FD50] =	vst v15  }
0x1c: {  	v20 =	vadd.s32 $0x5, v11;
	[tilespmem:$0x1FD60] =	vst v16  }
0x1d: {  	v27 =	vadd.s32 $0x6, v11;
	[tilespmem:$0x1FD70] =	vst v20  }
0x1e: {  	v28 =	vadd.s32 $0x7, v11;
	[tilespmem:$0x1FD80] =	vst v27  }
0x1f: {  	v29 =	vadd.s32 $0x8, v11;
	[tilespmem:$0x1FD90] =	vst v28  }
0x20: {  	v44 =	vadd.s32 $0x9, v11;
	[tilespmem:$0x1FDA0] =	vst v29  }
0x21: {  	v53 =	vadd.s32 $0xA, v11;
	[tilespmem:$0x1FDB0] =	vst v44  }
0x22: {  	v56 =	vadd.s32 $0xB, v11;
	[tilespmem:$0x1FDC0] =	vst v53  }
0x23: {  	v19 =	vadd.s32 $0xC, v11;
	[tilespmem:$0x1FDD0] =	vst v56  }
0x24: {  	v23 =	vadd.s32 $0xD, v11;
	[tilespmem:$0x1FDE0] =	vst v19  }
0x25: {  	v24 =	vadd.s32 $0xE, v11;
	[tilespmem:$0x1FDF0] =	vst v23  }
0x26: {  	v32 =	vadd.s32 $0xF, v11;
	[tilespmem:$0x1FE00] =	vst v24  }
0x27: {  	v37 =	vor.u32 $0x10, v11;
	[tilespmem:$0x1FE10] =	vst v32  }
0x28: {  	v38 =	vadd.s32 $0x11, v11;
	[tilespmem:$0x1FE20] =	vst v37  }
0x29: {  	v39 =	vadd.s32 $0x12, v11;
	[tilespmem:$0x1FE30] =	vst v38  }
0x2a: {  	v45 =	vadd.s32 $0x13, v11;
	[tilespmem:$0x1FE40] =	vst v39  }
0x2b: {  	vm1 =	vcmask $0x2F10;
	vm2 =	vcmask $0x3F30;
	v57 =	vadd.s32 $0x14, v11;
	[tilespmem:$0x1FE50] =	vst v45  }
0x2c: {  	v61 =	vadd.s32 $0x1E, v11;
	v52 =	vadd.s32 $0x1F, v11;
	v59 =	vor.u32 $0x20, v11;
	[tilespmem:$0x1FE60] =	vst v57  }
0x2d: {  	v60 =	vadd.s32 $0x21, v11;
	v55 =	vadd.s32 $0x22, v11;
	v62 =	vadd.s32 $0x23, v11;
	[tilespmem:$0x1FE70] =	vst v52  }
0x2e: {  	v63 =	vadd.s32 $0x24, v11;
	v50 =	vadd.s32 $0x25, v11;
	v33 =	vimm.s32 $0x87654321;
	[tilespmem:$0x1FE80] =	vst v59  }
0x2f: {  	v36 =	vimm.s32 $0x32107654;
	v9 =	vimm.s32 $0x98765432;
	v6 =	vunpack.c.l.s4.s8 v33;
	[tilespmem:$0x1FE90] =	vst v60  }
0x30: {  	v51 =	vadd.s32 $0x26, v11;
	v7 =	vunpack.c.l.s4.s8 v36;
	v9 =	vunpack.c.l.s4.s8 v9;
	[tilespmem:$0x1FEA0] =	vst v55  }
0x31: {  	v33 =	vimm.s32 $0xC0B0A09;
	v36 =	vimm.s32 $0x6543A987;
	v6 =	vunpack.c.0.s8.s32 v6;
	[tilespmem:$0x1FEB0] =	vst v62  }
0x32: {  	v48 =	vimm.s32 $0x43218765;
	v7 =	vunpack.c.0.s8.s32 v7;
	v46 =	vunpack.c.0.s8.s32 v9;
	[tilespmem:$0x1FEC0] =	vst v63  }
0x33: {  	v49 =	vimm.s32 $0xB0A0908;
	v8 =	vimm.s32 $0x54329876;
	v6 =	vand.u32 $0xF, v6;
	[tilespmem:$0x1FED0] =	vst v50  }
0x34: {  	v40 =	vcombine.low v47, v2;
	v35 =	vcombine.low v3, v6;
	v6 =	vunpack.c.l.s4.s8 v48;
	[tilespmem:$0x1FEE0] =	vst v51  }
0x35: {  	v54 =	vunpack.c.l.s4.s8 v8;
	v41 =	vimm.s32 $0x6050403;
	v47 =	vand.u32 $0xF, v7;
	[tilespmem:$0x1FEF0] =	vst v42  }
0x36: {  	v7 =	vunpack.c.0.s8.s32 v49;
	v3 =	vand.u32 $0xF, v46;
	v6 =	vunpack.c.0.s8.s32 v6;
	[tilespmem:$0x1FF00] =	vst v40  }
0x37: {  	v49 =	vimm.s32 $0xD0C0B0A;
	v34 =	vcombine.low v2, v3;
	v5 =	vsel vm1, v47, v17;
	[tilespmem:$0x1FF10] =	vst v43  }
0x38: {  	v2 =	vunpack.c.0.s8.s32 v54;
	v26 =	vsel vm2, v7, v5;
	v58 =	vand.u32 $0xF, v6;
	[tilespmem:$0x1FF20] =	vst v35  }
0x39: {  	v5 =	vunpack.c.0.s8.s32 v33;
	v6 =	vunpack.c.l.s4.s8 v36;
	v36 =	vimm.s32 $0x3E3D3C3B;
	[tilespmem:$0x1FF30] =	vst v34  }
0x3a: {  	[tilespmem:$0x1FFF0] =	vst v61;
	v1 =	vsel vm1, v58, v1;
	v58 =	vunpack.c.0.s8.s32 v41;
	v41 =	vunpack.c.0.s8.s32 v36  }
0x3b: {  	v54 =	vimm.s32 $0xE0D0C0B;
	v47 =	vand.u32 $0xF, v2;
	[tilespmem:$0x1FF40] =	vst v26;
	v30 =	vsel vm2, v5, v1  }
0x3c: {  	v1 =	vsel vm1, v47, v4;
	v4 =	vunpack.c.0.s8.s32 v49;
	v49 =	vadd.s32 $0x27, v11;
	[tilespmem:$0x1FCA0] =	vst v41  }
0x3d: {  	v5 =	vunpack.c.0.s8.s32 v54;
	v54 =	vadd.s32 $0x28, v11;
	[tilespmem:$0x1FCF0] =	vst v49  }
0x3e: {  	s5 =	srdreg.scid;
	s6 =	stileid.u32;
	v46 =	vimm.s32 $0xA9876543;
	[tilespmem:$0x1FD00] =	vst v54  }
0x3f: {  	s13 =	simm.s32 $0x7;
	s14 =	simm.s32 $0x200;
	s15 =	simm.s32 $0x400;
	v3 =	vunpack.c.l.s4.s8 v46;
	v46 =	vsel vm0, v58, v18;
	[tilespmem:$0x1FF50] =	vst v30  }
0x40: {  	s16 =	simm.s32 $0x80;
	s17 =	simm.s32 $0x600;
	s18 =	simm.s32 $0x4600;
	v58 =	vadd.s32 $0x29, v11;
	[tilespmem:$0x1FCC0] =	vst v46  }
0x41: {  	s19 =	simm.s32 $0x8600;
	s20 =	simm.s32 $0x2600;
	s22 =	simm.s32 $0x6600;
	v49 =	vadd.s32 $0x2C, v11;
	[tilespmem:$0x1FD10] =	vst v58  }
0x42: {  	s29 =	simm.s32 $0x1;
	s30 =	simm.s32 $0x3;
	s31 =	simm.s32 $0x5;
	v3 =	vunpack.c.0.s8.s32 v3;
	v48 =	vunpack.c.0.s8.s32 v6;
	v41 =	vadd.s32 $0x2D, v11;
	[tilespmem:$0x1FFA0] =	vst v49  }
0x43: {  	s28 =	simm.s32 $0x180;
	s12 =	simm.s32 $0x0;
	s5 =	sand.u32 $0x1, s5;
	v54 =	vadd.s32 $0x2E, v11;
	[tilespmem:$0x1FFB0] =	vst v41  }
0x44: {  	s6 =	sshll.u32 s6, $0x7;
	s9 =	sshll.u32 s5, $0x6;
	s10 =	ssub.s32 $0x2, s5;
	v2 =	vand.u32 $0xF, v48;
	v48 =	vand.u32 $0xF, v3;
	[tilespmem:$0x1FFC0] =	vst v54  }
0x45: {  	s5 =	sadd.s32 $0x188A00, s2;
	s9 =	sor.u32 s9, s6;
	s11 =	sshrl.u32 s10, $0x1;
	v31 =	vsel vm2, v4, v1;
	[tilespmem:$0x1FCE0] =	vst v48  }
0x46: {  	s6 =	sadd.s32 $0x24C000, s2;
	s2 =	sadd.s32 s9, s2;
	s4 =	sadd.s32 s4, s9;
	v33 =	vimm.s32 $0x76543210;
	v58 =	vadd.s32 $0x2F, v11;
	[tilespmem:$0x1FF60] =	vst v31  }
0x47: {  	s10 =	ssub.s32 s10, s11;
	s23 =	sadd.s32 s7, s9;
	[dreg:$0x7] =	wrdreg s4;
	v1 =	vunpack.c.l.s4.s8 v33;
	v46 =	vor.u32 $0x30, v11;
	[tilespmem:$0x1FFD0] =	vst v58  }
0x48: {  	s24 =	sadd.s32 s8, s9;
	s8 =	simm.s32 $0x2;
	[dreg:$0x8] =	wrdreg s23;
	v2 =	vsel vm1, v2, v18;
	v48 =	vadd.s32 $0x2B, v11;
	[tilespmem:$0x1FFE0] =	vst v46  }
0x49: {  	s9 =	simm.s32 $0x4;
	s25 =	sadd.s32 $0x2000, s2;
	[dreg:$0x9] =	wrdreg s24;
	v25 =	vsel vm2, v5, v2;
	v47 =	vunpack.c.0.s8.s32 v1;
	[tilespmem:$0x1FF90] =	vst v48  }
0x4a: {  	s11 =	simm.s32 $0x580;
	s2 =	sadd.s32 $0x2800, s2;
	[dreg:$0xa] =	wrdreg s25;
	[tilespmem:$0x1FF70] =	vst v25  }
0x4b: {  	s26 =	smax.u32 s10, $0x1;
	s10 =	simm.s32 $0x380;
	[dreg:$0xb] =	wrdreg s2;
	[tilespmem:$0x1FCD0] =	vst v47;
	v47 =	vadd.s32 $0x2A, v11  }
0x4c: {  	[dreg:$0xc] =	wrdreg s26;
	s24 =	simm.s32 $0xA600;
	s26 =	simm.s32 $0x6;
	[tilespmem:$0x1FF80] =	vst v47  }
.LBB2_1:
0x4d: {  	s2 =	rddreg [dreg:$0x7]  }
0x4e: {  	[tilespmem:s3], [sflag:$0x7] =	stream.linear.gather [hbm4b:s2+s3], $0x200, $0x38;
	[tilespmem:$0xCD00] =	vst v63  }
0x4f: {  	_ =	swait.ge [sflag:s13], $0x200  }
0x50: {  	[sflag:s13] =	ssyncset.done $0x0  }
0x51: {  	s21 =	rddreg [dreg:$0x8];
	[sflag:s13] =	ssyncadd.s32 $0xFFFFFE00  }
0x52: {  	[tilespmem:s14], [sflag:$0x7] =	stream.linear.gather [hbm4b:s21+s3], $0x200, $0x38;
	[tilespmem:$0xCD00] =	vst v63  }
0x53: {  	_ =	swait.ge [sflag:s13], $0x200  }
0x54: {  	[sflag:s13] =	ssyncset.done $0x0  }
0x55: {  	s23 =	rddreg [dreg:$0x9];
	[sflag:s13] =	ssyncadd.s32 $0xFFFFFE00  }
0x56: {  	[tilespmem:s15], [sflag:$0x7] =	stream.linear.gather [hbm4b:s23+s3], $0x200, $0x38;
	[tilespmem:$0xCD00] =	vst v63  }
0x57: {  	_ =	swait.ge [sflag:s13], $0x200  }
0x58: {  	[sflag:s13] =	ssyncset.done $0x0  }
0x59: {  	[sflag:s13] =	ssyncadd.s32 $0xFFFFFE00  }
0x5a: {  	[tilespmem:s17], [sflag:$0x1] =	stream.indirect.gather [hbm4b:s5+s16], $0x40, s3, s16, $0xb8;
	[tilespmem:$0xCD00] =	vst v63  }
0x5b: {  	_ = 	snop  }
0x5c: {  	[tilespmem:s18], [sflag:$0x3] =	stream.indirect.gather [hbm4b:s6+s16], $0x40, s14, s16, $0xb8;
	[tilespmem:$0xCD00] =	vst v63  }
0x5d: {  	_ = 	snop  }
0x5e: {  	[tilespmem:s19], [sflag:$0x5] =	stream.indirect.gather [hbm4b:s6+s16], $0x40, s15, s16, $0xb8;
	[tilespmem:$0xCD00] =	vst v63  }
0x5f: {  	s25 =	simm.s32 $0xC600  }
0x60: {  	[tilespmem:s25], [sflag:$0x1] =	stream.indirect.gather [hbm4b:s0+s16], $0x1, s3, s16, $0xb8;
	[tilespmem:$0xCD00] =	vst v63  }
0x61: {  	s4 =	simm.s32 $0xC700  }
0x62: {  	[tilespmem:s4], [sflag:$0x3] =	stream.indirect.gather [hbm4b:s1+s16], $0x1, s14, s16, $0xb8;
	[tilespmem:$0xCD00] =	vst v63  }
0x63: {  	s7 =	simm.s32 $0xC800  }
0x64: {  	[tilespmem:s7], [sflag:$0x5] =	stream.indirect.gather [hbm4b:s1+s16], $0x1, s15, s16, $0xb8;
	[tilespmem:$0xCD00] =	vst v63  }
0x65: {  	_ = 	snop  }
0x66: {  	[tilespmem:s20], [sflag:$0x2] =	stream.indirect.gather [hbm4b:s5+s16], $0x40, s16, s16, $0xb8;
	[tilespmem:$0xCD00] =	vst v63  }
0x67: {  	s21 =	simm.s32 $0x280  }
0x68: {  	[tilespmem:s22], [sflag:$0x4] =	stream.indirect.gather [hbm4b:s6+s16], $0x40, s21, s16, $0xb8;
	[tilespmem:$0xCD00] =	vst v63  }
0x69: {  	s4 =	simm.s32 $0x480  }
0x6a: {  	[tilespmem:s24], [sflag:$0x6] =	stream.indirect.gather [hbm4b:s6+s16], $0x40, s4, s16, $0xb8;
	[tilespmem:$0xCD00] =	vst v63  }
0x6b: {  	s7 =	simm.s32 $0xC680  }
0x6c: {  	[tilespmem:s7], [sflag:$0x2] =	stream.indirect.gather [hbm4b:s0+s16], $0x1, s16, s16, $0xb8;
	[tilespmem:$0xCD00] =	vst v63  }
0x6d: {  	s23 =	simm.s32 $0xC780  }
0x6e: {  	[tilespmem:s23], [sflag:$0x4] =	stream.indirect.gather [hbm4b:s1+s16], $0x1, s21, s16, $0xb8;
	[tilespmem:$0xCD00] =	vst v63  }
0x6f: {  	s25 =	simm.s32 $0xC880  }
0x70: {  	[tilespmem:s25], [sflag:$0x6] =	stream.indirect.gather [hbm4b:s1+s16], $0x1, s4, s16, $0xb8;
	[tilespmem:$0xCD00] =	vst v63  }
0x71: {  	_ =	swait.ge [sflag:s29], $0x2000  }
0x72: {  	[sflag:s29] =	ssyncset.done $0x0  }
0x73: {  	[sflag:s29] =	ssyncadd.s32 $0xFFFFE000  }
0x74: {  	_ =	swait.ge [sflag:s30], $0x2000  }
0x75: {  	[sflag:s30] =	ssyncset.done $0x0  }
0x76: {  	[sflag:s30] =	ssyncadd.s32 $0xFFFFE000  }
0x77: {  	_ =	swait.ge [sflag:s31], $0x2000  }
0x78: {  	[sflag:s31] =	ssyncset.done $0x0  }
0x79: {  	[sflag:s31] =	ssyncadd.s32 $0xFFFFE000  }
0x7a: {  	_ =	swait.ge [sflag:s29], $0x80  }
0x7b: {  	[sflag:s29] =	ssyncset.done $0x0  }
0x7c: {  	[sflag:s29] =	ssyncadd.s32 $0xFFFFFF80  }
0x7d: {  	_ =	swait.ge [sflag:s30], $0x80  }
0x7e: {  	[sflag:s30] =	ssyncset.done $0x0  }
0x7f: {  	[sflag:s30] =	ssyncadd.s32 $0xFFFFFF80  }
0x80: {  	_ =	swait.ge [sflag:s31], $0x80  }
0x81: {  	s2 =	simm.s32 $0xCB00;
	s7 =	simm.s32 $0x0;
	v9 =	vld [tilespmem:$0x1FB70]  }
0x82: {  	s21 =	simm.s32 $0xC900;
	s23 =	simm.s32 $0xC700;
	[sflag:s31] =	ssyncset.done $0x0;
	v52 =	vld [tilespmem:$0x1FCF0]  }
0x83: {  	s4 =	simm.s32 $0xC800;
	s25 =	simm.s32 $0xC600;
	v57 =	vld [tilespmem:$0x1FD10];
	[sflag:s31] =	ssyncadd.s32 $0xFFFFFF80  }
.LBB2_2:
0x84: {  	v0 =	vmov s7  }
0x85: {  	v0 =	vshll.u32 v0, $0x6  }
0x86: {  	v1 =	vor.u32 v12, v0  }
0x87: {  	v0 =	vor.u32 v11, v1;
	_ =	sdelay $0x2  }
0x88: {  	v2 =	vor.u32 v13, v1;
	_ =	sdelay $0x1  }
0x89: {  	v6 =	vld.idx.msk [tilespmem:v0+s17+$0x0], $0xffff  }
0x8a: {  	v62 =	vor.u32 v20, v1;
	v3 =	vld.idx.msk [tilespmem:v0+s18+$0x0], $0xffff  }
0x8b: {  	v10 =	vld.idx.msk [tilespmem:v0+s19+$0x0], $0xffff  }
0x8c: {  	v11 =	vld.idx.msk [tilespmem:v2+s17+$0x0], $0xffff;
	v0 =	vor.u32 v15, v1  }
0x8d: {  	v7 =	vld.idx.msk [tilespmem:v2+s18+$0x0], $0xffff  }
0x8e: {  	v5 =	vor.u32 v14, v1;
	v14 =	vld.idx.msk [tilespmem:v2+s19+$0x0], $0xffff  }
0x8f: {  	v35 =	vld.idx.msk [tilespmem:v62+s17+$0x0], $0xffff  }
0x90: {  	v2 =	vor.u32 v16, v1;
	v36 =	vld.idx.msk [tilespmem:v62+s18+$0x0], $0xffff  }
0x91: {  	v23 =	vld.idx.msk [tilespmem:v0+s17+$0x0], $0xffff  }
0x92: {  	v24 =	vld.idx.msk [tilespmem:v0+s18+$0x0], $0xffff  }
0x93: {  	v31 =	vld.idx.msk [tilespmem:v0+s19+$0x0], $0xffff;
	v0 =	vor.u32 v27, v1  }
0x94: {  	v37 =	vld.idx.msk [tilespmem:v62+s19+$0x0], $0xffff  }
0x95: {  	v32 =	vld.idx.msk [tilespmem:v2+s17+$0x0], $0xffff  }
0x96: {  	v63 =	vor.u32 v29, v1;
	v33 =	vld.idx.msk [tilespmem:v2+s18+$0x0], $0xffff  }
0x97: {  	v34 =	vld.idx.msk [tilespmem:v2+s19+$0x0], $0xffff;
	v2 =	vor.u32 v28, v1  }
0x98: {  	v38 =	vld.idx.msk [tilespmem:v0+s17+$0x0], $0xffff  }
0x99: {  	v39 =	vld.idx.msk [tilespmem:v0+s18+$0x0], $0xffff  }
0x9a: {  	v40 =	vld.idx.msk [tilespmem:v0+s19+$0x0], $0xffff;
	v0 =	vor.u32 v44, v1  }
0x9b: {  	v45 =	vld.idx.msk [tilespmem:v63+s17+$0x0], $0xffff  }
0x9c: {  	v42 =	vld.idx.msk [tilespmem:v2+s17+$0x0], $0xffff  }
0x9d: {  	v43 =	vld.idx.msk [tilespmem:v2+s18+$0x0], $0xffff  }
0x9e: {  	v44 =	vld.idx.msk [tilespmem:v2+s19+$0x0], $0xffff  }
0x9f: {  	v41 =	vor.u32 v56, v1;
	v54 =	vld.idx.msk [tilespmem:v0+s17+$0x0], $0xffff  }
0xa0: {  	v2 =	vor.u32 v53, v1;
	v55 =	vld.idx.msk [tilespmem:v0+s18+$0x0], $0xffff  }
0xa1: {  	v56 =	vld.idx.msk [tilespmem:v0+s19+$0x0], $0xffff  }
0xa2: {  	v0 =	vld [tilespmem:$0x1FDE0]  }
0xa3: {  	v50 =	vld.idx.msk [tilespmem:v63+s18+$0x0], $0xffff  }
0xa4: {  	v60 =	vld.idx.msk [tilespmem:v41+s17+$0x0], $0xffff  }
0xa5: {  	v17 =	vmov v57;
	v57 =	vld.idx.msk [tilespmem:v2+s17+$0x0], $0xffff  }
0xa6: {  	v58 =	vld.idx.msk [tilespmem:v2+s18+$0x0], $0xffff  }
0xa7: {  	v59 =	vld.idx.msk [tilespmem:v2+s19+$0x0], $0xffff;
	v0 =	vor.u32 v0, v1  }
0xa8: {  	v2 =	vld [tilespmem:$0x1FDF0]  }
0xa9: {  	v61 =	vld.idx.msk [tilespmem:v41+s18+$0x0], $0xffff  }
0xaa: {  	v62 =	vld.idx.msk [tilespmem:v41+s19+$0x0], $0xffff  }
0xab: {  	v53 =	vld.idx.msk [tilespmem:v63+s19+$0x0], $0xffff  }
0xac: {  	v63 =	vld.idx.msk [tilespmem:v0+s17+$0x0], $0xffff  }
0xad: {  	v2 =	vor.u32 v2, v1;
	v41 =	vld.idx.msk [tilespmem:v0+s18+$0x0], $0xffff  }
0xae: {  	v47 =	vld.idx.msk [tilespmem:v0+s19+$0x0], $0xffff  }
0xaf: {  	v0 =	vld [tilespmem:$0x1FE10];
	_ =	sdelay $0x1  }
0xb0: {  	v4 =	vld [tilespmem:$0x1FE00]  }
0xb1: {  	v28 =	vld.idx.msk [tilespmem:v2+s17+$0x0], $0xffff  }
0xb2: {  	v46 =	vld.idx.msk [tilespmem:v2+s18+$0x0], $0xffff  }
0xb3: {  	v48 =	vld.idx.msk [tilespmem:v2+s19+$0x0], $0xffff;
	v0 =	vor.u32 v0, v1  }
0xb4: {  	v2 =	vld [tilespmem:$0x1FE20]  }
0xb5: {  	v15 =	vld.idx.msk [tilespmem:v5+s17+$0x0], $0xffff  }
0xb6: {  	v18 =	vld.idx.msk [tilespmem:v5+s18+$0x0], $0xffff  }
0xb7: {  	v19 =	vld.idx.msk [tilespmem:v5+s19+$0x0], $0xffff;
	v5 =	vor.u32 v4, v1  }
0xb8: {  	v20 =	vld.idx.msk [tilespmem:v0+s17+$0x0], $0xffff  }
0xb9: {  	v2 =	vor.u32 v2, v1;
	v51 =	vld.idx.msk [tilespmem:v0+s18+$0x0], $0xffff  }
0xba: {  	v0 =	vld.idx.msk [tilespmem:v0+s19+$0x0], $0xffff  }
0xbb: {  	v4 =	vld [tilespmem:$0x1FE30]  }
0xbc: {  	v22 =	vld.idx.msk [tilespmem:v5+s17+$0x0], $0xffff  }
0xbd: {  	v49 =	vld.idx.msk [tilespmem:v5+s18+$0x0], $0xffff  }
0xbe: {  	v16 =	vld.idx.msk [tilespmem:v2+s17+$0x0], $0xffff  }
0xbf: {  	[tilespmem:$0x1FAE0] =	vst v0;
	v0 =	vld [tilespmem:$0x1FE40]  }
0xc0: {  	v21 =	vld.idx.msk [tilespmem:v2+s18+$0x0], $0xffff  }
0xc1: {  	v2 =	vld.idx.msk [tilespmem:v2+s19+$0x0], $0xffff  }
0xc2: {  	v29 =	vld.idx.msk [tilespmem:v5+s19+$0x0], $0xffff;
	v5 =	vor.u32 v4, v1;
	_ =	sdelay $0x1  }
0xc3: {  	v0 =	vor.u32 v0, v1;
	_ =	sdelay $0x1  }
0xc4: {  	[tilespmem:$0x1FAF0] =	vst v2;
	v2 =	vld [tilespmem:$0x1FE50]  }
0xc5: {  	v4 =	vld.idx.msk [tilespmem:v5+s19+$0x0], $0xffff;
	_ =	sdelay $0x1  }
0xc6: {  	v8 =	vld.idx.msk [tilespmem:v0+s17+$0x0], $0xffff  }
0xc7: {  	v26 =	vld.idx.msk [tilespmem:v0+s18+$0x0], $0xffff  }
0xc8: {  	v2 =	vor.u32 v2, v1;
	v0 =	vld.idx.msk [tilespmem:v0+s19+$0x0], $0xffff  }
0xc9: {  	[tilespmem:$0x1FB10] =	vst v4;
	v4 =	vld [tilespmem:$0x1FE60];
	_ =	sdelay $0x1  }
0xca: {  	v30 =	vor.u32 v9, v1;
	_ =	sdelay $0x1  }
0xcb: {  	[tilespmem:$0x1FB30] =	vst v0;
	v0 =	vld.idx.msk [tilespmem:v2+s18+$0x0], $0xffff  }
0xcc: {  	v3 =	vmul.f32 v3, v6;
	v12 =	vld.idx.msk [tilespmem:v5+s17+$0x0], $0xffff;
	v27 =	vor.u32 v4, v1  }
0xcd: {  	v25 =	vld.idx.msk [tilespmem:v5+s18+$0x0], $0xffff  }
0xce: {  	v4 =	vadd.f32 $0.0e+00, v3;
	v3 =	vmul.f32 v7, v11;
	v7 =	vld.idx.msk [tilespmem:v30+s19+$0x0], $0xffff  }
0xcf: {  	v5 =	vld.idx.msk [tilespmem:v2+s17+$0x0], $0xffff  }
0xd0: {  	[tilespmem:$0x1FB00] =	vst v0;
	v0 =	vld.idx.msk [tilespmem:v2+s19+$0x0], $0xffff  }
0xd1: {  	v2 =	vld.idx.msk [tilespmem:v27+s19+$0x0], $0xffff;
	_ =	sdelay $0x3  }
0xd2: {  	[tilespmem:$0x1FB60] =	vst v7;
	v7 =	vld [tilespmem:$0x1FBA0]  }
0xd3: {  	[tilespmem:$0x1FB50] =	vst v2;
	v2 =	vld [tilespmem:$0x1FB90]  }
0xd4: {  	v6 =	vmul.f32 v10, v6;
	[tilespmem:$0x1FB40] =	vst v0;
	v0 =	vld.idx.msk [tilespmem:v27+s18+$0x0], $0xffff;
	_ =	sdelay $0x1  }
0xd5: {  	v6 =	vadd.f32 $0.0e+00, v6;
	v11 =	vmul.f32 v14, v11  }
0xd6: {  	v13 =	vld.idx.msk [tilespmem:v30+s17+$0x0], $0xffff;
	v18 =	vmul.f32 v18, v15;
	v10 =	vor.u32 v7, v1  }
0xd7: {  	v15 =	vmul.f32 v19, v15;
	v19 =	vld [tilespmem:$0x1FBC0];
	v6 =	vadd.f32 v11, v6;
	v2 =	vor.u32 v2, v1  }
0xd8: {  	v24 =	vmul.f32 v24, v23;
	[tilespmem:$0x1FB20] =	vst v0;
	v0 =	vld [tilespmem:$0x1FB80]  }
0xd9: {  	v4 =	vadd.f32 v3, v4;
	v6 =	vadd.f32 v15, v6;
	v15 =	vmul.f32 v31, v23;
	v23 =	vld [tilespmem:$0x1FBD0]  }
0xda: {  	v9 =	vld.idx.msk [tilespmem:v27+s17+$0x0], $0xffff  }
0xdb: {  	v18 =	vadd.f32 v18, v4;
	v11 =	vld.idx.msk [tilespmem:v10+s17+$0x0], $0xffff  }
0xdc: {  	v4 =	vld.idx.msk [tilespmem:v2+s17+$0x0], $0xffff  }
0xdd: {  	v18 =	vadd.f32 v24, v18;
	v24 =	vmul.f32 v33, v32;
	v0 =	vor.u32 v0, v1;
	v33 =	vld.idx.msk [tilespmem:v2+s18+$0x0], $0xffff  }
0xde: {  	v14 =	vld.idx.msk [tilespmem:v2+s19+$0x0], $0xffff  }
0xdf: {  	v2 =	vadd.f32 v24, v18;
	v18 =	vmul.f32 v36, v35;
	v36 =	vld.idx.msk [tilespmem:v10+s18+$0x0], $0xffff  }
0xe0: {  	v6 =	vadd.f32 v15, v6;
	v24 =	vor.u32 v19, v1;
	v19 =	vld.idx.msk [tilespmem:v10+s19+$0x0], $0xffff;
	v10 =	vmul.f32 v34, v32  }
0xe1: {  	v27 =	vld.idx.msk [tilespmem:v30+s18+$0x0], $0xffff  }
0xe2: {  	v6 =	vadd.f32 v10, v6;
	v10 =	vmul.f32 v37, v35;
	v3 =	vld.idx.msk [tilespmem:v0+s17+$0x0], $0xffff  }
0xe3: {  	v30 =	vld.idx.msk [tilespmem:v0+s18+$0x0], $0xffff  }
0xe4: {  	v6 =	vadd.f32 v10, v6;
	v10 =	vmul.f32 v40, v38;
	v7 =	vld.idx.msk [tilespmem:v0+s19+$0x0], $0xffff  }
0xe5: {  	v2 =	vadd.f32 v18, v2;
	v18 =	vmul.f32 v39, v38;
	v0 =	vld [tilespmem:$0x1FBB0]  }
0xe6: {  	v6 =	vadd.f32 v10, v6;
	v10 =	vmul.f32 v44, v42  }
0xe7: {  	v2 =	vadd.f32 v18, v2;
	v18 =	vmul.f32 v43, v42;
	v43 =	vor.u32 v23, v1  }
0xe8: {  	v6 =	vadd.f32 v10, v6;
	v10 =	vmul.f32 v53, v45  }
0xe9: {  	v31 =	vld [tilespmem:$0x1FBE0]  }
0xea: {  	v35 =	vld.idx.msk [tilespmem:v24+s18+$0x0], $0xffff;
	v0 =	vor.u32 v0, v1;
	v6 =	vadd.f32 v10, v6;
	v10 =	vmul.f32 v56, v54  }
0xeb: {  	v44 =	vld [tilespmem:$0x1FBF0]  }
0xec: {  	v38 =	vld.idx.msk [tilespmem:v43+s18+$0x0], $0xffff;
	v6 =	vadd.f32 v10, v6;
	v10 =	vmul.f32 v59, v57  }
0xed: {  	v40 =	vld.idx.msk [tilespmem:v43+s19+$0x0], $0xffff  }
0xee: {  	v6 =	vadd.f32 v10, v6;
	v10 =	vmul.f32 v62, v60;
	v62 =	vld [tilespmem:$0x1FEB0]  }
0xef: {  	v15 =	vld.idx.msk [tilespmem:v0+s17+$0x0], $0xffff  }
0xf0: {  	v34 =	vld.idx.msk [tilespmem:v0+s18+$0x0], $0xffff  }
0xf1: {  	v39 =	vor.u32 v44, v1;
	v23 =	vld.idx.msk [tilespmem:v0+s19+$0x0], $0xffff  }
0xf2: {  	v0 =	vadd.f32 v18, v2;
	v18 =	vld.idx.msk [tilespmem:v24+s17+$0x0], $0xffff  }
0xf3: {  	v2 =	vmul.f32 v50, v45;
	v50 =	vor.u32 v31, v1;
	v31 =	vld.idx.msk [tilespmem:v24+s19+$0x0], $0xffff  }
0xf4: {  	v24 =	vld.idx.msk [tilespmem:v43+s17+$0x0], $0xffff  }
0xf5: {  	v45 =	vld [tilespmem:$0x1FFF0]  }
0xf6: {  	v44 =	vld.idx.msk [tilespmem:v39+s18+$0x0], $0xffff  }
0xf7: {  	v0 =	vadd.f32 v2, v0;
	v2 =	vmul.f32 v55, v54;
	v55 =	vld [tilespmem:$0x1FEA0]  }
0xf8: {  	v6 =	vadd.f32 v10, v6;
	v54 =	vld [tilespmem:$0x1FFC0]  }
0xf9: {  	v10 =	vmul.f32 v47, v63;
	v0 =	vadd.f32 v2, v0;
	v2 =	vmul.f32 v58, v57;
	v58 =	vld [tilespmem:$0x1FFD0]  }
0xfa: {  	v57 =	vmov v17;
	v17 =	vld [tilespmem:$0x1FE70]  }
0xfb: {  	v6 =	vadd.f32 v10, v6;
	v10 =	vmul.f32 v48, v28;
	v32 =	vld.idx.msk [tilespmem:v50+s17+$0x0], $0xffff  }
0xfc: {  	v42 =	vld.idx.msk [tilespmem:v50+s18+$0x0], $0xffff  }
0xfd: {  	v37 =	vld.idx.msk [tilespmem:v50+s19+$0x0], $0xffff;
	v6 =	vadd.f32 v10, v6;
	v10 =	vmul.f32 v29, v22  }
0xfe: {  	v50 =	vld [tilespmem:$0x1FE80];
	v0 =	vadd.f32 v2, v0;
	v2 =	vmul.f32 v61, v60  }
0xff: {  	v6 =	vadd.f32 v10, v6;
	v10 =	vld [tilespmem:$0x1FAE0]  }
0x100: {  	v43 =	vor.u32 v45, v1;
	v60 =	vld [tilespmem:$0x1FE90];
	v0 =	vadd.f32 v2, v0;
	v2 =	vmul.f32 v41, v63  }
0x101: {  	v29 =	vor.u32 v55, v1;
	v55 =	vld [tilespmem:$0x1FD00]  }
0x102: {  	v41 =	vld.idx.msk [tilespmem:v39+s17+$0x0], $0xffff;
	v0 =	vadd.f32 v2, v0;
	v2 =	vmul.f32 v46, v28  }
0x103: {  	v39 =	vld.idx.msk [tilespmem:v39+s19+$0x0], $0xffff  }
0x104: {  	v63 =	vld [tilespmem:$0x1FEC0];
	v0 =	vadd.f32 v2, v0;
	v2 =	vmul.f32 v49, v22;
	v10 =	vmul.f32 v10, v20  }
0x105: {  	v46 =	vld.idx.msk [tilespmem:v43+s17+$0x0], $0xffff  }
0x106: {  	v0 =	vadd.f32 v2, v0;
	v2 =	vmul.f32 v51, v20;
	v6 =	vadd.f32 v10, v6;
	v10 =	vld [tilespmem:$0x1FAF0]  }
0x107: {  	v45 =	vor.u32 v17, v1;
	v47 =	vld.idx.msk [tilespmem:v43+s18+$0x0], $0xffff  }
0x108: {  	v43 =	vld.idx.msk [tilespmem:v43+s19+$0x0], $0xffff;
	v0 =	vadd.f32 v2, v0;
	v2 =	vmul.f32 v21, v16  }
0x109: {  	v61 =	vor.u32 v60, v1;
	v60 =	vld [tilespmem:$0x1FB50]  }
0x10a: {  	v49 =	vld [tilespmem:$0x1FFA0];
	v0 =	vadd.f32 v2, v0;
	v2 =	vmul.f32 v25, v12  }
0x10b: {  	v51 =	vld [tilespmem:$0x1FF80];
	v10 =	vmul.f32 v10, v16  }
0x10c: {  	v59 =	vor.u32 v50, v1;
	v28 =	vld.idx.msk [tilespmem:v45+s17+$0x0], $0xffff;
	v0 =	vadd.f32 v2, v0;
	v2 =	vmul.f32 v26, v8  }
0x10d: {  	v6 =	vadd.f32 v10, v6;
	v10 =	vld [tilespmem:$0x1FB10]  }
0x10e: {  	v0 =	vadd.f32 v2, v0;
	v2 =	vld [tilespmem:$0x1FB00]  }
0x10f: {  	v48 =	vld.idx.msk [tilespmem:v45+s18+$0x0], $0xffff  }
0x110: {  	v22 =	vld.idx.msk [tilespmem:v45+s19+$0x0], $0xffff  }
0x111: {  	v17 =	vld.idx.msk [tilespmem:v59+s17+$0x0], $0xffff  }
0x112: {  	v20 =	vld.idx.msk [tilespmem:v59+s18+$0x0], $0xffff;
	v10 =	vmul.f32 v10, v12  }
0x113: {  	v21 =	vld.idx.msk [tilespmem:v59+s19+$0x0], $0xffff;
	v2 =	vmul.f32 v2, v5  }
0x114: {  	v6 =	vadd.f32 v10, v6;
	v10 =	vld [tilespmem:$0x1FB30]  }
0x115: {  	v0 =	vadd.f32 v2, v0;
	v2 =	vld [tilespmem:$0x1FB20]  }
0x116: {  	v25 =	vld.idx.msk [tilespmem:v61+s18+$0x0], $0xffff  }
0x117: {  	v16 =	vld.idx.msk [tilespmem:v61+s17+$0x0], $0xffff  }
0x118: {  	v26 =	vld.idx.msk [tilespmem:v29+s17+$0x0], $0xffff  }
0x119: {  	v12 =	vld.idx.msk [tilespmem:v61+s19+$0x0], $0xffff;
	v8 =	vmul.f32 v10, v8  }
0x11a: {  	v62 =	vor.u32 v62, v1;
	v61 =	vld [tilespmem:$0x1FB60];
	v2 =	vmul.f32 v2, v9  }
0x11b: {  	v6 =	vadd.f32 v8, v6;
	v8 =	vld [tilespmem:$0x1FB40]  }
0x11c: {  	v59 =	vor.u32 v63, v1;
	v10 =	vld.idx.msk [tilespmem:v29+s18+$0x0], $0xffff;
	v0 =	vadd.f32 v2, v0;
	v2 =	vmul.f32 v27, v13  }
0x11d: {  	v27 =	vld.idx.msk [tilespmem:v29+s19+$0x0], $0xffff  }
0x11e: {  	v0 =	vadd.f32 v2, v0;
	v2 =	vmul.f32 v30, v3;
	v30 =	vld [tilespmem:$0x1FED0]  }
0x11f: {  	v29 =	vld.idx.msk [tilespmem:v62+s18+$0x0], $0xffff  }
0x120: {  	v5 =	vmul.f32 v8, v5;
	v8 =	vld.idx.msk [tilespmem:v62+s17+$0x0], $0xffff  }
0x121: {  	v0 =	vadd.f32 v2, v0;
	v2 =	vmul.f32 v33, v4;
	v33 =	vld.idx.msk [tilespmem:v59+s17+$0x0], $0xffff  }
0x122: {  	v63 =	vor.u32 v52, v1;
	v5 =	vadd.f32 v5, v6;
	v6 =	vmul.f32 v60, v9;
	v9 =	vld.idx.msk [tilespmem:v62+s19+$0x0], $0xffff  }
0x123: {  	v62 =	vld [tilespmem:$0x1FEE0];
	v0 =	vadd.f32 v2, v0;
	v2 =	vmul.f32 v36, v11;
	v30 =	vor.u32 v30, v1  }
0x124: {  	v36 =	vld.idx.msk [tilespmem:v59+s19+$0x0], $0xffff;
	v5 =	vadd.f32 v6, v5  }
0x125: {  	v6 =	vmul.f32 v61, v13;
	v13 =	vld.idx.msk [tilespmem:v59+s18+$0x0], $0xffff;
	v0 =	vadd.f32 v2, v0;
	v2 =	vmul.f32 v34, v15  }
0x126: {  	v59 =	vor.u32 v51, v1;
	v51 =	vor.u32 v49, v1;
	v49 =	vld [tilespmem:$0x1FC00]  }
0x127: {  	v50 =	vmul.f32 v31, v18;
	v0 =	vadd.f32 v2, v0;
	v2 =	vmul.f32 v35, v18;
	v18 =	vld.idx.msk [tilespmem:v63+s19+$0x0], $0xffff  }
0x128: {  	v3 =	vmul.f32 v7, v3;
	v5 =	vadd.f32 v6, v5;
	v6 =	vld.idx.msk [tilespmem:v30+s17+$0x0], $0xffff  }
0x129: {  	v7 =	vld.idx.msk [tilespmem:v30+s18+$0x0], $0xffff  }
0x12a: {  	v35 =	vmul.f32 v19, v11;
	v19 =	vor.u32 v55, v1;
	v3 =	vadd.f32 v3, v5;
	v5 =	vld.idx.msk [tilespmem:v30+s19+$0x0], $0xffff  }
0x12b: {  	v0 =	vadd.f32 v2, v0;
	v2 =	vmul.f32 v38, v24;
	v38 =	vmul.f32 v23, v15;
	v15 =	vld.idx.msk [tilespmem:v63+s17+$0x0], $0xffff  }
0x12c: {  	v23 =	vld.idx.msk [tilespmem:v63+s18+$0x0], $0xffff  }
0x12d: {  	v45 =	vor.u32 v62, v1;
	v63 =	vld [tilespmem:$0x1FFB0]  }
0x12e: {  	v0 =	vadd.f32 v2, v0;
	v2 =	vmul.f32 v42, v32;
	v42 =	vld [tilespmem:$0x1FEF0]  }
0x12f: {  	v31 =	vld.idx.msk [tilespmem:v19+s17+$0x0], $0xffff  }
0x130: {  	v4 =	vmul.f32 v14, v4;
	v55 =	vmul.f32 v40, v24;
	v24 =	vld.idx.msk [tilespmem:v19+s18+$0x0], $0xffff  }
0x131: {  	v19 =	vld.idx.msk [tilespmem:v19+s19+$0x0], $0xffff  }
0x132: {  	v3 =	vadd.f32 v4, v3;
	v14 =	vld.idx.msk [tilespmem:v45+s17+$0x0], $0xffff  }
0x133: {  	v11 =	vld.idx.msk [tilespmem:v45+s18+$0x0], $0xffff;
	v0 =	vadd.f32 v2, v0;
	v2 =	vmul.f32 v44, v41  }
0x134: {  	v30 =	vld.idx.msk [tilespmem:v45+s19+$0x0], $0xffff;
	v3 =	vadd.f32 v35, v3;
	v35 =	vor.u32 v57, v1  }
0x135: {  	v45 =	vld [tilespmem:$0x1FFE0];
	v0 =	vadd.f32 v2, v0;
	v2 =	vmul.f32 v47, v46  }
0x136: {  	v3 =	vadd.f32 v38, v3;
	v47 =	vmul.f32 v43, v46;
	v43 =	vld [tilespmem:$0x1FF10]  }
0x137: {  	v0 =	vadd.f32 v2, v0;
	v2 =	vmul.f32 v48, v28;
	v48 =	vld [tilespmem:$0x1FF90]  }
0x138: {  	v3 =	vadd.f32 v50, v3;
	v50 =	vld.idx.msk [tilespmem:v59+s18+$0x0], $0xffff  }
0x139: {  	v60 =	vmul.f32 v37, v32;
	v32 =	vld.idx.msk [tilespmem:v35+s17+$0x0], $0xffff  }
0x13a: {  	v37 =	vld.idx.msk [tilespmem:v35+s18+$0x0], $0xffff  }
0x13b: {  	v35 =	vld.idx.msk [tilespmem:v35+s19+$0x0], $0xffff;
	v0 =	vadd.f32 v2, v0;
	v2 =	vmul.f32 v20, v17  }
0x13c: {  	v3 =	vadd.f32 v55, v3;
	v20 =	vld.idx.msk [tilespmem:v59+s17+$0x0], $0xffff;
	v55 =	vmul.f32 v22, v28  }
0x13d: {  	v28 =	vor.u32 v63, v1;
	v0 =	vadd.f32 v2, v0;
	v2 =	vmul.f32 v25, v16;
	v25 =	vld.idx.msk [tilespmem:v59+s19+$0x0], $0xffff  }
0x13e: {  	v59 =	vmul.f32 v21, v17;
	v21 =	vld.idx.msk [tilespmem:v51+s17+$0x0], $0xffff  }
0x13f: {  	v62 =	vmul.f32 v39, v41;
	v3 =	vadd.f32 v60, v3;
	v60 =	vmul.f32 v12, v16;
	v12 =	vld.idx.msk [tilespmem:v51+s18+$0x0], $0xffff  }
0x140: {  	v16 =	vor.u32 v54, v1;
	v54 =	vld [tilespmem:$0x1FF20]  }
0x141: {  	v3 =	vadd.f32 v62, v3;
	v62 =	vmul.f32 v27, v26;
	v27 =	vor.u32 v58, v1;
	v58 =	vld [tilespmem:$0x1FC20]  }
0x142: {  	v61 =	vor.u32 v48, v1;
	v0 =	vadd.f32 v2, v0;
	v2 =	vmul.f32 v10, v26;
	v26 =	vld.idx.msk [tilespmem:v28+s17+$0x0], $0xffff  }
0x143: {  	v63 =	vld.idx.msk [tilespmem:v28+s18+$0x0], $0xffff  }
0x144: {  	v34 =	vmul.f32 v9, v8;
	v0 =	vadd.f32 v2, v0;
	v2 =	vmul.f32 v29, v8;
	v8 =	vld.idx.msk [tilespmem:v28+s19+$0x0], $0xffff  }
0x145: {  	v3 =	vadd.f32 v47, v3;
	v47 =	vld [tilespmem:$0x1FC90]  }
0x146: {  	v9 =	vld.idx.msk [tilespmem:v16+s17+$0x0], $0xffff  }
0x147: {  	v22 =	vld.idx.msk [tilespmem:v61+s17+$0x0], $0xffff  }
0x148: {  	v10 =	vld.idx.msk [tilespmem:v61+s18+$0x0], $0xffff  }
0x149: {  	v17 =	vld.idx.msk [tilespmem:v61+s19+$0x0], $0xffff  }
0x14a: {  	v0 =	vadd.f32 v2, v0;
	v2 =	vmul.f32 v13, v33;
	v13 =	vld.idx.msk [tilespmem:v51+s19+$0x0], $0xffff  }
0x14b: {  	v61 =	vld [tilespmem:$0x1FF00]  }
0x14c: {  	v28 =	vor.u32 v45, v1;
	v51 =	vld [tilespmem:$0x1FC50]  }
0x14d: {  	v41 =	vmul.f32 v5, v6;
	v3 =	vadd.f32 v55, v3;
	v5 =	vld.idx.msk [tilespmem:v27+s17+$0x0], $0xffff  }
0x14e: {  	v0 =	vadd.f32 v2, v0;
	v2 =	vmul.f32 v7, v6;
	v6 =	vld.idx.msk [tilespmem:v27+s18+$0x0], $0xffff  }
0x14f: {  	v3 =	vadd.f32 v59, v3;
	v59 =	vld [tilespmem:$0x1FC30]  }
0x150: {  	v7 =	vmul.f32 v63, v26;
	v63 =	vld [tilespmem:$0x1FCC0]  }
0x151: {  	v4 =	vld.idx.msk [tilespmem:v28+s17+$0x0], $0xffff  }
0x152: {  	v0 =	vadd.f32 v2, v0;
	v2 =	vmul.f32 v11, v14;
	v11 =	vld.idx.msk [tilespmem:v16+s18+$0x0], $0xffff  }
0x153: {  	v3 =	vadd.f32 v60, v3;
	v16 =	vld.idx.msk [tilespmem:v16+s19+$0x0], $0xffff  }
0x154: {  	v14 =	vmul.f32 v30, v14;
	v30 =	vld [tilespmem:$0x1FCB0]  }
0x155: {  	v60 =	vld [tilespmem:$0x1FC60];
	v3 =	vadd.f32 v62, v3  }
0x156: {  	v0 =	vadd.f32 v2, v0;
	v2 =	vmul.f32 v23, v15;
	v23 =	vor.u32 v42, v1;
	v42 =	vld [tilespmem:$0x1FCA0]  }
0x157: {  	v38 =	vmul.f32 v36, v33;
	v62 =	vld [tilespmem:$0x1FC80]  }
0x158: {  	v12 =	vmul.f32 v12, v21;
	v13 =	vmul.f32 v13, v21;
	v21 =	vld [tilespmem:$0x1FCD0];
	v3 =	vadd.f32 v34, v3  }
0x159: {  	v0 =	vadd.f32 v2, v0;
	v2 =	vmul.f32 v24, v31;
	v24 =	vld.idx.msk [tilespmem:v27+s19+$0x0], $0xffff  }
0x15a: {  	v29 =	vor.u32 v61, v1;
	v27 =	vld.idx.msk [tilespmem:v28+s18+$0x0], $0xffff;
	v34 =	vsel vm0, v59, v58;
	v3 =	vadd.f32 v38, v3  }
0x15b: {  	v28 =	vld.idx.msk [tilespmem:v28+s19+$0x0], $0xffff;
	v0 =	vadd.f32 v2, v0;
	v2 =	vmul.f32 v37, v32;
	v38 =	vcombine.low v34, v60  }
0x15c: {  	v30 =	vsel vm0, v30, v42;
	v34 =	vsel vm0, v42, v62;
	v42 =	vld [tilespmem:$0x1FC40];
	v3 =	vadd.f32 v41, v3  }
0x15d: {  	v0 =	vadd.f32 v2, v0;
	v2 =	vmul.f32 v50, v20;
	v50 =	vld [tilespmem:$0x1FC10]  }
0x15e: {  	v36 =	vcombine.low v47, v30;
	v3 =	vadd.f32 v14, v3;
	v14 =	vmul.f32 v18, v15;
	v15 =	vld.idx.msk [tilespmem:v23+s17+$0x0], $0xffff  }
0x15f: {  	v0 =	vadd.f32 v2, v0;
	v2 =	vmul.f32 v10, v22;
	v10 =	vld.idx.msk [tilespmem:v23+s18+$0x0], $0xffff  }
0x160: {  	v18 =	vor.u32 v36, v1;
	v23 =	vld.idx.msk [tilespmem:v23+s19+$0x0], $0xffff  }
0x161: {  	v0 =	vadd.f32 v2, v0;
	v2 =	vld.idx.msk [tilespmem:v29+s17+$0x0], $0xffff  }
0x162: {  	v3 =	vadd.f32 v14, v3;
	v14 =	vmul.f32 v19, v31;
	v19 =	vld.idx.msk [tilespmem:v29+s18+$0x0], $0xffff  }
0x163: {  	v29 =	vld.idx.msk [tilespmem:v29+s19+$0x0], $0xffff;
	v0 =	vadd.f32 v12, v0  }
0x164: {  	v31 =	vor.u32 v43, v1;
	v43 =	vld [tilespmem:$0x1FF30];
	v33 =	vsel vm0, v50, v49  }
0x165: {  	v11 =	vmul.f32 v11, v9;
	v37 =	vcombine.low v33, v51;
	v12 =	vld.idx.msk [tilespmem:v18+s17+$0x0], $0xffff;
	v0 =	vadd.f32 v7, v0  }
0x166: {  	v3 =	vadd.f32 v14, v3;
	v55 =	vld.idx.msk [tilespmem:v18+s18+$0x0], $0xffff  }
0x167: {  	v14 =	vmul.f32 v35, v32;
	v33 =	vor.u32 v37, v1;
	v11 =	vadd.f32 v11, v0;
	v0 =	vld [tilespmem:$0x1FC70]  }
0x168: {  	v18 =	vld.idx.msk [tilespmem:v18+s19+$0x0], $0xffff  }
0x169: {  	v3 =	vadd.f32 v14, v3;
	v14 =	vmul.f32 v25, v20;
	v61 =	vld.idx.msk [tilespmem:v31+s17+$0x0], $0xffff  }
0x16a: {  	v25 =	vor.u32 v38, v1;
	v20 =	vld.idx.msk [tilespmem:v31+s18+$0x0], $0xffff  }
0x16b: {  	v39 =	vcombine.low v34, v63;
	v31 =	vld.idx.msk [tilespmem:v31+s19+$0x0], $0xffff;
	v3 =	vadd.f32 v14, v3;
	v14 =	vmul.f32 v17, v22  }
0x16c: {  	v6 =	vmul.f32 v6, v5;
	v17 =	vld.idx.msk [tilespmem:v33+s17+$0x0], $0xffff;
	v0 =	vsel vm0, v0, v42  }
0x16d: {  	v34 =	vor.u32 v39, v1;
	v3 =	vadd.f32 v14, v3;
	v22 =	vld.idx.msk [tilespmem:v33+s18+$0x0], $0xffff;
	v0 =	vcombine.low v0, v21  }
0x16e: {  	v6 =	vadd.f32 v6, v11;
	v11 =	vmul.f32 v27, v4;
	v14 =	vld.idx.msk [tilespmem:v33+s19+$0x0], $0xffff  }
0x16f: {  	v8 =	vmul.f32 v8, v26;
	v3 =	vadd.f32 v13, v3;
	v13 =	vld.idx.msk [tilespmem:v25+s18+$0x0], $0xffff;
	v26 =	vor.u32 v0, v1  }
0x170: {  	v10 =	vmul.f32 v10, v15;
	v6 =	vadd.f32 v11, v6;
	v11 =	vld.idx.msk [tilespmem:v25+s19+$0x0], $0xffff  }
0x171: {  	v21 =	vld.idx.msk [tilespmem:v25+s17+$0x0], $0xffff;
	v3 =	vadd.f32 v8, v3  }
0x172: {  	v8 =	vmul.f32 v16, v9;
	v9 =	vld.idx.msk [tilespmem:v34+s17+$0x0], $0xffff;
	v6 =	vadd.f32 v10, v6;
	v10 =	vmul.f32 v19, v2  }
0x173: {  	v5 =	vmul.f32 v24, v5;
	v16 =	vld.idx.msk [tilespmem:v34+s18+$0x0], $0xffff  }
0x174: {  	v19 =	vor.u32 v54, v1;
	v6 =	vadd.f32 v10, v6;
	v10 =	vmul.f32 v55, v12;
	v24 =	vld.idx.msk [tilespmem:v26+s17+$0x0], $0xffff  }
0x175: {  	v45 =	vld.idx.msk [tilespmem:v26+s18+$0x0], $0xffff  }
0x176: {  	v3 =	vadd.f32 v8, v3;
	v6 =	vadd.f32 v10, v6;
	v10 =	vmul.f32 v20, v61;
	v20 =	vld.idx.msk [tilespmem:v26+s19+$0x0], $0xffff  }
0x177: {  	v26 =	vld [tilespmem:$0x1FCE0]  }
0x178: {  	v4 =	vmul.f32 v28, v4;
	v25 =	vor.u32 v43, v1;
	v8 =	vld.idx.msk [tilespmem:v34+s19+$0x0], $0xffff;
	v3 =	vadd.f32 v5, v3  }
0x179: {  	v46 =	vmul.f32 v23, v15;
	v15 =	vld.idx.msk [tilespmem:v19+s17+$0x0], $0xffff  }
0x17a: {  	v47 =	vld.idx.msk [tilespmem:v19+s19+$0x0], $0xffff;
	v3 =	vadd.f32 v4, v3  }
0x17b: {  	v6 =	vadd.f32 v10, v6;
	v10 =	vmul.f32 v22, v17;
	v22 =	vld.idx.msk [tilespmem:v19+s18+$0x0], $0xffff  }
0x17c: {  	v2 =	vmul.f32 v29, v2;
	v3 =	vadd.f32 v46, v3;
	v32 =	vcombine.low v30, v26;
	v26 =	vld [tilespmem:$0x1FF40]  }
0x17d: {  	v6 =	vadd.f32 v10, v6;
	v10 =	vmul.f32 v13, v21;
	v13 =	vld.idx.msk [tilespmem:v25+s17+$0x0], $0xffff  }
0x17e: {  	v2 =	vadd.f32 v2, v3;
	v3 =	vmul.f32 v18, v12;
	v30 =	vld [tilespmem:$0x1FF50];
	v23 =	vor.u32 v32, v1  }
0x17f: {  	v12 =	vld.idx.msk [tilespmem:v25+s18+$0x0], $0xffff  }
0x180: {  	v2 =	vadd.f32 v3, v2;
	v3 =	vmul.f32 v31, v61;
	v31 =	vld [tilespmem:$0x1FF60]  }
0x181: {  	v6 =	vadd.f32 v10, v6;
	v10 =	vmul.f32 v16, v9;
	v16 =	vld.idx.msk [tilespmem:v25+s19+$0x0], $0xffff;
	v18 =	vor.u32 v26, v1  }
0x182: {  	v25 =	vld [tilespmem:$0x1FF70]  }
0x183: {  	v19 =	vor.u32 v30, v1;
	v49 =	vld.idx.msk [tilespmem:v23+s17+$0x0], $0xffff  }
0x184: {  	v6 =	vadd.f32 v10, v6;
	v5 =	vmul.f32 v45, v24;
	v10 =	vld.idx.msk [tilespmem:v23+s18+$0x0], $0xffff  }
0x185: {  	v2 =	vadd.f32 v3, v2;
	v3 =	vmul.f32 v14, v17;
	v17 =	vor.u32 v31, v1;
	v14 =	vld.idx.msk [tilespmem:v23+s19+$0x0], $0xffff  }
0x186: {  	v50 =	vmul.f32 v22, v15;
	v5 =	vadd.f32 v5, v6;
	v22 =	vld.idx.msk [tilespmem:v18+s17+$0x0], $0xffff  }
0x187: {  	v2 =	vadd.f32 v3, v2;
	v3 =	vmul.f32 v11, v21;
	v1 =	vor.u32 v25, v1;
	v11 =	vld.idx.msk [tilespmem:v18+s18+$0x0], $0xffff  }
0x188: {  	v51 =	vmul.f32 v12, v13;
	v5 =	vadd.f32 v50, v5;
	v12 =	vld.idx.msk [tilespmem:v19+s17+$0x0], $0xffff  }
0x189: {  	v2 =	vadd.f32 v3, v2;
	v3 =	vmul.f32 v8, v9;
	v8 =	vld.idx.msk [tilespmem:v19+s18+$0x0], $0xffff  }
0x18a: {  	v5 =	vadd.f32 v51, v5;
	v9 =	vld.idx.msk [tilespmem:v17+s17+$0x0], $0xffff;
	v54 =	vmul.f32 v10, v49  }
0x18b: {  	v2 =	vadd.f32 v3, v2;
	v3 =	vmul.f32 v20, v24;
	v10 =	vld.idx.msk [tilespmem:v17+s18+$0x0], $0xffff  }
0x18c: {  	v58 =	vld.idx.msk [tilespmem:v1+s18+$0x0], $0xffff;
	v5 =	vadd.f32 v54, v5;
	v55 =	vmul.f32 v11, v22  }
0x18d: {  	v2 =	vadd.f32 v3, v2;
	v3 =	vmul.f32 v47, v15;
	v11 =	vld.idx.msk [tilespmem:v1+s17+$0x0], $0xffff  }
0x18e: {  	v59 =	vmul.f32 v8, v12;
	v5 =	vadd.f32 v55, v5  }
0x18f: {  	v2 =	vadd.f32 v3, v2;
	v3 =	vmul.f32 v16, v13;
	v8 =	vld.idx.msk [tilespmem:v18+s19+$0x0], $0xffff  }
0x190: {  	v60 =	vld.idx.msk [tilespmem:v19+s19+$0x0], $0xffff;
	v10 =	vmul.f32 v10, v9;
	v5 =	vadd.f32 v59, v5  }
0x191: {  	v2 =	vadd.f32 v3, v2;
	v3 =	vld [tilespmem:s25+$0x0]  }
0x192: {  	v7 =	vmul.f32 v14, v49;
	v13 =	vld.idx.msk [tilespmem:v17+s19+$0x0], $0xffff;
	v4 =	vmul.f32 v58, v11;
	v5 =	vadd.f32 v10, v5  }
0x193: {  	v10 =	vld [tilespmem:s23+$0x0]  }
0x194: {  	v53 =	vld [tilespmem:$0x1FDC0];
	v2 =	vadd.f32 v7, v2;
	v61 =	vmul.f32 v8, v22;
	v4 =	vadd.f32 v4, v5  }
0x195: {  	v1 =	vld.idx.msk [tilespmem:v1+s19+$0x0], $0xffff  }
0x196: {  	v56 =	vld [tilespmem:$0x1FDD0];
	v62 =	vmul.f32 v60, v12;
	v2 =	vadd.f32 v61, v2;
	v4 =	vadd.f32 v3, v4  }
0x197: {  	v44 =	vld [tilespmem:$0x1FDB0]  }
0x198: {  	v27 =	vld [tilespmem:$0x1FD80];
	v63 =	vmul.f32 v13, v9;
	v2 =	vadd.f32 v62, v2;
	v4 =	vadd.f32 v10, v4  }
0x199: {  	v28 =	vld [tilespmem:$0x1FD90]  }
0x19a: {  	v29 =	vld [tilespmem:$0x1FDA0];
	v1 =	vmul.f32 v1, v11;
	v2 =	vadd.f32 v63, v2;
	[tilespmem:s21+$0x0] =	vst v4  }
0x19b: {  	v4 =	vld [tilespmem:s4+$0x0]  }
0x19c: {  	v20 =	vld [tilespmem:$0x1FD70];
	v1 =	vadd.f32 v1, v2  }
0x19d: {  	p0 =	sne.s32 s7, $0x70;
	v15 =	vld [tilespmem:$0x1FD50]  }
.Ltmp0:
0x19e: {  	v16 =	vld [tilespmem:$0x1FD60];
	v1 =	vadd.f32 v1, v3;
	(pc) =	sbr.rel @p0 .LBB2_2-.Ltmp0, $4  }
0x19f: {  	v14 =	vld [tilespmem:$0x1FD40]  }
0x1a0: {  	v12 =	vld [tilespmem:$0x1FD20];
	v1 =	vadd.f32 v4, v1  }
0x1a1: {  	s7 =	sadd.s32 $0x10, s7;
	s25 =	sadd.s32 $0x10, s25;
	v9 =	vld [tilespmem:$0x1FB70];
	s23 =	sadd.s32 $0x10, s23  }
0x1a2: {  	v13 =	vld [tilespmem:$0x1FD30];
	v11 =	vlaneseq.u32;
	s21 =	sadd.s32 $0x10, s21;
	s4 =	sadd.s32 $0x10, s4;
	[tilespmem:s2+$0x0] =	vst v1;
	s2 =	sadd.s32 $0x10, s2  }
0x1a3: {  	s2 =	simm.s32 $0x100  }
0x1a4: {  	[tilespmem:s17], [sflag:$0x1] =	stream.indirect.gather [hbm4b:s5+s16], $0x40, s2, s16, $0xb8;
	[tilespmem:$0xCD00] =	vst v63  }
0x1a5: {  	s4 =	simm.s32 $0x300  }
0x1a6: {  	[tilespmem:s18], [sflag:$0x3] =	stream.indirect.gather [hbm4b:s6+s16], $0x40, s4, s16, $0xb8;
	[tilespmem:$0xCD00] =	vst v63  }
0x1a7: {  	s7 =	simm.s32 $0x500  }
0x1a8: {  	[tilespmem:s19], [sflag:$0x5] =	stream.indirect.gather [hbm4b:s6+s16], $0x40, s7, s16, $0xb8;
	[tilespmem:$0xCD00] =	vst v63  }
0x1a9: {  	s21 =	simm.s32 $0xC600  }
0x1aa: {  	[tilespmem:s21], [sflag:$0x1] =	stream.indirect.gather [hbm4b:s0+s16], $0x1, s2, s16, $0xb8;
	[tilespmem:$0xCD00] =	vst v63  }
0x1ab: {  	s23 =	simm.s32 $0xC700  }
0x1ac: {  	[tilespmem:s23], [sflag:$0x3] =	stream.indirect.gather [hbm4b:s1+s16], $0x1, s4, s16, $0xb8;
	[tilespmem:$0xCD00] =	vst v63  }
0x1ad: {  	s25 =	simm.s32 $0xC800  }
0x1ae: {  	[tilespmem:s25], [sflag:$0x5] =	stream.indirect.gather [hbm4b:s1+s16], $0x1, s7, s16, $0xb8;
	[tilespmem:$0xCD00] =	vst v63  }
0x1af: {  	_ =	swait.ge [sflag:s8], $0x2000  }
0x1b0: {  	[sflag:s8] =	ssyncset.done $0x0  }
0x1b1: {  	[sflag:s8] =	ssyncadd.s32 $0xFFFFE000  }
0x1b2: {  	_ =	swait.ge [sflag:s9], $0x2000  }
0x1b3: {  	[sflag:s9] =	ssyncset.done $0x0  }
0x1b4: {  	[sflag:s9] =	ssyncadd.s32 $0xFFFFE000  }
0x1b5: {  	_ =	swait.ge [sflag:s26], $0x2000  }
0x1b6: {  	[sflag:s26] =	ssyncset.done $0x0  }
0x1b7: {  	[sflag:s26] =	ssyncadd.s32 $0xFFFFE000  }
0x1b8: {  	_ =	swait.ge [sflag:s8], $0x80  }
0x1b9: {  	[sflag:s8] =	ssyncset.done $0x0  }
0x1ba: {  	[sflag:s8] =	ssyncadd.s32 $0xFFFFFF80  }
0x1bb: {  	_ =	swait.ge [sflag:s9], $0x80  }
0x1bc: {  	[sflag:s9] =	ssyncset.done $0x0  }
0x1bd: {  	[sflag:s9] =	ssyncadd.s32 $0xFFFFFF80  }
0x1be: {  	_ =	swait.ge [sflag:s26], $0x80  }
0x1bf: {  	[tilespmem:$0x1FA80] =	vst v37  }
0x1c0: {  	[tilespmem:$0x1FA90] =	vst v38  }
0x1c1: {  	[tilespmem:$0x1FAA0] =	vst v32  }
0x1c2: {  	s2 =	simm.s32 $0x0;
	s21 =	simm.s32 $0xC680;
	[tilespmem:$0x1FAB0] =	vst v36  }
0x1c3: {  	s4 =	simm.s32 $0xCB80;
	s23 =	simm.s32 $0xC780;
	[sflag:s26] =	ssyncset.done $0x0;
	[tilespmem:$0x1FAC0] =	vst v39  }
0x1c4: {  	v60 =	vmov v48;
	v61 =	vmov v52;
	v62 =	vmov v57;
	s7 =	simm.s32 $0xC980;
	s25 =	simm.s32 $0xC880;
	[tilespmem:$0x1FAD0] =	vst v0;
	[sflag:s26] =	ssyncadd.s32 $0xFFFFFF80  }
.LBB2_4:
0x1c5: {  	_ =	sdelay $0x1  }
0x1c6: {  	v1 =	vmov s2  }
0x1c7: {  	v1 =	vshll.u32 v1, $0x6  }
0x1c8: {  	v1 =	vor.u32 v12, v1  }
0x1c9: {  	v2 =	vor.u32 v11, v1;
	_ =	sdelay $0x1  }
0x1ca: {  	v0 =	vld [tilespmem:$0x1FDE0]  }
0x1cb: {  	v34 =	vld [tilespmem:$0x1FDF0];
	v3 =	vor.u32 v13, v1  }
0x1cc: {  	v43 =	vld [tilespmem:$0x1FE00]  }
0x1cd: {  	v6 =	vld.idx.msk [tilespmem:v2+s20+$0x0], $0xffff  }
0x1ce: {  	v5 =	vor.u32 v14, v1;
	v4 =	vld.idx.msk [tilespmem:v2+s22+$0x0], $0xffff  }
0x1cf: {  	v11 =	vld.idx.msk [tilespmem:v2+s24+$0x0], $0xffff  }
0x1d0: {  	v17 =	vld.idx.msk [tilespmem:v3+s20+$0x0], $0xffff  }
0x1d1: {  	v7 =	vor.u32 v15, v1;
	v2 =	vld.idx.msk [tilespmem:v3+s22+$0x0], $0xffff  }
0x1d2: {  	v18 =	vld.idx.msk [tilespmem:v3+s24+$0x0], $0xffff  }
0x1d3: {  	v21 =	vld.idx.msk [tilespmem:v5+s20+$0x0], $0xffff  }
0x1d4: {  	v58 =	vor.u32 v16, v1;
	v8 =	vld.idx.msk [tilespmem:v5+s22+$0x0], $0xffff  }
0x1d5: {  	v22 =	vld.idx.msk [tilespmem:v5+s24+$0x0], $0xffff  }
0x1d6: {  	v25 =	vld.idx.msk [tilespmem:v7+s20+$0x0], $0xffff  }
0x1d7: {  	v59 =	vor.u32 v20, v1;
	v14 =	vld.idx.msk [tilespmem:v7+s22+$0x0], $0xffff  }
0x1d8: {  	v26 =	vld.idx.msk [tilespmem:v7+s24+$0x0], $0xffff  }
0x1d9: {  	v30 =	vld.idx.msk [tilespmem:v58+s20+$0x0], $0xffff  }
0x1da: {  	v63 =	vor.u32 v27, v1;
	v31 =	vld.idx.msk [tilespmem:v58+s22+$0x0], $0xffff  }
0x1db: {  	v35 =	vld.idx.msk [tilespmem:v58+s24+$0x0], $0xffff  }
0x1dc: {  	v40 =	vld.idx.msk [tilespmem:v59+s20+$0x0], $0xffff  }
0x1dd: {  	v37 =	vor.u32 v28, v1;
	v38 =	vld.idx.msk [tilespmem:v59+s22+$0x0], $0xffff  }
0x1de: {  	v41 =	vld.idx.msk [tilespmem:v59+s24+$0x0], $0xffff  }
0x1df: {  	v46 =	vld.idx.msk [tilespmem:v63+s20+$0x0], $0xffff  }
0x1e0: {  	v45 =	vor.u32 v29, v1;
	v47 =	vld.idx.msk [tilespmem:v63+s22+$0x0], $0xffff  }
0x1e1: {  	v48 =	vld.idx.msk [tilespmem:v63+s24+$0x0], $0xffff  }
0x1e2: {  	v49 =	vld.idx.msk [tilespmem:v37+s20+$0x0], $0xffff  }
0x1e3: {  	v50 =	vor.u32 v44, v1;
	v51 =	vld.idx.msk [tilespmem:v37+s22+$0x0], $0xffff  }
0x1e4: {  	v52 =	vld.idx.msk [tilespmem:v37+s24+$0x0], $0xffff  }
0x1e5: {  	v54 =	vld.idx.msk [tilespmem:v45+s20+$0x0], $0xffff  }
0x1e6: {  	v57 =	vor.u32 v53, v1;
	v59 =	vld.idx.msk [tilespmem:v45+s22+$0x0], $0xffff  }
0x1e7: {  	v32 =	vld.idx.msk [tilespmem:v45+s24+$0x0], $0xffff  }
0x1e8: {  	v44 =	vmov v62;
	v62 =	vld.idx.msk [tilespmem:v50+s20+$0x0], $0xffff  }
0x1e9: {  	v33 =	vor.u32 v0, v1;
	v63 =	vld.idx.msk [tilespmem:v50+s22+$0x0], $0xffff  }
0x1ea: {  	v37 =	vld.idx.msk [tilespmem:v50+s24+$0x0], $0xffff  }
0x1eb: {  	v36 =	vld.idx.msk [tilespmem:v57+s20+$0x0], $0xffff  }
0x1ec: {  	v10 =	vmov v60;
	v39 =	vor.u32 v34, v1;
	v60 =	vld.idx.msk [tilespmem:v57+s22+$0x0], $0xffff  }
0x1ed: {  	v55 =	vld.idx.msk [tilespmem:v57+s24+$0x0], $0xffff  }
0x1ee: {  	v42 =	vld.idx.msk [tilespmem:v33+s20+$0x0], $0xffff  }
0x1ef: {  	v16 =	vld.idx.msk [tilespmem:v33+s22+$0x0], $0xffff  }
0x1f0: {  	v50 =	vld.idx.msk [tilespmem:v33+s24+$0x0], $0xffff  }
0x1f1: {  	v33 =	vld.idx.msk [tilespmem:v39+s20+$0x0], $0xffff  }
0x1f2: {  	v20 =	vld.idx.msk [tilespmem:v39+s22+$0x0], $0xffff  }
0x1f3: {  	v58 =	vor.u32 v56, v1;
	v45 =	vor.u32 v43, v1;
	v56 =	vld [tilespmem:$0x1FE10]  }
0x1f4: {  	v34 =	vld.idx.msk [tilespmem:v39+s24+$0x0], $0xffff  }
0x1f5: {  	v39 =	vld [tilespmem:$0x1FE20]  }
0x1f6: {  	v7 =	vld [tilespmem:$0x1FE40]  }
0x1f7: {  	v5 =	vld [tilespmem:$0x1FE60]  }
0x1f8: {  	v57 =	vor.u32 v56, v1;
	v29 =	vld.idx.msk [tilespmem:v45+s20+$0x0], $0xffff  }
0x1f9: {  	v24 =	vld.idx.msk [tilespmem:v45+s22+$0x0], $0xffff  }
0x1fa: {  	v43 =	vor.u32 v39, v1;
	v45 =	vld.idx.msk [tilespmem:v45+s24+$0x0], $0xffff  }
0x1fb: {  	[tilespmem:$0x1F9A0] =	vst v50;
	v50 =	vld [tilespmem:$0x1FE30]  }
0x1fc: {  	v4 =	vmul.f32 v4, v6;
	v6 =	vmul.f32 v11, v6;
	v11 =	vld [tilespmem:$0x1FBC0]  }
0x1fd: {  	v27 =	vld.idx.msk [tilespmem:v57+s20+$0x0], $0xffff  }
0x1fe: {  	v28 =	vld.idx.msk [tilespmem:v57+s22+$0x0], $0xffff  }
0x1ff: {  	v39 =	vor.u32 v7, v1;
	v23 =	vld.idx.msk [tilespmem:v43+s20+$0x0], $0xffff  }
0x200: {  	[tilespmem:$0x1F9C0] =	vst v45;
	v45 =	vld [tilespmem:$0x1FE50]  }
0x201: {  	[tilespmem:$0x1F9B0] =	vst v34;
	v56 =	vor.u32 v50, v1;
	v34 =	vld.idx.msk [tilespmem:v43+s22+$0x0], $0xffff  }
0x202: {  	v43 =	vld.idx.msk [tilespmem:v43+s24+$0x0], $0xffff  }
0x203: {  	v57 =	vld.idx.msk [tilespmem:v57+s24+$0x0], $0xffff  }
0x204: {  	v15 =	vld.idx.msk [tilespmem:v39+s20+$0x0], $0xffff  }
0x205: {  	v7 =	vld.idx.msk [tilespmem:v39+s24+$0x0], $0xffff;
	v50 =	vor.u32 v45, v1  }
0x206: {  	v5 =	vor.u32 v5, v1;
	v19 =	vld.idx.msk [tilespmem:v56+s20+$0x0], $0xffff  }
0x207: {  	[tilespmem:$0x1F9F0] =	vst v43;
	v43 =	vld.idx.msk [tilespmem:v56+s22+$0x0], $0xffff  }
0x208: {  	[tilespmem:$0x1F9D0] =	vst v57;
	v57 =	vld.idx.msk [tilespmem:v56+s24+$0x0], $0xffff  }
0x209: {  	v56 =	vld.idx.msk [tilespmem:v39+s22+$0x0], $0xffff  }
0x20a: {  	v39 =	vld.idx.msk [tilespmem:v50+s22+$0x0], $0xffff  }
0x20b: {  	[tilespmem:$0x1FA30] =	vst v7;
	v7 =	vld.idx.msk [tilespmem:v5+s20+$0x0], $0xffff  }
0x20c: {  	v12 =	vld.idx.msk [tilespmem:v50+s20+$0x0], $0xffff  }
0x20d: {  	v45 =	vld.idx.msk [tilespmem:v50+s24+$0x0], $0xffff  }
0x20e: {  	v0 =	vmul.f32 v2, v17;
	v4 =	vadd.f32 $0.0e+00, v4;
	[tilespmem:$0x1FA10] =	vst v57;
	v57 =	vld [tilespmem:$0x1FB80]  }
0x20f: {  	v50 =	vld.idx.msk [tilespmem:v5+s22+$0x0], $0xffff;
	[tilespmem:$0x1F9E0] =	vst v39;
	v39 =	vor.u32 v9, v1  }
0x210: {  	v2 =	vadd.f32 v0, v4;
	v4 =	vmul.f32 v8, v21;
	v5 =	vld.idx.msk [tilespmem:v5+s24+$0x0], $0xffff  }
0x211: {  	v53 =	vld.idx.msk [tilespmem:v58+s20+$0x0], $0xffff  }
0x212: {  	v14 =	vmul.f32 v14, v25;
	v17 =	vmul.f32 v18, v17;
	v0 =	vld [tilespmem:$0x1FBB0];
	v2 =	vadd.f32 v4, v2  }
0x213: {  	v18 =	vadd.f32 $0.0e+00, v6;
	v11 =	vor.u32 v11, v1;
	[tilespmem:$0x1FA40] =	vst v45;
	v45 =	vor.u32 v57, v1;
	v57 =	vld [tilespmem:$0x1FB90]  }
0x214: {  	v31 =	vmul.f32 v31, v30;
	v2 =	vadd.f32 v14, v2;
	[tilespmem:$0x1FA00] =	vst v50;
	v50 =	vld.idx.msk [tilespmem:v39+s22+$0x0], $0xffff  }
0x215: {  	v18 =	vadd.f32 v17, v18;
	v21 =	vmul.f32 v22, v21;
	[tilespmem:$0x1FA50] =	vst v5;
	v5 =	vld.idx.msk [tilespmem:v39+s20+$0x0], $0xffff  }
0x216: {  	v2 =	vadd.f32 v31, v2;
	v31 =	vmul.f32 v38, v40;
	v39 =	vld.idx.msk [tilespmem:v39+s24+$0x0], $0xffff  }
0x217: {  	v18 =	vadd.f32 v21, v18;
	v21 =	vld [tilespmem:$0x1FBE0]  }
0x218: {  	v22 =	vadd.f32 v31, v2;
	v2 =	vld.idx.msk [tilespmem:v11+s22+$0x0], $0xffff  }
0x219: {  	v0 =	vor.u32 v0, v1;
	[tilespmem:$0x1FA20] =	vst v50;
	v50 =	vor.u32 v57, v1;
	v57 =	vld [tilespmem:$0x1FBA0]  }
0x21a: {  	v3 =	vld.idx.msk [tilespmem:v45+s20+$0x0], $0xffff  }
0x21b: {  	[tilespmem:$0x1FA60] =	vst v39;
	v39 =	vld.idx.msk [tilespmem:v45+s22+$0x0], $0xffff  }
0x21c: {  	v45 =	vld.idx.msk [tilespmem:v45+s24+$0x0], $0xffff  }
0x21d: {  	v31 =	vmul.f32 v47, v46;
	v47 =	vor.u32 v21, v1;
	v21 =	vld.idx.msk [tilespmem:v11+s24+$0x0], $0xffff  }
0x21e: {  	v6 =	vld.idx.msk [tilespmem:v0+s20+$0x0], $0xffff;
	v57 =	vor.u32 v57, v1  }
0x21f: {  	v17 =	vld.idx.msk [tilespmem:v0+s24+$0x0], $0xffff  }
0x220: {  	v9 =	vld.idx.msk [tilespmem:v50+s20+$0x0], $0xffff  }
0x221: {  	[tilespmem:$0x1FA70] =	vst v45;
	v45 =	vld.idx.msk [tilespmem:v50+s22+$0x0], $0xffff  }
0x222: {  	v8 =	vld.idx.msk [tilespmem:v50+s24+$0x0], $0xffff  }
0x223: {  	v4 =	vld.idx.msk [tilespmem:v57+s20+$0x0], $0xffff  }
0x224: {  	v50 =	vld.idx.msk [tilespmem:v57+s22+$0x0], $0xffff  }
0x225: {  	v25 =	vmul.f32 v26, v25;
	v14 =	vld.idx.msk [tilespmem:v57+s24+$0x0], $0xffff  }
0x226: {  	v57 =	vld.idx.msk [tilespmem:v0+s22+$0x0], $0xffff  }
0x227: {  	v0 =	vld.idx.msk [tilespmem:v11+s20+$0x0], $0xffff;
	v11 =	vadd.f32 v25, v18;
	v25 =	vmul.f32 v35, v30  }
0x228: {  	v13 =	vld.idx.msk [tilespmem:v58+s22+$0x0], $0xffff  }
0x229: {  	v11 =	vadd.f32 v25, v11;
	v25 =	vmul.f32 v41, v40  }
0x22a: {  	v26 =	vmul.f32 v51, v49;
	v22 =	vadd.f32 v31, v22  }
0x22b: {  	v11 =	vadd.f32 v25, v11;
	v25 =	vmul.f32 v48, v46  }
0x22c: {  	v52 =	vmul.f32 v52, v49;
	v38 =	vld [tilespmem:$0x1FBD0];
	v22 =	vadd.f32 v26, v22;
	v30 =	vmul.f32 v59, v54  }
0x22d: {  	v48 =	vmul.f32 v60, v36;
	v60 =	vmovc v10;
	v10 =	vmul.f32 v13, v53;
	v13 =	vld [tilespmem:$0x1FE70];
	v11 =	vadd.f32 v25, v11  }
0x22e: {  	v63 =	vmul.f32 v63, v62;
	v30 =	vadd.f32 v30, v22  }
0x22f: {  	v54 =	vmul.f32 v32, v54;
	v11 =	vadd.f32 v52, v11  }
0x230: {  	v58 =	vld.idx.msk [tilespmem:v58+s24+$0x0], $0xffff;
	v35 =	vadd.f32 v63, v30  }
0x231: {  	v38 =	vor.u32 v38, v1;
	v59 =	vmul.f32 v37, v62;
	v11 =	vadd.f32 v54, v11  }
0x232: {  	v41 =	vadd.f32 v48, v35;
	v48 =	vor.u32 v13, v1  }
0x233: {  	v26 =	vld [tilespmem:$0x1FBF0];
	v13 =	vmul.f32 v16, v42;
	v16 =	vmul.f32 v55, v36;
	v11 =	vadd.f32 v59, v11;
	_ =	sdelay $0x1  }
0x234: {  	v49 =	vld [tilespmem:$0x1FEE0];
	v11 =	vadd.f32 v16, v11;
	v16 =	vmul.f32 v58, v53  }
0x235: {  	v51 =	vld.idx.msk [tilespmem:v38+s22+$0x0], $0xffff  }
0x236: {  	v11 =	vadd.f32 v16, v11;
	v16 =	vld [tilespmem:$0x1F9A0]  }
0x237: {  	v31 =	vor.u32 v26, v1;
	v26 =	vld.idx.msk [tilespmem:v38+s24+$0x0], $0xffff  }
0x238: {  	v18 =	vld.idx.msk [tilespmem:v38+s20+$0x0], $0xffff  }
0x239: {  	v38 =	vld.idx.msk [tilespmem:v47+s22+$0x0], $0xffff  }
0x23a: {  	v37 =	vld [tilespmem:$0x1FE80]  }
0x23b: {  	v46 =	vld [tilespmem:$0x1FFF0];
	v16 =	vmul.f32 v16, v42  }
0x23c: {  	v62 =	vmov v44;
	v44 =	vld [tilespmem:$0x1FEB0];
	v10 =	vadd.f32 v10, v41  }
0x23d: {  	v11 =	vadd.f32 v16, v11;
	v16 =	vld [tilespmem:$0x1F9B0]  }
0x23e: {  	v22 =	vld.idx.msk [tilespmem:v47+s20+$0x0], $0xffff;
	v10 =	vadd.f32 v13, v10;
	v13 =	vmul.f32 v20, v33  }
0x23f: {  	v30 =	vld.idx.msk [tilespmem:v47+s24+$0x0], $0xffff  }
0x240: {  	v47 =	vld.idx.msk [tilespmem:v31+s22+$0x0], $0xffff;
	v40 =	vor.u32 v46, v1;
	v10 =	vadd.f32 v13, v10;
	v13 =	vmul.f32 v24, v29  }
0x241: {  	v25 =	vld.idx.msk [tilespmem:v31+s20+$0x0], $0xffff  }
0x242: {  	v35 =	vld.idx.msk [tilespmem:v31+s24+$0x0], $0xffff;
	v10 =	vadd.f32 v13, v10;
	v13 =	vmul.f32 v28, v27;
	v16 =	vmul.f32 v16, v33  }
0x243: {  	v52 =	vld [tilespmem:$0x1FD00]  }
0x244: {  	v10 =	vadd.f32 v13, v10;
	v13 =	vmul.f32 v34, v23;
	v11 =	vadd.f32 v16, v11;
	v16 =	vld [tilespmem:$0x1F9C0]  }
0x245: {  	v31 =	vld.idx.msk [tilespmem:v40+s20+$0x0], $0xffff  }
0x246: {  	v41 =	vld.idx.msk [tilespmem:v40+s22+$0x0], $0xffff;
	v10 =	vadd.f32 v13, v10;
	v13 =	vmul.f32 v43, v19  }
0x247: {  	v54 =	vld.idx.msk [tilespmem:v40+s24+$0x0], $0xffff  }
0x248: {  	v36 =	vld.idx.msk [tilespmem:v48+s20+$0x0], $0xffff;
	v10 =	vadd.f32 v13, v10;
	v13 =	vmul.f32 v56, v15  }
0x249: {  	v46 =	vor.u32 v37, v1;
	v20 =	vld.idx.msk [tilespmem:v48+s22+$0x0], $0xffff;
	v16 =	vmul.f32 v16, v29  }
0x24a: {  	v10 =	vadd.f32 v13, v10;
	v13 =	vld [tilespmem:$0x1F9E0]  }
0x24b: {  	v11 =	vadd.f32 v16, v11;
	v16 =	vld [tilespmem:$0x1F9D0]  }
0x24c: {  	v40 =	vld [tilespmem:$0x1FE90]  }
0x24d: {  	v58 =	vld.idx.msk [tilespmem:v48+s24+$0x0], $0xffff  }
0x24e: {  	v53 =	vld.idx.msk [tilespmem:v46+s20+$0x0], $0xffff  }
0x24f: {  	v59 =	vor.u32 v62, v1;
	v48 =	vld [tilespmem:$0x1FED0];
	v13 =	vmul.f32 v13, v12  }
0x250: {  	v42 =	vld [tilespmem:$0x1FEA0];
	v16 =	vmul.f32 v16, v27  }
0x251: {  	v10 =	vadd.f32 v13, v10;
	v13 =	vld [tilespmem:$0x1FA00]  }
0x252: {  	v11 =	vadd.f32 v16, v11;
	v16 =	vld [tilespmem:$0x1F9F0]  }
0x253: {  	v24 =	vld.idx.msk [tilespmem:v46+s22+$0x0], $0xffff  }
0x254: {  	v55 =	vor.u32 v52, v1;
	v52 =	vmul.f32 v17, v6;
	v17 =	vld.idx.msk [tilespmem:v59+s22+$0x0], $0xffff  }
0x255: {  	v34 =	vor.u32 v44, v1;
	v44 =	vor.u32 v48, v1;
	v48 =	vld [tilespmem:$0x1FAB0]  }
0x256: {  	v32 =	vor.u32 v40, v1;
	v37 =	vor.u32 v42, v1;
	v42 =	vld.idx.msk [tilespmem:v46+s24+$0x0], $0xffff;
	v13 =	vmul.f32 v13, v7  }
0x257: {  	v46 =	vld [tilespmem:$0x1FEC0];
	v16 =	vmul.f32 v16, v23  }
0x258: {  	v10 =	vadd.f32 v13, v10;
	v13 =	vld [tilespmem:$0x1FA20]  }
0x259: {  	v11 =	vadd.f32 v16, v11;
	v16 =	vld [tilespmem:$0x1FA10]  }
0x25a: {  	v43 =	vld.idx.msk [tilespmem:v34+s22+$0x0], $0xffff  }
0x25b: {  	v28 =	vld.idx.msk [tilespmem:v32+s22+$0x0], $0xffff  }
0x25c: {  	v33 =	vld.idx.msk [tilespmem:v32+s20+$0x0], $0xffff  }
0x25d: {  	v32 =	vld.idx.msk [tilespmem:v32+s24+$0x0], $0xffff;
	v13 =	vmul.f32 v13, v5  }
0x25e: {  	v40 =	vor.u32 v46, v1;
	v46 =	vor.u32 v49, v1;
	v49 =	vld [tilespmem:$0x1FFD0];
	v16 =	vmul.f32 v16, v19  }
0x25f: {  	v29 =	vld.idx.msk [tilespmem:v37+s20+$0x0], $0xffff;
	v10 =	vadd.f32 v13, v10;
	v13 =	vmul.f32 v39, v3  }
0x260: {  	v11 =	vadd.f32 v16, v11;
	v16 =	vld [tilespmem:$0x1FA30]  }
0x261: {  	v27 =	vld.idx.msk [tilespmem:v37+s22+$0x0], $0xffff;
	v10 =	vadd.f32 v13, v10;
	v13 =	vmul.f32 v45, v9  }
0x262: {  	v37 =	vld.idx.msk [tilespmem:v37+s24+$0x0], $0xffff  }
0x263: {  	v39 =	vld.idx.msk [tilespmem:v40+s24+$0x0], $0xffff;
	v45 =	vor.u32 v61, v1;
	v10 =	vadd.f32 v13, v10;
	v13 =	vmul.f32 v50, v4  }
0x264: {  	v23 =	vld.idx.msk [tilespmem:v34+s20+$0x0], $0xffff  }
0x265: {  	v10 =	vadd.f32 v13, v10;
	v13 =	vmul.f32 v57, v6;
	v57 =	vld [tilespmem:$0x1FA70];
	v15 =	vmul.f32 v16, v15  }
0x266: {  	v6 =	vld.idx.msk [tilespmem:v59+s20+$0x0], $0xffff  }
0x267: {  	v2 =	vmul.f32 v2, v0;
	v10 =	vadd.f32 v13, v10;
	v11 =	vadd.f32 v15, v11;
	v15 =	vld [tilespmem:$0x1FA40]  }
0x268: {  	v63 =	vmul.f32 v8, v9;
	v8 =	vld.idx.msk [tilespmem:v45+s24+$0x0], $0xffff  }
0x269: {  	v9 =	vmul.f32 v51, v18;
	v13 =	vld.idx.msk [tilespmem:v45+s22+$0x0], $0xffff;
	v2 =	vadd.f32 v2, v10  }
0x26a: {  	v10 =	vld.idx.msk [tilespmem:v55+s20+$0x0], $0xffff;
	v3 =	vmul.f32 v57, v3  }
0x26b: {  	v57 =	vor.u32 v60, v1;
	v19 =	vld.idx.msk [tilespmem:v34+s24+$0x0], $0xffff;
	v2 =	vadd.f32 v9, v2;
	v9 =	vmul.f32 v38, v22  }
0x26c: {  	v34 =	vld.idx.msk [tilespmem:v40+s20+$0x0], $0xffff;
	v12 =	vmul.f32 v15, v12  }
0x26d: {  	v38 =	vld.idx.msk [tilespmem:v55+s24+$0x0], $0xffff;
	v2 =	vadd.f32 v9, v2;
	v9 =	vmul.f32 v47, v25  }
0x26e: {  	v11 =	vadd.f32 v12, v11;
	v12 =	vld [tilespmem:$0x1FA50]  }
0x26f: {  	v2 =	vadd.f32 v9, v2;
	v9 =	vmul.f32 v41, v31;
	v41 =	vld [tilespmem:$0x1FAD0]  }
0x270: {  	v35 =	vmul.f32 v35, v25;
	v47 =	vmul.f32 v58, v36;
	v25 =	vld.idx.msk [tilespmem:v57+s24+$0x0], $0xffff  }
0x271: {  	v2 =	vadd.f32 v9, v2;
	v9 =	vmul.f32 v20, v36;
	v20 =	vld.idx.msk [tilespmem:v57+s20+$0x0], $0xffff;
	v36 =	vor.u32 v49, v1  }
0x272: {  	v49 =	vld [tilespmem:$0x1FA80]  }
0x273: {  	v16 =	vld.idx.msk [tilespmem:v40+s22+$0x0], $0xffff;
	v7 =	vmul.f32 v12, v7  }
0x274: {  	v40 =	vld.idx.msk [tilespmem:v44+s22+$0x0], $0xffff;
	v2 =	vadd.f32 v9, v2;
	v9 =	vmul.f32 v24, v53  }
0x275: {  	v7 =	vadd.f32 v7, v11;
	v11 =	vld [tilespmem:$0x1FA60]  }
0x276: {  	v58 =	vmul.f32 v19, v23;
	v2 =	vadd.f32 v9, v2;
	v9 =	vmul.f32 v28, v33;
	v19 =	vld.idx.msk [tilespmem:v36+s24+$0x0], $0xffff  }
0x277: {  	v15 =	vld.idx.msk [tilespmem:v44+s20+$0x0], $0xffff  }
0x278: {  	v2 =	vadd.f32 v9, v2;
	v9 =	vmul.f32 v27, v29;
	v12 =	vld.idx.msk [tilespmem:v44+s24+$0x0], $0xffff  }
0x279: {  	v44 =	vld.idx.msk [tilespmem:v46+s20+$0x0], $0xffff  }
0x27a: {  	v2 =	vadd.f32 v9, v2;
	v9 =	vmul.f32 v43, v23;
	v5 =	vmul.f32 v11, v5;
	v11 =	vld.idx.msk [tilespmem:v46+s22+$0x0], $0xffff  }
0x27b: {  	v46 =	vld.idx.msk [tilespmem:v46+s24+$0x0], $0xffff  }
0x27c: {  	v2 =	vadd.f32 v9, v2;
	v9 =	vmul.f32 v16, v34;
	v5 =	vadd.f32 v5, v7;
	v7 =	vld.idx.msk [tilespmem:v45+s20+$0x0], $0xffff  }
0x27d: {  	v45 =	vld [tilespmem:$0x1FF80]  }
0x27e: {  	v2 =	vadd.f32 v9, v2;
	v9 =	vmul.f32 v40, v15;
	v3 =	vadd.f32 v3, v5;
	v5 =	vld.idx.msk [tilespmem:v55+s22+$0x0], $0xffff  }
0x27f: {  	v55 =	vld [tilespmem:$0x1FFB0]  }
0x280: {  	v2 =	vadd.f32 v9, v2;
	v9 =	vmul.f32 v11, v44;
	v11 =	vld.idx.msk [tilespmem:v36+s22+$0x0], $0xffff  }
0x281: {  	v3 =	vadd.f32 v63, v3;
	v63 =	vmul.f32 v30, v22;
	v22 =	vld.idx.msk [tilespmem:v57+s22+$0x0], $0xffff  }
0x282: {  	v57 =	vld [tilespmem:$0x1FEF0]  }
0x283: {  	v4 =	vmul.f32 v14, v4;
	v14 =	vor.u32 v45, v1;
	v45 =	vmul.f32 v54, v31;
	v31 =	vld [tilespmem:$0x1FFC0]  }
0x284: {  	v54 =	vld [tilespmem:$0x1FFE0]  }
0x285: {  	v51 =	vmul.f32 v8, v7;
	v8 =	vld [tilespmem:$0x1FF10]  }
0x286: {  	v3 =	vadd.f32 v4, v3;
	v4 =	vld.idx.msk [tilespmem:v59+s24+$0x0], $0xffff  }
0x287: {  	v59 =	vmul.f32 v26, v18;
	v26 =	vld [tilespmem:$0x1FFA0]  }
0x288: {  	v24 =	vor.u32 v55, v1;
	v55 =	vmul.f32 v37, v29;
	v29 =	vld.idx.msk [tilespmem:v36+s20+$0x0], $0xffff  }
0x289: {  	v0 =	vmul.f32 v21, v0;
	v36 =	vld [tilespmem:$0x1FAC0];
	v3 =	vadd.f32 v52, v3  }
0x28a: {  	v37 =	vor.u32 v57, v1;
	v57 =	vld [tilespmem:$0x1FA90]  }
0x28b: {  	v21 =	vld.idx.msk [tilespmem:v14+s20+$0x0], $0xffff;
	v0 =	vadd.f32 v0, v3  }
0x28c: {  	v18 =	vld.idx.msk [tilespmem:v14+s22+$0x0], $0xffff  }
0x28d: {  	v14 =	vld.idx.msk [tilespmem:v14+s24+$0x0], $0xffff;
	v31 =	vor.u32 v31, v1;
	v0 =	vadd.f32 v59, v0  }
0x28e: {  	v27 =	vld.idx.msk [tilespmem:v24+s20+$0x0], $0xffff  }
0x28f: {  	v52 =	vmul.f32 v32, v33;
	v0 =	vadd.f32 v63, v0;
	v63 =	vld [tilespmem:$0x1FF00]  }
0x290: {  	v33 =	vor.u32 v54, v1;
	v59 =	vmul.f32 v39, v34;
	v39 =	vmul.f32 v12, v15;
	v12 =	vld.idx.msk [tilespmem:v37+s20+$0x0], $0xffff  }
0x291: {  	v15 =	vld.idx.msk [tilespmem:v37+s22+$0x0], $0xffff  }
0x292: {  	v16 =	vld.idx.msk [tilespmem:v31+s20+$0x0], $0xffff  }
0x293: {  	v32 =	vld.idx.msk [tilespmem:v31+s22+$0x0], $0xffff  }
0x294: {  	v26 =	vor.u32 v26, v1;
	v31 =	vld.idx.msk [tilespmem:v31+s24+$0x0], $0xffff  }
0x295: {  	v2 =	vadd.f32 v9, v2;
	v9 =	vmul.f32 v13, v7;
	v13 =	vld.idx.msk [tilespmem:v33+s20+$0x0], $0xffff;
	v0 =	vadd.f32 v35, v0  }
0x296: {  	v23 =	vld.idx.msk [tilespmem:v33+s22+$0x0], $0xffff  }
0x297: {  	v2 =	vadd.f32 v9, v2;
	v9 =	vld.idx.msk [tilespmem:v33+s24+$0x0], $0xffff;
	v0 =	vadd.f32 v45, v0  }
0x298: {  	v50 =	vmul.f32 v42, v53;
	v33 =	vld.idx.msk [tilespmem:v37+s24+$0x0], $0xffff  }
0x299: {  	v40 =	vmul.f32 v17, v6;
	v17 =	vor.u32 v48, v1;
	v28 =	vld.idx.msk [tilespmem:v26+s20+$0x0], $0xffff;
	v0 =	vadd.f32 v47, v0  }
0x29a: {  	v5 =	vmul.f32 v5, v10;
	v30 =	vld.idx.msk [tilespmem:v26+s22+$0x0], $0xffff;
	v34 =	vor.u32 v63, v1  }
0x29b: {  	v26 =	vld.idx.msk [tilespmem:v26+s24+$0x0], $0xffff;
	v0 =	vadd.f32 v50, v0  }
0x29c: {  	v2 =	vadd.f32 v5, v2;
	v8 =	vor.u32 v8, v1;
	v35 =	vld.idx.msk [tilespmem:v24+s22+$0x0], $0xffff  }
0x29d: {  	v24 =	vld.idx.msk [tilespmem:v24+s24+$0x0], $0xffff;
	v0 =	vadd.f32 v52, v0  }
0x29e: {  	v2 =	vadd.f32 v40, v2;
	v63 =	vmul.f32 v4, v6;
	v4 =	vld.idx.msk [tilespmem:v17+s24+$0x0], $0xffff;
	v50 =	vmul.f32 v18, v21  }
0x29f: {  	v18 =	vld.idx.msk [tilespmem:v34+s20+$0x0], $0xffff;
	v0 =	vadd.f32 v55, v0  }
0x2a0: {  	v54 =	vmul.f32 v22, v20;
	v2 =	vadd.f32 v50, v2;
	v22 =	vld.idx.msk [tilespmem:v34+s24+$0x0], $0xffff  }
0x2a1: {  	v6 =	vld.idx.msk [tilespmem:v8+s20+$0x0], $0xffff;
	v0 =	vadd.f32 v58, v0  }
0x2a2: {  	v55 =	vmul.f32 v38, v10;
	v10 =	vld.idx.msk [tilespmem:v17+s20+$0x0], $0xffff;
	v2 =	vadd.f32 v54, v2;
	v58 =	vmul.f32 v30, v28  }
0x2a3: {  	v30 =	vld.idx.msk [tilespmem:v17+s22+$0x0], $0xffff;
	v17 =	vor.u32 v57, v1;
	v0 =	vadd.f32 v59, v0  }
0x2a4: {  	v48 =	vmul.f32 v46, v44;
	v52 =	vld.idx.msk [tilespmem:v34+s22+$0x0], $0xffff;
	v2 =	vadd.f32 v58, v2  }
0x2a5: {  	v58 =	vmul.f32 v33, v12;
	v33 =	vmul.f32 v22, v18;
	v22 =	vld [tilespmem:$0x1FF70];
	v0 =	vadd.f32 v39, v0  }
0x2a6: {  	v39 =	vmul.f32 v14, v21;
	v14 =	vld.idx.msk [tilespmem:v8+s22+$0x0], $0xffff  }
0x2a7: {  	v8 =	vld.idx.msk [tilespmem:v8+s24+$0x0], $0xffff;
	v0 =	vadd.f32 v48, v0  }
0x2a8: {  	v46 =	vmul.f32 v23, v13;
	v59 =	vor.u32 v49, v1;
	v23 =	vld.idx.msk [tilespmem:v17+s20+$0x0], $0xffff  }
0x2a9: {  	v37 =	vmul.f32 v35, v27;
	v47 =	vmul.f32 v24, v27;
	v24 =	vld.idx.msk [tilespmem:v17+s22+$0x0], $0xffff;
	v0 =	vadd.f32 v51, v0  }
0x2aa: {  	v35 =	vmul.f32 v4, v10;
	v54 =	vmul.f32 v30, v10;
	v10 =	vld [tilespmem:$0x1FF40]  }
0x2ab: {  	v48 =	vmul.f32 v15, v12;
	v15 =	vld.idx.msk [tilespmem:v17+s24+$0x0], $0xffff;
	v0 =	vadd.f32 v55, v0  }
0x2ac: {  	v42 =	vmul.f32 v25, v20;
	v21 =	vor.u32 v36, v1;
	v17 =	vld [tilespmem:$0x1FF20]  }
0x2ad: {  	v40 =	vmul.f32 v32, v16;
	v2 =	vadd.f32 v37, v2;
	v20 =	vld.idx.msk [tilespmem:v59+s20+$0x0], $0xffff;
	v0 =	vadd.f32 v63, v0  }
0x2ae: {  	v43 =	vmul.f32 v11, v29;
	v45 =	vmul.f32 v26, v28;
	v11 =	vld.idx.msk [tilespmem:v59+s22+$0x0], $0xffff  }
0x2af: {  	v26 =	vor.u32 v41, v1;
	v2 =	vadd.f32 v40, v2;
	v25 =	vld.idx.msk [tilespmem:v59+s24+$0x0], $0xffff;
	v0 =	vadd.f32 v39, v0  }
0x2b0: {  	v59 =	vld [tilespmem:$0x1FAA0]  }
0x2b1: {  	v49 =	vmul.f32 v31, v16;
	v2 =	vadd.f32 v43, v2;
	v16 =	vld.idx.msk [tilespmem:v21+s20+$0x0], $0xffff;
	v0 =	vadd.f32 v42, v0  }
0x2b2: {  	v50 =	vmul.f32 v52, v18;
	v51 =	vld.idx.msk [tilespmem:v21+s22+$0x0], $0xffff  }
0x2b3: {  	v52 =	vmul.f32 v19, v29;
	v19 =	vld.idx.msk [tilespmem:v21+s24+$0x0], $0xffff;
	v2 =	vadd.f32 v46, v2;
	v0 =	vadd.f32 v45, v0  }
0x2b4: {  	v21 =	vld.idx.msk [tilespmem:v26+s20+$0x0], $0xffff;
	v17 =	vor.u32 v17, v1  }
0x2b5: {  	v55 =	vmul.f32 v9, v13;
	v13 =	vld [tilespmem:$0x1FF30];
	v2 =	vadd.f32 v48, v2;
	v0 =	vadd.f32 v47, v0  }
0x2b6: {  	v57 =	vmul.f32 v14, v6;
	v14 =	vld.idx.msk [tilespmem:v26+s24+$0x0], $0xffff  }
0x2b7: {  	v9 =	vld.idx.msk [tilespmem:v26+s22+$0x0], $0xffff;
	v2 =	vadd.f32 v50, v2;
	v0 =	vadd.f32 v49, v0  }
0x2b8: {  	v26 =	vor.u32 v59, v1;
	v39 =	vmul.f32 v8, v6;
	v8 =	vld [tilespmem:$0x1FF50]  }
0x2b9: {  	v2 =	vadd.f32 v54, v2;
	v12 =	vld.idx.msk [tilespmem:v17+s20+$0x0], $0xffff;
	v0 =	vadd.f32 v52, v0  }
0x2ba: {  	v63 =	vmul.f32 v11, v20;
	v13 =	vor.u32 v13, v1;
	v11 =	vld.idx.msk [tilespmem:v17+s22+$0x0], $0xffff  }
0x2bb: {  	v17 =	vld.idx.msk [tilespmem:v17+s24+$0x0], $0xffff;
	v2 =	vadd.f32 v57, v2;
	v0 =	vadd.f32 v55, v0  }
0x2bc: {  	v10 =	vor.u32 v10, v1;
	v42 =	vmul.f32 v25, v20;
	v20 =	vld [tilespmem:$0x1FF60]  }
0x2bd: {  	v34 =	vmul.f32 v24, v23;
	v40 =	vld.idx.msk [tilespmem:v26+s20+$0x0], $0xffff;
	v2 =	vadd.f32 v63, v2;
	v0 =	vadd.f32 v58, v0  }
0x2be: {  	v41 =	vmul.f32 v9, v21;
	v9 =	vld.idx.msk [tilespmem:v26+s22+$0x0], $0xffff  }
0x2bf: {  	v37 =	vmul.f32 v51, v16;
	v18 =	vld.idx.msk [tilespmem:v13+s20+$0x0], $0xffff;
	v2 =	vadd.f32 v34, v2;
	v0 =	vadd.f32 v33, v0  }
0x2c0: {  	v8 =	vor.u32 v8, v1;
	v36 =	vld.idx.msk [tilespmem:v13+s22+$0x0], $0xffff  }
0x2c1: {  	v45 =	vmul.f32 v15, v23;
	v15 =	vld.idx.msk [tilespmem:v10+s22+$0x0], $0xffff;
	v2 =	vadd.f32 v37, v2;
	v0 =	vadd.f32 v35, v0  }
0x2c2: {  	v38 =	vld.idx.msk [tilespmem:v13+s24+$0x0], $0xffff;
	v20 =	vor.u32 v20, v1  }
0x2c3: {  	v13 =	vld.idx.msk [tilespmem:v26+s24+$0x0], $0xffff;
	v43 =	vmul.f32 v11, v12;
	v2 =	vadd.f32 v41, v2;
	v0 =	vadd.f32 v39, v0  }
0x2c4: {  	v11 =	vld.idx.msk [tilespmem:v10+s20+$0x0], $0xffff;
	v1 =	vor.u32 v22, v1  }
0x2c5: {  	v46 =	vld.idx.msk [tilespmem:v8+s20+$0x0], $0xffff;
	v4 =	vmul.f32 v36, v18;
	v2 =	vadd.f32 v43, v2;
	v0 =	vadd.f32 v42, v0  }
0x2c6: {  	v47 =	vmul.f32 v19, v16;
	v16 =	vld.idx.msk [tilespmem:v8+s22+$0x0], $0xffff  }
0x2c7: {  	v48 =	vmul.f32 v9, v40;
	v9 =	vld.idx.msk [tilespmem:v20+s20+$0x0], $0xffff;
	v2 =	vadd.f32 v4, v2;
	v0 =	vadd.f32 v45, v0  }
0x2c8: {  	v49 =	vmul.f32 v14, v21;
	v14 =	vld.idx.msk [tilespmem:v20+s22+$0x0], $0xffff  }
0x2c9: {  	v50 =	vmul.f32 v15, v11;
	v15 =	vld.idx.msk [tilespmem:v1+s20+$0x0], $0xffff;
	v2 =	vadd.f32 v48, v2;
	v0 =	vadd.f32 v47, v0  }
0x2ca: {  	v51 =	vmul.f32 v17, v12;
	v12 =	vld.idx.msk [tilespmem:v1+s22+$0x0], $0xffff  }
0x2cb: {  	v52 =	vmul.f32 v16, v46;
	v2 =	vadd.f32 v50, v2;
	v0 =	vadd.f32 v49, v0  }
0x2cc: {  	v54 =	vmul.f32 v38, v18;
	v55 =	vld.idx.msk [tilespmem:v10+s24+$0x0], $0xffff  }
0x2cd: {  	v57 =	vld.idx.msk [tilespmem:v8+s24+$0x0], $0xffff;
	v8 =	vmul.f32 v14, v9;
	v2 =	vadd.f32 v52, v2;
	v0 =	vadd.f32 v51, v0  }
0x2ce: {  	v6 =	vmul.f32 v13, v40;
	v58 =	vld [tilespmem:s21+$0x0]  }
0x2cf: {  	v10 =	vld.idx.msk [tilespmem:v20+s24+$0x0], $0xffff;
	v2 =	vadd.f32 v8, v2;
	v8 =	vmul.f32 v12, v15;
	v0 =	vadd.f32 v54, v0  }
0x2d0: {  	v12 =	vld [tilespmem:s23+$0x0]  }
0x2d1: {  	v56 =	vld [tilespmem:$0x1FDD0];
	v59 =	vmul.f32 v55, v11;
	v2 =	vadd.f32 v8, v2;
	v0 =	vadd.f32 v6, v0  }
0x2d2: {  	v1 =	vld.idx.msk [tilespmem:v1+s24+$0x0], $0xffff  }
0x2d3: {  	v53 =	vld [tilespmem:$0x1FDC0];
	v4 =	vmul.f32 v57, v46;
	v2 =	vadd.f32 v58, v2;
	v0 =	vadd.f32 v59, v0  }
0x2d4: {  	v44 =	vld [tilespmem:$0x1FDB0]  }
0x2d5: {  	v27 =	vld [tilespmem:$0x1FD80];
	v63 =	vmul.f32 v10, v9;
	v2 =	vadd.f32 v12, v2;
	v0 =	vadd.f32 v4, v0  }
0x2d6: {  	v28 =	vld [tilespmem:$0x1FD90]  }
0x2d7: {  	v29 =	vld [tilespmem:$0x1FDA0];
	v1 =	vmul.f32 v1, v15;
	[tilespmem:s7+$0x0] =	vst v2;
	v0 =	vadd.f32 v63, v0  }
0x2d8: {  	v2 =	vld [tilespmem:s25+$0x0]  }
0x2d9: {  	v13 =	vld [tilespmem:$0x1FD30];
	v0 =	vadd.f32 v1, v0  }
0x2da: {  	p0 =	sne.s32 s2, $0x70;
	v20 =	vld [tilespmem:$0x1FD70]  }
.Ltmp1:
0x2db: {  	v16 =	vld [tilespmem:$0x1FD60];
	v0 =	vadd.f32 v0, v58;
	(pc) =	sbr.rel @p0 .LBB2_4-.Ltmp1, $4  }
0x2dc: {  	v14 =	vld [tilespmem:$0x1FD40]  }
0x2dd: {  	v9 =	vld [tilespmem:$0x1FB70];
	v0 =	vadd.f32 v2, v0  }
0x2de: {  	s2 =	sadd.s32 $0x10, s2;
	s21 =	sadd.s32 $0x10, s21;
	v15 =	vld [tilespmem:$0x1FD50];
	s23 =	sadd.s32 $0x10, s23  }
0x2df: {  	v11 =	vlaneseq.u32;
	v12 =	vld [tilespmem:$0x1FD20];
	s7 =	sadd.s32 $0x10, s7;
	s25 =	sadd.s32 $0x10, s25;
	[tilespmem:s4+$0x0] =	vst v0;
	s4 =	sadd.s32 $0x10, s4  }
0x2e0: {  	[tilespmem:s20], [sflag:$0x2] =	stream.indirect.gather [hbm4b:s5+s16], $0x40, s28, s16, $0xb8;
	[tilespmem:$0xCD00] =	vst v63  }
0x2e1: {  	_ = 	snop  }
0x2e2: {  	[tilespmem:s22], [sflag:$0x4] =	stream.indirect.gather [hbm4b:s6+s16], $0x40, s10, s16, $0xb8;
	[tilespmem:$0xCD00] =	vst v63  }
0x2e3: {  	_ = 	snop  }
0x2e4: {  	[tilespmem:s24], [sflag:$0x6] =	stream.indirect.gather [hbm4b:s6+s16], $0x40, s11, s16, $0xb8;
	[tilespmem:$0xCD00] =	vst v63  }
0x2e5: {  	s2 =	simm.s32 $0xC680  }
0x2e6: {  	[tilespmem:s2], [sflag:$0x2] =	stream.indirect.gather [hbm4b:s0+s16], $0x1, s28, s16, $0xb8;
	[tilespmem:$0xCD00] =	vst v63  }
0x2e7: {  	s23 =	simm.s32 $0xC780  }
0x2e8: {  	[tilespmem:s23], [sflag:$0x4] =	stream.indirect.gather [hbm4b:s1+s16], $0x1, s10, s16, $0xb8;
	[tilespmem:$0xCD00] =	vst v63  }
0x2e9: {  	s25 =	simm.s32 $0xC880  }
0x2ea: {  	[tilespmem:s25], [sflag:$0x6] =	stream.indirect.gather [hbm4b:s1+s16], $0x1, s11, s16, $0xb8;
	[tilespmem:$0xCD00] =	vst v63  }
0x2eb: {  	_ =	swait.ge [sflag:s29], $0x2000  }
0x2ec: {  	[sflag:s29] =	ssyncset.done $0x0  }
0x2ed: {  	[sflag:s29] =	ssyncadd.s32 $0xFFFFE000  }
0x2ee: {  	_ =	swait.ge [sflag:s30], $0x2000  }
0x2ef: {  	[sflag:s30] =	ssyncset.done $0x0  }
0x2f0: {  	[sflag:s30] =	ssyncadd.s32 $0xFFFFE000  }
0x2f1: {  	_ =	swait.ge [sflag:s31], $0x2000  }
0x2f2: {  	[sflag:s31] =	ssyncset.done $0x0  }
0x2f3: {  	[sflag:s31] =	ssyncadd.s32 $0xFFFFE000  }
0x2f4: {  	_ =	swait.ge [sflag:s29], $0x80  }
0x2f5: {  	[sflag:s29] =	ssyncset.done $0x0  }
0x2f6: {  	[sflag:s29] =	ssyncadd.s32 $0xFFFFFF80  }
0x2f7: {  	_ =	swait.ge [sflag:s30], $0x80  }
0x2f8: {  	[sflag:s30] =	ssyncset.done $0x0  }
0x2f9: {  	[sflag:s30] =	ssyncadd.s32 $0xFFFFFF80  }
0x2fa: {  	_ =	swait.ge [sflag:s31], $0x80  }
0x2fb: {  	v19 =	vld [tilespmem:$0x1FDE0]  }
0x2fc: {  	v23 =	vld [tilespmem:$0x1FDF0]  }
0x2fd: {  	v24 =	vld [tilespmem:$0x1FE00]  }
0x2fe: {  	v39 =	vld [tilespmem:$0x1FE40]  }
0x2ff: {  	v45 =	vld [tilespmem:$0x1FE50]  }
0x300: {  	s4 =	simm.s32 $0xCC00;
	s7 =	simm.s32 $0xCA00;
	v57 =	vld [tilespmem:$0x1FE60]  }
0x301: {  	s21 =	simm.s32 $0xC600;
	s2 =	simm.s32 $0x0;
	[sflag:s31] =	ssyncset.done $0x0;
	v55 =	vld [tilespmem:$0x1FED0]  }
0x302: {  	s23 =	simm.s32 $0xC700;
	s25 =	simm.s32 $0xC800;
	v59 =	vld [tilespmem:$0x1FEE0];
	[sflag:s31] =	ssyncadd.s32 $0xFFFFFF80  }
.LBB2_6:
0x303: {  	_ = 	snop  }
0x304: {  	v0 =	vmov s2  }
0x305: {  	v0 =	vshll.u32 v0, $0x6  }
0x306: {  	v1 =	vor.u32 v12, v0  }
0x307: {  	v0 =	vor.u32 v11, v1;
	_ =	sdelay $0x2  }
0x308: {  	v2 =	vor.u32 v13, v1;
	_ =	sdelay $0x1  }
0x309: {  	v6 =	vld.idx.msk [tilespmem:v0+s17+$0x0], $0xffff  }
0x30a: {  	v4 =	vor.u32 v14, v1;
	v3 =	vld.idx.msk [tilespmem:v0+s18+$0x0], $0xffff  }
0x30b: {  	v10 =	vld.idx.msk [tilespmem:v0+s19+$0x0], $0xffff  }
0x30c: {  	v11 =	vld.idx.msk [tilespmem:v2+s17+$0x0], $0xffff  }
0x30d: {  	v5 =	vor.u32 v15, v1;
	v8 =	vld.idx.msk [tilespmem:v2+s18+$0x0], $0xffff  }
0x30e: {  	v35 =	vor.u32 v16, v1;
	v17 =	vld.idx.msk [tilespmem:v2+s19+$0x0], $0xffff  }
0x30f: {  	v18 =	vld.idx.msk [tilespmem:v4+s17+$0x0], $0xffff  }
0x310: {  	v14 =	vld.idx.msk [tilespmem:v4+s18+$0x0], $0xffff  }
0x311: {  	v7 =	vor.u32 v20, v1;
	v21 =	vld.idx.msk [tilespmem:v4+s19+$0x0], $0xffff  }
0x312: {  	v22 =	vld.idx.msk [tilespmem:v5+s17+$0x0], $0xffff  }
0x313: {  	v26 =	vld.idx.msk [tilespmem:v35+s17+$0x0], $0xffff  }
0x314: {  	v36 =	vor.u32 v27, v1;
	v30 =	vld.idx.msk [tilespmem:v35+s18+$0x0], $0xffff  }
0x315: {  	v31 =	vld.idx.msk [tilespmem:v35+s19+$0x0], $0xffff  }
0x316: {  	v35 =	vld.idx.msk [tilespmem:v7+s17+$0x0], $0xffff  }
0x317: {  	v37 =	vor.u32 v28, v1;
	v40 =	vld.idx.msk [tilespmem:v7+s18+$0x0], $0xffff  }
0x318: {  	v41 =	vld.idx.msk [tilespmem:v7+s19+$0x0], $0xffff  }
0x319: {  	v46 =	vld.idx.msk [tilespmem:v36+s17+$0x0], $0xffff  }
0x31a: {  	v38 =	vor.u32 v29, v1;
	v47 =	vld.idx.msk [tilespmem:v36+s18+$0x0], $0xffff  }
0x31b: {  	v48 =	vld.idx.msk [tilespmem:v36+s19+$0x0], $0xffff  }
0x31c: {  	v49 =	vld.idx.msk [tilespmem:v37+s17+$0x0], $0xffff  }
0x31d: {  	v42 =	vor.u32 v44, v1;
	v51 =	vld.idx.msk [tilespmem:v37+s18+$0x0], $0xffff  }
0x31e: {  	v52 =	vld.idx.msk [tilespmem:v37+s19+$0x0], $0xffff  }
0x31f: {  	v54 =	vld.idx.msk [tilespmem:v38+s17+$0x0], $0xffff  }
0x320: {  	v43 =	vor.u32 v53, v1;
	v58 =	vld.idx.msk [tilespmem:v38+s18+$0x0], $0xffff  }
0x321: {  	v32 =	vmov v59;
	v59 =	vld.idx.msk [tilespmem:v38+s19+$0x0], $0xffff  }
0x322: {  	v60 =	vld.idx.msk [tilespmem:v42+s17+$0x0], $0xffff  }
0x323: {  	v44 =	vor.u32 v56, v1;
	v61 =	vld.idx.msk [tilespmem:v42+s18+$0x0], $0xffff  }
0x324: {  	v62 =	vld.idx.msk [tilespmem:v42+s19+$0x0], $0xffff  }
0x325: {  	v36 =	vld.idx.msk [tilespmem:v43+s17+$0x0], $0xffff  }
0x326: {  	v56 =	vor.u32 v23, v1;
	v63 =	vld.idx.msk [tilespmem:v43+s18+$0x0], $0xffff  }
0x327: {  	v34 =	vld.idx.msk [tilespmem:v43+s19+$0x0], $0xffff  }
0x328: {  	v53 =	vld.idx.msk [tilespmem:v44+s17+$0x0], $0xffff  }
0x329: {  	v50 =	vld.idx.msk [tilespmem:v44+s18+$0x0], $0xffff  }
0x32a: {  	v38 =	vor.u32 v19, v1;
	v43 =	vld.idx.msk [tilespmem:v44+s19+$0x0], $0xffff  }
0x32b: {  	v33 =	vld.idx.msk [tilespmem:v56+s17+$0x0], $0xffff  }
0x32c: {  	v16 =	vld.idx.msk [tilespmem:v56+s18+$0x0], $0xffff  }
0x32d: {  	v44 =	vld.idx.msk [tilespmem:v56+s19+$0x0], $0xffff  }
0x32e: {  	v56 =	vld [tilespmem:$0x1FE20]  }
0x32f: {  	v42 =	vld.idx.msk [tilespmem:v38+s17+$0x0], $0xffff  }
0x330: {  	v7 =	vor.u32 v24, v1;
	v13 =	vld.idx.msk [tilespmem:v38+s18+$0x0], $0xffff  }
0x331: {  	v37 =	vld.idx.msk [tilespmem:v38+s19+$0x0], $0xffff  }
0x332: {  	v38 =	vld [tilespmem:$0x1FE10]  }
0x333: {  	v4 =	vld.idx.msk [tilespmem:v5+s18+$0x0], $0xffff  }
0x334: {  	v25 =	vld.idx.msk [tilespmem:v5+s19+$0x0], $0xffff;
	v2 =	vor.u32 v56, v1  }
0x335: {  	v29 =	vld.idx.msk [tilespmem:v7+s17+$0x0], $0xffff  }
0x336: {  	v20 =	vld.idx.msk [tilespmem:v7+s18+$0x0], $0xffff;
	v56 =	vor.u32 v39, v1  }
0x337: {  	[tilespmem:$0x1F8D0] =	vst v37;
	v5 =	vor.u32 v38, v1;
	v37 =	vld.idx.msk [tilespmem:v7+s19+$0x0], $0xffff  }
0x338: {  	v38 =	vld [tilespmem:$0x1FE30]  }
0x339: {  	v23 =	vld.idx.msk [tilespmem:v2+s17+$0x0], $0xffff  }
0x33a: {  	v28 =	vld.idx.msk [tilespmem:v2+s18+$0x0], $0xffff  }
0x33b: {  	v15 =	vld.idx.msk [tilespmem:v56+s17+$0x0], $0xffff  }
0x33c: {  	[tilespmem:$0x1F8E0] =	vst v44;
	v44 =	vld.idx.msk [tilespmem:v5+s19+$0x0], $0xffff  }
0x33d: {  	v27 =	vld.idx.msk [tilespmem:v5+s17+$0x0], $0xffff;
	v7 =	vor.u32 v38, v1  }
0x33e: {  	v24 =	vld.idx.msk [tilespmem:v5+s18+$0x0], $0xffff  }
0x33f: {  	v38 =	vld.idx.msk [tilespmem:v56+s18+$0x0], $0xffff  }
0x340: {  	v56 =	vld.idx.msk [tilespmem:v56+s19+$0x0], $0xffff  }
0x341: {  	v39 =	vor.u32 v57, v1;
	[tilespmem:$0x1F900] =	vst v44;
	v44 =	vld.idx.msk [tilespmem:v2+s19+$0x0], $0xffff  }
0x342: {  	v2 =	vor.u32 v45, v1;
	v45 =	vld.idx.msk [tilespmem:v7+s19+$0x0], $0xffff  }
0x343: {  	v5 =	vld [tilespmem:$0x1FB80]  }
0x344: {  	v19 =	vld.idx.msk [tilespmem:v7+s17+$0x0], $0xffff  }
0x345: {  	[tilespmem:$0x1F8F0] =	vst v37;
	v37 =	vld.idx.msk [tilespmem:v7+s18+$0x0], $0xffff  }
0x346: {  	[tilespmem:$0x1F930] =	vst v56;
	v7 =	vld.idx.msk [tilespmem:v39+s17+$0x0], $0xffff  }
0x347: {  	v56 =	vld.idx.msk [tilespmem:v39+s18+$0x0], $0xffff;
	[tilespmem:$0x1F920] =	vst v45;
	v45 =	vor.u32 v9, v1  }
0x348: {  	v39 =	vld.idx.msk [tilespmem:v39+s19+$0x0], $0xffff  }
0x349: {  	v57 =	vld.idx.msk [tilespmem:v2+s19+$0x0], $0xffff  }
0x34a: {  	v12 =	vld.idx.msk [tilespmem:v2+s17+$0x0], $0xffff  }
0x34b: {  	[tilespmem:$0x1F910] =	vst v44;
	v44 =	vld.idx.msk [tilespmem:v2+s18+$0x0], $0xffff;
	v2 =	vor.u32 v5, v1  }
0x34c: {  	v5 =	vld.idx.msk [tilespmem:v45+s17+$0x0], $0xffff  }
0x34d: {  	[tilespmem:$0x1F960] =	vst v39;
	v39 =	vld.idx.msk [tilespmem:v45+s18+$0x0], $0xffff  }
0x34e: {  	[tilespmem:$0x1F950] =	vst v57;
	v57 =	vld [tilespmem:$0x1FB90]  }
0x34f: {  	v45 =	vld.idx.msk [tilespmem:v45+s19+$0x0], $0xffff  }
0x350: {  	v0 =	vld.idx.msk [tilespmem:v2+s18+$0x0], $0xffff;
	_ =	sdelay $0x2  }
0x351: {  	v57 =	vor.u32 v57, v1  }
0x352: {  	[tilespmem:$0x1F970] =	vst v45  }
0x353: {  	v45 =	vmul.f32 v3, v6;
	[tilespmem:$0x1F940] =	vst v0;
	v0 =	vld [tilespmem:$0x1FBA0];
	_ =	sdelay $0x1  }
0x354: {  	v8 =	vmul.f32 v8, v11;
	v45 =	vadd.f32 $0.0e+00, v45  }
0x355: {  	v9 =	vld.idx.msk [tilespmem:v57+s17+$0x0], $0xffff  }
0x356: {  	v8 =	vadd.f32 v8, v45;
	v45 =	vld.idx.msk [tilespmem:v57+s18+$0x0], $0xffff  }
0x357: {  	v0 =	vor.u32 v0, v1;
	v57 =	vld.idx.msk [tilespmem:v57+s19+$0x0], $0xffff;
	_ =	sdelay $0x2  }
0x358: {  	v14 =	vmul.f32 v14, v18;
	v3 =	vld.idx.msk [tilespmem:v2+s17+$0x0], $0xffff  }
0x359: {  	v6 =	vmul.f32 v10, v6;
	v10 =	vld [tilespmem:$0x1FBC0]  }
0x35a: {  	v14 =	vadd.f32 v14, v8;
	[tilespmem:$0x1F990] =	vst v57;
	v57 =	vmul.f32 v4, v22;
	v4 =	vld.idx.msk [tilespmem:v0+s17+$0x0], $0xffff  }
0x35b: {  	v8 =	vld.idx.msk [tilespmem:v0+s18+$0x0], $0xffff  }
0x35c: {  	v57 =	vadd.f32 v57, v14;
	v14 =	vld.idx.msk [tilespmem:v0+s19+$0x0], $0xffff;
	v0 =	vmul.f32 v17, v11;
	v11 =	vadd.f32 $0.0e+00, v6  }
0x35d: {  	v2 =	vld.idx.msk [tilespmem:v2+s19+$0x0], $0xffff  }
0x35e: {  	v18 =	vmul.f32 v21, v18;
	v10 =	vor.u32 v10, v1;
	v0 =	vadd.f32 v0, v11  }
0x35f: {  	v30 =	vmul.f32 v30, v26;
	v17 =	vld [tilespmem:$0x1FBD0]  }
0x360: {  	v0 =	vadd.f32 v18, v0;
	v18 =	vmul.f32 v25, v22;
	v22 =	vld [tilespmem:$0x1FBE0]  }
0x361: {  	v40 =	vmul.f32 v40, v35;
	v30 =	vadd.f32 v30, v57  }
0x362: {  	[tilespmem:$0x1F980] =	vst v2;
	v2 =	vld [tilespmem:$0x1FBB0]  }
0x363: {  	v11 =	vld.idx.msk [tilespmem:v10+s17+$0x0], $0xffff;
	v21 =	vadd.f32 v40, v30;
	v30 =	vmul.f32 v47, v46  }
0x364: {  	v40 =	vld.idx.msk [tilespmem:v10+s18+$0x0], $0xffff;
	v17 =	vor.u32 v17, v1  }
0x365: {  	v25 =	vor.u32 v22, v1;
	v22 =	vadd.f32 v30, v21;
	v21 =	vld.idx.msk [tilespmem:v10+s19+$0x0], $0xffff  }
0x366: {  	v0 =	vadd.f32 v18, v0;
	v10 =	vmul.f32 v31, v26;
	v26 =	vld [tilespmem:$0x1FBF0]  }
0x367: {  	v30 =	vmul.f32 v51, v49  }
0x368: {  	v2 =	vor.u32 v2, v1;
	v0 =	vadd.f32 v10, v0;
	v10 =	vmul.f32 v41, v35  }
0x369: {  	v18 =	vld.idx.msk [tilespmem:v17+s17+$0x0], $0xffff;
	v22 =	vadd.f32 v30, v22;
	v30 =	vmul.f32 v58, v54  }
0x36a: {  	v47 =	vld.idx.msk [tilespmem:v17+s18+$0x0], $0xffff;
	v0 =	vadd.f32 v10, v0;
	v10 =	vmul.f32 v48, v46  }
0x36b: {  	v31 =	vor.u32 v26, v1;
	v26 =	vld.idx.msk [tilespmem:v17+s19+$0x0], $0xffff;
	v17 =	vadd.f32 v30, v22;
	v30 =	vmul.f32 v61, v60  }
0x36c: {  	v0 =	vadd.f32 v10, v0;
	v10 =	vmul.f32 v52, v49  }
0x36d: {  	v6 =	vld.idx.msk [tilespmem:v2+s17+$0x0], $0xffff;
	v48 =	vmul.f32 v63, v36;
	v17 =	vadd.f32 v30, v17  }
0x36e: {  	v57 =	vld.idx.msk [tilespmem:v2+s18+$0x0], $0xffff;
	v0 =	vadd.f32 v10, v0;
	v10 =	vmul.f32 v59, v54  }
0x36f: {  	v2 =	vld.idx.msk [tilespmem:v2+s19+$0x0], $0xffff;
	v8 =	vmul.f32 v8, v4;
	v61 =	vmul.f32 v50, v53;
	v17 =	vadd.f32 v48, v17  }
0x370: {  	v4 =	vmul.f32 v14, v4;
	v14 =	vld [tilespmem:$0x1FF80];
	v0 =	vadd.f32 v10, v0;
	v10 =	vmul.f32 v62, v60  }
0x371: {  	v13 =	vmul.f32 v13, v42;
	v58 =	vld [tilespmem:$0x1FE70];
	v17 =	vadd.f32 v61, v17  }
0x372: {  	v61 =	vld [tilespmem:$0x1F8D0];
	v0 =	vadd.f32 v10, v0;
	v10 =	vmul.f32 v34, v36  }
0x373: {  	v16 =	vmul.f32 v16, v33;
	v46 =	vld [tilespmem:$0x1FFF0];
	v13 =	vadd.f32 v13, v17  }
0x374: {  	v22 =	vld.idx.msk [tilespmem:v25+s17+$0x0], $0xffff;
	v0 =	vadd.f32 v10, v0;
	v10 =	vmul.f32 v43, v53  }
0x375: {  	v41 =	vld.idx.msk [tilespmem:v25+s18+$0x0], $0xffff;
	v13 =	vadd.f32 v16, v13;
	v16 =	vmul.f32 v20, v29  }
0x376: {  	v50 =	vld [tilespmem:$0x1FEC0];
	v10 =	vadd.f32 v10, v0  }
0x377: {  	v30 =	vld.idx.msk [tilespmem:v25+s19+$0x0], $0xffff;
	v13 =	vadd.f32 v16, v13;
	v16 =	vmul.f32 v24, v27;
	v24 =	vmul.f32 v61, v42  }
0x378: {  	v25 =	vld.idx.msk [tilespmem:v31+s17+$0x0], $0xffff  }
0x379: {  	v63 =	vor.u32 v58, v1;
	v10 =	vadd.f32 v24, v10;
	v24 =	vld [tilespmem:$0x1F8E0]  }
0x37a: {  	v49 =	vld.idx.msk [tilespmem:v31+s18+$0x0], $0xffff  }
0x37b: {  	v35 =	vld.idx.msk [tilespmem:v31+s19+$0x0], $0xffff  }
0x37c: {  	v60 =	vld [tilespmem:$0x1FE80]  }
0x37d: {  	v46 =	vor.u32 v46, v1;
	v62 =	vld [tilespmem:$0x1FEA0]  }
0x37e: {  	v36 =	vld.idx.msk [tilespmem:v63+s17+$0x0], $0xffff;
	v24 =	vmul.f32 v24, v33  }
0x37f: {  	v58 =	vld.idx.msk [tilespmem:v63+s19+$0x0], $0xffff  }
0x380: {  	v10 =	vadd.f32 v24, v10;
	v24 =	vld [tilespmem:$0x1F8F0]  }
0x381: {  	v17 =	vld.idx.msk [tilespmem:v63+s18+$0x0], $0xffff  }
0x382: {  	v31 =	vld.idx.msk [tilespmem:v46+s17+$0x0], $0xffff  }
0x383: {  	v48 =	vld.idx.msk [tilespmem:v46+s18+$0x0], $0xffff  }
0x384: {  	v54 =	vld.idx.msk [tilespmem:v46+s19+$0x0], $0xffff  }
0x385: {  	v46 =	vld [tilespmem:$0x1FEB0];
	v24 =	vmul.f32 v24, v29  }
0x386: {  	v51 =	vor.u32 v60, v1;
	v20 =	vld [tilespmem:$0x1FE90]  }
0x387: {  	v10 =	vadd.f32 v24, v10;
	v24 =	vld [tilespmem:$0x1F900]  }
0x388: {  	v60 =	vld [tilespmem:$0x1FCF0]  }
0x389: {  	v63 =	vor.u32 v62, v1;
	v62 =	vld [tilespmem:$0x1F980]  }
0x38a: {  	v61 =	vld [tilespmem:$0x1FD00]  }
0x38b: {  	v13 =	vadd.f32 v16, v13;
	v16 =	vmul.f32 v28, v23;
	v53 =	vld.idx.msk [tilespmem:v51+s17+$0x0], $0xffff  }
0x38c: {  	v59 =	vmov v32;
	v34 =	vld.idx.msk [tilespmem:v51+s18+$0x0], $0xffff;
	v24 =	vmul.f32 v24, v27  }
0x38d: {  	v32 =	vor.u32 v46, v1;
	v0 =	vld.idx.msk [tilespmem:v51+s19+$0x0], $0xffff;
	v13 =	vadd.f32 v16, v13;
	v16 =	vmul.f32 v37, v19  }
0x38e: {  	v20 =	vor.u32 v20, v1;
	v10 =	vadd.f32 v24, v10;
	v24 =	vld [tilespmem:$0x1F910]  }
0x38f: {  	v37 =	vor.u32 v50, v1;
	v50 =	vld [tilespmem:$0x1F990];
	v13 =	vadd.f32 v16, v13;
	v16 =	vmul.f32 v38, v15  }
0x390: {  	v43 =	vor.u32 v61, v1;
	v61 =	vld [tilespmem:$0x1FFB0]  }
0x391: {  	v38 =	vld.idx.msk [tilespmem:v63+s19+$0x0], $0xffff;
	v13 =	vadd.f32 v16, v13;
	v16 =	vmul.f32 v44, v12  }
0x392: {  	v52 =	vor.u32 v59, v1;
	v42 =	vld.idx.msk [tilespmem:v32+s18+$0x0], $0xffff  }
0x393: {  	v33 =	vld.idx.msk [tilespmem:v20+s17+$0x0], $0xffff;
	v13 =	vadd.f32 v16, v13;
	v16 =	vmul.f32 v56, v7;
	v23 =	vmul.f32 v24, v23  }
0x394: {  	v51 =	vor.u32 v55, v1;
	v28 =	vld.idx.msk [tilespmem:v20+s18+$0x0], $0xffff  }
0x395: {  	v13 =	vadd.f32 v16, v13;
	v16 =	vmul.f32 v39, v5;
	v10 =	vadd.f32 v23, v10;
	v23 =	vld [tilespmem:$0x1F920]  }
0x396: {  	v20 =	vld.idx.msk [tilespmem:v20+s19+$0x0], $0xffff  }
0x397: {  	v13 =	vadd.f32 v16, v13;
	v16 =	vld [tilespmem:$0x1F940]  }
0x398: {  	v44 =	vld.idx.msk [tilespmem:v52+s19+$0x0], $0xffff  }
0x399: {  	v56 =	vld [tilespmem:$0x1FDD0]  }
0x39a: {  	v39 =	vld.idx.msk [tilespmem:v51+s18+$0x0], $0xffff;
	v19 =	vmul.f32 v23, v19  }
0x39b: {  	v14 =	vor.u32 v14, v1;
	v29 =	vld.idx.msk [tilespmem:v63+s17+$0x0], $0xffff  }
0x39c: {  	v16 =	vmul.f32 v16, v3;
	v10 =	vadd.f32 v19, v10;
	v19 =	vld [tilespmem:$0x1F930]  }
0x39d: {  	v3 =	vmul.f32 v62, v3;
	v62 =	vmul.f32 v26, v18;
	v26 =	vld [tilespmem:$0x1FFA0]  }
0x39e: {  	v27 =	vld.idx.msk [tilespmem:v63+s18+$0x0], $0xffff;
	v13 =	vadd.f32 v16, v13;
	v16 =	vmul.f32 v45, v9  }
0x39f: {  	v45 =	vor.u32 v60, v1;
	v63 =	vld [tilespmem:$0x1FD10]  }
0x3a0: {  	v60 =	vmul.f32 v21, v11;
	v21 =	vld.idx.msk [tilespmem:v14+s17+$0x0], $0xffff;
	v13 =	vadd.f32 v16, v13  }
0x3a1: {  	v16 =	vld.idx.msk [tilespmem:v52+s17+$0x0], $0xffff;
	v15 =	vmul.f32 v19, v15  }
0x3a2: {  	v8 =	vadd.f32 v8, v13;
	v13 =	vmul.f32 v57, v6;
	v57 =	vld [tilespmem:$0x1FE60]  }
0x3a3: {  	v10 =	vadd.f32 v15, v10;
	v15 =	vld [tilespmem:$0x1F950]  }
0x3a4: {  	v46 =	vor.u32 v63, v1;
	v8 =	vadd.f32 v13, v8;
	v13 =	vmul.f32 v40, v11;
	v40 =	vld.idx.msk [tilespmem:v45+s18+$0x0], $0xffff  }
0x3a5: {  	v24 =	vld.idx.msk [tilespmem:v32+s17+$0x0], $0xffff  }
0x3a6: {  	v8 =	vadd.f32 v13, v8;
	v13 =	vmul.f32 v47, v18;
	v18 =	vld.idx.msk [tilespmem:v14+s18+$0x0], $0xffff  }
0x3a7: {  	v14 =	vld.idx.msk [tilespmem:v14+s19+$0x0], $0xffff  }
0x3a8: {  	v8 =	vadd.f32 v13, v8;
	v13 =	vmul.f32 v41, v22;
	v41 =	vld.idx.msk [tilespmem:v43+s19+$0x0], $0xffff;
	v12 =	vmul.f32 v15, v12  }
0x3a9: {  	v11 =	vld.idx.msk [tilespmem:v46+s19+$0x0], $0xffff  }
0x3aa: {  	v10 =	vadd.f32 v12, v10;
	v12 =	vld [tilespmem:$0x1F960]  }
0x3ab: {  	v23 =	vld.idx.msk [tilespmem:v32+s19+$0x0], $0xffff  }
0x3ac: {  	v32 =	vld.idx.msk [tilespmem:v37+s17+$0x0], $0xffff  }
0x3ad: {  	v19 =	vld.idx.msk [tilespmem:v37+s18+$0x0], $0xffff  }
0x3ae: {  	v26 =	vor.u32 v26, v1;
	v15 =	vld.idx.msk [tilespmem:v51+s17+$0x0], $0xffff  }
0x3af: {  	v7 =	vmul.f32 v12, v7;
	v12 =	vld.idx.msk [tilespmem:v51+s19+$0x0], $0xffff;
	v51 =	vadd.f32 v13, v8;
	v8 =	vmul.f32 v49, v25  }
0x3b0: {  	v2 =	vmul.f32 v2, v6;
	v37 =	vld.idx.msk [tilespmem:v37+s19+$0x0], $0xffff  }
0x3b1: {  	v7 =	vadd.f32 v7, v10;
	v10 =	vld [tilespmem:$0x1F970];
	v6 =	vadd.f32 v8, v51;
	v8 =	vmul.f32 v48, v31  }
0x3b2: {  	v13 =	vld.idx.msk [tilespmem:v46+s18+$0x0], $0xffff  }
0x3b3: {  	v48 =	vld [tilespmem:$0x1FFC0];
	v6 =	vadd.f32 v8, v6;
	v8 =	vmul.f32 v17, v36  }
0x3b4: {  	v47 =	vmul.f32 v54, v31;
	v31 =	vld.idx.msk [tilespmem:v26+s18+$0x0], $0xffff  }
0x3b5: {  	v0 =	vmul.f32 v0, v53;
	v6 =	vadd.f32 v8, v6;
	v8 =	vmul.f32 v34, v53;
	v53 =	vld [tilespmem:$0x1FDC0]  }
0x3b6: {  	v5 =	vmul.f32 v10, v5;
	v10 =	vld.idx.msk [tilespmem:v52+s18+$0x0], $0xffff  }
0x3b7: {  	v63 =	vmul.f32 v30, v22;
	v30 =	vor.u32 v61, v1;
	v52 =	vld [tilespmem:$0x1FF90]  }
0x3b8: {  	v34 =	vor.u32 v48, v1;
	v48 =	vmul.f32 v44, v16;
	v44 =	vld [tilespmem:$0x1FDB0]  }
0x3b9: {  	v6 =	vadd.f32 v8, v6;
	v8 =	vmul.f32 v28, v33;
	v28 =	vld.idx.msk [tilespmem:v26+s17+$0x0], $0xffff  }
0x3ba: {  	v26 =	vld.idx.msk [tilespmem:v26+s19+$0x0], $0xffff  }
0x3bb: {  	v5 =	vadd.f32 v5, v7;
	v7 =	vld.idx.msk [tilespmem:v45+s17+$0x0], $0xffff  }
0x3bc: {  	v6 =	vadd.f32 v8, v6;
	v8 =	vmul.f32 v27, v29;
	v27 =	vld.idx.msk [tilespmem:v30+s17+$0x0], $0xffff  }
0x3bd: {  	v3 =	vadd.f32 v3, v5;
	v5 =	vmul.f32 v50, v9;
	v9 =	vld.idx.msk [tilespmem:v45+s19+$0x0], $0xffff  }
0x3be: {  	v45 =	vld.idx.msk [tilespmem:v43+s17+$0x0], $0xffff  }
0x3bf: {  	v50 =	vld [tilespmem:$0x1FFE0]  }
0x3c0: {  	v54 =	vmul.f32 v20, v33;
	v20 =	vld.idx.msk [tilespmem:v34+s18+$0x0], $0xffff  }
0x3c1: {  	v33 =	vld.idx.msk [tilespmem:v34+s19+$0x0], $0xffff  }
0x3c2: {  	v3 =	vadd.f32 v5, v3;
	v5 =	vld.idx.msk [tilespmem:v43+s18+$0x0], $0xffff  }
0x3c3: {  	v6 =	vadd.f32 v8, v6;
	v8 =	vmul.f32 v42, v24;
	v43 =	vor.u32 v52, v1;
	v52 =	vld [tilespmem:$0x1FFD0]  }
0x3c4: {  	v42 =	vmul.f32 v26, v28;
	v26 =	vld [tilespmem:$0x1FAD0]  }
0x3c5: {  	v6 =	vadd.f32 v8, v6;
	v8 =	vmul.f32 v19, v32;
	v19 =	vld.idx.msk [tilespmem:v34+s17+$0x0], $0xffff  }
0x3c6: {  	v3 =	vadd.f32 v4, v3;
	v4 =	vld.idx.msk [tilespmem:v46+s17+$0x0], $0xffff  }
0x3c7: {  	v46 =	vmul.f32 v35, v25;
	v35 =	vld.idx.msk [tilespmem:v30+s18+$0x0], $0xffff  }
0x3c8: {  	v49 =	vmul.f32 v58, v36;
	v6 =	vadd.f32 v8, v6;
	v8 =	vmul.f32 v39, v15;
	v39 =	vld [tilespmem:$0x1FE40]  }
0x3c9: {  	v58 =	vmul.f32 v38, v29;
	v38 =	vmul.f32 v12, v15;
	v15 =	vld [tilespmem:$0x1FAB0]  }
0x3ca: {  	v2 =	vadd.f32 v2, v3;
	v3 =	vld.idx.msk [tilespmem:v30+s19+$0x0], $0xffff  }
0x3cb: {  	v30 =	vor.u32 v50, v1;
	v50 =	vmul.f32 v9, v7;
	v9 =	vld [tilespmem:$0x1FF10]  }
0x3cc: {  	v17 =	vld.idx.msk [tilespmem:v43+s17+$0x0], $0xffff  }
0x3cd: {  	v22 =	vld.idx.msk [tilespmem:v43+s18+$0x0], $0xffff;
	v36 =	vor.u32 v52, v1  }
0x3ce: {  	v25 =	vld.idx.msk [tilespmem:v43+s19+$0x0], $0xffff;
	v6 =	vadd.f32 v8, v6;
	v8 =	vmul.f32 v10, v16;
	v2 =	vadd.f32 v60, v2  }
0x3cf: {  	v61 =	vmul.f32 v23, v24;
	v60 =	vld [tilespmem:$0x1FEF0]  }
0x3d0: {  	v6 =	vadd.f32 v8, v6;
	v8 =	vmul.f32 v40, v7;
	v2 =	vadd.f32 v62, v2;
	v24 =	vld.idx.msk [tilespmem:v30+s17+$0x0], $0xffff  }
0x3d1: {  	v62 =	vmul.f32 v37, v32;
	v32 =	vld.idx.msk [tilespmem:v30+s18+$0x0], $0xffff  }
0x3d2: {  	v15 =	vor.u32 v15, v1;
	v6 =	vadd.f32 v8, v6;
	v8 =	vld.idx.msk [tilespmem:v30+s19+$0x0], $0xffff;
	v2 =	vadd.f32 v63, v2  }
0x3d3: {  	v9 =	vor.u32 v9, v1;
	v29 =	vld.idx.msk [tilespmem:v36+s17+$0x0], $0xffff  }
0x3d4: {  	v63 =	vld [tilespmem:$0x1FF00];
	v2 =	vadd.f32 v46, v2  }
0x3d5: {  	v10 =	vld.idx.msk [tilespmem:v36+s18+$0x0], $0xffff  }
0x3d6: {  	v23 =	vld.idx.msk [tilespmem:v36+s19+$0x0], $0xffff;
	v2 =	vadd.f32 v47, v2  }
0x3d7: {  	v34 =	vor.u32 v60, v1;
	v30 =	vld.idx.msk [tilespmem:v15+s17+$0x0], $0xffff  }
0x3d8: {  	v37 =	vmul.f32 v14, v21;
	v14 =	vld.idx.msk [tilespmem:v9+s18+$0x0], $0xffff;
	v2 =	vadd.f32 v49, v2  }
0x3d9: {  	v40 =	vmul.f32 v13, v4;
	v36 =	vor.u32 v63, v1;
	v63 =	vmul.f32 v11, v4;
	v4 =	vld.idx.msk [tilespmem:v15+s19+$0x0], $0xffff  }
0x3da: {  	v11 =	vld.idx.msk [tilespmem:v9+s17+$0x0], $0xffff;
	v0 =	vadd.f32 v0, v2  }
0x3db: {  	v5 =	vmul.f32 v5, v45;
	v9 =	vld.idx.msk [tilespmem:v9+s19+$0x0], $0xffff  }
0x3dc: {  	v12 =	vld.idx.msk [tilespmem:v34+s17+$0x0], $0xffff;
	v0 =	vadd.f32 v54, v0  }
0x3dd: {  	v5 =	vadd.f32 v5, v6;
	v13 =	vld.idx.msk [tilespmem:v34+s18+$0x0], $0xffff  }
0x3de: {  	v16 =	vld.idx.msk [tilespmem:v34+s19+$0x0], $0xffff;
	v0 =	vadd.f32 v58, v0  }
0x3df: {  	v26 =	vor.u32 v26, v1;
	v5 =	vadd.f32 v40, v5;
	v49 =	vmul.f32 v18, v21;
	v18 =	vld.idx.msk [tilespmem:v36+s17+$0x0], $0xffff  }
0x3e0: {  	v54 =	vld [tilespmem:$0x1FA90];
	v0 =	vadd.f32 v61, v0  }
0x3e1: {  	v52 =	vmul.f32 v22, v17;
	v5 =	vadd.f32 v49, v5;
	v51 =	vld.idx.msk [tilespmem:v36+s18+$0x0], $0xffff  }
0x3e2: {  	v58 =	vld [tilespmem:$0x1FA80];
	v0 =	vadd.f32 v62, v0  }
0x3e3: {  	v22 =	vld.idx.msk [tilespmem:v36+s19+$0x0], $0xffff;
	v5 =	vadd.f32 v52, v5  }
0x3e4: {  	v52 =	vmul.f32 v23, v29;
	v23 =	vld.idx.msk [tilespmem:v26+s17+$0x0], $0xffff;
	v61 =	vmul.f32 v31, v28;
	v0 =	vadd.f32 v38, v0  }
0x3e5: {  	v31 =	vld.idx.msk [tilespmem:v15+s18+$0x0], $0xffff;
	v15 =	vor.u32 v54, v1  }
0x3e6: {  	v5 =	vadd.f32 v61, v5;
	v61 =	vmul.f32 v16, v12;
	v16 =	vld [tilespmem:$0x1FAA0];
	v0 =	vadd.f32 v48, v0  }
0x3e7: {  	v62 =	vor.u32 v58, v1;
	v58 =	vmul.f32 v8, v24;
	v8 =	vld.idx.msk [tilespmem:v26+s18+$0x0], $0xffff  }
0x3e8: {  	v60 =	vmul.f32 v41, v45;
	v43 =	vmul.f32 v32, v24;
	v24 =	vld [tilespmem:$0x1FF30];
	v0 =	vadd.f32 v50, v0  }
0x3e9: {  	v38 =	vmul.f32 v20, v19;
	v20 =	vld [tilespmem:$0x1FAC0]  }
0x3ea: {  	v49 =	vmul.f32 v33, v19;
	v36 =	vmul.f32 v35, v27;
	v19 =	vld [tilespmem:$0x1FF20];
	v0 =	vadd.f32 v60, v0  }
0x3eb: {  	v40 =	vmul.f32 v25, v17;
	v25 =	vld.idx.msk [tilespmem:v15+s17+$0x0], $0xffff  }
0x3ec: {  	v5 =	vadd.f32 v36, v5;
	v47 =	vld.idx.msk [tilespmem:v15+s18+$0x0], $0xffff;
	v0 =	vadd.f32 v63, v0  }
0x3ed: {  	v41 =	vmul.f32 v10, v29;
	v48 =	vmul.f32 v13, v12;
	v13 =	vld.idx.msk [tilespmem:v15+s19+$0x0], $0xffff;
	v16 =	vor.u32 v16, v1  }
0x3ee: {  	v5 =	vadd.f32 v38, v5;
	v17 =	vld.idx.msk [tilespmem:v62+s17+$0x0], $0xffff;
	v24 =	vor.u32 v24, v1;
	v0 =	vadd.f32 v37, v0  }
0x3ef: {  	v10 =	vld.idx.msk [tilespmem:v62+s18+$0x0], $0xffff;
	v20 =	vor.u32 v20, v1  }
0x3f0: {  	v21 =	vld.idx.msk [tilespmem:v62+s19+$0x0], $0xffff;
	v5 =	vadd.f32 v41, v5;
	v19 =	vor.u32 v19, v1;
	v0 =	vadd.f32 v40, v0  }
0x3f1: {  	v46 =	vmul.f32 v3, v27;
	v60 =	vmul.f32 v14, v11;
	v14 =	vld.idx.msk [tilespmem:v26+s19+$0x0], $0xffff  }
0x3f2: {  	v38 =	vmul.f32 v8, v23;
	v5 =	vadd.f32 v43, v5;
	v8 =	vld.idx.msk [tilespmem:v16+s18+$0x0], $0xffff;
	v0 =	vadd.f32 v42, v0  }
0x3f3: {  	v32 =	vld.idx.msk [tilespmem:v24+s17+$0x0], $0xffff  }
0x3f4: {  	v50 =	vmul.f32 v51, v18;
	v5 =	vadd.f32 v48, v5;
	v15 =	vld.idx.msk [tilespmem:v20+s17+$0x0], $0xffff;
	v0 =	vadd.f32 v46, v0  }
0x3f5: {  	v54 =	vmul.f32 v31, v30;
	v12 =	vld.idx.msk [tilespmem:v19+s17+$0x0], $0xffff  }
0x3f6: {  	v62 =	vmul.f32 v10, v17;
	v5 =	vadd.f32 v50, v5;
	v10 =	vld.idx.msk [tilespmem:v19+s18+$0x0], $0xffff;
	v0 =	vadd.f32 v49, v0  }
0x3f7: {  	v63 =	vmul.f32 v22, v18;
	v18 =	vld.idx.msk [tilespmem:v19+s19+$0x0], $0xffff  }
0x3f8: {  	v19 =	vld [tilespmem:$0x1FF40];
	v5 =	vadd.f32 v54, v5;
	v0 =	vadd.f32 v52, v0  }
0x3f9: {  	v51 =	vld.idx.msk [tilespmem:v20+s18+$0x0], $0xffff  }
0x3fa: {  	v37 =	vmul.f32 v9, v11;
	v11 =	vld [tilespmem:$0x1FF50];
	v5 =	vadd.f32 v60, v5;
	v0 =	vadd.f32 v58, v0  }
0x3fb: {  	v3 =	vmul.f32 v47, v25;
	v34 =	vld.idx.msk [tilespmem:v24+s18+$0x0], $0xffff  }
0x3fc: {  	v40 =	vmul.f32 v21, v17;
	v17 =	vld [tilespmem:$0x1FF60];
	v5 =	vadd.f32 v62, v5;
	v0 =	vadd.f32 v61, v0  }
0x3fd: {  	v33 =	vmul.f32 v4, v30;
	v36 =	vld.idx.msk [tilespmem:v24+s19+$0x0], $0xffff;
	v19 =	vor.u32 v19, v1  }
0x3fe: {  	v21 =	vld [tilespmem:$0x1FF70];
	v35 =	vmul.f32 v51, v15;
	v3 =	vadd.f32 v3, v5;
	v0 =	vadd.f32 v63, v0  }
0x3ff: {  	v20 =	vld.idx.msk [tilespmem:v20+s19+$0x0], $0xffff;
	v11 =	vor.u32 v11, v1  }
0x400: {  	v9 =	vld.idx.msk [tilespmem:v16+s17+$0x0], $0xffff;
	v3 =	vadd.f32 v35, v3;
	v0 =	vadd.f32 v33, v0  }
0x401: {  	v16 =	vld.idx.msk [tilespmem:v16+s19+$0x0], $0xffff;
	v17 =	vor.u32 v17, v1  }
0x402: {  	v41 =	vmul.f32 v10, v12;
	v10 =	vld.idx.msk [tilespmem:v19+s17+$0x0], $0xffff;
	v3 =	vadd.f32 v38, v3;
	v0 =	vadd.f32 v37, v0  }
0x403: {  	v42 =	vmul.f32 v13, v25;
	v1 =	vor.u32 v21, v1;
	v13 =	vld.idx.msk [tilespmem:v19+s18+$0x0], $0xffff  }
0x404: {  	v4 =	vmul.f32 v34, v32;
	v43 =	vld.idx.msk [tilespmem:v11+s17+$0x0], $0xffff;
	v3 =	vadd.f32 v41, v3;
	v0 =	vadd.f32 v40, v0  }
0x405: {  	v46 =	vmul.f32 v20, v15;
	v15 =	vld.idx.msk [tilespmem:v11+s18+$0x0], $0xffff  }
0x406: {  	v47 =	vmul.f32 v8, v9;
	v8 =	vld.idx.msk [tilespmem:v17+s17+$0x0], $0xffff;
	v3 =	vadd.f32 v4, v3;
	v0 =	vadd.f32 v42, v0  }
0x407: {  	v48 =	vmul.f32 v14, v23;
	v50 =	vmul.f32 v18, v12;
	v14 =	vld.idx.msk [tilespmem:v17+s18+$0x0], $0xffff  }
0x408: {  	v12 =	vld.idx.msk [tilespmem:v1+s18+$0x0], $0xffff;
	v49 =	vmul.f32 v13, v10;
	v3 =	vadd.f32 v47, v3;
	v0 =	vadd.f32 v46, v0  }
0x409: {  	v13 =	vld.idx.msk [tilespmem:v1+s17+$0x0], $0xffff  }
0x40a: {  	v45 =	vld [tilespmem:$0x1FE50];
	v51 =	vmul.f32 v15, v43;
	v3 =	vadd.f32 v49, v3;
	v0 =	vadd.f32 v48, v0  }
0x40b: {  	v52 =	vmul.f32 v36, v32;
	v54 =	vld.idx.msk [tilespmem:v19+s19+$0x0], $0xffff  }
0x40c: {  	v58 =	vld.idx.msk [tilespmem:v11+s19+$0x0], $0xffff;
	v60 =	vmul.f32 v14, v8;
	v3 =	vadd.f32 v51, v3;
	v0 =	vadd.f32 v50, v0  }
0x40d: {  	v9 =	vmul.f32 v16, v9;
	v61 =	vld [tilespmem:s21+$0x0]  }
0x40e: {  	v11 =	vld.idx.msk [tilespmem:v17+s19+$0x0], $0xffff;
	v62 =	vmul.f32 v12, v13;
	v3 =	vadd.f32 v60, v3;
	v0 =	vadd.f32 v52, v0  }
0x40f: {  	v12 =	vld [tilespmem:s23+$0x0]  }
0x410: {  	v27 =	vld [tilespmem:$0x1FD80];
	v6 =	vmul.f32 v54, v10;
	v3 =	vadd.f32 v62, v3;
	v0 =	vadd.f32 v9, v0  }
0x411: {  	v1 =	vld.idx.msk [tilespmem:v1+s19+$0x0], $0xffff  }
0x412: {  	v29 =	vld [tilespmem:$0x1FDA0];
	v4 =	vmul.f32 v58, v43;
	v3 =	vadd.f32 v61, v3;
	v0 =	vadd.f32 v6, v0  }
0x413: {  	v28 =	vld [tilespmem:$0x1FD90]  }
0x414: {  	v24 =	vld [tilespmem:$0x1FE00];
	v63 =	vmul.f32 v11, v8;
	v3 =	vadd.f32 v12, v3;
	v0 =	vadd.f32 v4, v0  }
0x415: {  	v23 =	vld [tilespmem:$0x1FDF0]  }
0x416: {  	v16 =	vld [tilespmem:$0x1FD60];
	v1 =	vmul.f32 v1, v13;
	[tilespmem:s7+$0x0] =	vst v3;
	v0 =	vadd.f32 v63, v0  }
0x417: {  	v3 =	vld [tilespmem:s25+$0x0]  }
0x418: {  	v20 =	vld [tilespmem:$0x1FD70];
	v0 =	vadd.f32 v1, v0  }
0x419: {  	p0 =	sne.s32 s2, $0x70;
	v19 =	vld [tilespmem:$0x1FDE0]  }
.Ltmp2:
0x41a: {  	v15 =	vld [tilespmem:$0x1FD50];
	v0 =	vadd.f32 v0, v61;
	(pc) =	sbr.rel @p0 .LBB2_6-.Ltmp2, $4  }
0x41b: {  	v14 =	vld [tilespmem:$0x1FD40]  }
0x41c: {  	v13 =	vld [tilespmem:$0x1FD30];
	v0 =	vadd.f32 v3, v0  }
0x41d: {  	s2 =	sadd.s32 $0x10, s2;
	s21 =	sadd.s32 $0x10, s21;
	s23 =	sadd.s32 $0x10, s23;
	v12 =	vld [tilespmem:$0x1FD20]  }
0x41e: {  	v11 =	vlaneseq.u32;
	s7 =	sadd.s32 $0x10, s7;
	s25 =	sadd.s32 $0x10, s25;
	v9 =	vld [tilespmem:$0x1FB70];
	[tilespmem:s4+$0x0] =	vst v0;
	s4 =	sadd.s32 $0x10, s4  }
0x41f: {  	_ =	swait.ge [sflag:s8], $0x2000  }
0x420: {  	[sflag:s8] =	ssyncset.done $0x0  }
0x421: {  	[sflag:s8] =	ssyncadd.s32 $0xFFFFE000  }
0x422: {  	_ =	swait.ge [sflag:s9], $0x2000  }
0x423: {  	[sflag:s9] =	ssyncset.done $0x0  }
0x424: {  	[sflag:s9] =	ssyncadd.s32 $0xFFFFE000  }
0x425: {  	_ =	swait.ge [sflag:s26], $0x2000  }
0x426: {  	[sflag:s26] =	ssyncset.done $0x0  }
0x427: {  	[sflag:s26] =	ssyncadd.s32 $0xFFFFE000  }
0x428: {  	_ =	swait.ge [sflag:s8], $0x80  }
0x429: {  	[sflag:s8] =	ssyncset.done $0x0  }
0x42a: {  	[sflag:s8] =	ssyncadd.s32 $0xFFFFFF80  }
0x42b: {  	_ =	swait.ge [sflag:s9], $0x80  }
0x42c: {  	[sflag:s9] =	ssyncset.done $0x0  }
0x42d: {  	[sflag:s9] =	ssyncadd.s32 $0xFFFFFF80  }
0x42e: {  	_ =	swait.ge [sflag:s26], $0x80  }
0x42f: {  	v32 =	vld [tilespmem:$0x1FE10]  }
0x430: {  	s2 =	simm.s32 $0x0;
	s4 =	simm.s32 $0xCC80;
	v37 =	vld [tilespmem:$0x1FE20]  }
0x431: {  	s7 =	simm.s32 $0xCA80;
	s21 =	simm.s32 $0xC680;
	[sflag:s26] =	ssyncset.done $0x0;
	v38 =	vld [tilespmem:$0x1FE30]  }
0x432: {  	s23 =	simm.s32 $0xC780;
	s25 =	simm.s32 $0xC880;
	v61 =	vld [tilespmem:$0x1FFF0];
	[sflag:s26] =	ssyncadd.s32 $0xFFFFFF80  }
.LBB2_8:
0x433: {  	v0 =	vmov s2  }
0x434: {  	v0 =	vshll.u32 v0, $0x6  }
0x435: {  	v1 =	vor.u32 v12, v0  }
0x436: {  	v0 =	vor.u32 v11, v1;
	_ =	sdelay $0x2  }
0x437: {  	v2 =	vor.u32 v13, v1;
	_ =	sdelay $0x1  }
0x438: {  	v6 =	vld.idx.msk [tilespmem:v0+s20+$0x0], $0xffff  }
0x439: {  	v4 =	vor.u32 v14, v1;
	v3 =	vld.idx.msk [tilespmem:v0+s22+$0x0], $0xffff  }
0x43a: {  	v10 =	vld.idx.msk [tilespmem:v0+s24+$0x0], $0xffff  }
0x43b: {  	v11 =	vld.idx.msk [tilespmem:v2+s20+$0x0], $0xffff  }
0x43c: {  	v5 =	vor.u32 v15, v1;
	v8 =	vld.idx.msk [tilespmem:v2+s22+$0x0], $0xffff  }
0x43d: {  	v17 =	vld.idx.msk [tilespmem:v2+s24+$0x0], $0xffff  }
0x43e: {  	v18 =	vld.idx.msk [tilespmem:v4+s20+$0x0], $0xffff  }
0x43f: {  	v62 =	vor.u32 v16, v1;
	v14 =	vld.idx.msk [tilespmem:v4+s22+$0x0], $0xffff  }
0x440: {  	v21 =	vld.idx.msk [tilespmem:v4+s24+$0x0], $0xffff  }
0x441: {  	v22 =	vld.idx.msk [tilespmem:v5+s20+$0x0], $0xffff  }
0x442: {  	v7 =	vor.u32 v20, v1;
	v4 =	vld.idx.msk [tilespmem:v5+s22+$0x0], $0xffff  }
0x443: {  	v25 =	vld.idx.msk [tilespmem:v5+s24+$0x0], $0xffff  }
0x444: {  	v26 =	vld.idx.msk [tilespmem:v62+s20+$0x0], $0xffff  }
0x445: {  	v63 =	vor.u32 v27, v1;
	v30 =	vld.idx.msk [tilespmem:v62+s22+$0x0], $0xffff  }
0x446: {  	v31 =	vld.idx.msk [tilespmem:v62+s24+$0x0], $0xffff  }
0x447: {  	v35 =	vld.idx.msk [tilespmem:v7+s20+$0x0], $0xffff  }
0x448: {  	v34 =	vor.u32 v28, v1;
	v40 =	vld.idx.msk [tilespmem:v7+s22+$0x0], $0xffff  }
0x449: {  	v41 =	vld.idx.msk [tilespmem:v7+s24+$0x0], $0xffff  }
0x44a: {  	v46 =	vld.idx.msk [tilespmem:v63+s20+$0x0], $0xffff  }
0x44b: {  	v36 =	vor.u32 v29, v1;
	v47 =	vld.idx.msk [tilespmem:v63+s22+$0x0], $0xffff  }
0x44c: {  	v48 =	vld.idx.msk [tilespmem:v63+s24+$0x0], $0xffff  }
0x44d: {  	v49 =	vld.idx.msk [tilespmem:v34+s20+$0x0], $0xffff  }
0x44e: {  	v42 =	vor.u32 v44, v1;
	v51 =	vld.idx.msk [tilespmem:v34+s22+$0x0], $0xffff  }
0x44f: {  	v52 =	vld.idx.msk [tilespmem:v34+s24+$0x0], $0xffff  }
0x450: {  	v54 =	vld.idx.msk [tilespmem:v36+s20+$0x0], $0xffff  }
0x451: {  	v43 =	vor.u32 v53, v1;
	v58 =	vld.idx.msk [tilespmem:v36+s22+$0x0], $0xffff  }
0x452: {  	v59 =	vld.idx.msk [tilespmem:v36+s24+$0x0], $0xffff  }
0x453: {  	v60 =	vld.idx.msk [tilespmem:v42+s20+$0x0], $0xffff  }
0x454: {  	v44 =	vor.u32 v56, v1;
	v13 =	vld.idx.msk [tilespmem:v42+s22+$0x0], $0xffff  }
0x455: {  	v62 =	vld.idx.msk [tilespmem:v42+s24+$0x0], $0xffff  }
0x456: {  	v36 =	vld.idx.msk [tilespmem:v43+s20+$0x0], $0xffff  }
0x457: {  	v56 =	vor.u32 v19, v1;
	v63 =	vld.idx.msk [tilespmem:v43+s22+$0x0], $0xffff  }
0x458: {  	v34 =	vld.idx.msk [tilespmem:v43+s24+$0x0], $0xffff  }
0x459: {  	v53 =	vld.idx.msk [tilespmem:v44+s20+$0x0], $0xffff  }
0x45a: {  	v50 =	vld.idx.msk [tilespmem:v44+s22+$0x0], $0xffff;
	v2 =	vor.u32 v23, v1  }
0x45b: {  	v43 =	vld.idx.msk [tilespmem:v44+s24+$0x0], $0xffff  }
0x45c: {  	v42 =	vld.idx.msk [tilespmem:v56+s20+$0x0], $0xffff  }
0x45d: {  	v16 =	vld.idx.msk [tilespmem:v56+s22+$0x0], $0xffff;
	v44 =	vor.u32 v24, v1  }
0x45e: {  	v55 =	vld.idx.msk [tilespmem:v56+s24+$0x0], $0xffff  }
0x45f: {  	v33 =	vld.idx.msk [tilespmem:v2+s20+$0x0], $0xffff  }
0x460: {  	v56 =	vor.u32 v32, v1;
	v20 =	vld.idx.msk [tilespmem:v2+s22+$0x0], $0xffff  }
0x461: {  	v32 =	vld.idx.msk [tilespmem:v2+s24+$0x0], $0xffff  }
0x462: {  	v29 =	vld.idx.msk [tilespmem:v44+s20+$0x0], $0xffff  }
0x463: {  	v24 =	vld.idx.msk [tilespmem:v44+s22+$0x0], $0xffff;
	v2 =	vor.u32 v37, v1  }
0x464: {  	v37 =	vld.idx.msk [tilespmem:v44+s24+$0x0], $0xffff  }
0x465: {  	v44 =	vld.idx.msk [tilespmem:v56+s24+$0x0], $0xffff  }
0x466: {  	v7 =	vor.u32 v38, v1;
	v27 =	vld.idx.msk [tilespmem:v56+s20+$0x0], $0xffff  }
0x467: {  	v28 =	vld.idx.msk [tilespmem:v56+s22+$0x0], $0xffff;
	v56 =	vor.u32 v39, v1  }
0x468: {  	v23 =	vld.idx.msk [tilespmem:v2+s20+$0x0], $0xffff  }
0x469: {  	[tilespmem:$0x1F810] =	vst v32;
	v32 =	vld.idx.msk [tilespmem:v2+s22+$0x0], $0xffff  }
0x46a: {  	[tilespmem:$0x1F830] =	vst v44;
	v44 =	vld.idx.msk [tilespmem:v2+s24+$0x0], $0xffff  }
0x46b: {  	v2 =	vor.u32 v45, v1;
	v45 =	vld.idx.msk [tilespmem:v7+s24+$0x0], $0xffff  }
0x46c: {  	v15 =	vld.idx.msk [tilespmem:v56+s20+$0x0], $0xffff  }
0x46d: {  	v39 =	vor.u32 v57, v1;
	v38 =	vld.idx.msk [tilespmem:v56+s22+$0x0], $0xffff  }
0x46e: {  	v56 =	vld.idx.msk [tilespmem:v56+s24+$0x0], $0xffff  }
0x46f: {  	v5 =	vld [tilespmem:$0x1FB80]  }
0x470: {  	v19 =	vld.idx.msk [tilespmem:v7+s20+$0x0], $0xffff  }
0x471: {  	[tilespmem:$0x1F820] =	vst v37;
	v37 =	vld.idx.msk [tilespmem:v7+s22+$0x0], $0xffff  }
0x472: {  	v7 =	vld.idx.msk [tilespmem:v39+s20+$0x0], $0xffff;
	[tilespmem:$0x1F850] =	vst v45  }
0x473: {  	[tilespmem:$0x1F860] =	vst v56;
	v45 =	vor.u32 v9, v1;
	v56 =	vld.idx.msk [tilespmem:v39+s22+$0x0], $0xffff  }
0x474: {  	v39 =	vld.idx.msk [tilespmem:v39+s24+$0x0], $0xffff  }
0x475: {  	v57 =	vld.idx.msk [tilespmem:v2+s24+$0x0], $0xffff  }
0x476: {  	v12 =	vld.idx.msk [tilespmem:v2+s20+$0x0], $0xffff  }
0x477: {  	[tilespmem:$0x1F840] =	vst v44;
	v44 =	vld.idx.msk [tilespmem:v2+s22+$0x0], $0xffff;
	v2 =	vor.u32 v5, v1  }
0x478: {  	v5 =	vld.idx.msk [tilespmem:v45+s20+$0x0], $0xffff  }
0x479: {  	[tilespmem:$0x1F890] =	vst v39;
	v39 =	vld.idx.msk [tilespmem:v45+s22+$0x0], $0xffff  }
0x47a: {  	[tilespmem:$0x1F880] =	vst v57;
	v57 =	vld [tilespmem:$0x1FB90]  }
0x47b: {  	v45 =	vld.idx.msk [tilespmem:v45+s24+$0x0], $0xffff  }
0x47c: {  	v0 =	vld.idx.msk [tilespmem:v2+s22+$0x0], $0xffff;
	_ =	sdelay $0x2  }
0x47d: {  	v57 =	vor.u32 v57, v1  }
0x47e: {  	[tilespmem:$0x1F8A0] =	vst v45  }
0x47f: {  	v45 =	vmul.f32 v3, v6;
	[tilespmem:$0x1F870] =	vst v0;
	v0 =	vld [tilespmem:$0x1FBA0];
	_ =	sdelay $0x1  }
0x480: {  	v8 =	vmul.f32 v8, v11;
	v45 =	vadd.f32 $0.0e+00, v45  }
0x481: {  	v9 =	vld.idx.msk [tilespmem:v57+s20+$0x0], $0xffff  }
0x482: {  	v8 =	vadd.f32 v8, v45;
	v45 =	vld.idx.msk [tilespmem:v57+s22+$0x0], $0xffff  }
0x483: {  	v0 =	vor.u32 v0, v1;
	v57 =	vld.idx.msk [tilespmem:v57+s24+$0x0], $0xffff;
	_ =	sdelay $0x1  }
0x484: {  	v3 =	vld.idx.msk [tilespmem:v2+s20+$0x0], $0xffff  }
0x485: {  	v14 =	vmul.f32 v14, v18;
	v2 =	vld.idx.msk [tilespmem:v2+s24+$0x0], $0xffff  }
0x486: {  	v6 =	vmul.f32 v10, v6;
	v10 =	vld [tilespmem:$0x1FBC0]  }
0x487: {  	v14 =	vadd.f32 v14, v8;
	[tilespmem:$0x1F8C0] =	vst v57;
	v57 =	vmul.f32 v4, v22;
	v4 =	vld.idx.msk [tilespmem:v0+s20+$0x0], $0xffff  }
0x488: {  	v8 =	vld.idx.msk [tilespmem:v0+s22+$0x0], $0xffff  }
0x489: {  	v57 =	vadd.f32 v57, v14;
	v14 =	vld.idx.msk [tilespmem:v0+s24+$0x0], $0xffff;
	v0 =	vmul.f32 v17, v11;
	v11 =	vadd.f32 $0.0e+00, v6  }
0x48a: {  	[tilespmem:$0x1F8B0] =	vst v2;
	v2 =	vld [tilespmem:$0x1FBB0]  }
0x48b: {  	v18 =	vmul.f32 v21, v18;
	v10 =	vor.u32 v10, v1;
	v0 =	vadd.f32 v0, v11  }
0x48c: {  	v30 =	vmul.f32 v30, v26;
	v17 =	vld [tilespmem:$0x1FBD0]  }
0x48d: {  	v0 =	vadd.f32 v18, v0;
	v18 =	vmul.f32 v25, v22;
	v22 =	vld [tilespmem:$0x1FBE0]  }
0x48e: {  	v40 =	vmul.f32 v40, v35;
	v30 =	vadd.f32 v30, v57  }
0x48f: {  	v2 =	vor.u32 v2, v1  }
0x490: {  	v11 =	vld.idx.msk [tilespmem:v10+s20+$0x0], $0xffff;
	v21 =	vadd.f32 v40, v30;
	v30 =	vmul.f32 v47, v46  }
0x491: {  	v40 =	vld.idx.msk [tilespmem:v10+s22+$0x0], $0xffff;
	v17 =	vor.u32 v17, v1  }
0x492: {  	v25 =	vor.u32 v22, v1;
	v22 =	vadd.f32 v30, v21;
	v21 =	vld.idx.msk [tilespmem:v10+s24+$0x0], $0xffff  }
0x493: {  	v0 =	vadd.f32 v18, v0;
	v10 =	vmul.f32 v31, v26;
	v26 =	vld [tilespmem:$0x1FBF0]  }
0x494: {  	v6 =	vld.idx.msk [tilespmem:v2+s20+$0x0], $0xffff;
	v30 =	vmul.f32 v51, v49  }
0x495: {  	v57 =	vld.idx.msk [tilespmem:v2+s22+$0x0], $0xffff;
	v0 =	vadd.f32 v10, v0;
	v10 =	vmul.f32 v41, v35  }
0x496: {  	v18 =	vld.idx.msk [tilespmem:v17+s20+$0x0], $0xffff;
	v22 =	vadd.f32 v30, v22;
	v30 =	vmul.f32 v58, v54  }
0x497: {  	v47 =	vld.idx.msk [tilespmem:v17+s22+$0x0], $0xffff;
	v0 =	vadd.f32 v10, v0;
	v10 =	vmul.f32 v48, v46  }
0x498: {  	v31 =	vor.u32 v26, v1;
	v26 =	vld.idx.msk [tilespmem:v17+s24+$0x0], $0xffff;
	v17 =	vadd.f32 v30, v22;
	v30 =	vmul.f32 v13, v60  }
0x499: {  	v2 =	vld.idx.msk [tilespmem:v2+s24+$0x0], $0xffff;
	v0 =	vadd.f32 v10, v0;
	v10 =	vmul.f32 v52, v49  }
0x49a: {  	v58 =	vld [tilespmem:$0x1FE70];
	v48 =	vmul.f32 v63, v36;
	v17 =	vadd.f32 v30, v17  }
0x49b: {  	v63 =	vld [tilespmem:$0x1FEC0];
	v0 =	vadd.f32 v10, v0;
	v10 =	vmul.f32 v59, v54  }
0x49c: {  	v22 =	vld.idx.msk [tilespmem:v25+s20+$0x0], $0xffff;
	v17 =	vadd.f32 v48, v17;
	v48 =	vmul.f32 v50, v53  }
0x49d: {  	v41 =	vld.idx.msk [tilespmem:v25+s22+$0x0], $0xffff;
	v0 =	vadd.f32 v10, v0;
	v10 =	vmul.f32 v62, v60  }
0x49e: {  	v13 =	vmul.f32 v16, v42;
	v30 =	vld.idx.msk [tilespmem:v25+s24+$0x0], $0xffff;
	v17 =	vadd.f32 v48, v17  }
0x49f: {  	v46 =	vor.u32 v61, v1;
	v54 =	vld [tilespmem:$0x1FE80];
	v0 =	vadd.f32 v10, v0;
	v10 =	vmul.f32 v34, v36  }
0x4a0: {  	v16 =	vmul.f32 v20, v33;
	v50 =	vor.u32 v58, v1;
	v58 =	vld [tilespmem:$0x1FE90];
	v13 =	vadd.f32 v13, v17  }
0x4a1: {  	v25 =	vld.idx.msk [tilespmem:v31+s20+$0x0], $0xffff;
	v0 =	vadd.f32 v10, v0;
	v10 =	vmul.f32 v43, v53  }
0x4a2: {  	v49 =	vld.idx.msk [tilespmem:v31+s22+$0x0], $0xffff;
	v13 =	vadd.f32 v16, v13  }
0x4a3: {  	v35 =	vld.idx.msk [tilespmem:v31+s24+$0x0], $0xffff;
	v16 =	vmul.f32 v24, v29;
	v24 =	vmul.f32 v55, v42;
	v10 =	vadd.f32 v10, v0  }
0x4a4: {  	v31 =	vld.idx.msk [tilespmem:v46+s20+$0x0], $0xffff  }
0x4a5: {  	v10 =	vadd.f32 v24, v10;
	v24 =	vld [tilespmem:$0x1F810]  }
0x4a6: {  	v62 =	vld [tilespmem:$0x1FEB0]  }
0x4a7: {  	v48 =	vld.idx.msk [tilespmem:v46+s22+$0x0], $0xffff  }
0x4a8: {  	v51 =	vor.u32 v54, v1;
	v54 =	vld.idx.msk [tilespmem:v46+s24+$0x0], $0xffff  }
0x4a9: {  	v46 =	vld [tilespmem:$0x1FEA0]  }
0x4aa: {  	v36 =	vld.idx.msk [tilespmem:v50+s20+$0x0], $0xffff;
	v24 =	vmul.f32 v24, v33  }
0x4ab: {  	v17 =	vld.idx.msk [tilespmem:v50+s22+$0x0], $0xffff  }
0x4ac: {  	v10 =	vadd.f32 v24, v10;
	v24 =	vld [tilespmem:$0x1F820]  }
0x4ad: {  	v20 =	vor.u32 v58, v1;
	v58 =	vld.idx.msk [tilespmem:v50+s24+$0x0], $0xffff  }
0x4ae: {  	v50 =	vld [tilespmem:$0x1FED0]  }
0x4af: {  	v55 =	vld [tilespmem:$0x1FD10]  }
0x4b0: {  	v53 =	vld.idx.msk [tilespmem:v51+s20+$0x0], $0xffff  }
0x4b1: {  	v34 =	vld.idx.msk [tilespmem:v51+s22+$0x0], $0xffff;
	v24 =	vmul.f32 v24, v29  }
0x4b2: {  	v60 =	vor.u32 v63, v1;
	v13 =	vadd.f32 v16, v13;
	v16 =	vmul.f32 v28, v27;
	v0 =	vld.idx.msk [tilespmem:v51+s24+$0x0], $0xffff  }
0x4b3: {  	v52 =	vor.u32 v62, v1;
	v10 =	vadd.f32 v24, v10;
	v24 =	vld [tilespmem:$0x1F830]  }
0x4b4: {  	v59 =	vor.u32 v46, v1;
	v46 =	vld [tilespmem:$0x1FEE0];
	v13 =	vadd.f32 v16, v13;
	v16 =	vmul.f32 v32, v23  }
0x4b5: {  	v51 =	vld [tilespmem:$0x1FD00]  }
0x4b6: {  	v28 =	vld.idx.msk [tilespmem:v20+s22+$0x0], $0xffff;
	v13 =	vadd.f32 v16, v13;
	v16 =	vmul.f32 v37, v19  }
0x4b7: {  	v62 =	vor.u32 v50, v1;
	v32 =	vld.idx.msk [tilespmem:v60+s20+$0x0], $0xffff  }
0x4b8: {  	v50 =	vld [tilespmem:$0x1FCF0];
	v13 =	vadd.f32 v16, v13;
	v16 =	vmul.f32 v38, v15;
	v24 =	vmul.f32 v24, v27  }
0x4b9: {  	v42 =	vld.idx.msk [tilespmem:v52+s22+$0x0], $0xffff  }
0x4ba: {  	v13 =	vadd.f32 v16, v13;
	v16 =	vmul.f32 v44, v12;
	v10 =	vadd.f32 v24, v10;
	v24 =	vld [tilespmem:$0x1F840]  }
0x4bb: {  	v37 =	vld.idx.msk [tilespmem:v60+s24+$0x0], $0xffff  }
0x4bc: {  	v33 =	vld.idx.msk [tilespmem:v20+s20+$0x0], $0xffff;
	v13 =	vadd.f32 v16, v13;
	v16 =	vmul.f32 v56, v7  }
0x4bd: {  	v20 =	vld.idx.msk [tilespmem:v20+s24+$0x0], $0xffff  }
0x4be: {  	v38 =	vld.idx.msk [tilespmem:v59+s24+$0x0], $0xffff;
	v63 =	vor.u32 v46, v1;
	v13 =	vadd.f32 v16, v13;
	v16 =	vmul.f32 v39, v5  }
0x4bf: {  	v46 =	vor.u32 v55, v1;
	v55 =	vmul.f32 v30, v22;
	v30 =	vld [tilespmem:$0x1FFB0];
	v23 =	vmul.f32 v24, v23  }
0x4c0: {  	v13 =	vadd.f32 v16, v13;
	v16 =	vld [tilespmem:$0x1F870]  }
0x4c1: {  	v10 =	vadd.f32 v23, v10;
	v23 =	vld [tilespmem:$0x1F850]  }
0x4c2: {  	v56 =	vld [tilespmem:$0x1FDD0]  }
0x4c3: {  	v44 =	vld.idx.msk [tilespmem:v63+s24+$0x0], $0xffff  }
0x4c4: {  	v39 =	vld.idx.msk [tilespmem:v62+s22+$0x0], $0xffff  }
0x4c5: {  	v29 =	vld.idx.msk [tilespmem:v59+s20+$0x0], $0xffff;
	v16 =	vmul.f32 v16, v3  }
0x4c6: {  	v27 =	vld.idx.msk [tilespmem:v59+s22+$0x0], $0xffff;
	v19 =	vmul.f32 v23, v19  }
0x4c7: {  	v59 =	vld [tilespmem:$0x1F8C0];
	v13 =	vadd.f32 v16, v13;
	v16 =	vmul.f32 v45, v9  }
0x4c8: {  	v10 =	vadd.f32 v19, v10;
	v19 =	vld [tilespmem:$0x1F860]  }
0x4c9: {  	v8 =	vmul.f32 v8, v4;
	v45 =	vor.u32 v50, v1;
	v50 =	vld [tilespmem:$0x1FF90];
	v13 =	vadd.f32 v16, v13  }
0x4ca: {  	v16 =	vld.idx.msk [tilespmem:v63+s20+$0x0], $0xffff  }
0x4cb: {  	v8 =	vadd.f32 v8, v13;
	v13 =	vmul.f32 v57, v6;
	v57 =	vld [tilespmem:$0x1FE60]  }
0x4cc: {  	v24 =	vld.idx.msk [tilespmem:v52+s20+$0x0], $0xffff  }
0x4cd: {  	v15 =	vmul.f32 v19, v15;
	v19 =	vld.idx.msk [tilespmem:v60+s22+$0x0], $0xffff  }
0x4ce: {  	v60 =	vld [tilespmem:$0x1FF80]  }
0x4cf: {  	v10 =	vadd.f32 v15, v10;
	v15 =	vld [tilespmem:$0x1F880]  }
0x4d0: {  	v43 =	vor.u32 v51, v1;
	v8 =	vadd.f32 v13, v8;
	v13 =	vmul.f32 v40, v11;
	v40 =	vld.idx.msk [tilespmem:v45+s22+$0x0], $0xffff  }
0x4d1: {  	v51 =	vmul.f32 v21, v11;
	v11 =	vld.idx.msk [tilespmem:v46+s24+$0x0], $0xffff  }
0x4d2: {  	v8 =	vadd.f32 v13, v8;
	v13 =	vmul.f32 v47, v18;
	v47 =	vmul.f32 v58, v36;
	v58 =	vld [tilespmem:$0x1FF00]  }
0x4d3: {  	v4 =	vmul.f32 v14, v4;
	v23 =	vld.idx.msk [tilespmem:v52+s24+$0x0], $0xffff;
	v14 =	vor.u32 v60, v1  }
0x4d4: {  	v52 =	vld [tilespmem:$0x1F8B0];
	v12 =	vmul.f32 v15, v12  }
0x4d5: {  	v8 =	vadd.f32 v13, v8;
	v13 =	vmul.f32 v41, v22;
	v41 =	vld.idx.msk [tilespmem:v43+s24+$0x0], $0xffff  }
0x4d6: {  	v10 =	vadd.f32 v12, v10;
	v12 =	vld [tilespmem:$0x1F890]  }
0x4d7: {  	v15 =	vld.idx.msk [tilespmem:v62+s20+$0x0], $0xffff  }
0x4d8: {  	v21 =	vld.idx.msk [tilespmem:v14+s20+$0x0], $0xffff  }
0x4d9: {  	v3 =	vmul.f32 v52, v3;
	v52 =	vmul.f32 v26, v18;
	v18 =	vld.idx.msk [tilespmem:v14+s22+$0x0], $0xffff  }
0x4da: {  	v14 =	vld.idx.msk [tilespmem:v14+s24+$0x0], $0xffff  }
0x4db: {  	v7 =	vmul.f32 v12, v7;
	v12 =	vld.idx.msk [tilespmem:v62+s24+$0x0], $0xffff;
	v62 =	vadd.f32 v13, v8;
	v8 =	vmul.f32 v49, v25  }
0x4dc: {  	v2 =	vmul.f32 v2, v6;
	v13 =	vld.idx.msk [tilespmem:v46+s22+$0x0], $0xffff  }
0x4dd: {  	v7 =	vadd.f32 v7, v10;
	v10 =	vld [tilespmem:$0x1F8A0];
	v6 =	vadd.f32 v8, v62;
	v8 =	vmul.f32 v48, v31  }
0x4de: {  	v49 =	vld [tilespmem:$0x1FEF0]  }
0x4df: {  	v62 =	vld [tilespmem:$0x1FFC0];
	v6 =	vadd.f32 v8, v6;
	v8 =	vmul.f32 v17, v36  }
0x4e0: {  	v30 =	vor.u32 v30, v1;
	v48 =	vld [tilespmem:$0x1FFD0]  }
0x4e1: {  	v0 =	vmul.f32 v0, v53;
	v6 =	vadd.f32 v8, v6;
	v8 =	vmul.f32 v34, v53;
	v53 =	vld [tilespmem:$0x1FDC0]  }
0x4e2: {  	v5 =	vmul.f32 v10, v5;
	v10 =	vld.idx.msk [tilespmem:v63+s22+$0x0], $0xffff  }
0x4e3: {  	v63 =	vld [tilespmem:$0x1FFA0];
	v6 =	vadd.f32 v8, v6;
	v8 =	vmul.f32 v28, v33  }
0x4e4: {  	v60 =	vmul.f32 v54, v31;
	v54 =	vor.u32 v49, v1;
	v5 =	vadd.f32 v5, v7;
	v7 =	vld.idx.msk [tilespmem:v45+s20+$0x0], $0xffff  }
0x4e5: {  	v6 =	vadd.f32 v8, v6;
	v8 =	vmul.f32 v27, v29;
	v27 =	vld.idx.msk [tilespmem:v30+s20+$0x0], $0xffff  }
0x4e6: {  	v3 =	vadd.f32 v3, v5;
	v5 =	vmul.f32 v59, v9;
	v9 =	vld.idx.msk [tilespmem:v45+s24+$0x0], $0xffff  }
0x4e7: {  	v45 =	vld.idx.msk [tilespmem:v43+s20+$0x0], $0xffff;
	v59 =	vmul.f32 v35, v25  }
0x4e8: {  	v35 =	vld.idx.msk [tilespmem:v30+s22+$0x0], $0xffff;
	v26 =	vor.u32 v63, v1;
	v63 =	vor.u32 v62, v1;
	v6 =	vadd.f32 v8, v6  }
0x4e9: {  	v8 =	vmul.f32 v42, v24;
	v62 =	vmul.f32 v12, v15;
	v12 =	vld.idx.msk [tilespmem:v54+s20+$0x0], $0xffff;
	v3 =	vadd.f32 v5, v3  }
0x4ea: {  	v5 =	vld.idx.msk [tilespmem:v43+s22+$0x0], $0xffff  }
0x4eb: {  	v6 =	vadd.f32 v8, v6;
	v8 =	vmul.f32 v19, v32;
	v3 =	vadd.f32 v4, v3;
	v4 =	vld.idx.msk [tilespmem:v46+s20+$0x0], $0xffff  }
0x4ec: {  	v46 =	vld [tilespmem:$0x1FFE0]  }
0x4ed: {  	v6 =	vadd.f32 v8, v6;
	v8 =	vmul.f32 v39, v15;
	v39 =	vld [tilespmem:$0x1FE40]  }
0x4ee: {  	v15 =	vld [tilespmem:$0x1FAB0]  }
0x4ef: {  	v43 =	vor.u32 v50, v1;
	v28 =	vld.idx.msk [tilespmem:v26+s20+$0x0], $0xffff  }
0x4f0: {  	v31 =	vld.idx.msk [tilespmem:v26+s22+$0x0], $0xffff  }
0x4f1: {  	v26 =	vld.idx.msk [tilespmem:v26+s24+$0x0], $0xffff  }
0x4f2: {  	v2 =	vadd.f32 v2, v3;
	v3 =	vld.idx.msk [tilespmem:v30+s24+$0x0], $0xffff  }
0x4f3: {  	v50 =	vor.u32 v48, v1;
	v19 =	vld.idx.msk [tilespmem:v63+s20+$0x0], $0xffff  }
0x4f4: {  	v17 =	vld.idx.msk [tilespmem:v43+s20+$0x0], $0xffff  }
0x4f5: {  	v22 =	vld.idx.msk [tilespmem:v43+s22+$0x0], $0xffff  }
0x4f6: {  	v25 =	vld.idx.msk [tilespmem:v43+s24+$0x0], $0xffff  }
0x4f7: {  	v43 =	vld [tilespmem:$0x1FF10]  }
0x4f8: {  	v6 =	vadd.f32 v8, v6;
	v8 =	vmul.f32 v10, v16;
	v10 =	vld.idx.msk [tilespmem:v50+s22+$0x0], $0xffff  }
0x4f9: {  	v2 =	vadd.f32 v51, v2;
	v51 =	vmul.f32 v20, v33;
	v20 =	vld.idx.msk [tilespmem:v63+s22+$0x0], $0xffff  }
0x4fa: {  	v33 =	vld.idx.msk [tilespmem:v63+s24+$0x0], $0xffff  }
0x4fb: {  	v63 =	vmul.f32 v13, v4;
	v13 =	vld.idx.msk [tilespmem:v54+s22+$0x0], $0xffff  }
0x4fc: {  	v6 =	vadd.f32 v8, v6;
	v8 =	vmul.f32 v40, v7;
	v40 =	vmul.f32 v44, v16;
	v44 =	vld [tilespmem:$0x1FDB0]  }
0x4fd: {  	v30 =	vor.u32 v46, v1;
	v16 =	vld.idx.msk [tilespmem:v54+s24+$0x0], $0xffff;
	v2 =	vadd.f32 v52, v2  }
0x4fe: {  	v54 =	vld [tilespmem:$0x1FA80]  }
0x4ff: {  	v52 =	vmul.f32 v38, v29;
	v38 =	vld [tilespmem:$0x1FE30];
	v2 =	vadd.f32 v55, v2  }
0x500: {  	v29 =	vld.idx.msk [tilespmem:v50+s20+$0x0], $0xffff  }
0x501: {  	v15 =	vor.u32 v15, v1;
	v55 =	vmul.f32 v23, v24;
	v23 =	vld.idx.msk [tilespmem:v50+s24+$0x0], $0xffff;
	v2 =	vadd.f32 v59, v2  }
0x502: {  	v24 =	vld.idx.msk [tilespmem:v30+s20+$0x0], $0xffff  }
0x503: {  	v59 =	vmul.f32 v37, v32;
	v37 =	vld [tilespmem:$0x1FE20];
	v34 =	vor.u32 v54, v1;
	v2 =	vadd.f32 v60, v2  }
0x504: {  	v5 =	vmul.f32 v5, v45;
	v6 =	vadd.f32 v8, v6;
	v32 =	vld.idx.msk [tilespmem:v30+s22+$0x0], $0xffff  }
0x505: {  	v8 =	vld.idx.msk [tilespmem:v30+s24+$0x0], $0xffff;
	v60 =	vor.u32 v58, v1;
	v2 =	vadd.f32 v47, v2  }
0x506: {  	v48 =	vmul.f32 v9, v7;
	v9 =	vor.u32 v43, v1;
	v5 =	vadd.f32 v5, v6;
	v30 =	vld.idx.msk [tilespmem:v15+s20+$0x0], $0xffff  }
0x507: {  	v43 =	vmul.f32 v3, v27;
	v58 =	vmul.f32 v35, v27;
	v27 =	vld [tilespmem:$0x1FD80];
	v0 =	vadd.f32 v0, v2  }
0x508: {  	v50 =	vmul.f32 v22, v17;
	v5 =	vadd.f32 v63, v5;
	v63 =	vmul.f32 v25, v17;
	v17 =	vld.idx.msk [tilespmem:v34+s20+$0x0], $0xffff  }
0x509: {  	v36 =	vmul.f32 v10, v29;
	v10 =	vld.idx.msk [tilespmem:v34+s22+$0x0], $0xffff;
	v0 =	vadd.f32 v51, v0  }
0x50a: {  	v47 =	vmul.f32 v18, v21;
	v18 =	vld.idx.msk [tilespmem:v60+s20+$0x0], $0xffff  }
0x50b: {  	v49 =	vld.idx.msk [tilespmem:v60+s22+$0x0], $0xffff;
	v0 =	vadd.f32 v52, v0  }
0x50c: {  	v22 =	vld.idx.msk [tilespmem:v60+s24+$0x0], $0xffff  }
0x50d: {  	v60 =	vmul.f32 v14, v21;
	v14 =	vld.idx.msk [tilespmem:v9+s22+$0x0], $0xffff;
	v0 =	vadd.f32 v55, v0  }
0x50e: {  	v21 =	vld.idx.msk [tilespmem:v34+s24+$0x0], $0xffff  }
0x50f: {  	v51 =	vmul.f32 v41, v45;
	v41 =	vld [tilespmem:$0x1FF30];
	v0 =	vadd.f32 v59, v0  }
0x510: {  	v52 =	vmul.f32 v31, v28;
	v31 =	vld.idx.msk [tilespmem:v15+s22+$0x0], $0xffff  }
0x511: {  	v5 =	vadd.f32 v47, v5;
	v55 =	vmul.f32 v11, v4;
	v4 =	vld.idx.msk [tilespmem:v15+s24+$0x0], $0xffff;
	v0 =	vadd.f32 v62, v0  }
0x512: {  	v11 =	vld.idx.msk [tilespmem:v9+s20+$0x0], $0xffff  }
0x513: {  	v5 =	vadd.f32 v50, v5;
	v15 =	vld [tilespmem:$0x1FA90];
	v0 =	vadd.f32 v40, v0  }
0x514: {  	v42 =	vmul.f32 v32, v24;
	v54 =	vmul.f32 v8, v24;
	v9 =	vld.idx.msk [tilespmem:v9+s24+$0x0], $0xffff  }
0x515: {  	v5 =	vadd.f32 v52, v5;
	v24 =	vor.u32 v41, v1;
	v59 =	vld [tilespmem:$0x1FF20];
	v0 =	vadd.f32 v48, v0  }
0x516: {  	v62 =	vmul.f32 v20, v19;
	v20 =	vld [tilespmem:$0x1FAC0]  }
0x517: {  	v5 =	vadd.f32 v58, v5;
	v58 =	vmul.f32 v16, v12;
	v16 =	vld [tilespmem:$0x1FAA0];
	v0 =	vadd.f32 v51, v0  }
0x518: {  	v15 =	vor.u32 v15, v1;
	v40 =	vmul.f32 v26, v28;
	v26 =	vld [tilespmem:$0x1FAD0]  }
0x519: {  	v52 =	vmul.f32 v31, v30;
	v31 =	vld [tilespmem:$0x1FF60];
	v0 =	vadd.f32 v55, v0  }
0x51a: {  	v5 =	vadd.f32 v62, v5;
	v62 =	vld.idx.msk [tilespmem:v24+s20+$0x0], $0xffff  }
0x51b: {  	v35 =	vld.idx.msk [tilespmem:v24+s24+$0x0], $0xffff;
	v20 =	vor.u32 v20, v1;
	v0 =	vadd.f32 v60, v0  }
0x51c: {  	v48 =	vmul.f32 v33, v19;
	v33 =	vld.idx.msk [tilespmem:v24+s22+$0x0], $0xffff  }
0x51d: {  	v5 =	vadd.f32 v36, v5;
	v25 =	vld.idx.msk [tilespmem:v15+s20+$0x0], $0xffff;
	v26 =	vor.u32 v26, v1;
	v0 =	vadd.f32 v63, v0  }
0x51e: {  	v46 =	vld.idx.msk [tilespmem:v15+s22+$0x0], $0xffff  }
0x51f: {  	v47 =	vmul.f32 v13, v12;
	v5 =	vadd.f32 v42, v5;
	v13 =	vld.idx.msk [tilespmem:v15+s24+$0x0], $0xffff;
	v0 =	vadd.f32 v40, v0  }
0x520: {  	v49 =	vmul.f32 v49, v18;
	v15 =	vld.idx.msk [tilespmem:v20+s20+$0x0], $0xffff  }
0x521: {  	v16 =	vor.u32 v16, v1;
	v5 =	vadd.f32 v47, v5;
	v50 =	vld.idx.msk [tilespmem:v20+s22+$0x0], $0xffff;
	v0 =	vadd.f32 v43, v0  }
0x522: {  	v51 =	vmul.f32 v23, v29;
	v23 =	vld.idx.msk [tilespmem:v26+s20+$0x0], $0xffff  }
0x523: {  	v19 =	vor.u32 v59, v1;
	v5 =	vadd.f32 v49, v5;
	v8 =	vld.idx.msk [tilespmem:v26+s22+$0x0], $0xffff;
	v0 =	vadd.f32 v48, v0  }
0x524: {  	v55 =	vmul.f32 v14, v11;
	v14 =	vld.idx.msk [tilespmem:v26+s24+$0x0], $0xffff  }
0x525: {  	v5 =	vadd.f32 v52, v5;
	v26 =	vld [tilespmem:$0x1FF40];
	v0 =	vadd.f32 v51, v0  }
0x526: {  	v59 =	vmul.f32 v10, v17;
	v36 =	vmul.f32 v9, v11;
	v9 =	vld.idx.msk [tilespmem:v16+s20+$0x0], $0xffff  }
0x527: {  	v63 =	vmul.f32 v4, v30;
	v30 =	vld [tilespmem:$0x1FF50];
	v5 =	vadd.f32 v55, v5;
	v0 =	vadd.f32 v54, v0  }
0x528: {  	v12 =	vld.idx.msk [tilespmem:v19+s20+$0x0], $0xffff;
	v60 =	vmul.f32 v22, v18  }
0x529: {  	v10 =	vld.idx.msk [tilespmem:v19+s22+$0x0], $0xffff;
	v3 =	vmul.f32 v46, v25;
	v5 =	vadd.f32 v59, v5;
	v0 =	vadd.f32 v58, v0  }
0x52a: {  	v18 =	vld.idx.msk [tilespmem:v19+s24+$0x0], $0xffff;
	v34 =	vmul.f32 v50, v15;
	v19 =	vor.u32 v26, v1  }
0x52b: {  	v43 =	vmul.f32 v13, v25;
	v25 =	vld [tilespmem:$0x1FF70];
	v3 =	vadd.f32 v3, v5;
	v0 =	vadd.f32 v60, v0  }
0x52c: {  	v20 =	vld.idx.msk [tilespmem:v20+s24+$0x0], $0xffff;
	v11 =	vor.u32 v30, v1  }
0x52d: {  	v40 =	vmul.f32 v8, v23;
	v8 =	vld.idx.msk [tilespmem:v16+s22+$0x0], $0xffff;
	v3 =	vadd.f32 v34, v3;
	v0 =	vadd.f32 v63, v0  }
0x52e: {  	v41 =	vmul.f32 v21, v17;
	v17 =	vor.u32 v31, v1;
	v16 =	vld.idx.msk [tilespmem:v16+s24+$0x0], $0xffff  }
0x52f: {  	v42 =	vmul.f32 v10, v12;
	v3 =	vadd.f32 v40, v3;
	v10 =	vld.idx.msk [tilespmem:v19+s20+$0x0], $0xffff;
	v0 =	vadd.f32 v36, v0  }
0x530: {  	v1 =	vor.u32 v25, v1;
	v13 =	vld.idx.msk [tilespmem:v19+s22+$0x0], $0xffff  }
0x531: {  	v4 =	vmul.f32 v33, v62;
	v46 =	vld.idx.msk [tilespmem:v11+s20+$0x0], $0xffff;
	v3 =	vadd.f32 v42, v3;
	v0 =	vadd.f32 v41, v0  }
0x532: {  	v47 =	vmul.f32 v20, v15;
	v49 =	vmul.f32 v14, v23;
	v15 =	vld.idx.msk [tilespmem:v11+s22+$0x0], $0xffff  }
0x533: {  	v14 =	vld.idx.msk [tilespmem:v17+s22+$0x0], $0xffff;
	v48 =	vmul.f32 v8, v9;
	v3 =	vadd.f32 v4, v3;
	v0 =	vadd.f32 v43, v0  }
0x534: {  	v51 =	vmul.f32 v18, v12;
	v8 =	vld.idx.msk [tilespmem:v17+s20+$0x0], $0xffff  }
0x535: {  	v12 =	vld.idx.msk [tilespmem:v1+s22+$0x0], $0xffff;
	v50 =	vmul.f32 v13, v10;
	v3 =	vadd.f32 v48, v3;
	v0 =	vadd.f32 v47, v0  }
0x536: {  	v13 =	vld.idx.msk [tilespmem:v1+s20+$0x0], $0xffff  }
0x537: {  	v32 =	vld [tilespmem:$0x1FE10];
	v52 =	vmul.f32 v15, v46;
	v3 =	vadd.f32 v50, v3;
	v0 =	vadd.f32 v49, v0  }
0x538: {  	v54 =	vmul.f32 v35, v62;
	v55 =	vld.idx.msk [tilespmem:v19+s24+$0x0], $0xffff  }
0x539: {  	v58 =	vld.idx.msk [tilespmem:v11+s24+$0x0], $0xffff;
	v59 =	vmul.f32 v14, v8;
	v3 =	vadd.f32 v52, v3;
	v0 =	vadd.f32 v51, v0  }
0x53a: {  	v9 =	vmul.f32 v16, v9;
	v60 =	vld [tilespmem:s21+$0x0]  }
0x53b: {  	v11 =	vld.idx.msk [tilespmem:v17+s24+$0x0], $0xffff;
	v62 =	vmul.f32 v12, v13;
	v3 =	vadd.f32 v59, v3;
	v0 =	vadd.f32 v54, v0  }
0x53c: {  	v12 =	vld [tilespmem:s23+$0x0]  }
0x53d: {  	v45 =	vld [tilespmem:$0x1FE50];
	v6 =	vmul.f32 v55, v10;
	v3 =	vadd.f32 v62, v3;
	v0 =	vadd.f32 v9, v0  }
0x53e: {  	v1 =	vld.idx.msk [tilespmem:v1+s24+$0x0], $0xffff  }
0x53f: {  	v28 =	vld [tilespmem:$0x1FD90];
	v4 =	vmul.f32 v58, v46;
	v3 =	vadd.f32 v60, v3;
	v0 =	vadd.f32 v6, v0  }
0x540: {  	v24 =	vld [tilespmem:$0x1FE00]  }
0x541: {  	v29 =	vld [tilespmem:$0x1FDA0];
	v63 =	vmul.f32 v11, v8;
	v3 =	vadd.f32 v12, v3;
	v0 =	vadd.f32 v4, v0  }
0x542: {  	v20 =	vld [tilespmem:$0x1FD70]  }
0x543: {  	v23 =	vld [tilespmem:$0x1FDF0];
	v1 =	vmul.f32 v1, v13;
	[tilespmem:s7+$0x0] =	vst v3;
	v0 =	vadd.f32 v63, v0  }
0x544: {  	v3 =	vld [tilespmem:s25+$0x0]  }
0x545: {  	v19 =	vld [tilespmem:$0x1FDE0];
	v0 =	vadd.f32 v1, v0  }
0x546: {  	p0 =	sne.s32 s2, $0x70;
	v16 =	vld [tilespmem:$0x1FD60]  }
.Ltmp3:
0x547: {  	v15 =	vld [tilespmem:$0x1FD50];
	v0 =	vadd.f32 v0, v60;
	(pc) =	sbr.rel @p0 .LBB2_8-.Ltmp3, $4  }
0x548: {  	v14 =	vld [tilespmem:$0x1FD40]  }
0x549: {  	v12 =	vld [tilespmem:$0x1FD20];
	v0 =	vadd.f32 v3, v0  }
0x54a: {  	s2 =	sadd.s32 $0x10, s2;
	s21 =	sadd.s32 $0x10, s21;
	v13 =	vld [tilespmem:$0x1FD30];
	s23 =	sadd.s32 $0x10, s23  }
0x54b: {  	v11 =	vlaneseq.u32;
	s7 =	sadd.s32 $0x10, s7;
	s25 =	sadd.s32 $0x10, s25;
	v9 =	vld [tilespmem:$0x1FB70];
	[tilespmem:s4+$0x0] =	vst v0;
	s4 =	sadd.s32 $0x10, s4  }
0x54c: {  	s2 =	rddreg [dreg:$0xa];
	s4 =	simm.s32 $0xC900  }
0x54d: {  	[hbm4b:s2+s3] =	stream.linear.scatter [tilespmem:s4], [sflag:$0x7], $0x200, $0x38;
	[tilespmem:$0xCD00] =	vst v63  }
0x54e: {  	_ =	swait.ge [sflag:s13], $0x200  }
0x54f: {  	[sflag:s13] =	ssyncset.done $0x0  }
0x550: {  	s23 =	simm.s32 $0xCB00;
	s21 =	rddreg [dreg:$0xb];
	[sflag:s13] =	ssyncadd.s32 $0xFFFFFE00  }
0x551: {  	[hbm4b:s21+s3] =	stream.linear.scatter [tilespmem:s23], [sflag:$0x7], $0x200, $0x38;
	[tilespmem:$0xCD00] =	vst v63  }
0x552: {  	_ =	swait.ge [sflag:s13], $0x200  }
0x553: {  	s12 =	sadd.s32 $0x1, s12;
	s25 =	rddreg [dreg:$0xc]  }
0x554: {  	p0 =	sne.s32 s12, s25  }
.Ltmp4:
0x555: {  	_ = 	snop;
	(pc) =	sbr.rel @p0 .LBB2_1-.Ltmp4, $3  }
0x556: {  	_ =	sdelay $0x1  }
0x557: {  	[sflag:s13] =	ssyncset.done $0x0  }
0x558: {  	[sflag:s13] =	ssyncadd.s32 $0xFFFFFE00  }
0x559: {  	_ =	sfence.sel $0x180000  }
0x55a: {  	[bflag:$0x0] =	sbarrier.arrive $0xFFFF  }
0x55b: {  	_ =	strace $0x90000047  }
0x55c: {  	s0 =	stileid.u32;
	[bflag:$0x2] =	sbarrier.arrive $0xFFFF  }
0x55d: {  	p0 =	sne.s32 s0, $0x0;
	s0 =	rddreg [dreg:$0x6]  }
0x55e: {  	s0 =	sadd.s32 @!p0 $0x100000, s0  }
0x55f: {  	[sflag:s0] =	ssyncadd.tile.s32 @!p0 $0x1;
	_ =	shalt  }
.Lfunc_end2:
_tile_overlayer_lowered:
.L_overlay_start_2:
0x560: {  	(tag) =	ssettag $0x2  }
0x561: {  	s0 =	rddreg [dreg:$0x0];
	s2 =	stileid.u32  }
0x562: {  	s1 =	rddreg [dreg:$0x1];
	p0 =	sne.s32 s2, $0x0  }
0x563: {  	s3 =	rddreg [dreg:$0x2];
	[bflag:$0x3] =	sbarrier.arrive $0xFFFF;
	s2 =	simm.s32 @!p0 $0x1C07  }
0x564: {  	[timem:s3], [sflag:s2] =	dma.local @!p0 [hbm:s0], s1  }
0x565: {  	s0 =	simm.s32 @!p0 $0x7  }
0x566: {  	_ =	swait.ge @!p0 [sflag:s0], s1  }
0x567: {  	s1 =	ssub.s32 @!p0 $0x0, s1;
	[sflag:s0] =	ssyncset.done @!p0 $0x0  }
0x568: {  	[sflag:s0] =	ssyncadd.s32 @!p0 s1  }
0x569: {  	[bflag:$0x3] =	sbarrier.arrive $0xFFFF  }
0x56a: {  	_ =	shalt  }

</sc_bundles>
